<compile_context>
chip_gen: v7x
topology: tpu7x:2x2x1
jax: 0.10.2.dev20260603
libtpu: 0.0.44.dev20260713+nightly
codegen_flags: <defaults>
</compile_context>

<pallas_src>
import functools

import jax
import jax.numpy as jnp
from jax import lax
from jax.experimental import pallas as pl
from jax.experimental.pallas import tpu as pltpu
from jax.experimental.pallas import tpu_sc as plsc

N = 10000
D_IN = 128
H = 64
D_OUT = 32

NC = 2
NS = 16
NW = NC * NS
CH = 128
E_PAD = 327680

NCHUNK = E_PAD // NS // CH
NROW = 10016
RPT = NROW // NS

DCHUNK = E_PAD // NW // CH
N_PADD = 10240
DRPT = N_PADD // NS

_MESH = plsc.VectorSubcoreMesh(core_axis_name="c", subcore_axis_name="s")


def _make_conv_sc(d):
    d2 = d // 2

    @functools.partial(
        pl.kernel,
        mesh=_MESH,
        out_type=jax.ShapeDtypeStruct((NROW, d), jnp.float32),
        compiler_params=pltpu.CompilerParams(use_tc_tiling_on_sc=False),
        scratch_types=[
            pltpu.VMEM((NCHUNK, CH), jnp.int32),
            pltpu.VMEM((NCHUNK, CH), jnp.int32),
            [pltpu.VMEM((CH, d2), jnp.float32)] * 8,
            pltpu.VMEM_SHARED((NROW, d2), jnp.float32),
            pltpu.VMEM_SHARED((NROW, d2), jnp.float32),
            [pltpu.SemaphoreType.DMA] * 8,
            [pltpu.SemaphoreType.DMA] * 8,
        ],
    )
    def conv(g_hbm, src_hbm, dst_hbm, out_hbm,
             src_v, dst_v, bufs, gtab, acc, gs, ss):
        cid = lax.axis_index("c")
        sid = lax.axis_index("s")
        col = cid * d2

        def gather(j, b):
            pltpu.async_copy(gtab.at[src_v.at[j]], bufs[b], gs[b])

        def wait_gather(j, b):
            pltpu.make_async_copy(gtab.at[src_v.at[j]], bufs[b], gs[b]).wait()

        def scatter(j, b):
            pltpu.async_copy(bufs[b], acc.at[dst_v.at[j]], ss[b], add=True)

        def wait_scatter(j, b):
            pltpu.make_async_copy(bufs[b], acc.at[dst_v.at[j]], ss[b]).wait()

        rows = pl.ds(sid * RPT, RPT)
        c0 = pltpu.async_copy(src_hbm.at[sid], src_v, gs[0])
        c1 = pltpu.async_copy(dst_hbm.at[sid], dst_v, gs[1])
        c2 = pltpu.async_copy(g_hbm.at[rows, pl.ds(col, d2)],
                              gtab.at[rows, :], gs[2])
        c3 = pltpu.async_copy(g_hbm.at[rows, pl.ds(col, d2)],
                              acc.at[rows, :], gs[3])
        c0.wait(); c1.wait(); c2.wait(); c3.wait()
        plsc.subcore_barrier()

        NB = 8
        L = NB // 2
        for j in range(L):
            gather(j, j)
        for j in range(NB):
            wait_gather(j, j % NB)
            scatter(j, j % NB)
            if j >= L:
                wait_scatter(j - L, j - L)
            gather(j + L, (j + L) % NB)

        def body(step, carry):
            j0 = NB + step * NB
            for b in range(NB):
                j = j0 + b
                wait_gather(j, b)
                scatter(j, b)
                bb = (b + L) % NB
                wait_scatter(j - L, bb)
                gather(jnp.minimum(j + L, NCHUNK - 1), bb)
            return carry

        lax.fori_loop(0, (NCHUNK - NB) // NB, body, 0)
        for b in range(L):
            wait_gather(NCHUNK - 1, b)
            wait_scatter(NCHUNK - L + b, (NCHUNK - L + b) % NB)

        plsc.subcore_barrier()
        pltpu.sync_copy(acc.at[pl.ds(sid * RPT, RPT), :],
                        out_hbm.at[pl.ds(sid * RPT, RPT), pl.ds(col, d2)])

    return conv


_conv_sc_64 = _make_conv_sc(H)
_conv_sc_32 = _make_conv_sc(D_OUT)


@functools.partial(
    pl.kernel,
    mesh=_MESH,
    out_type=jax.ShapeDtypeStruct((NC, N_PADD), jnp.float32),
    compiler_params=pltpu.CompilerParams(use_tc_tiling_on_sc=False),
    scratch_types=[
        pltpu.VMEM((DCHUNK, CH), jnp.int32),
        pltpu.VMEM((CH,), jnp.float32),
        pltpu.VMEM((DRPT,), jnp.float32),
        pltpu.VMEM_SHARED((N_PADD,), jnp.float32),
        pltpu.SemaphoreType.DMA,
    ],
)
def _deg_sc(dst_hbm, out_hbm, dst_v, ones_v, zeros_v, acc, sem):
    cid = lax.axis_index("c")
    sid = lax.axis_index("s")
    wid = cid * NS + sid

    pltpu.sync_copy(dst_hbm.at[wid], dst_v)
    for i in range(CH // 16):
        ones_v[pl.ds(i * 16, 16)] = jnp.ones((16,), jnp.float32)

    def zbody(i, carry):
        zeros_v[pl.ds(i * 16, 16)] = jnp.zeros((16,), jnp.float32)
        return carry

    lax.fori_loop(0, DRPT // 16, zbody, 0)
    pltpu.sync_copy(zeros_v, acc.at[pl.ds(sid * DRPT, DRPT)])
    plsc.subcore_barrier()

    def body(j, carry):
        pltpu.async_copy(ones_v, acc.at[dst_v.at[j]], sem, add=True)
        return carry

    lax.fori_loop(0, DCHUNK, body, 0)

    def drain(j, carry):
        pltpu.make_async_copy(ones_v, acc.at[dst_v.at[0]], sem).wait()
        return carry

    lax.fori_loop(0, DCHUNK, drain, 0)
    plsc.subcore_barrier()
    pltpu.sync_copy(acc.at[pl.ds(sid * DRPT, DRPT)],
                    out_hbm.at[cid, pl.ds(sid * DRPT, DRPT)])


def _dot(a, b):
    def d(u, v):
        return lax.dot_general(u, v, (((1,), (0,)), ((), ())),
                               preferred_element_type=jnp.float32)
    ah = a.astype(jnp.bfloat16)
    al = (a - ah.astype(jnp.float32)).astype(jnp.bfloat16)
    bh = b.astype(jnp.bfloat16)
    bl = (b - bh.astype(jnp.float32)).astype(jnp.bfloat16)
    return d(ah, bh) + (d(ah, bl) + d(al, bh))


def _bn(h, g, b, eps=1e-5):
    mean = jnp.mean(h, axis=0, keepdims=True)
    var = jnp.mean((h - mean) * (h - mean), axis=0, keepdims=True)
    return (h - mean) * lax.rsqrt(var + eps) * g + b


def _pad_rows(g):
    return jnp.concatenate(
        [g, jnp.zeros((NROW - N, g.shape[1]), jnp.float32)], axis=0)


def _enc_tc(x_ref, w1_ref, b1_ref, bng_ref, bnb_ref, w2_ref, b2_ref, h_ref):
    h = _dot(x_ref[...], w1_ref[...]) + b1_ref[...][None, :]
    h = jnp.maximum(h, 0.0)
    h = _bn(h, bng_ref[...][None, :], bnb_ref[...][None, :])
    h_ref[...] = _dot(h, w2_ref[...]) + b2_ref[...][None, :]


def _g1_tc(h_ref, deg_ref, wc1_ref, g1_ref, dinv_ref):
    deg = deg_ref[...]
    degsum = deg[0:1, :N] + deg[1:2, :N] + 1.0
    dinv = jnp.transpose(lax.rsqrt(degsum))
    dinv_ref[...] = dinv
    g1_ref[...] = _pad_rows(dinv * _dot(h_ref[...], wc1_ref[...]))


def _stage_mid_tc(p_ref, dinv_ref, b_ref, bng_ref, bnb_ref, wn_ref,
                  gn_ref):
    dinv = dinv_ref[...]
    agg = p_ref[:N, :]
    out = dinv * agg + b_ref[...][None, :]
    h = _bn(out, bng_ref[...][None, :], bnb_ref[...][None, :])
    h = jnp.maximum(h, 0.0)
    gn_ref[...] = _pad_rows(dinv * _dot(h, wn_ref[...]))


def _stage_final_tc(p_ref, dinv_ref, b_ref, bng_ref, bnb_ref, out_ref):
    dinv = dinv_ref[...]
    agg = p_ref[:N, :]
    emb = _bn(dinv * agg + b_ref[...][None, :],
              bng_ref[...][None, :], bnb_ref[...][None, :])
    nrm = jnp.sqrt(jnp.sum(emb * emb, axis=1, keepdims=True))
    out_ref[...] = emb / jnp.maximum(nrm, 1e-12)


def kernel(x, edge_index, params):
    p = params
    src = edge_index[0].astype(jnp.int32)
    dst = edge_index[1].astype(jnp.int32)

    pad = E_PAD - src.shape[0]
    srcp = jnp.concatenate([src, jnp.zeros((pad,), jnp.int32)])
    dstp = jnp.concatenate([dst, jnp.full((pad,), N, jnp.int32)])
    srcc = srcp.reshape(NS, NCHUNK, CH)
    dstc = dstp.reshape(NS, NCHUNK, CH)
    dstd = dstp.reshape(NW, DCHUNK, CH)

    deg2 = _deg_sc(dstd)

    h = pl.pallas_call(
        _enc_tc,
        out_shape=jax.ShapeDtypeStruct((N, H), jnp.float32),
    )(x, p['enc_W1'], p['enc_b1'], p['enc_bn_g'], p['enc_bn_b'],
      p['enc_W2'], p['enc_b2'])

    g1, dinv = pl.pallas_call(
        _g1_tc,
        out_shape=(jax.ShapeDtypeStruct((NROW, H), jnp.float32),
                   jax.ShapeDtypeStruct((N, 1), jnp.float32)),
    )(h, deg2, p['conv1_W'])

    p1 = _conv_sc_64(g1, srcc, dstc)

    g2 = pl.pallas_call(
        _stage_mid_tc,
        out_shape=jax.ShapeDtypeStruct((NROW, H), jnp.float32),
    )(p1, dinv, p['conv1_b'], p['bn1_g'], p['bn1_b'], p['conv2_W'])

    p2 = _conv_sc_64(g2, srcc, dstc)

    g3 = pl.pallas_call(
        _stage_mid_tc,
        out_shape=jax.ShapeDtypeStruct((NROW, D_OUT), jnp.float32),
    )(p2, dinv, p['conv2_b'], p['bn2_g'], p['bn2_b'], p['conv3_W'])

    p3 = _conv_sc_32(g3, srcc, dstc)

    out = pl.pallas_call(
        _stage_final_tc,
        out_shape=jax.ShapeDtypeStruct((N, D_OUT), jnp.float32),
    )(p3, dinv, p['conv3_b'], p['bn3_g'], p['bn3_b'])

    return out

# --- scband reference (transcript-rebuilt; emitter-appended) ---
"""Pipeline reference for scband-container-gnn-38397007626339 (READ-ONLY COPY).

The authoritative reference and input builder live on the scoring server;
editing this copy changes nothing except your own understanding.
"""

import jax, jax.numpy as jnp
import numpy as np

N = 10000
E = 320000
D_IN = 128
H = 64
D_OUT = 32


def _lin_init(k, fan_in, fan_out):
    bound = 1.0 / np.sqrt(fan_in)
    kw, kb = jax.random.split(k)
    W = jax.random.uniform(kw, (fan_in, fan_out), minval=-bound, maxval=bound, dtype=jnp.float32)
    b = jax.random.uniform(kb, (fan_out,), minval=-bound, maxval=bound, dtype=jnp.float32)
    return W, b


def setup_inputs(seed: int = 0) -> dict:
    key = jax.random.key(seed)
    ks = jax.random.split(key, 8)
    p = {}
    p['enc_W1'], p['enc_b1'] = _lin_init(ks[0], D_IN, H)
    p['enc_bn_g'] = jnp.ones(H, jnp.float32); p['enc_bn_b'] = jnp.zeros(H, jnp.float32)
    p['enc_W2'], p['enc_b2'] = _lin_init(ks[1], H, H)
    p['conv1_W'], p['conv1_b'] = _lin_init(ks[2], H, H)
    p['bn1_g'] = jnp.ones(H, jnp.float32); p['bn1_b'] = jnp.zeros(H, jnp.float32)
    p['conv2_W'], p['conv2_b'] = _lin_init(ks[3], H, H)
    p['bn2_g'] = jnp.ones(H, jnp.float32); p['bn2_b'] = jnp.zeros(H, jnp.float32)
    p['conv3_W'], p['conv3_b'] = _lin_init(ks[4], H, D_OUT)
    p['bn3_g'] = jnp.ones(D_OUT, jnp.float32); p['bn3_b'] = jnp.zeros(D_OUT, jnp.float32)
    x = jax.random.normal(ks[5], (N, D_IN), dtype=jnp.float32)
    edge_index = jax.random.randint(ks[6], (2, E), 0, N, dtype=jnp.int64) if jax.config.jax_enable_x64 else jax.random.randint(ks[6], (2, E), 0, N).astype(jnp.int32)
    return {'x': x, 'edge_index': edge_index, 'params': p}


def batchnorm(h, g, b, eps=1e-5):
    mean = h.mean(axis=0)
    var = h.var(axis=0)
    return (h - mean) / jnp.sqrt(var + eps) * g + b


def gcn_conv(h, edge_index, W, b):
    n = h.shape[0]
    h = h @ W
    loop = jnp.arange(n, dtype=edge_index.dtype)
    src = jnp.concatenate([edge_index[0], loop])
    dst = jnp.concatenate([edge_index[1], loop])
    deg = jnp.zeros((n,), h.dtype).at[dst].add(1.0)
    dinv = jnp.where(deg > 0, deg ** -0.5, 0.0)
    norm = dinv[src] * dinv[dst]
    msg = h[src] * norm[:, None]
    out = jnp.zeros_like(h).at[dst].add(msg)
    return out + b


def forward(x, edge_index, p):
    h = x @ p['enc_W1'] + p['enc_b1']
    h = jax.nn.relu(h)
    h = batchnorm(h, p['enc_bn_g'], p['enc_bn_b'])
    h = h @ p['enc_W2'] + p['enc_b2']
    h1 = gcn_conv(h, edge_index, p['conv1_W'], p['conv1_b'])
    h1 = jax.nn.relu(batchnorm(h1, p['bn1_g'], p['bn1_b']))
    h2 = gcn_conv(h1, edge_index, p['conv2_W'], p['conv2_b'])
    h2 = jax.nn.relu(batchnorm(h2, p['bn2_g'], p['bn2_b']))
    h3 = gcn_conv(h2, edge_index, p['conv3_W'], p['conv3_b'])
    emb = batchnorm(h3, p['bn3_g'], p['bn3_b'])
    nrm = jnp.maximum(jnp.linalg.norm(emb, axis=1, keepdims=True), 1e-12)
    return emb / nrm


def reference(x, edge_index, params):
    return forward(x, edge_index, params)

if __name__ == "__main__":
    import jax
    _d = setup_inputs()
    print(jax.jit(kernel)(*tuple(_d.values())))

</pallas_src>

<mosaic_0001>
#map = affine_map<(d0, d1) -> (0, 0)>
#map1 = affine_map<(d0, d1) -> (0, 0, 0)>
module attributes {stable_mosaic.version = 14 : i64} {
  func.func @conv(%arg0: i32, %arg1: i32, %arg2: memref<10016x64xf32, #tpu.memory_space<hbm>>, %arg3: memref<16x160x128xi32, #tpu.memory_space<hbm>>, %arg4: memref<16x160x128xi32, #tpu.memory_space<hbm>>, %arg5: memref<10016x64xf32, #tpu.memory_space<hbm>>, %arg6: memref<160x128xi32, #tpu.memory_space<vmem>>, %arg7: memref<160x128xi32, #tpu.memory_space<vmem>>, %arg8: memref<128x32xf32, #tpu.memory_space<vmem>>, %arg9: memref<128x32xf32, #tpu.memory_space<vmem>>, %arg10: memref<128x32xf32, #tpu.memory_space<vmem>>, %arg11: memref<128x32xf32, #tpu.memory_space<vmem>>, %arg12: memref<128x32xf32, #tpu.memory_space<vmem>>, %arg13: memref<128x32xf32, #tpu.memory_space<vmem>>, %arg14: memref<128x32xf32, #tpu.memory_space<vmem>>, %arg15: memref<128x32xf32, #tpu.memory_space<vmem>>, %arg16: memref<10016x32xf32, #tpu.memory_space<vmem_shared>>, %arg17: memref<10016x32xf32, #tpu.memory_space<vmem_shared>>, %arg18: memref<!tpu.dma_semaphore, #tpu.memory_space<semaphore_mem>>, %arg19: memref<!tpu.dma_semaphore, #tpu.memory_space<semaphore_mem>>, %arg20: memref<!tpu.dma_semaphore, #tpu.memory_space<semaphore_mem>>, %arg21: memref<!tpu.dma_semaphore, #tpu.memory_space<semaphore_mem>>, %arg22: memref<!tpu.dma_semaphore, #tpu.memory_space<semaphore_mem>>, %arg23: memref<!tpu.dma_semaphore, #tpu.memory_space<semaphore_mem>>, %arg24: memref<!tpu.dma_semaphore, #tpu.memory_space<semaphore_mem>>, %arg25: memref<!tpu.dma_semaphore, #tpu.memory_space<semaphore_mem>>, %arg26: memref<!tpu.dma_semaphore, #tpu.memory_space<semaphore_mem>>, %arg27: memref<!tpu.dma_semaphore, #tpu.memory_space<semaphore_mem>>, %arg28: memref<!tpu.dma_semaphore, #tpu.memory_space<semaphore_mem>>, %arg29: memref<!tpu.dma_semaphore, #tpu.memory_space<semaphore_mem>>, %arg30: memref<!tpu.dma_semaphore, #tpu.memory_space<semaphore_mem>>, %arg31: memref<!tpu.dma_semaphore, #tpu.memory_space<semaphore_mem>>, %arg32: memref<!tpu.dma_semaphore, #tpu.memory_space<semaphore_mem>>, %arg33: memref<!tpu.dma_semaphore, #tpu.memory_space<semaphore_mem>>) attributes {dimension_semantics = [#tpu.dimension_semantics<core_parallel>, #tpu.dimension_semantics<subcore_parallel>], iteration_bounds = array<i64: 2, 16>, scalar_prefetch = 0 : i64, scratch_operands = 28 : i64, tpu.core_type = #tpu.core_type<sc_vector_subcore>, window_params = [{transform_indices = #map}, {transform_indices = #map1}, {transform_indices = #map1}, {transform_indices = #map}]} {
    %mul3A = arith.constant 32 : i32
    %mul3A_0 = arith.muli %arg0, %mul3A : i32
    %mul3A_1 = arith.constant 626 : i32
    %mul3A_2 = arith.muli %arg1, %mul3A_1 : i32
    %dma_start3A = arith.constant 0 : i32
    %dma_start3A_3 = arith.constant 0 : i32
    %dma_start3A_4 = tpu.memref_slice %arg3[%arg1, %dma_start3A, %dma_start3A_3] : memref<16x160x128xi32, #tpu.memory_space<hbm>> -> memref<1x160x128xi32, #tpu.memory_space<hbm>>
    %dma_start3A_5 = tpu.memref_squeeze %dma_start3A_4 : memref<1x160x128xi32, #tpu.memory_space<hbm>> -> memref<160x128xi32, #tpu.memory_space<hbm>>
    %dma_start3A_6 = arith.constant 0 : i32
    %dma_start3A_7 = arith.constant 0 : i32
    %dma_start3A_8 = tpu.memref_slice %arg3[%arg1, %dma_start3A_6, %dma_start3A_7] : memref<16x160x128xi32, #tpu.memory_space<hbm>> -> memref<1x160x128xi32, #tpu.memory_space<hbm>>
    %dma_start3A_9 = tpu.memref_squeeze %dma_start3A_8 : memref<1x160x128xi32, #tpu.memory_space<hbm>> -> memref<160x128xi32, #tpu.memory_space<hbm>>
    tpu.enqueue_dma source(%dma_start3A_9 : memref<160x128xi32, #tpu.memory_space<hbm>>) target(%arg6 : memref<160x128xi32, #tpu.memory_space<vmem>>) target_semaphore(%arg18 : memref<!tpu.dma_semaphore, #tpu.memory_space<semaphore_mem>>)
    %dma_start3A_10 = arith.constant 0 : i32
    %dma_start3A_11 = arith.constant 0 : i32
    %dma_start3A_12 = tpu.memref_slice %arg4[%arg1, %dma_start3A_10, %dma_start3A_11] : memref<16x160x128xi32, #tpu.memory_space<hbm>> -> memref<1x160x128xi32, #tpu.memory_space<hbm>>
    %dma_start3A_13 = tpu.memref_squeeze %dma_start3A_12 : memref<1x160x128xi32, #tpu.memory_space<hbm>> -> memref<160x128xi32, #tpu.memory_space<hbm>>
    %dma_start3A_14 = arith.constant 0 : i32
    %dma_start3A_15 = arith.constant 0 : i32
    %dma_start3A_16 = tpu.memref_slice %arg4[%arg1, %dma_start3A_14, %dma_start3A_15] : memref<16x160x128xi32, #tpu.memory_space<hbm>> -> memref<1x160x128xi32, #tpu.memory_space<hbm>>
    %dma_start3A_17 = tpu.memref_squeeze %dma_start3A_16 : memref<1x160x128xi32, #tpu.memory_space<hbm>> -> memref<160x128xi32, #tpu.memory_space<hbm>>
    tpu.enqueue_dma source(%dma_start3A_17 : memref<160x128xi32, #tpu.memory_space<hbm>>) target(%arg7 : memref<160x128xi32, #tpu.memory_space<vmem>>) target_semaphore(%arg19 : memref<!tpu.dma_semaphore, #tpu.memory_space<semaphore_mem>>)
    %dma_start3A_18 = arith.constant 0 : i32
    %dma_start3A_19 = tpu.memref_slice %arg16[%mul3A_2, %dma_start3A_18] : memref<10016x32xf32, #tpu.memory_space<vmem_shared>> -> memref<626x32xf32, #tpu.memory_space<vmem_shared>>
    %dma_start3A_20 = tpu.memref_slice %arg2[%mul3A_2, %mul3A_0] : memref<10016x64xf32, #tpu.memory_space<hbm>> -> memref<626x32xf32, #tpu.memory_space<hbm>>
    tpu.enqueue_dma source(%dma_start3A_20 : memref<626x32xf32, #tpu.memory_space<hbm>>) target(%dma_start3A_19 : memref<626x32xf32, #tpu.memory_space<vmem_shared>>) target_semaphore(%arg20 : memref<!tpu.dma_semaphore, #tpu.memory_space<semaphore_mem>>)
    %dma_start3A_21 = arith.constant 0 : i32
    %dma_start3A_22 = tpu.memref_slice %arg17[%mul3A_2, %dma_start3A_21] : memref<10016x32xf32, #tpu.memory_space<vmem_shared>> -> memref<626x32xf32, #tpu.memory_space<vmem_shared>>
    %dma_start3A_23 = tpu.memref_slice %arg2[%mul3A_2, %mul3A_0] : memref<10016x64xf32, #tpu.memory_space<hbm>> -> memref<626x32xf32, #tpu.memory_space<hbm>>
    tpu.enqueue_dma source(%dma_start3A_23 : memref<626x32xf32, #tpu.memory_space<hbm>>) target(%dma_start3A_22 : memref<626x32xf32, #tpu.memory_space<vmem_shared>>) target_semaphore(%arg21 : memref<!tpu.dma_semaphore, #tpu.memory_space<semaphore_mem>>)
    %dma_wait3A = arith.constant 0 : i32
    %dma_wait3A_24 = arith.constant 0 : i32
    %dma_wait3A_25 = tpu.memref_slice %arg3[%arg1, %dma_wait3A, %dma_wait3A_24] : memref<16x160x128xi32, #tpu.memory_space<hbm>> -> memref<1x160x128xi32, #tpu.memory_space<hbm>>
    %dma_wait3A_26 = tpu.memref_squeeze %dma_wait3A_25 : memref<1x160x128xi32, #tpu.memory_space<hbm>> -> memref<160x128xi32, #tpu.memory_space<hbm>>
    %dma_wait3A_27 = arith.constant 0 : i32
    %dma_wait3A_28 = arith.constant 0 : i32
    %dma_wait3A_29 = tpu.memref_slice %arg3[%arg1, %dma_wait3A_27, %dma_wait3A_28] : memref<16x160x128xi32, #tpu.memory_space<hbm>> -> memref<1x160x128xi32, #tpu.memory_space<hbm>>
    %dma_wait3A_30 = tpu.memref_squeeze %dma_wait3A_29 : memref<1x160x128xi32, #tpu.memory_space<hbm>> -> memref<160x128xi32, #tpu.memory_space<hbm>>
    tpu.wait_dma2 semaphore(%arg18 : memref<!tpu.dma_semaphore, #tpu.memory_space<semaphore_mem>>) src(%dma_wait3A_30 : memref<160x128xi32, #tpu.memory_space<hbm>>) dst(%arg6 : memref<160x128xi32, #tpu.memory_space<vmem>>)
    %dma_wait3A_31 = arith.constant 0 : i32
    %dma_wait3A_32 = arith.constant 0 : i32
    %dma_wait3A_33 = tpu.memref_slice %arg4[%arg1, %dma_wait3A_31, %dma_wait3A_32] : memref<16x160x128xi32, #tpu.memory_space<hbm>> -> memref<1x160x128xi32, #tpu.memory_space<hbm>>
    %dma_wait3A_34 = tpu.memref_squeeze %dma_wait3A_33 : memref<1x160x128xi32, #tpu.memory_space<hbm>> -> memref<160x128xi32, #tpu.memory_space<hbm>>
    %dma_wait3A_35 = arith.constant 0 : i32
    %dma_wait3A_36 = arith.constant 0 : i32
    %dma_wait3A_37 = tpu.memref_slice %arg4[%arg1, %dma_wait3A_35, %dma_wait3A_36] : memref<16x160x128xi32, #tpu.memory_space<hbm>> -> memref<1x160x128xi32, #tpu.memory_space<hbm>>
    %dma_wait3A_38 = tpu.memref_squeeze %dma_wait3A_37 : memref<1x160x128xi32, #tpu.memory_space<hbm>> -> memref<160x128xi32, #tpu.memory_space<hbm>>
    tpu.wait_dma2 semaphore(%arg19 : memref<!tpu.dma_semaphore, #tpu.memory_space<semaphore_mem>>) src(%dma_wait3A_38 : memref<160x128xi32, #tpu.memory_space<hbm>>) dst(%arg7 : memref<160x128xi32, #tpu.memory_space<vmem>>)
    %dma_wait3A_39 = arith.constant 0 : i32
    %dma_wait3A_40 = tpu.memref_slice %arg16[%mul3A_2, %dma_wait3A_39] : memref<10016x32xf32, #tpu.memory_space<vmem_shared>> -> memref<626x32xf32, #tpu.memory_space<vmem_shared>>
    %dma_wait3A_41 = tpu.memref_slice %arg2[%mul3A_2, %mul3A_0] : memref<10016x64xf32, #tpu.memory_space<hbm>> -> memref<626x32xf32, #tpu.memory_space<hbm>>
    tpu.wait_dma2 semaphore(%arg20 : memref<!tpu.dma_semaphore, #tpu.memory_space<semaphore_mem>>) src(%dma_wait3A_41 : memref<626x32xf32, #tpu.memory_space<hbm>>) dst(%dma_wait3A_40 : memref<626x32xf32, #tpu.memory_space<vmem_shared>>)
    %dma_wait3A_42 = arith.constant 0 : i32
    %dma_wait3A_43 = tpu.memref_slice %arg17[%mul3A_2, %dma_wait3A_42] : memref<10016x32xf32, #tpu.memory_space<vmem_shared>> -> memref<626x32xf32, #tpu.memory_space<vmem_shared>>
    %dma_wait3A_44 = tpu.memref_slice %arg2[%mul3A_2, %mul3A_0] : memref<10016x64xf32, #tpu.memory_space<hbm>> -> memref<626x32xf32, #tpu.memory_space<hbm>>
    tpu.wait_dma2 semaphore(%arg21 : memref<!tpu.dma_semaphore, #tpu.memory_space<semaphore_mem>>) src(%dma_wait3A_44 : memref<626x32xf32, #tpu.memory_space<hbm>>) dst(%dma_wait3A_43 : memref<626x32xf32, #tpu.memory_space<vmem_shared>>)
    %barrier3A = arith.constant 0 : index
    tpu.barrier barrier_id(%barrier3A)
    %dma_start3A_45 = arith.constant 0 : i32
    %dma_start3A_46 = arith.constant 0 : i32
    %dma_start3A_47 = tpu.memref_slice %arg6[%dma_start3A_45, %dma_start3A_46] : memref<160x128xi32, #tpu.memory_space<vmem>> -> memref<1x128xi32, #tpu.memory_space<vmem>>
    %dma_start3A_48 = tpu.memref_squeeze %dma_start3A_47 : memref<1x128xi32, #tpu.memory_space<vmem>> -> memref<128xi32, #tpu.memory_space<vmem>>
    %dma_start3A_49 = arith.constant 0 : i32
    %dma_start3A_50 = arith.constant 0 : i32
    %dma_start3A_51 = tpu.memref_slice %arg16[%dma_start3A_49, %dma_start3A_50] : memref<10016x32xf32, #tpu.memory_space<vmem_shared>> -> memref<10016x32xf32, #tpu.memory_space<vmem_shared>>
    tpu.enqueue_indirect_dma source(%dma_start3A_51 : memref<10016x32xf32, #tpu.memory_space<vmem_shared>>) target(%arg8 : memref<128x32xf32, #tpu.memory_space<vmem>>) offsets(%dma_start3A_48 : memref<128xi32, #tpu.memory_space<vmem>>) semaphore(%arg18 : memref<!tpu.dma_semaphore, #tpu.memory_space<semaphore_mem>>)
    %dma_start3A_52 = arith.constant 1 : i32
    %dma_start3A_53 = arith.constant 0 : i32
    %dma_start3A_54 = tpu.memref_slice %arg6[%dma_start3A_52, %dma_start3A_53] : memref<160x128xi32, #tpu.memory_space<vmem>> -> memref<1x128xi32, #tpu.memory_space<vmem>>
    %dma_start3A_55 = tpu.memref_squeeze %dma_start3A_54 : memref<1x128xi32, #tpu.memory_space<vmem>> -> memref<128xi32, #tpu.memory_space<vmem>>
    %dma_start3A_56 = arith.constant 0 : i32
    %dma_start3A_57 = arith.constant 0 : i32
    %dma_start3A_58 = tpu.memref_slice %arg16[%dma_start3A_56, %dma_start3A_57] : memref<10016x32xf32, #tpu.memory_space<vmem_shared>> -> memref<10016x32xf32, #tpu.memory_space<vmem_shared>>
    tpu.enqueue_indirect_dma source(%dma_start3A_58 : memref<10016x32xf32, #tpu.memory_space<vmem_shared>>) target(%arg9 : memref<128x32xf32, #tpu.memory_space<vmem>>) offsets(%dma_start3A_55 : memref<128xi32, #tpu.memory_space<vmem>>) semaphore(%arg19 : memref<!tpu.dma_semaphore, #tpu.memory_space<semaphore_mem>>)
    %dma_start3A_59 = arith.constant 2 : i32
    %dma_start3A_60 = arith.constant 0 : i32
    %dma_start3A_61 = tpu.memref_slice %arg6[%dma_start3A_59, %dma_start3A_60] : memref<160x128xi32, #tpu.memory_space<vmem>> -> memref<1x128xi32, #tpu.memory_space<vmem>>
    %dma_start3A_62 = tpu.memref_squeeze %dma_start3A_61 : memref<1x128xi32, #tpu.memory_space<vmem>> -> memref<128xi32, #tpu.memory_space<vmem>>
    %dma_start3A_63 = arith.constant 0 : i32
    %dma_start3A_64 = arith.constant 0 : i32
    %dma_start3A_65 = tpu.memref_slice %arg16[%dma_start3A_63, %dma_start3A_64] : memref<10016x32xf32, #tpu.memory_space<vmem_shared>> -> memref<10016x32xf32, #tpu.memory_space<vmem_shared>>
    tpu.enqueue_indirect_dma source(%dma_start3A_65 : memref<10016x32xf32, #tpu.memory_space<vmem_shared>>) target(%arg10 : memref<128x32xf32, #tpu.memory_space<vmem>>) offsets(%dma_start3A_62 : memref<128xi32, #tpu.memory_space<vmem>>) semaphore(%arg20 : memref<!tpu.dma_semaphore, #tpu.memory_space<semaphore_mem>>)
    %dma_start3A_66 = arith.constant 3 : i32
    %dma_start3A_67 = arith.constant 0 : i32
    %dma_start3A_68 = tpu.memref_slice %arg6[%dma_start3A_66, %dma_start3A_67] : memref<160x128xi32, #tpu.memory_space<vmem>> -> memref<1x128xi32, #tpu.memory_space<vmem>>
    %dma_start3A_69 = tpu.memref_squeeze %dma_start3A_68 : memref<1x128xi32, #tpu.memory_space<vmem>> -> memref<128xi32, #tpu.memory_space<vmem>>
    %dma_start3A_70 = arith.constant 0 : i32
    %dma_start3A_71 = arith.constant 0 : i32
    %dma_start3A_72 = tpu.memref_slice %arg16[%dma_start3A_70, %dma_start3A_71] : memref<10016x32xf32, #tpu.memory_space<vmem_shared>> -> memref<10016x32xf32, #tpu.memory_space<vmem_shared>>
    tpu.enqueue_indirect_dma source(%dma_start3A_72 : memref<10016x32xf32, #tpu.memory_space<vmem_shared>>) target(%arg11 : memref<128x32xf32, #tpu.memory_space<vmem>>) offsets(%dma_start3A_69 : memref<128xi32, #tpu.memory_space<vmem>>) semaphore(%arg21 : memref<!tpu.dma_semaphore, #tpu.memory_space<semaphore_mem>>)
    %dma_wait3A_73 = arith.constant 0 : i32
    %dma_wait3A_74 = arith.constant 0 : i32
    %dma_wait3A_75 = tpu.memref_slice %arg6[%dma_wait3A_73, %dma_wait3A_74] : memref<160x128xi32, #tpu.memory_space<vmem>> -> memref<1x128xi32, #tpu.memory_space<vmem>>
    %dma_wait3A_76 = tpu.memref_squeeze %dma_wait3A_75 : memref<1x128xi32, #tpu.memory_space<vmem>> -> memref<128xi32, #tpu.memory_space<vmem>>
    %dma_wait3A_77 = arith.constant 0 : i32
    %dma_wait3A_78 = arith.constant 0 : i32
    %dma_wait3A_79 = tpu.memref_slice %arg16[%dma_wait3A_77, %dma_wait3A_78] : memref<10016x32xf32, #tpu.memory_space<vmem_shared>> -> memref<10016x32xf32, #tpu.memory_space<vmem_shared>>
    tpu.wait_indirect_dma semaphore(%arg18 : memref<!tpu.dma_semaphore, #tpu.memory_space<semaphore_mem>>) src(%dma_wait3A_79 : memref<10016x32xf32, #tpu.memory_space<vmem_shared>>) dst(%arg8 : memref<128x32xf32, #tpu.memory_space<vmem>>)
    %dma_start3A_80 = arith.constant 0 : i32
    %dma_start3A_81 = arith.constant 0 : i32
    %dma_start3A_82 = tpu.memref_slice %arg7[%dma_start3A_80, %dma_start3A_81] : memref<160x128xi32, #tpu.memory_space<vmem>> -> memref<1x128xi32, #tpu.memory_space<vmem>>
    %dma_start3A_83 = tpu.memref_squeeze %dma_start3A_82 : memref<1x128xi32, #tpu.memory_space<vmem>> -> memref<128xi32, #tpu.memory_space<vmem>>
    %dma_start3A_84 = arith.constant 0 : i32
    %dma_start3A_85 = arith.constant 0 : i32
    %dma_start3A_86 = tpu.memref_slice %arg17[%dma_start3A_84, %dma_start3A_85] : memref<10016x32xf32, #tpu.memory_space<vmem_shared>> -> memref<10016x32xf32, #tpu.memory_space<vmem_shared>>
    tpu.enqueue_indirect_dma source(%arg8 : memref<128x32xf32, #tpu.memory_space<vmem>>) target(%dma_start3A_86 : memref<10016x32xf32, #tpu.memory_space<vmem_shared>>) offsets(%dma_start3A_83 : memref<128xi32, #tpu.memory_space<vmem>>) semaphore(%arg26 : memref<!tpu.dma_semaphore, #tpu.memory_space<semaphore_mem>>) {add = true}
    %dma_start3A_87 = arith.constant 4 : i32
    %dma_start3A_88 = arith.constant 0 : i32
    %dma_start3A_89 = tpu.memref_slice %arg6[%dma_start3A_87, %dma_start3A_88] : memref<160x128xi32, #tpu.memory_space<vmem>> -> memref<1x128xi32, #tpu.memory_space<vmem>>
    %dma_start3A_90 = tpu.memref_squeeze %dma_start3A_89 : memref<1x128xi32, #tpu.memory_space<vmem>> -> memref<128xi32, #tpu.memory_space<vmem>>
    %dma_start3A_91 = arith.constant 0 : i32
    %dma_start3A_92 = arith.constant 0 : i32
    %dma_start3A_93 = tpu.memref_slice %arg16[%dma_start3A_91, %dma_start3A_92] : memref<10016x32xf32, #tpu.memory_space<vmem_shared>> -> memref<10016x32xf32, #tpu.memory_space<vmem_shared>>
    tpu.enqueue_indirect_dma source(%dma_start3A_93 : memref<10016x32xf32, #tpu.memory_space<vmem_shared>>) target(%arg12 : memref<128x32xf32, #tpu.memory_space<vmem>>) offsets(%dma_start3A_90 : memref<128xi32, #tpu.memory_space<vmem>>) semaphore(%arg22 : memref<!tpu.dma_semaphore, #tpu.memory_space<semaphore_mem>>)
    %dma_wait3A_94 = arith.constant 1 : i32
    %dma_wait3A_95 = arith.constant 0 : i32
    %dma_wait3A_96 = tpu.memref_slice %arg6[%dma_wait3A_94, %dma_wait3A_95] : memref<160x128xi32, #tpu.memory_space<vmem>> -> memref<1x128xi32, #tpu.memory_space<vmem>>
    %dma_wait3A_97 = tpu.memref_squeeze %dma_wait3A_96 : memref<1x128xi32, #tpu.memory_space<vmem>> -> memref<128xi32, #tpu.memory_space<vmem>>
    %dma_wait3A_98 = arith.constant 0 : i32
    %dma_wait3A_99 = arith.constant 0 : i32
    %dma_wait3A_100 = tpu.memref_slice %arg16[%dma_wait3A_98, %dma_wait3A_99] : memref<10016x32xf32, #tpu.memory_space<vmem_shared>> -> memref<10016x32xf32, #tpu.memory_space<vmem_shared>>
    tpu.wait_indirect_dma semaphore(%arg19 : memref<!tpu.dma_semaphore, #tpu.memory_space<semaphore_mem>>) src(%dma_wait3A_100 : memref<10016x32xf32, #tpu.memory_space<vmem_shared>>) dst(%arg9 : memref<128x32xf32, #tpu.memory_space<vmem>>)
    %dma_start3A_101 = arith.constant 1 : i32
    %dma_start3A_102 = arith.constant 0 : i32
    %dma_start3A_103 = tpu.memref_slice %arg7[%dma_start3A_101, %dma_start3A_102] : memref<160x128xi32, #tpu.memory_space<vmem>> -> memref<1x128xi32, #tpu.memory_space<vmem>>
    %dma_start3A_104 = tpu.memref_squeeze %dma_start3A_103 : memref<1x128xi32, #tpu.memory_space<vmem>> -> memref<128xi32, #tpu.memory_space<vmem>>
    %dma_start3A_105 = arith.constant 0 : i32
    %dma_start3A_106 = arith.constant 0 : i32
    %dma_start3A_107 = tpu.memref_slice %arg17[%dma_start3A_105, %dma_start3A_106] : memref<10016x32xf32, #tpu.memory_space<vmem_shared>> -> memref<10016x32xf32, #tpu.memory_space<vmem_shared>>
    tpu.enqueue_indirect_dma source(%arg9 : memref<128x32xf32, #tpu.memory_space<vmem>>) target(%dma_start3A_107 : memref<10016x32xf32, #tpu.memory_space<vmem_shared>>) offsets(%dma_start3A_104 : memref<128xi32, #tpu.memory_space<vmem>>) semaphore(%arg27 : memref<!tpu.dma_semaphore, #tpu.memory_space<semaphore_mem>>) {add = true}
    %dma_start3A_108 = arith.constant 5 : i32
    %dma_start3A_109 = arith.constant 0 : i32
    %dma_start3A_110 = tpu.memref_slice %arg6[%dma_start3A_108, %dma_start3A_109] : memref<160x128xi32, #tpu.memory_space<vmem>> -> memref<1x128xi32, #tpu.memory_space<vmem>>
    %dma_start3A_111 = tpu.memref_squeeze %dma_start3A_110 : memref<1x128xi32, #tpu.memory_space<vmem>> -> memref<128xi32, #tpu.memory_space<vmem>>
    %dma_start3A_112 = arith.constant 0 : i32
    %dma_start3A_113 = arith.constant 0 : i32
    %dma_start3A_114 = tpu.memref_slice %arg16[%dma_start3A_112, %dma_start3A_113] : memref<10016x32xf32, #tpu.memory_space<vmem_shared>> -> memref<10016x32xf32, #tpu.memory_space<vmem_shared>>
    tpu.enqueue_indirect_dma source(%dma_start3A_114 : memref<10016x32xf32, #tpu.memory_space<vmem_shared>>) target(%arg13 : memref<128x32xf32, #tpu.memory_space<vmem>>) offsets(%dma_start3A_111 : memref<128xi32, #tpu.memory_space<vmem>>) semaphore(%arg23 : memref<!tpu.dma_semaphore, #tpu.memory_space<semaphore_mem>>)
    %dma_wait3A_115 = arith.constant 2 : i32
    %dma_wait3A_116 = arith.constant 0 : i32
    %dma_wait3A_117 = tpu.memref_slice %arg6[%dma_wait3A_115, %dma_wait3A_116] : memref<160x128xi32, #tpu.memory_space<vmem>> -> memref<1x128xi32, #tpu.memory_space<vmem>>
    %dma_wait3A_118 = tpu.memref_squeeze %dma_wait3A_117 : memref<1x128xi32, #tpu.memory_space<vmem>> -> memref<128xi32, #tpu.memory_space<vmem>>
    %dma_wait3A_119 = arith.constant 0 : i32
    %dma_wait3A_120 = arith.constant 0 : i32
    %dma_wait3A_121 = tpu.memref_slice %arg16[%dma_wait3A_119, %dma_wait3A_120] : memref<10016x32xf32, #tpu.memory_space<vmem_shared>> -> memref<10016x32xf32, #tpu.memory_space<vmem_shared>>
    tpu.wait_indirect_dma semaphore(%arg20 : memref<!tpu.dma_semaphore, #tpu.memory_space<semaphore_mem>>) src(%dma_wait3A_121 : memref<10016x32xf32, #tpu.memory_space<vmem_shared>>) dst(%arg10 : memref<128x32xf32, #tpu.memory_space<vmem>>)
    %dma_start3A_122 = arith.constant 2 : i32
    %dma_start3A_123 = arith.constant 0 : i32
    %dma_start3A_124 = tpu.memref_slice %arg7[%dma_start3A_122, %dma_start3A_123] : memref<160x128xi32, #tpu.memory_space<vmem>> -> memref<1x128xi32, #tpu.memory_space<vmem>>
    %dma_start3A_125 = tpu.memref_squeeze %dma_start3A_124 : memref<1x128xi32, #tpu.memory_space<vmem>> -> memref<128xi32, #tpu.memory_space<vmem>>
    %dma_start3A_126 = arith.constant 0 : i32
    %dma_start3A_127 = arith.constant 0 : i32
    %dma_start3A_128 = tpu.memref_slice %arg17[%dma_start3A_126, %dma_start3A_127] : memref<10016x32xf32, #tpu.memory_space<vmem_shared>> -> memref<10016x32xf32, #tpu.memory_space<vmem_shared>>
    tpu.enqueue_indirect_dma source(%arg10 : memref<128x32xf32, #tpu.memory_space<vmem>>) target(%dma_start3A_128 : memref<10016x32xf32, #tpu.memory_space<vmem_shared>>) offsets(%dma_start3A_125 : memref<128xi32, #tpu.memory_space<vmem>>) semaphore(%arg28 : memref<!tpu.dma_semaphore, #tpu.memory_space<semaphore_mem>>) {add = true}
    %dma_start3A_129 = arith.constant 6 : i32
    %dma_start3A_130 = arith.constant 0 : i32
    %dma_start3A_131 = tpu.memref_slice %arg6[%dma_start3A_129, %dma_start3A_130] : memref<160x128xi32, #tpu.memory_space<vmem>> -> memref<1x128xi32, #tpu.memory_space<vmem>>
    %dma_start3A_132 = tpu.memref_squeeze %dma_start3A_131 : memref<1x128xi32, #tpu.memory_space<vmem>> -> memref<128xi32, #tpu.memory_space<vmem>>
    %dma_start3A_133 = arith.constant 0 : i32
    %dma_start3A_134 = arith.constant 0 : i32
    %dma_start3A_135 = tpu.memref_slice %arg16[%dma_start3A_133, %dma_start3A_134] : memref<10016x32xf32, #tpu.memory_space<vmem_shared>> -> memref<10016x32xf32, #tpu.memory_space<vmem_shared>>
    tpu.enqueue_indirect_dma source(%dma_start3A_135 : memref<10016x32xf32, #tpu.memory_space<vmem_shared>>) target(%arg14 : memref<128x32xf32, #tpu.memory_space<vmem>>) offsets(%dma_start3A_132 : memref<128xi32, #tpu.memory_space<vmem>>) semaphore(%arg24 : memref<!tpu.dma_semaphore, #tpu.memory_space<semaphore_mem>>)
    %dma_wait3A_136 = arith.constant 3 : i32
    %dma_wait3A_137 = arith.constant 0 : i32
    %dma_wait3A_138 = tpu.memref_slice %arg6[%dma_wait3A_136, %dma_wait3A_137] : memref<160x128xi32, #tpu.memory_space<vmem>> -> memref<1x128xi32, #tpu.memory_space<vmem>>
    %dma_wait3A_139 = tpu.memref_squeeze %dma_wait3A_138 : memref<1x128xi32, #tpu.memory_space<vmem>> -> memref<128xi32, #tpu.memory_space<vmem>>
    %dma_wait3A_140 = arith.constant 0 : i32
    %dma_wait3A_141 = arith.constant 0 : i32
    %dma_wait3A_142 = tpu.memref_slice %arg16[%dma_wait3A_140, %dma_wait3A_141] : memref<10016x32xf32, #tpu.memory_space<vmem_shared>> -> memref<10016x32xf32, #tpu.memory_space<vmem_shared>>
    tpu.wait_indirect_dma semaphore(%arg21 : memref<!tpu.dma_semaphore, #tpu.memory_space<semaphore_mem>>) src(%dma_wait3A_142 : memref<10016x32xf32, #tpu.memory_space<vmem_shared>>) dst(%arg11 : memref<128x32xf32, #tpu.memory_space<vmem>>)
    %dma_start3A_143 = arith.constant 3 : i32
    %dma_start3A_144 = arith.constant 0 : i32
    %dma_start3A_145 = tpu.memref_slice %arg7[%dma_start3A_143, %dma_start3A_144] : memref<160x128xi32, #tpu.memory_space<vmem>> -> memref<1x128xi32, #tpu.memory_space<vmem>>
    %dma_start3A_146 = tpu.memref_squeeze %dma_start3A_145 : memref<1x128xi32, #tpu.memory_space<vmem>> -> memref<128xi32, #tpu.memory_space<vmem>>
    %dma_start3A_147 = arith.constant 0 : i32
    %dma_start3A_148 = arith.constant 0 : i32
    %dma_start3A_149 = tpu.memref_slice %arg17[%dma_start3A_147, %dma_start3A_148] : memref<10016x32xf32, #tpu.memory_space<vmem_shared>> -> memref<10016x32xf32, #tpu.memory_space<vmem_shared>>
    tpu.enqueue_indirect_dma source(%arg11 : memref<128x32xf32, #tpu.memory_space<vmem>>) target(%dma_start3A_149 : memref<10016x32xf32, #tpu.memory_space<vmem_shared>>) offsets(%dma_start3A_146 : memref<128xi32, #tpu.memory_space<vmem>>) semaphore(%arg29 : memref<!tpu.dma_semaphore, #tpu.memory_space<semaphore_mem>>) {add = true}
    %dma_start3A_150 = arith.constant 7 : i32
    %dma_start3A_151 = arith.constant 0 : i32
    %dma_start3A_152 = tpu.memref_slice %arg6[%dma_start3A_150, %dma_start3A_151] : memref<160x128xi32, #tpu.memory_space<vmem>> -> memref<1x128xi32, #tpu.memory_space<vmem>>
    %dma_start3A_153 = tpu.memref_squeeze %dma_start3A_152 : memref<1x128xi32, #tpu.memory_space<vmem>> -> memref<128xi32, #tpu.memory_space<vmem>>
    %dma_start3A_154 = arith.constant 0 : i32
    %dma_start3A_155 = arith.constant 0 : i32
    %dma_start3A_156 = tpu.memref_slice %arg16[%dma_start3A_154, %dma_start3A_155] : memref<10016x32xf32, #tpu.memory_space<vmem_shared>> -> memref<10016x32xf32, #tpu.memory_space<vmem_shared>>
    tpu.enqueue_indirect_dma source(%dma_start3A_156 : memref<10016x32xf32, #tpu.memory_space<vmem_shared>>) target(%arg15 : memref<128x32xf32, #tpu.memory_space<vmem>>) offsets(%dma_start3A_153 : memref<128xi32, #tpu.memory_space<vmem>>) semaphore(%arg25 : memref<!tpu.dma_semaphore, #tpu.memory_space<semaphore_mem>>)
    %dma_wait3A_157 = arith.constant 4 : i32
    %dma_wait3A_158 = arith.constant 0 : i32
    %dma_wait3A_159 = tpu.memref_slice %arg6[%dma_wait3A_157, %dma_wait3A_158] : memref<160x128xi32, #tpu.memory_space<vmem>> -> memref<1x128xi32, #tpu.memory_space<vmem>>
    %dma_wait3A_160 = tpu.memref_squeeze %dma_wait3A_159 : memref<1x128xi32, #tpu.memory_space<vmem>> -> memref<128xi32, #tpu.memory_space<vmem>>
    %dma_wait3A_161 = arith.constant 0 : i32
    %dma_wait3A_162 = arith.constant 0 : i32
    %dma_wait3A_163 = tpu.memref_slice %arg16[%dma_wait3A_161, %dma_wait3A_162] : memref<10016x32xf32, #tpu.memory_space<vmem_shared>> -> memref<10016x32xf32, #tpu.memory_space<vmem_shared>>
    tpu.wait_indirect_dma semaphore(%arg22 : memref<!tpu.dma_semaphore, #tpu.memory_space<semaphore_mem>>) src(%dma_wait3A_163 : memref<10016x32xf32, #tpu.memory_space<vmem_shared>>) dst(%arg12 : memref<128x32xf32, #tpu.memory_space<vmem>>)
    %dma_start3A_164 = arith.constant 4 : i32
    %dma_start3A_165 = arith.constant 0 : i32
    %dma_start3A_166 = tpu.memref_slice %arg7[%dma_start3A_164, %dma_start3A_165] : memref<160x128xi32, #tpu.memory_space<vmem>> -> memref<1x128xi32, #tpu.memory_space<vmem>>
    %dma_start3A_167 = tpu.memref_squeeze %dma_start3A_166 : memref<1x128xi32, #tpu.memory_space<vmem>> -> memref<128xi32, #tpu.memory_space<vmem>>
    %dma_start3A_168 = arith.constant 0 : i32
    %dma_start3A_169 = arith.constant 0 : i32
    %dma_start3A_170 = tpu.memref_slice %arg17[%dma_start3A_168, %dma_start3A_169] : memref<10016x32xf32, #tpu.memory_space<vmem_shared>> -> memref<10016x32xf32, #tpu.memory_space<vmem_shared>>
    tpu.enqueue_indirect_dma source(%arg12 : memref<128x32xf32, #tpu.memory_space<vmem>>) target(%dma_start3A_170 : memref<10016x32xf32, #tpu.memory_space<vmem_shared>>) offsets(%dma_start3A_167 : memref<128xi32, #tpu.memory_space<vmem>>) semaphore(%arg30 : memref<!tpu.dma_semaphore, #tpu.memory_space<semaphore_mem>>) {add = true}
    %dma_wait3A_171 = arith.constant 0 : i32
    %dma_wait3A_172 = arith.constant 0 : i32
    %dma_wait3A_173 = tpu.memref_slice %arg7[%dma_wait3A_171, %dma_wait3A_172] : memref<160x128xi32, #tpu.memory_space<vmem>> -> memref<1x128xi32, #tpu.memory_space<vmem>>
    %dma_wait3A_174 = tpu.memref_squeeze %dma_wait3A_173 : memref<1x128xi32, #tpu.memory_space<vmem>> -> memref<128xi32, #tpu.memory_space<vmem>>
    %dma_wait3A_175 = arith.constant 0 : i32
    %dma_wait3A_176 = arith.constant 0 : i32
    %dma_wait3A_177 = tpu.memref_slice %arg17[%dma_wait3A_175, %dma_wait3A_176] : memref<10016x32xf32, #tpu.memory_space<vmem_shared>> -> memref<10016x32xf32, #tpu.memory_space<vmem_shared>>
    tpu.wait_indirect_dma semaphore(%arg26 : memref<!tpu.dma_semaphore, #tpu.memory_space<semaphore_mem>>) src(%arg8 : memref<128x32xf32, #tpu.memory_space<vmem>>) dst(%dma_wait3A_177 : memref<10016x32xf32, #tpu.memory_space<vmem_shared>>)
    %dma_start3A_178 = arith.constant 8 : i32
    %dma_start3A_179 = arith.constant 0 : i32
    %dma_start3A_180 = tpu.memref_slice %arg6[%dma_start3A_178, %dma_start3A_179] : memref<160x128xi32, #tpu.memory_space<vmem>> -> memref<1x128xi32, #tpu.memory_space<vmem>>
    %dma_start3A_181 = tpu.memref_squeeze %dma_start3A_180 : memref<1x128xi32, #tpu.memory_space<vmem>> -> memref<128xi32, #tpu.memory_space<vmem>>
    %dma_start3A_182 = arith.constant 0 : i32
    %dma_start3A_183 = arith.constant 0 : i32
    %dma_start3A_184 = tpu.memref_slice %arg16[%dma_start3A_182, %dma_start3A_183] : memref<10016x32xf32, #tpu.memory_space<vmem_shared>> -> memref<10016x32xf32, #tpu.memory_space<vmem_shared>>
    tpu.enqueue_indirect_dma source(%dma_start3A_184 : memref<10016x32xf32, #tpu.memory_space<vmem_shared>>) target(%arg8 : memref<128x32xf32, #tpu.memory_space<vmem>>) offsets(%dma_start3A_181 : memref<128xi32, #tpu.memory_space<vmem>>) semaphore(%arg18 : memref<!tpu.dma_semaphore, #tpu.memory_space<semaphore_mem>>)
    %dma_wait3A_185 = arith.constant 5 : i32
    %dma_wait3A_186 = arith.constant 0 : i32
    %dma_wait3A_187 = tpu.memref_slice %arg6[%dma_wait3A_185, %dma_wait3A_186] : memref<160x128xi32, #tpu.memory_space<vmem>> -> memref<1x128xi32, #tpu.memory_space<vmem>>
    %dma_wait3A_188 = tpu.memref_squeeze %dma_wait3A_187 : memref<1x128xi32, #tpu.memory_space<vmem>> -> memref<128xi32, #tpu.memory_space<vmem>>
    %dma_wait3A_189 = arith.constant 0 : i32
    %dma_wait3A_190 = arith.constant 0 : i32
    %dma_wait3A_191 = tpu.memref_slice %arg16[%dma_wait3A_189, %dma_wait3A_190] : memref<10016x32xf32, #tpu.memory_space<vmem_shared>> -> memref<10016x32xf32, #tpu.memory_space<vmem_shared>>
    tpu.wait_indirect_dma semaphore(%arg23 : memref<!tpu.dma_semaphore, #tpu.memory_space<semaphore_mem>>) src(%dma_wait3A_191 : memref<10016x32xf32, #tpu.memory_space<vmem_shared>>) dst(%arg13 : memref<128x32xf32, #tpu.memory_space<vmem>>)
    %dma_start3A_192 = arith.constant 5 : i32
    %dma_start3A_193 = arith.constant 0 : i32
    %dma_start3A_194 = tpu.memref_slice %arg7[%dma_start3A_192, %dma_start3A_193] : memref<160x128xi32, #tpu.memory_space<vmem>> -> memref<1x128xi32, #tpu.memory_space<vmem>>
    %dma_start3A_195 = tpu.memref_squeeze %dma_start3A_194 : memref<1x128xi32, #tpu.memory_space<vmem>> -> memref<128xi32, #tpu.memory_space<vmem>>
    %dma_start3A_196 = arith.constant 0 : i32
    %dma_start3A_197 = arith.constant 0 : i32
    %dma_start3A_198 = tpu.memref_slice %arg17[%dma_start3A_196, %dma_start3A_197] : memref<10016x32xf32, #tpu.memory_space<vmem_shared>> -> memref<10016x32xf32, #tpu.memory_space<vmem_shared>>
    tpu.enqueue_indirect_dma source(%arg13 : memref<128x32xf32, #tpu.memory_space<vmem>>) target(%dma_start3A_198 : memref<10016x32xf32, #tpu.memory_space<vmem_shared>>) offsets(%dma_start3A_195 : memref<128xi32, #tpu.memory_space<vmem>>) semaphore(%arg31 : memref<!tpu.dma_semaphore, #tpu.memory_space<semaphore_mem>>) {add = true}
    %dma_wait3A_199 = arith.constant 1 : i32
    %dma_wait3A_200 = arith.constant 0 : i32
    %dma_wait3A_201 = tpu.memref_slice %arg7[%dma_wait3A_199, %dma_wait3A_200] : memref<160x128xi32, #tpu.memory_space<vmem>> -> memref<1x128xi32, #tpu.memory_space<vmem>>
    %dma_wait3A_202 = tpu.memref_squeeze %dma_wait3A_201 : memref<1x128xi32, #tpu.memory_space<vmem>> -> memref<128xi32, #tpu.memory_space<vmem>>
    %dma_wait3A_203 = arith.constant 0 : i32
    %dma_wait3A_204 = arith.constant 0 : i32
    %dma_wait3A_205 = tpu.memref_slice %arg17[%dma_wait3A_203, %dma_wait3A_204] : memref<10016x32xf32, #tpu.memory_space<vmem_shared>> -> memref<10016x32xf32, #tpu.memory_space<vmem_shared>>
    tpu.wait_indirect_dma semaphore(%arg27 : memref<!tpu.dma_semaphore, #tpu.memory_space<semaphore_mem>>) src(%arg9 : memref<128x32xf32, #tpu.memory_space<vmem>>) dst(%dma_wait3A_205 : memref<10016x32xf32, #tpu.memory_space<vmem_shared>>)
    %dma_start3A_206 = arith.constant 9 : i32
    %dma_start3A_207 = arith.constant 0 : i32
    %dma_start3A_208 = tpu.memref_slice %arg6[%dma_start3A_206, %dma_start3A_207] : memref<160x128xi32, #tpu.memory_space<vmem>> -> memref<1x128xi32, #tpu.memory_space<vmem>>
    %dma_start3A_209 = tpu.memref_squeeze %dma_start3A_208 : memref<1x128xi32, #tpu.memory_space<vmem>> -> memref<128xi32, #tpu.memory_space<vmem>>
    %dma_start3A_210 = arith.constant 0 : i32
    %dma_start3A_211 = arith.constant 0 : i32
    %dma_start3A_212 = tpu.memref_slice %arg16[%dma_start3A_210, %dma_start3A_211] : memref<10016x32xf32, #tpu.memory_space<vmem_shared>> -> memref<10016x32xf32, #tpu.memory_space<vmem_shared>>
    tpu.enqueue_indirect_dma source(%dma_start3A_212 : memref<10016x32xf32, #tpu.memory_space<vmem_shared>>) target(%arg9 : memref<128x32xf32, #tpu.memory_space<vmem>>) offsets(%dma_start3A_209 : memref<128xi32, #tpu.memory_space<vmem>>) semaphore(%arg19 : memref<!tpu.dma_semaphore, #tpu.memory_space<semaphore_mem>>)
    %dma_wait3A_213 = arith.constant 6 : i32
    %dma_wait3A_214 = arith.constant 0 : i32
    %dma_wait3A_215 = tpu.memref_slice %arg6[%dma_wait3A_213, %dma_wait3A_214] : memref<160x128xi32, #tpu.memory_space<vmem>> -> memref<1x128xi32, #tpu.memory_space<vmem>>
    %dma_wait3A_216 = tpu.memref_squeeze %dma_wait3A_215 : memref<1x128xi32, #tpu.memory_space<vmem>> -> memref<128xi32, #tpu.memory_space<vmem>>
    %dma_wait3A_217 = arith.constant 0 : i32
    %dma_wait3A_218 = arith.constant 0 : i32
    %dma_wait3A_219 = tpu.memref_slice %arg16[%dma_wait3A_217, %dma_wait3A_218] : memref<10016x32xf32, #tpu.memory_space<vmem_shared>> -> memref<10016x32xf32, #tpu.memory_space<vmem_shared>>
    tpu.wait_indirect_dma semaphore(%arg24 : memref<!tpu.dma_semaphore, #tpu.memory_space<semaphore_mem>>) src(%dma_wait3A_219 : memref<10016x32xf32, #tpu.memory_space<vmem_shared>>) dst(%arg14 : memref<128x32xf32, #tpu.memory_space<vmem>>)
    %dma_start3A_220 = arith.constant 6 : i32
    %dma_start3A_221 = arith.constant 0 : i32
    %dma_start3A_222 = tpu.memref_slice %arg7[%dma_start3A_220, %dma_start3A_221] : memref<160x128xi32, #tpu.memory_space<vmem>> -> memref<1x128xi32, #tpu.memory_space<vmem>>
    %dma_start3A_223 = tpu.memref_squeeze %dma_start3A_222 : memref<1x128xi32, #tpu.memory_space<vmem>> -> memref<128xi32, #tpu.memory_space<vmem>>
    %dma_start3A_224 = arith.constant 0 : i32
    %dma_start3A_225 = arith.constant 0 : i32
    %dma_start3A_226 = tpu.memref_slice %arg17[%dma_start3A_224, %dma_start3A_225] : memref<10016x32xf32, #tpu.memory_space<vmem_shared>> -> memref<10016x32xf32, #tpu.memory_space<vmem_shared>>
    tpu.enqueue_indirect_dma source(%arg14 : memref<128x32xf32, #tpu.memory_space<vmem>>) target(%dma_start3A_226 : memref<10016x32xf32, #tpu.memory_space<vmem_shared>>) offsets(%dma_start3A_223 : memref<128xi32, #tpu.memory_space<vmem>>) semaphore(%arg32 : memref<!tpu.dma_semaphore, #tpu.memory_space<semaphore_mem>>) {add = true}
    %dma_wait3A_227 = arith.constant 2 : i32
    %dma_wait3A_228 = arith.constant 0 : i32
    %dma_wait3A_229 = tpu.memref_slice %arg7[%dma_wait3A_227, %dma_wait3A_228] : memref<160x128xi32, #tpu.memory_space<vmem>> -> memref<1x128xi32, #tpu.memory_space<vmem>>
    %dma_wait3A_230 = tpu.memref_squeeze %dma_wait3A_229 : memref<1x128xi32, #tpu.memory_space<vmem>> -> memref<128xi32, #tpu.memory_space<vmem>>
    %dma_wait3A_231 = arith.constant 0 : i32
    %dma_wait3A_232 = arith.constant 0 : i32
    %dma_wait3A_233 = tpu.memref_slice %arg17[%dma_wait3A_231, %dma_wait3A_232] : memref<10016x32xf32, #tpu.memory_space<vmem_shared>> -> memref<10016x32xf32, #tpu.memory_space<vmem_shared>>
    tpu.wait_indirect_dma semaphore(%arg28 : memref<!tpu.dma_semaphore, #tpu.memory_space<semaphore_mem>>) src(%arg10 : memref<128x32xf32, #tpu.memory_space<vmem>>) dst(%dma_wait3A_233 : memref<10016x32xf32, #tpu.memory_space<vmem_shared>>)
    %dma_start3A_234 = arith.constant 10 : i32
    %dma_start3A_235 = arith.constant 0 : i32
    %dma_start3A_236 = tpu.memref_slice %arg6[%dma_start3A_234, %dma_start3A_235] : memref<160x128xi32, #tpu.memory_space<vmem>> -> memref<1x128xi32, #tpu.memory_space<vmem>>
    %dma_start3A_237 = tpu.memref_squeeze %dma_start3A_236 : memref<1x128xi32, #tpu.memory_space<vmem>> -> memref<128xi32, #tpu.memory_space<vmem>>
    %dma_start3A_238 = arith.constant 0 : i32
    %dma_start3A_239 = arith.constant 0 : i32
    %dma_start3A_240 = tpu.memref_slice %arg16[%dma_start3A_238, %dma_start3A_239] : memref<10016x32xf32, #tpu.memory_space<vmem_shared>> -> memref<10016x32xf32, #tpu.memory_space<vmem_shared>>
    tpu.enqueue_indirect_dma source(%dma_start3A_240 : memref<10016x32xf32, #tpu.memory_space<vmem_shared>>) target(%arg10 : memref<128x32xf32, #tpu.memory_space<vmem>>) offsets(%dma_start3A_237 : memref<128xi32, #tpu.memory_space<vmem>>) semaphore(%arg20 : memref<!tpu.dma_semaphore, #tpu.memory_space<semaphore_mem>>)
    %dma_wait3A_241 = arith.constant 7 : i32
    %dma_wait3A_242 = arith.constant 0 : i32
    %dma_wait3A_243 = tpu.memref_slice %arg6[%dma_wait3A_241, %dma_wait3A_242] : memref<160x128xi32, #tpu.memory_space<vmem>> -> memref<1x128xi32, #tpu.memory_space<vmem>>
    %dma_wait3A_244 = tpu.memref_squeeze %dma_wait3A_243 : memref<1x128xi32, #tpu.memory_space<vmem>> -> memref<128xi32, #tpu.memory_space<vmem>>
    %dma_wait3A_245 = arith.constant 0 : i32
    %dma_wait3A_246 = arith.constant 0 : i32
    %dma_wait3A_247 = tpu.memref_slice %arg16[%dma_wait3A_245, %dma_wait3A_246] : memref<10016x32xf32, #tpu.memory_space<vmem_shared>> -> memref<10016x32xf32, #tpu.memory_space<vmem_shared>>
    tpu.wait_indirect_dma semaphore(%arg25 : memref<!tpu.dma_semaphore, #tpu.memory_space<semaphore_mem>>) src(%dma_wait3A_247 : memref<10016x32xf32, #tpu.memory_space<vmem_shared>>) dst(%arg15 : memref<128x32xf32, #tpu.memory_space<vmem>>)
    %dma_start3A_248 = arith.constant 7 : i32
    %dma_start3A_249 = arith.constant 0 : i32
    %dma_start3A_250 = tpu.memref_slice %arg7[%dma_start3A_248, %dma_start3A_249] : memref<160x128xi32, #tpu.memory_space<vmem>> -> memref<1x128xi32, #tpu.memory_space<vmem>>
    %dma_start3A_251 = tpu.memref_squeeze %dma_start3A_250 : memref<1x128xi32, #tpu.memory_space<vmem>> -> memref<128xi32, #tpu.memory_space<vmem>>
    %dma_start3A_252 = arith.constant 0 : i32
    %dma_start3A_253 = arith.constant 0 : i32
    %dma_start3A_254 = tpu.memref_slice %arg17[%dma_start3A_252, %dma_start3A_253] : memref<10016x32xf32, #tpu.memory_space<vmem_shared>> -> memref<10016x32xf32, #tpu.memory_space<vmem_shared>>
    tpu.enqueue_indirect_dma source(%arg15 : memref<128x32xf32, #tpu.memory_space<vmem>>) target(%dma_start3A_254 : memref<10016x32xf32, #tpu.memory_space<vmem_shared>>) offsets(%dma_start3A_251 : memref<128xi32, #tpu.memory_space<vmem>>) semaphore(%arg33 : memref<!tpu.dma_semaphore, #tpu.memory_space<semaphore_mem>>) {add = true}
    %dma_wait3A_255 = arith.constant 3 : i32
    %dma_wait3A_256 = arith.constant 0 : i32
    %dma_wait3A_257 = tpu.memref_slice %arg7[%dma_wait3A_255, %dma_wait3A_256] : memref<160x128xi32, #tpu.memory_space<vmem>> -> memref<1x128xi32, #tpu.memory_space<vmem>>
    %dma_wait3A_258 = tpu.memref_squeeze %dma_wait3A_257 : memref<1x128xi32, #tpu.memory_space<vmem>> -> memref<128xi32, #tpu.memory_space<vmem>>
    %dma_wait3A_259 = arith.constant 0 : i32
    %dma_wait3A_260 = arith.constant 0 : i32
    %dma_wait3A_261 = tpu.memref_slice %arg17[%dma_wait3A_259, %dma_wait3A_260] : memref<10016x32xf32, #tpu.memory_space<vmem_shared>> -> memref<10016x32xf32, #tpu.memory_space<vmem_shared>>
    tpu.wait_indirect_dma semaphore(%arg29 : memref<!tpu.dma_semaphore, #tpu.memory_space<semaphore_mem>>) src(%arg11 : memref<128x32xf32, #tpu.memory_space<vmem>>) dst(%dma_wait3A_261 : memref<10016x32xf32, #tpu.memory_space<vmem_shared>>)
    %dma_start3A_262 = arith.constant 11 : i32
    %dma_start3A_263 = arith.constant 0 : i32
    %dma_start3A_264 = tpu.memref_slice %arg6[%dma_start3A_262, %dma_start3A_263] : memref<160x128xi32, #tpu.memory_space<vmem>> -> memref<1x128xi32, #tpu.memory_space<vmem>>
    %dma_start3A_265 = tpu.memref_squeeze %dma_start3A_264 : memref<1x128xi32, #tpu.memory_space<vmem>> -> memref<128xi32, #tpu.memory_space<vmem>>
    %dma_start3A_266 = arith.constant 0 : i32
    %dma_start3A_267 = arith.constant 0 : i32
    %dma_start3A_268 = tpu.memref_slice %arg16[%dma_start3A_266, %dma_start3A_267] : memref<10016x32xf32, #tpu.memory_space<vmem_shared>> -> memref<10016x32xf32, #tpu.memory_space<vmem_shared>>
    tpu.enqueue_indirect_dma source(%dma_start3A_268 : memref<10016x32xf32, #tpu.memory_space<vmem_shared>>) target(%arg11 : memref<128x32xf32, #tpu.memory_space<vmem>>) offsets(%dma_start3A_265 : memref<128xi32, #tpu.memory_space<vmem>>) semaphore(%arg21 : memref<!tpu.dma_semaphore, #tpu.memory_space<semaphore_mem>>)
    %scan3A = arith.constant 0 : i32
    %scan3A_269 = arith.constant 0 : i32
    %scan3A_270 = arith.constant 19 : i32
    %scan3A_271 = arith.addi %scan3A_269, %scan3A_270 : i32
    %scan3A_272 = arith.constant 1 : i32
    scf.for %scan3A_335 = %scan3A_269 to %scan3A_271 step %scan3A_272  : i32 {
      %mul3A_336 = arith.constant 8 : i32
      %mul3A_337 = arith.muli %scan3A_335, %mul3A_336 : i32
      %add3A = arith.constant 8 : i32
      %add3A_338 = arith.addi %add3A, %mul3A_337 : i32
      %add3A_339 = arith.constant 0 : i32
      %add3A_340 = arith.addi %add3A_338, %add3A_339 : i32
      %dma_wait3A_341 = arith.constant 0 : i32
      %dma_wait3A_342 = tpu.memref_slice %arg6[%add3A_340, %dma_wait3A_341] : memref<160x128xi32, #tpu.memory_space<vmem>> -> memref<1x128xi32, #tpu.memory_space<vmem>>
      %dma_wait3A_343 = tpu.memref_squeeze %dma_wait3A_342 : memref<1x128xi32, #tpu.memory_space<vmem>> -> memref<128xi32, #tpu.memory_space<vmem>>
      %dma_wait3A_344 = arith.constant 0 : i32
      %dma_wait3A_345 = arith.constant 0 : i32
      %dma_wait3A_346 = tpu.memref_slice %arg16[%dma_wait3A_344, %dma_wait3A_345] : memref<10016x32xf32, #tpu.memory_space<vmem_shared>> -> memref<10016x32xf32, #tpu.memory_space<vmem_shared>>
      tpu.wait_indirect_dma semaphore(%arg18 : memref<!tpu.dma_semaphore, #tpu.memory_space<semaphore_mem>>) src(%dma_wait3A_346 : memref<10016x32xf32, #tpu.memory_space<vmem_shared>>) dst(%arg8 : memref<128x32xf32, #tpu.memory_space<vmem>>)
      %dma_start3A_347 = arith.constant 0 : i32
      %dma_start3A_348 = tpu.memref_slice %arg7[%add3A_340, %dma_start3A_347] : memref<160x128xi32, #tpu.memory_space<vmem>> -> memref<1x128xi32, #tpu.memory_space<vmem>>
      %dma_start3A_349 = tpu.memref_squeeze %dma_start3A_348 : memref<1x128xi32, #tpu.memory_space<vmem>> -> memref<128xi32, #tpu.memory_space<vmem>>
      %dma_start3A_350 = arith.constant 0 : i32
      %dma_start3A_351 = arith.constant 0 : i32
      %dma_start3A_352 = tpu.memref_slice %arg17[%dma_start3A_350, %dma_start3A_351] : memref<10016x32xf32, #tpu.memory_space<vmem_shared>> -> memref<10016x32xf32, #tpu.memory_space<vmem_shared>>
      tpu.enqueue_indirect_dma source(%arg8 : memref<128x32xf32, #tpu.memory_space<vmem>>) target(%dma_start3A_352 : memref<10016x32xf32, #tpu.memory_space<vmem_shared>>) offsets(%dma_start3A_349 : memref<128xi32, #tpu.memory_space<vmem>>) semaphore(%arg26 : memref<!tpu.dma_semaphore, #tpu.memory_space<semaphore_mem>>) {add = true}
      %sub3A = arith.constant 4 : i32
      %sub3A_353 = arith.subi %add3A_340, %sub3A : i32
      %dma_wait3A_354 = arith.constant 0 : i32
      %dma_wait3A_355 = tpu.memref_slice %arg7[%sub3A_353, %dma_wait3A_354] : memref<160x128xi32, #tpu.memory_space<vmem>> -> memref<1x128xi32, #tpu.memory_space<vmem>>
      %dma_wait3A_356 = tpu.memref_squeeze %dma_wait3A_355 : memref<1x128xi32, #tpu.memory_space<vmem>> -> memref<128xi32, #tpu.memory_space<vmem>>
      %dma_wait3A_357 = arith.constant 0 : i32
      %dma_wait3A_358 = arith.constant 0 : i32
      %dma_wait3A_359 = tpu.memref_slice %arg17[%dma_wait3A_357, %dma_wait3A_358] : memref<10016x32xf32, #tpu.memory_space<vmem_shared>> -> memref<10016x32xf32, #tpu.memory_space<vmem_shared>>
      tpu.wait_indirect_dma semaphore(%arg30 : memref<!tpu.dma_semaphore, #tpu.memory_space<semaphore_mem>>) src(%arg12 : memref<128x32xf32, #tpu.memory_space<vmem>>) dst(%dma_wait3A_359 : memref<10016x32xf32, #tpu.memory_space<vmem_shared>>)
      %add3A_360 = arith.constant 4 : i32
      %add3A_361 = arith.addi %add3A_340, %add3A_360 : i32
      %min3A = arith.constant 159 : i32
      %min3A_362 = arith.minsi %add3A_361, %min3A : i32
      %dma_start3A_363 = arith.constant 0 : i32
      %dma_start3A_364 = tpu.memref_slice %arg6[%min3A_362, %dma_start3A_363] : memref<160x128xi32, #tpu.memory_space<vmem>> -> memref<1x128xi32, #tpu.memory_space<vmem>>
      %dma_start3A_365 = tpu.memref_squeeze %dma_start3A_364 : memref<1x128xi32, #tpu.memory_space<vmem>> -> memref<128xi32, #tpu.memory_space<vmem>>
      %dma_start3A_366 = arith.constant 0 : i32
      %dma_start3A_367 = arith.constant 0 : i32
      %dma_start3A_368 = tpu.memref_slice %arg16[%dma_start3A_366, %dma_start3A_367] : memref<10016x32xf32, #tpu.memory_space<vmem_shared>> -> memref<10016x32xf32, #tpu.memory_space<vmem_shared>>
      tpu.enqueue_indirect_dma source(%dma_start3A_368 : memref<10016x32xf32, #tpu.memory_space<vmem_shared>>) target(%arg12 : memref<128x32xf32, #tpu.memory_space<vmem>>) offsets(%dma_start3A_365 : memref<128xi32, #tpu.memory_space<vmem>>) semaphore(%arg22 : memref<!tpu.dma_semaphore, #tpu.memory_space<semaphore_mem>>)
      %add3A_369 = arith.constant 1 : i32
      %add3A_370 = arith.addi %add3A_338, %add3A_369 : i32
      %dma_wait3A_371 = arith.constant 0 : i32
      %dma_wait3A_372 = tpu.memref_slice %arg6[%add3A_370, %dma_wait3A_371] : memref<160x128xi32, #tpu.memory_space<vmem>> -> memref<1x128xi32, #tpu.memory_space<vmem>>
      %dma_wait3A_373 = tpu.memref_squeeze %dma_wait3A_372 : memref<1x128xi32, #tpu.memory_space<vmem>> -> memref<128xi32, #tpu.memory_space<vmem>>
      %dma_wait3A_374 = arith.constant 0 : i32
      %dma_wait3A_375 = arith.constant 0 : i32
      %dma_wait3A_376 = tpu.memref_slice %arg16[%dma_wait3A_374, %dma_wait3A_375] : memref<10016x32xf32, #tpu.memory_space<vmem_shared>> -> memref<10016x32xf32, #tpu.memory_space<vmem_shared>>
      tpu.wait_indirect_dma semaphore(%arg19 : memref<!tpu.dma_semaphore, #tpu.memory_space<semaphore_mem>>) src(%dma_wait3A_376 : memref<10016x32xf32, #tpu.memory_space<vmem_shared>>) dst(%arg9 : memref<128x32xf32, #tpu.memory_space<vmem>>)
      %dma_start3A_377 = arith.constant 0 : i32
      %dma_start3A_378 = tpu.memref_slice %arg7[%add3A_370, %dma_start3A_377] : memref<160x128xi32, #tpu.memory_space<vmem>> -> memref<1x128xi32, #tpu.memory_space<vmem>>
      %dma_start3A_379 = tpu.memref_squeeze %dma_start3A_378 : memref<1x128xi32, #tpu.memory_space<vmem>> -> memref<128xi32, #tpu.memory_space<vmem>>
      %dma_start3A_380 = arith.constant 0 : i32
      %dma_start3A_381 = arith.constant 0 : i32
      %dma_start3A_382 = tpu.memref_slice %arg17[%dma_start3A_380, %dma_start3A_381] : memref<10016x32xf32, #tpu.memory_space<vmem_shared>> -> memref<10016x32xf32, #tpu.memory_space<vmem_shared>>
      tpu.enqueue_indirect_dma source(%arg9 : memref<128x32xf32, #tpu.memory_space<vmem>>) target(%dma_start3A_382 : memref<10016x32xf32, #tpu.memory_space<vmem_shared>>) offsets(%dma_start3A_379 : memref<128xi32, #tpu.memory_space<vmem>>) semaphore(%arg27 : memref<!tpu.dma_semaphore, #tpu.memory_space<semaphore_mem>>) {add = true}
      %sub3A_383 = arith.constant 4 : i32
      %sub3A_384 = arith.subi %add3A_370, %sub3A_383 : i32
      %dma_wait3A_385 = arith.constant 0 : i32
      %dma_wait3A_386 = tpu.memref_slice %arg7[%sub3A_384, %dma_wait3A_385] : memref<160x128xi32, #tpu.memory_space<vmem>> -> memref<1x128xi32, #tpu.memory_space<vmem>>
      %dma_wait3A_387 = tpu.memref_squeeze %dma_wait3A_386 : memref<1x128xi32, #tpu.memory_space<vmem>> -> memref<128xi32, #tpu.memory_space<vmem>>
      %dma_wait3A_388 = arith.constant 0 : i32
      %dma_wait3A_389 = arith.constant 0 : i32
      %dma_wait3A_390 = tpu.memref_slice %arg17[%dma_wait3A_388, %dma_wait3A_389] : memref<10016x32xf32, #tpu.memory_space<vmem_shared>> -> memref<10016x32xf32, #tpu.memory_space<vmem_shared>>
      tpu.wait_indirect_dma semaphore(%arg31 : memref<!tpu.dma_semaphore, #tpu.memory_space<semaphore_mem>>) src(%arg13 : memref<128x32xf32, #tpu.memory_space<vmem>>) dst(%dma_wait3A_390 : memref<10016x32xf32, #tpu.memory_space<vmem_shared>>)
      %add3A_391 = arith.constant 4 : i32
      %add3A_392 = arith.addi %add3A_370, %add3A_391 : i32
      %min3A_393 = arith.constant 159 : i32
      %min3A_394 = arith.minsi %add3A_392, %min3A_393 : i32
      %dma_start3A_395 = arith.constant 0 : i32
      %dma_start3A_396 = tpu.memref_slice %arg6[%min3A_394, %dma_start3A_395] : memref<160x128xi32, #tpu.memory_space<vmem>> -> memref<1x128xi32, #tpu.memory_space<vmem>>
      %dma_start3A_397 = tpu.memref_squeeze %dma_start3A_396 : memref<1x128xi32, #tpu.memory_space<vmem>> -> memref<128xi32, #tpu.memory_space<vmem>>
      %dma_start3A_398 = arith.constant 0 : i32
      %dma_start3A_399 = arith.constant 0 : i32
      %dma_start3A_400 = tpu.memref_slice %arg16[%dma_start3A_398, %dma_start3A_399] : memref<10016x32xf32, #tpu.memory_space<vmem_shared>> -> memref<10016x32xf32, #tpu.memory_space<vmem_shared>>
      tpu.enqueue_indirect_dma source(%dma_start3A_400 : memref<10016x32xf32, #tpu.memory_space<vmem_shared>>) target(%arg13 : memref<128x32xf32, #tpu.memory_space<vmem>>) offsets(%dma_start3A_397 : memref<128xi32, #tpu.memory_space<vmem>>) semaphore(%arg23 : memref<!tpu.dma_semaphore, #tpu.memory_space<semaphore_mem>>)
      %add3A_401 = arith.constant 2 : i32
      %add3A_402 = arith.addi %add3A_338, %add3A_401 : i32
      %dma_wait3A_403 = arith.constant 0 : i32
      %dma_wait3A_404 = tpu.memref_slice %arg6[%add3A_402, %dma_wait3A_403] : memref<160x128xi32, #tpu.memory_space<vmem>> -> memref<1x128xi32, #tpu.memory_space<vmem>>
      %dma_wait3A_405 = tpu.memref_squeeze %dma_wait3A_404 : memref<1x128xi32, #tpu.memory_space<vmem>> -> memref<128xi32, #tpu.memory_space<vmem>>
      %dma_wait3A_406 = arith.constant 0 : i32
      %dma_wait3A_407 = arith.constant 0 : i32
      %dma_wait3A_408 = tpu.memref_slice %arg16[%dma_wait3A_406, %dma_wait3A_407] : memref<10016x32xf32, #tpu.memory_space<vmem_shared>> -> memref<10016x32xf32, #tpu.memory_space<vmem_shared>>
      tpu.wait_indirect_dma semaphore(%arg20 : memref<!tpu.dma_semaphore, #tpu.memory_space<semaphore_mem>>) src(%dma_wait3A_408 : memref<10016x32xf32, #tpu.memory_space<vmem_shared>>) dst(%arg10 : memref<128x32xf32, #tpu.memory_space<vmem>>)
      %dma_start3A_409 = arith.constant 0 : i32
      %dma_start3A_410 = tpu.memref_slice %arg7[%add3A_402, %dma_start3A_409] : memref<160x128xi32, #tpu.memory_space<vmem>> -> memref<1x128xi32, #tpu.memory_space<vmem>>
      %dma_start3A_411 = tpu.memref_squeeze %dma_start3A_410 : memref<1x128xi32, #tpu.memory_space<vmem>> -> memref<128xi32, #tpu.memory_space<vmem>>
      %dma_start3A_412 = arith.constant 0 : i32
      %dma_start3A_413 = arith.constant 0 : i32
      %dma_start3A_414 = tpu.memref_slice %arg17[%dma_start3A_412, %dma_start3A_413] : memref<10016x32xf32, #tpu.memory_space<vmem_shared>> -> memref<10016x32xf32, #tpu.memory_space<vmem_shared>>
      tpu.enqueue_indirect_dma source(%arg10 : memref<128x32xf32, #tpu.memory_space<vmem>>) target(%dma_start3A_414 : memref<10016x32xf32, #tpu.memory_space<vmem_shared>>) offsets(%dma_start3A_411 : memref<128xi32, #tpu.memory_space<vmem>>) semaphore(%arg28 : memref<!tpu.dma_semaphore, #tpu.memory_space<semaphore_mem>>) {add = true}
      %sub3A_415 = arith.constant 4 : i32
      %sub3A_416 = arith.subi %add3A_402, %sub3A_415 : i32
      %dma_wait3A_417 = arith.constant 0 : i32
      %dma_wait3A_418 = tpu.memref_slice %arg7[%sub3A_416, %dma_wait3A_417] : memref<160x128xi32, #tpu.memory_space<vmem>> -> memref<1x128xi32, #tpu.memory_space<vmem>>
      %dma_wait3A_419 = tpu.memref_squeeze %dma_wait3A_418 : memref<1x128xi32, #tpu.memory_space<vmem>> -> memref<128xi32, #tpu.memory_space<vmem>>
      %dma_wait3A_420 = arith.constant 0 : i32
      %dma_wait3A_421 = arith.constant 0 : i32
      %dma_wait3A_422 = tpu.memref_slice %arg17[%dma_wait3A_420, %dma_wait3A_421] : memref<10016x32xf32, #tpu.memory_space<vmem_shared>> -> memref<10016x32xf32, #tpu.memory_space<vmem_shared>>
      tpu.wait_indirect_dma semaphore(%arg32 : memref<!tpu.dma_semaphore, #tpu.memory_space<semaphore_mem>>) src(%arg14 : memref<128x32xf32, #tpu.memory_space<vmem>>) dst(%dma_wait3A_422 : memref<10016x32xf32, #tpu.memory_space<vmem_shared>>)
      %add3A_423 = arith.constant 4 : i32
      %add3A_424 = arith.addi %add3A_402, %add3A_423 : i32
      %min3A_425 = arith.constant 159 : i32
      %min3A_426 = arith.minsi %add3A_424, %min3A_425 : i32
      %dma_start3A_427 = arith.constant 0 : i32
      %dma_start3A_428 = tpu.memref_slice %arg6[%min3A_426, %dma_start3A_427] : memref<160x128xi32, #tpu.memory_space<vmem>> -> memref<1x128xi32, #tpu.memory_space<vmem>>
      %dma_start3A_429 = tpu.memref_squeeze %dma_start3A_428 : memref<1x128xi32, #tpu.memory_space<vmem>> -> memref<128xi32, #tpu.memory_space<vmem>>
      %dma_start3A_430 = arith.constant 0 : i32
      %dma_start3A_431 = arith.constant 0 : i32
      %dma_start3A_432 = tpu.memref_slice %arg16[%dma_start3A_430, %dma_start3A_431] : memref<10016x32xf32, #tpu.memory_space<vmem_shared>> -> memref<10016x32xf32, #tpu.memory_space<vmem_shared>>
      tpu.enqueue_indirect_dma source(%dma_start3A_432 : memref<10016x32xf32, #tpu.memory_space<vmem_shared>>) target(%arg14 : memref<128x32xf32, #tpu.memory_space<vmem>>) offsets(%dma_start3A_429 : memref<128xi32, #tpu.memory_space<vmem>>) semaphore(%arg24 : memref<!tpu.dma_semaphore, #tpu.memory_space<semaphore_mem>>)
      %add3A_433 = arith.constant 3 : i32
      %add3A_434 = arith.addi %add3A_338, %add3A_433 : i32
      %dma_wait3A_435 = arith.constant 0 : i32
      %dma_wait3A_436 = tpu.memref_slice %arg6[%add3A_434, %dma_wait3A_435] : memref<160x128xi32, #tpu.memory_space<vmem>> -> memref<1x128xi32, #tpu.memory_space<vmem>>
      %dma_wait3A_437 = tpu.memref_squeeze %dma_wait3A_436 : memref<1x128xi32, #tpu.memory_space<vmem>> -> memref<128xi32, #tpu.memory_space<vmem>>
      %dma_wait3A_438 = arith.constant 0 : i32
      %dma_wait3A_439 = arith.constant 0 : i32
      %dma_wait3A_440 = tpu.memref_slice %arg16[%dma_wait3A_438, %dma_wait3A_439] : memref<10016x32xf32, #tpu.memory_space<vmem_shared>> -> memref<10016x32xf32, #tpu.memory_space<vmem_shared>>
      tpu.wait_indirect_dma semaphore(%arg21 : memref<!tpu.dma_semaphore, #tpu.memory_space<semaphore_mem>>) src(%dma_wait3A_440 : memref<10016x32xf32, #tpu.memory_space<vmem_shared>>) dst(%arg11 : memref<128x32xf32, #tpu.memory_space<vmem>>)
      %dma_start3A_441 = arith.constant 0 : i32
      %dma_start3A_442 = tpu.memref_slice %arg7[%add3A_434, %dma_start3A_441] : memref<160x128xi32, #tpu.memory_space<vmem>> -> memref<1x128xi32, #tpu.memory_space<vmem>>
      %dma_start3A_443 = tpu.memref_squeeze %dma_start3A_442 : memref<1x128xi32, #tpu.memory_space<vmem>> -> memref<128xi32, #tpu.memory_space<vmem>>
      %dma_start3A_444 = arith.constant 0 : i32
      %dma_start3A_445 = arith.constant 0 : i32
      %dma_start3A_446 = tpu.memref_slice %arg17[%dma_start3A_444, %dma_start3A_445] : memref<10016x32xf32, #tpu.memory_space<vmem_shared>> -> memref<10016x32xf32, #tpu.memory_space<vmem_shared>>
      tpu.enqueue_indirect_dma source(%arg11 : memref<128x32xf32, #tpu.memory_space<vmem>>) target(%dma_start3A_446 : memref<10016x32xf32, #tpu.memory_space<vmem_shared>>) offsets(%dma_start3A_443 : memref<128xi32, #tpu.memory_space<vmem>>) semaphore(%arg29 : memref<!tpu.dma_semaphore, #tpu.memory_space<semaphore_mem>>) {add = true}
      %sub3A_447 = arith.constant 4 : i32
      %sub3A_448 = arith.subi %add3A_434, %sub3A_447 : i32
      %dma_wait3A_449 = arith.constant 0 : i32
      %dma_wait3A_450 = tpu.memref_slice %arg7[%sub3A_448, %dma_wait3A_449] : memref<160x128xi32, #tpu.memory_space<vmem>> -> memref<1x128xi32, #tpu.memory_space<vmem>>
      %dma_wait3A_451 = tpu.memref_squeeze %dma_wait3A_450 : memref<1x128xi32, #tpu.memory_space<vmem>> -> memref<128xi32, #tpu.memory_space<vmem>>
      %dma_wait3A_452 = arith.constant 0 : i32
      %dma_wait3A_453 = arith.constant 0 : i32
      %dma_wait3A_454 = tpu.memref_slice %arg17[%dma_wait3A_452, %dma_wait3A_453] : memref<10016x32xf32, #tpu.memory_space<vmem_shared>> -> memref<10016x32xf32, #tpu.memory_space<vmem_shared>>
      tpu.wait_indirect_dma semaphore(%arg33 : memref<!tpu.dma_semaphore, #tpu.memory_space<semaphore_mem>>) src(%arg15 : memref<128x32xf32, #tpu.memory_space<vmem>>) dst(%dma_wait3A_454 : memref<10016x32xf32, #tpu.memory_space<vmem_shared>>)
      %add3A_455 = arith.constant 4 : i32
      %add3A_456 = arith.addi %add3A_434, %add3A_455 : i32
      %min3A_457 = arith.constant 159 : i32
      %min3A_458 = arith.minsi %add3A_456, %min3A_457 : i32
      %dma_start3A_459 = arith.constant 0 : i32
      %dma_start3A_460 = tpu.memref_slice %arg6[%min3A_458, %dma_start3A_459] : memref<160x128xi32, #tpu.memory_space<vmem>> -> memref<1x128xi32, #tpu.memory_space<vmem>>
      %dma_start3A_461 = tpu.memref_squeeze %dma_start3A_460 : memref<1x128xi32, #tpu.memory_space<vmem>> -> memref<128xi32, #tpu.memory_space<vmem>>
      %dma_start3A_462 = arith.constant 0 : i32
      %dma_start3A_463 = arith.constant 0 : i32
      %dma_start3A_464 = tpu.memref_slice %arg16[%dma_start3A_462, %dma_start3A_463] : memref<10016x32xf32, #tpu.memory_space<vmem_shared>> -> memref<10016x32xf32, #tpu.memory_space<vmem_shared>>
      tpu.enqueue_indirect_dma source(%dma_start3A_464 : memref<10016x32xf32, #tpu.memory_space<vmem_shared>>) target(%arg15 : memref<128x32xf32, #tpu.memory_space<vmem>>) offsets(%dma_start3A_461 : memref<128xi32, #tpu.memory_space<vmem>>) semaphore(%arg25 : memref<!tpu.dma_semaphore, #tpu.memory_space<semaphore_mem>>)
      %add3A_465 = arith.constant 4 : i32
      %add3A_466 = arith.addi %add3A_338, %add3A_465 : i32
      %dma_wait3A_467 = arith.constant 0 : i32
      %dma_wait3A_468 = tpu.memref_slice %arg6[%add3A_466, %dma_wait3A_467] : memref<160x128xi32, #tpu.memory_space<vmem>> -> memref<1x128xi32, #tpu.memory_space<vmem>>
      %dma_wait3A_469 = tpu.memref_squeeze %dma_wait3A_468 : memref<1x128xi32, #tpu.memory_space<vmem>> -> memref<128xi32, #tpu.memory_space<vmem>>
      %dma_wait3A_470 = arith.constant 0 : i32
      %dma_wait3A_471 = arith.constant 0 : i32
      %dma_wait3A_472 = tpu.memref_slice %arg16[%dma_wait3A_470, %dma_wait3A_471] : memref<10016x32xf32, #tpu.memory_space<vmem_shared>> -> memref<10016x32xf32, #tpu.memory_space<vmem_shared>>
      tpu.wait_indirect_dma semaphore(%arg22 : memref<!tpu.dma_semaphore, #tpu.memory_space<semaphore_mem>>) src(%dma_wait3A_472 : memref<10016x32xf32, #tpu.memory_space<vmem_shared>>) dst(%arg12 : memref<128x32xf32, #tpu.memory_space<vmem>>)
      %dma_start3A_473 = arith.constant 0 : i32
      %dma_start3A_474 = tpu.memref_slice %arg7[%add3A_466, %dma_start3A_473] : memref<160x128xi32, #tpu.memory_space<vmem>> -> memref<1x128xi32, #tpu.memory_space<vmem>>
      %dma_start3A_475 = tpu.memref_squeeze %dma_start3A_474 : memref<1x128xi32, #tpu.memory_space<vmem>> -> memref<128xi32, #tpu.memory_space<vmem>>
      %dma_start3A_476 = arith.constant 0 : i32
      %dma_start3A_477 = arith.constant 0 : i32
      %dma_start3A_478 = tpu.memref_slice %arg17[%dma_start3A_476, %dma_start3A_477] : memref<10016x32xf32, #tpu.memory_space<vmem_shared>> -> memref<10016x32xf32, #tpu.memory_space<vmem_shared>>
      tpu.enqueue_indirect_dma source(%arg12 : memref<128x32xf32, #tpu.memory_space<vmem>>) target(%dma_start3A_478 : memref<10016x32xf32, #tpu.memory_space<vmem_shared>>) offsets(%dma_start3A_475 : memref<128xi32, #tpu.memory_space<vmem>>) semaphore(%arg30 : memref<!tpu.dma_semaphore, #tpu.memory_space<semaphore_mem>>) {add = true}
      %sub3A_479 = arith.constant 4 : i32
      %sub3A_480 = arith.subi %add3A_466, %sub3A_479 : i32
      %dma_wait3A_481 = arith.constant 0 : i32
      %dma_wait3A_482 = tpu.memref_slice %arg7[%sub3A_480, %dma_wait3A_481] : memref<160x128xi32, #tpu.memory_space<vmem>> -> memref<1x128xi32, #tpu.memory_space<vmem>>
      %dma_wait3A_483 = tpu.memref_squeeze %dma_wait3A_482 : memref<1x128xi32, #tpu.memory_space<vmem>> -> memref<128xi32, #tpu.memory_space<vmem>>
      %dma_wait3A_484 = arith.constant 0 : i32
      %dma_wait3A_485 = arith.constant 0 : i32
      %dma_wait3A_486 = tpu.memref_slice %arg17[%dma_wait3A_484, %dma_wait3A_485] : memref<10016x32xf32, #tpu.memory_space<vmem_shared>> -> memref<10016x32xf32, #tpu.memory_space<vmem_shared>>
      tpu.wait_indirect_dma semaphore(%arg26 : memref<!tpu.dma_semaphore, #tpu.memory_space<semaphore_mem>>) src(%arg8 : memref<128x32xf32, #tpu.memory_space<vmem>>) dst(%dma_wait3A_486 : memref<10016x32xf32, #tpu.memory_space<vmem_shared>>)
      %add3A_487 = arith.constant 4 : i32
      %add3A_488 = arith.addi %add3A_466, %add3A_487 : i32
      %min3A_489 = arith.constant 159 : i32
      %min3A_490 = arith.minsi %add3A_488, %min3A_489 : i32
      %dma_start3A_491 = arith.constant 0 : i32
      %dma_start3A_492 = tpu.memref_slice %arg6[%min3A_490, %dma_start3A_491] : memref<160x128xi32, #tpu.memory_space<vmem>> -> memref<1x128xi32, #tpu.memory_space<vmem>>
      %dma_start3A_493 = tpu.memref_squeeze %dma_start3A_492 : memref<1x128xi32, #tpu.memory_space<vmem>> -> memref<128xi32, #tpu.memory_space<vmem>>
      %dma_start3A_494 = arith.constant 0 : i32
      %dma_start3A_495 = arith.constant 0 : i32
      %dma_start3A_496 = tpu.memref_slice %arg16[%dma_start3A_494, %dma_start3A_495] : memref<10016x32xf32, #tpu.memory_space<vmem_shared>> -> memref<10016x32xf32, #tpu.memory_space<vmem_shared>>
      tpu.enqueue_indirect_dma source(%dma_start3A_496 : memref<10016x32xf32, #tpu.memory_space<vmem_shared>>) target(%arg8 : memref<128x32xf32, #tpu.memory_space<vmem>>) offsets(%dma_start3A_493 : memref<128xi32, #tpu.memory_space<vmem>>) semaphore(%arg18 : memref<!tpu.dma_semaphore, #tpu.memory_space<semaphore_mem>>)
      %add3A_497 = arith.constant 5 : i32
      %add3A_498 = arith.addi %add3A_338, %add3A_497 : i32
      %dma_wait3A_499 = arith.constant 0 : i32
      %dma_wait3A_500 = tpu.memref_slice %arg6[%add3A_498, %dma_wait3A_499] : memref<160x128xi32, #tpu.memory_space<vmem>> -> memref<1x128xi32, #tpu.memory_space<vmem>>
      %dma_wait3A_501 = tpu.memref_squeeze %dma_wait3A_500 : memref<1x128xi32, #tpu.memory_space<vmem>> -> memref<128xi32, #tpu.memory_space<vmem>>
      %dma_wait3A_502 = arith.constant 0 : i32
      %dma_wait3A_503 = arith.constant 0 : i32
      %dma_wait3A_504 = tpu.memref_slice %arg16[%dma_wait3A_502, %dma_wait3A_503] : memref<10016x32xf32, #tpu.memory_space<vmem_shared>> -> memref<10016x32xf32, #tpu.memory_space<vmem_shared>>
      tpu.wait_indirect_dma semaphore(%arg23 : memref<!tpu.dma_semaphore, #tpu.memory_space<semaphore_mem>>) src(%dma_wait3A_504 : memref<10016x32xf32, #tpu.memory_space<vmem_shared>>) dst(%arg13 : memref<128x32xf32, #tpu.memory_space<vmem>>)
      %dma_start3A_505 = arith.constant 0 : i32
      %dma_start3A_506 = tpu.memref_slice %arg7[%add3A_498, %dma_start3A_505] : memref<160x128xi32, #tpu.memory_space<vmem>> -> memref<1x128xi32, #tpu.memory_space<vmem>>
      %dma_start3A_507 = tpu.memref_squeeze %dma_start3A_506 : memref<1x128xi32, #tpu.memory_space<vmem>> -> memref<128xi32, #tpu.memory_space<vmem>>
      %dma_start3A_508 = arith.constant 0 : i32
      %dma_start3A_509 = arith.constant 0 : i32
      %dma_start3A_510 = tpu.memref_slice %arg17[%dma_start3A_508, %dma_start3A_509] : memref<10016x32xf32, #tpu.memory_space<vmem_shared>> -> memref<10016x32xf32, #tpu.memory_space<vmem_shared>>
      tpu.enqueue_indirect_dma source(%arg13 : memref<128x32xf32, #tpu.memory_space<vmem>>) target(%dma_start3A_510 : memref<10016x32xf32, #tpu.memory_space<vmem_shared>>) offsets(%dma_start3A_507 : memref<128xi32, #tpu.memory_space<vmem>>) semaphore(%arg31 : memref<!tpu.dma_semaphore, #tpu.memory_space<semaphore_mem>>) {add = true}
      %sub3A_511 = arith.constant 4 : i32
      %sub3A_512 = arith.subi %add3A_498, %sub3A_511 : i32
      %dma_wait3A_513 = arith.constant 0 : i32
      %dma_wait3A_514 = tpu.memref_slice %arg7[%sub3A_512, %dma_wait3A_513] : memref<160x128xi32, #tpu.memory_space<vmem>> -> memref<1x128xi32, #tpu.memory_space<vmem>>
      %dma_wait3A_515 = tpu.memref_squeeze %dma_wait3A_514 : memref<1x128xi32, #tpu.memory_space<vmem>> -> memref<128xi32, #tpu.memory_space<vmem>>
      %dma_wait3A_516 = arith.constant 0 : i32
      %dma_wait3A_517 = arith.constant 0 : i32
      %dma_wait3A_518 = tpu.memref_slice %arg17[%dma_wait3A_516, %dma_wait3A_517] : memref<10016x32xf32, #tpu.memory_space<vmem_shared>> -> memref<10016x32xf32, #tpu.memory_space<vmem_shared>>
      tpu.wait_indirect_dma semaphore(%arg27 : memref<!tpu.dma_semaphore, #tpu.memory_space<semaphore_mem>>) src(%arg9 : memref<128x32xf32, #tpu.memory_space<vmem>>) dst(%dma_wait3A_518 : memref<10016x32xf32, #tpu.memory_space<vmem_shared>>)
      %add3A_519 = arith.constant 4 : i32
      %add3A_520 = arith.addi %add3A_498, %add3A_519 : i32
      %min3A_521 = arith.constant 159 : i32
      %min3A_522 = arith.minsi %add3A_520, %min3A_521 : i32
      %dma_start3A_523 = arith.constant 0 : i32
      %dma_start3A_524 = tpu.memref_slice %arg6[%min3A_522, %dma_start3A_523] : memref<160x128xi32, #tpu.memory_space<vmem>> -> memref<1x128xi32, #tpu.memory_space<vmem>>
      %dma_start3A_525 = tpu.memref_squeeze %dma_start3A_524 : memref<1x128xi32, #tpu.memory_space<vmem>> -> memref<128xi32, #tpu.memory_space<vmem>>
      %dma_start3A_526 = arith.constant 0 : i32
      %dma_start3A_527 = arith.constant 0 : i32
      %dma_start3A_528 = tpu.memref_slice %arg16[%dma_start3A_526, %dma_start3A_527] : memref<10016x32xf32, #tpu.memory_space<vmem_shared>> -> memref<10016x32xf32, #tpu.memory_space<vmem_shared>>
      tpu.enqueue_indirect_dma source(%dma_start3A_528 : memref<10016x32xf32, #tpu.memory_space<vmem_shared>>) target(%arg9 : memref<128x32xf32, #tpu.memory_space<vmem>>) offsets(%dma_start3A_525 : memref<128xi32, #tpu.memory_space<vmem>>) semaphore(%arg19 : memref<!tpu.dma_semaphore, #tpu.memory_space<semaphore_mem>>)
      %add3A_529 = arith.constant 6 : i32
      %add3A_530 = arith.addi %add3A_338, %add3A_529 : i32
      %dma_wait3A_531 = arith.constant 0 : i32
      %dma_wait3A_532 = tpu.memref_slice %arg6[%add3A_530, %dma_wait3A_531] : memref<160x128xi32, #tpu.memory_space<vmem>> -> memref<1x128xi32, #tpu.memory_space<vmem>>
      %dma_wait3A_533 = tpu.memref_squeeze %dma_wait3A_532 : memref<1x128xi32, #tpu.memory_space<vmem>> -> memref<128xi32, #tpu.memory_space<vmem>>
      %dma_wait3A_534 = arith.constant 0 : i32
      %dma_wait3A_535 = arith.constant 0 : i32
      %dma_wait3A_536 = tpu.memref_slice %arg16[%dma_wait3A_534, %dma_wait3A_535] : memref<10016x32xf32, #tpu.memory_space<vmem_shared>> -> memref<10016x32xf32, #tpu.memory_space<vmem_shared>>
      tpu.wait_indirect_dma semaphore(%arg24 : memref<!tpu.dma_semaphore, #tpu.memory_space<semaphore_mem>>) src(%dma_wait3A_536 : memref<10016x32xf32, #tpu.memory_space<vmem_shared>>) dst(%arg14 : memref<128x32xf32, #tpu.memory_space<vmem>>)
      %dma_start3A_537 = arith.constant 0 : i32
      %dma_start3A_538 = tpu.memref_slice %arg7[%add3A_530, %dma_start3A_537] : memref<160x128xi32, #tpu.memory_space<vmem>> -> memref<1x128xi32, #tpu.memory_space<vmem>>
      %dma_start3A_539 = tpu.memref_squeeze %dma_start3A_538 : memref<1x128xi32, #tpu.memory_space<vmem>> -> memref<128xi32, #tpu.memory_space<vmem>>
      %dma_start3A_540 = arith.constant 0 : i32
      %dma_start3A_541 = arith.constant 0 : i32
      %dma_start3A_542 = tpu.memref_slice %arg17[%dma_start3A_540, %dma_start3A_541] : memref<10016x32xf32, #tpu.memory_space<vmem_shared>> -> memref<10016x32xf32, #tpu.memory_space<vmem_shared>>
      tpu.enqueue_indirect_dma source(%arg14 : memref<128x32xf32, #tpu.memory_space<vmem>>) target(%dma_start3A_542 : memref<10016x32xf32, #tpu.memory_space<vmem_shared>>) offsets(%dma_start3A_539 : memref<128xi32, #tpu.memory_space<vmem>>) semaphore(%arg32 : memref<!tpu.dma_semaphore, #tpu.memory_space<semaphore_mem>>) {add = true}
      %sub3A_543 = arith.constant 4 : i32
      %sub3A_544 = arith.subi %add3A_530, %sub3A_543 : i32
      %dma_wait3A_545 = arith.constant 0 : i32
      %dma_wait3A_546 = tpu.memref_slice %arg7[%sub3A_544, %dma_wait3A_545] : memref<160x128xi32, #tpu.memory_space<vmem>> -> memref<1x128xi32, #tpu.memory_space<vmem>>
      %dma_wait3A_547 = tpu.memref_squeeze %dma_wait3A_546 : memref<1x128xi32, #tpu.memory_space<vmem>> -> memref<128xi32, #tpu.memory_space<vmem>>
      %dma_wait3A_548 = arith.constant 0 : i32
      %dma_wait3A_549 = arith.constant 0 : i32
      %dma_wait3A_550 = tpu.memref_slice %arg17[%dma_wait3A_548, %dma_wait3A_549] : memref<10016x32xf32, #tpu.memory_space<vmem_shared>> -> memref<10016x32xf32, #tpu.memory_space<vmem_shared>>
      tpu.wait_indirect_dma semaphore(%arg28 : memref<!tpu.dma_semaphore, #tpu.memory_space<semaphore_mem>>) src(%arg10 : memref<128x32xf32, #tpu.memory_space<vmem>>) dst(%dma_wait3A_550 : memref<10016x32xf32, #tpu.memory_space<vmem_shared>>)
      %add3A_551 = arith.constant 4 : i32
      %add3A_552 = arith.addi %add3A_530, %add3A_551 : i32
      %min3A_553 = arith.constant 159 : i32
      %min3A_554 = arith.minsi %add3A_552, %min3A_553 : i32
      %dma_start3A_555 = arith.constant 0 : i32
      %dma_start3A_556 = tpu.memref_slice %arg6[%min3A_554, %dma_start3A_555] : memref<160x128xi32, #tpu.memory_space<vmem>> -> memref<1x128xi32, #tpu.memory_space<vmem>>
      %dma_start3A_557 = tpu.memref_squeeze %dma_start3A_556 : memref<1x128xi32, #tpu.memory_space<vmem>> -> memref<128xi32, #tpu.memory_space<vmem>>
      %dma_start3A_558 = arith.constant 0 : i32
      %dma_start3A_559 = arith.constant 0 : i32
      %dma_start3A_560 = tpu.memref_slice %arg16[%dma_start3A_558, %dma_start3A_559] : memref<10016x32xf32, #tpu.memory_space<vmem_shared>> -> memref<10016x32xf32, #tpu.memory_space<vmem_shared>>
      tpu.enqueue_indirect_dma source(%dma_start3A_560 : memref<10016x32xf32, #tpu.memory_space<vmem_shared>>) target(%arg10 : memref<128x32xf32, #tpu.memory_space<vmem>>) offsets(%dma_start3A_557 : memref<128xi32, #tpu.memory_space<vmem>>) semaphore(%arg20 : memref<!tpu.dma_semaphore, #tpu.memory_space<semaphore_mem>>)
      %add3A_561 = arith.constant 7 : i32
      %add3A_562 = arith.addi %add3A_338, %add3A_561 : i32
      %dma_wait3A_563 = arith.constant 0 : i32
      %dma_wait3A_564 = tpu.memref_slice %arg6[%add3A_562, %dma_wait3A_563] : memref<160x128xi32, #tpu.memory_space<vmem>> -> memref<1x128xi32, #tpu.memory_space<vmem>>
      %dma_wait3A_565 = tpu.memref_squeeze %dma_wait3A_564 : memref<1x128xi32, #tpu.memory_space<vmem>> -> memref<128xi32, #tpu.memory_space<vmem>>
      %dma_wait3A_566 = arith.constant 0 : i32
      %dma_wait3A_567 = arith.constant 0 : i32
      %dma_wait3A_568 = tpu.memref_slice %arg16[%dma_wait3A_566, %dma_wait3A_567] : memref<10016x32xf32, #tpu.memory_space<vmem_shared>> -> memref<10016x32xf32, #tpu.memory_space<vmem_shared>>
      tpu.wait_indirect_dma semaphore(%arg25 : memref<!tpu.dma_semaphore, #tpu.memory_space<semaphore_mem>>) src(%dma_wait3A_568 : memref<10016x32xf32, #tpu.memory_space<vmem_shared>>) dst(%arg15 : memref<128x32xf32, #tpu.memory_space<vmem>>)
      %dma_start3A_569 = arith.constant 0 : i32
      %dma_start3A_570 = tpu.memref_slice %arg7[%add3A_562, %dma_start3A_569] : memref<160x128xi32, #tpu.memory_space<vmem>> -> memref<1x128xi32, #tpu.memory_space<vmem>>
      %dma_start3A_571 = tpu.memref_squeeze %dma_start3A_570 : memref<1x128xi32, #tpu.memory_space<vmem>> -> memref<128xi32, #tpu.memory_space<vmem>>
      %dma_start3A_572 = arith.constant 0 : i32
      %dma_start3A_573 = arith.constant 0 : i32
      %dma_start3A_574 = tpu.memref_slice %arg17[%dma_start3A_572, %dma_start3A_573] : memref<10016x32xf32, #tpu.memory_space<vmem_shared>> -> memref<10016x32xf32, #tpu.memory_space<vmem_shared>>
      tpu.enqueue_indirect_dma source(%arg15 : memref<128x32xf32, #tpu.memory_space<vmem>>) target(%dma_start3A_574 : memref<10016x32xf32, #tpu.memory_space<vmem_shared>>) offsets(%dma_start3A_571 : memref<128xi32, #tpu.memory_space<vmem>>) semaphore(%arg33 : memref<!tpu.dma_semaphore, #tpu.memory_space<semaphore_mem>>) {add = true}
      %sub3A_575 = arith.constant 4 : i32
      %sub3A_576 = arith.subi %add3A_562, %sub3A_575 : i32
      %dma_wait3A_577 = arith.constant 0 : i32
      %dma_wait3A_578 = tpu.memref_slice %arg7[%sub3A_576, %dma_wait3A_577] : memref<160x128xi32, #tpu.memory_space<vmem>> -> memref<1x128xi32, #tpu.memory_space<vmem>>
      %dma_wait3A_579 = tpu.memref_squeeze %dma_wait3A_578 : memref<1x128xi32, #tpu.memory_space<vmem>> -> memref<128xi32, #tpu.memory_space<vmem>>
      %dma_wait3A_580 = arith.constant 0 : i32
      %dma_wait3A_581 = arith.constant 0 : i32
      %dma_wait3A_582 = tpu.memref_slice %arg17[%dma_wait3A_580, %dma_wait3A_581] : memref<10016x32xf32, #tpu.memory_space<vmem_shared>> -> memref<10016x32xf32, #tpu.memory_space<vmem_shared>>
      tpu.wait_indirect_dma semaphore(%arg29 : memref<!tpu.dma_semaphore, #tpu.memory_space<semaphore_mem>>) src(%arg11 : memref<128x32xf32, #tpu.memory_space<vmem>>) dst(%dma_wait3A_582 : memref<10016x32xf32, #tpu.memory_space<vmem_shared>>)
      %add3A_583 = arith.constant 4 : i32
      %add3A_584 = arith.addi %add3A_562, %add3A_583 : i32
      %min3A_585 = arith.constant 159 : i32
      %min3A_586 = arith.minsi %add3A_584, %min3A_585 : i32
      %dma_start3A_587 = arith.constant 0 : i32
      %dma_start3A_588 = tpu.memref_slice %arg6[%min3A_586, %dma_start3A_587] : memref<160x128xi32, #tpu.memory_space<vmem>> -> memref<1x128xi32, #tpu.memory_space<vmem>>
      %dma_start3A_589 = tpu.memref_squeeze %dma_start3A_588 : memref<1x128xi32, #tpu.memory_space<vmem>> -> memref<128xi32, #tpu.memory_space<vmem>>
      %dma_start3A_590 = arith.constant 0 : i32
      %dma_start3A_591 = arith.constant 0 : i32
      %dma_start3A_592 = tpu.memref_slice %arg16[%dma_start3A_590, %dma_start3A_591] : memref<10016x32xf32, #tpu.memory_space<vmem_shared>> -> memref<10016x32xf32, #tpu.memory_space<vmem_shared>>
      tpu.enqueue_indirect_dma source(%dma_start3A_592 : memref<10016x32xf32, #tpu.memory_space<vmem_shared>>) target(%arg11 : memref<128x32xf32, #tpu.memory_space<vmem>>) offsets(%dma_start3A_589 : memref<128xi32, #tpu.memory_space<vmem>>) semaphore(%arg21 : memref<!tpu.dma_semaphore, #tpu.memory_space<semaphore_mem>>)
    }
    %scan3A_273 = arith.constant 19 : i32
    %dma_wait3A_274 = arith.constant 159 : i32
    %dma_wait3A_275 = arith.constant 0 : i32
    %dma_wait3A_276 = tpu.memref_slice %arg6[%dma_wait3A_274, %dma_wait3A_275] : memref<160x128xi32, #tpu.memory_space<vmem>> -> memref<1x128xi32, #tpu.memory_space<vmem>>
    %dma_wait3A_277 = tpu.memref_squeeze %dma_wait3A_276 : memref<1x128xi32, #tpu.memory_space<vmem>> -> memref<128xi32, #tpu.memory_space<vmem>>
    %dma_wait3A_278 = arith.constant 0 : i32
    %dma_wait3A_279 = arith.constant 0 : i32
    %dma_wait3A_280 = tpu.memref_slice %arg16[%dma_wait3A_278, %dma_wait3A_279] : memref<10016x32xf32, #tpu.memory_space<vmem_shared>> -> memref<10016x32xf32, #tpu.memory_space<vmem_shared>>
    tpu.wait_indirect_dma semaphore(%arg18 : memref<!tpu.dma_semaphore, #tpu.memory_space<semaphore_mem>>) src(%dma_wait3A_280 : memref<10016x32xf32, #tpu.memory_space<vmem_shared>>) dst(%arg8 : memref<128x32xf32, #tpu.memory_space<vmem>>)
    %dma_wait3A_281 = arith.constant 156 : i32
    %dma_wait3A_282 = arith.constant 0 : i32
    %dma_wait3A_283 = tpu.memref_slice %arg7[%dma_wait3A_281, %dma_wait3A_282] : memref<160x128xi32, #tpu.memory_space<vmem>> -> memref<1x128xi32, #tpu.memory_space<vmem>>
    %dma_wait3A_284 = tpu.memref_squeeze %dma_wait3A_283 : memref<1x128xi32, #tpu.memory_space<vmem>> -> memref<128xi32, #tpu.memory_space<vmem>>
    %dma_wait3A_285 = arith.constant 0 : i32
    %dma_wait3A_286 = arith.constant 0 : i32
    %dma_wait3A_287 = tpu.memref_slice %arg17[%dma_wait3A_285, %dma_wait3A_286] : memref<10016x32xf32, #tpu.memory_space<vmem_shared>> -> memref<10016x32xf32, #tpu.memory_space<vmem_shared>>
    tpu.wait_indirect_dma semaphore(%arg30 : memref<!tpu.dma_semaphore, #tpu.memory_space<semaphore_mem>>) src(%arg12 : memref<128x32xf32, #tpu.memory_space<vmem>>) dst(%dma_wait3A_287 : memref<10016x32xf32, #tpu.memory_space<vmem_shared>>)
    %dma_wait3A_288 = arith.constant 159 : i32
    %dma_wait3A_289 = arith.constant 0 : i32
    %dma_wait3A_290 = tpu.memref_slice %arg6[%dma_wait3A_288, %dma_wait3A_289] : memref<160x128xi32, #tpu.memory_space<vmem>> -> memref<1x128xi32, #tpu.memory_space<vmem>>
    %dma_wait3A_291 = tpu.memref_squeeze %dma_wait3A_290 : memref<1x128xi32, #tpu.memory_space<vmem>> -> memref<128xi32, #tpu.memory_space<vmem>>
    %dma_wait3A_292 = arith.constant 0 : i32
    %dma_wait3A_293 = arith.constant 0 : i32
    %dma_wait3A_294 = tpu.memref_slice %arg16[%dma_wait3A_292, %dma_wait3A_293] : memref<10016x32xf32, #tpu.memory_space<vmem_shared>> -> memref<10016x32xf32, #tpu.memory_space<vmem_shared>>
    tpu.wait_indirect_dma semaphore(%arg19 : memref<!tpu.dma_semaphore, #tpu.memory_space<semaphore_mem>>) src(%dma_wait3A_294 : memref<10016x32xf32, #tpu.memory_space<vmem_shared>>) dst(%arg9 : memref<128x32xf32, #tpu.memory_space<vmem>>)
    %dma_wait3A_295 = arith.constant 157 : i32
    %dma_wait3A_296 = arith.constant 0 : i32
    %dma_wait3A_297 = tpu.memref_slice %arg7[%dma_wait3A_295, %dma_wait3A_296] : memref<160x128xi32, #tpu.memory_space<vmem>> -> memref<1x128xi32, #tpu.memory_space<vmem>>
    %dma_wait3A_298 = tpu.memref_squeeze %dma_wait3A_297 : memref<1x128xi32, #tpu.memory_space<vmem>> -> memref<128xi32, #tpu.memory_space<vmem>>
    %dma_wait3A_299 = arith.constant 0 : i32
    %dma_wait3A_300 = arith.constant 0 : i32
    %dma_wait3A_301 = tpu.memref_slice %arg17[%dma_wait3A_299, %dma_wait3A_300] : memref<10016x32xf32, #tpu.memory_space<vmem_shared>> -> memref<10016x32xf32, #tpu.memory_space<vmem_shared>>
    tpu.wait_indirect_dma semaphore(%arg31 : memref<!tpu.dma_semaphore, #tpu.memory_space<semaphore_mem>>) src(%arg13 : memref<128x32xf32, #tpu.memory_space<vmem>>) dst(%dma_wait3A_301 : memref<10016x32xf32, #tpu.memory_space<vmem_shared>>)
    %dma_wait3A_302 = arith.constant 159 : i32
    %dma_wait3A_303 = arith.constant 0 : i32
    %dma_wait3A_304 = tpu.memref_slice %arg6[%dma_wait3A_302, %dma_wait3A_303] : memref<160x128xi32, #tpu.memory_space<vmem>> -> memref<1x128xi32, #tpu.memory_space<vmem>>
    %dma_wait3A_305 = tpu.memref_squeeze %dma_wait3A_304 : memref<1x128xi32, #tpu.memory_space<vmem>> -> memref<128xi32, #tpu.memory_space<vmem>>
    %dma_wait3A_306 = arith.constant 0 : i32
    %dma_wait3A_307 = arith.constant 0 : i32
    %dma_wait3A_308 = tpu.memref_slice %arg16[%dma_wait3A_306, %dma_wait3A_307] : memref<10016x32xf32, #tpu.memory_space<vmem_shared>> -> memref<10016x32xf32, #tpu.memory_space<vmem_shared>>
    tpu.wait_indirect_dma semaphore(%arg20 : memref<!tpu.dma_semaphore, #tpu.memory_space<semaphore_mem>>) src(%dma_wait3A_308 : memref<10016x32xf32, #tpu.memory_space<vmem_shared>>) dst(%arg10 : memref<128x32xf32, #tpu.memory_space<vmem>>)
    %dma_wait3A_309 = arith.constant 158 : i32
    %dma_wait3A_310 = arith.constant 0 : i32
    %dma_wait3A_311 = tpu.memref_slice %arg7[%dma_wait3A_309, %dma_wait3A_310] : memref<160x128xi32, #tpu.memory_space<vmem>> -> memref<1x128xi32, #tpu.memory_space<vmem>>
    %dma_wait3A_312 = tpu.memref_squeeze %dma_wait3A_311 : memref<1x128xi32, #tpu.memory_space<vmem>> -> memref<128xi32, #tpu.memory_space<vmem>>
    %dma_wait3A_313 = arith.constant 0 : i32
    %dma_wait3A_314 = arith.constant 0 : i32
    %dma_wait3A_315 = tpu.memref_slice %arg17[%dma_wait3A_313, %dma_wait3A_314] : memref<10016x32xf32, #tpu.memory_space<vmem_shared>> -> memref<10016x32xf32, #tpu.memory_space<vmem_shared>>
    tpu.wait_indirect_dma semaphore(%arg32 : memref<!tpu.dma_semaphore, #tpu.memory_space<semaphore_mem>>) src(%arg14 : memref<128x32xf32, #tpu.memory_space<vmem>>) dst(%dma_wait3A_315 : memref<10016x32xf32, #tpu.memory_space<vmem_shared>>)
    %dma_wait3A_316 = arith.constant 159 : i32
    %dma_wait3A_317 = arith.constant 0 : i32
    %dma_wait3A_318 = tpu.memref_slice %arg6[%dma_wait3A_316, %dma_wait3A_317] : memref<160x128xi32, #tpu.memory_space<vmem>> -> memref<1x128xi32, #tpu.memory_space<vmem>>
    %dma_wait3A_319 = tpu.memref_squeeze %dma_wait3A_318 : memref<1x128xi32, #tpu.memory_space<vmem>> -> memref<128xi32, #tpu.memory_space<vmem>>
    %dma_wait3A_320 = arith.constant 0 : i32
    %dma_wait3A_321 = arith.constant 0 : i32
    %dma_wait3A_322 = tpu.memref_slice %arg16[%dma_wait3A_320, %dma_wait3A_321] : memref<10016x32xf32, #tpu.memory_space<vmem_shared>> -> memref<10016x32xf32, #tpu.memory_space<vmem_shared>>
    tpu.wait_indirect_dma semaphore(%arg21 : memref<!tpu.dma_semaphore, #tpu.memory_space<semaphore_mem>>) src(%dma_wait3A_322 : memref<10016x32xf32, #tpu.memory_space<vmem_shared>>) dst(%arg11 : memref<128x32xf32, #tpu.memory_space<vmem>>)
    %dma_wait3A_323 = arith.constant 159 : i32
    %dma_wait3A_324 = arith.constant 0 : i32
    %dma_wait3A_325 = tpu.memref_slice %arg7[%dma_wait3A_323, %dma_wait3A_324] : memref<160x128xi32, #tpu.memory_space<vmem>> -> memref<1x128xi32, #tpu.memory_space<vmem>>
    %dma_wait3A_326 = tpu.memref_squeeze %dma_wait3A_325 : memref<1x128xi32, #tpu.memory_space<vmem>> -> memref<128xi32, #tpu.memory_space<vmem>>
    %dma_wait3A_327 = arith.constant 0 : i32
    %dma_wait3A_328 = arith.constant 0 : i32
    %dma_wait3A_329 = tpu.memref_slice %arg17[%dma_wait3A_327, %dma_wait3A_328] : memref<10016x32xf32, #tpu.memory_space<vmem_shared>> -> memref<10016x32xf32, #tpu.memory_space<vmem_shared>>
    tpu.wait_indirect_dma semaphore(%arg33 : memref<!tpu.dma_semaphore, #tpu.memory_space<semaphore_mem>>) src(%arg15 : memref<128x32xf32, #tpu.memory_space<vmem>>) dst(%dma_wait3A_329 : memref<10016x32xf32, #tpu.memory_space<vmem_shared>>)
    %barrier3A_330 = arith.constant 0 : index
    tpu.barrier barrier_id(%barrier3A_330)
    %mul3A_331 = arith.constant 626 : i32
    %mul3A_332 = arith.muli %arg1, %mul3A_331 : i32
    %mul3A_333 = arith.constant 626 : i32
    %mul3A_334 = arith.muli %arg1, %mul3A_333 : i32
    "tpu.region"() ({
      %run_scoped3A = tpu.sem_alloc : memref<!tpu.dma_semaphore, #tpu.memory_space<semaphore_mem>>
      %dma_start3A_335 = tpu.memref_slice %arg5[%mul3A_334, %mul3A_0] : memref<10016x64xf32, #tpu.memory_space<hbm>> -> memref<626x32xf32, #tpu.memory_space<hbm>>
      %dma_start3A_336 = arith.constant 0 : i32
      %dma_start3A_337 = tpu.memref_slice %arg17[%mul3A_332, %dma_start3A_336] : memref<10016x32xf32, #tpu.memory_space<vmem_shared>> -> memref<626x32xf32, #tpu.memory_space<vmem_shared>>
      tpu.enqueue_dma source(%dma_start3A_337 : memref<626x32xf32, #tpu.memory_space<vmem_shared>>) target(%dma_start3A_335 : memref<626x32xf32, #tpu.memory_space<hbm>>) target_semaphore(%run_scoped3A : memref<!tpu.dma_semaphore, #tpu.memory_space<semaphore_mem>>)
      %dma_wait3A_338 = tpu.memref_slice %arg5[%mul3A_334, %mul3A_0] : memref<10016x64xf32, #tpu.memory_space<hbm>> -> memref<626x32xf32, #tpu.memory_space<hbm>>
      %dma_wait3A_339 = arith.constant 0 : i32
      %dma_wait3A_340 = tpu.memref_slice %arg17[%mul3A_332, %dma_wait3A_339] : memref<10016x32xf32, #tpu.memory_space<vmem_shared>> -> memref<626x32xf32, #tpu.memory_space<vmem_shared>>
      tpu.wait_dma2 semaphore(%run_scoped3A : memref<!tpu.dma_semaphore, #tpu.memory_space<semaphore_mem>>) src(%dma_wait3A_340 : memref<626x32xf32, #tpu.memory_space<vmem_shared>>) dst(%dma_wait3A_338 : memref<626x32xf32, #tpu.memory_space<hbm>>)
      tpu.yield
    }) : () -> ()
    return
  }
}

#map = affine_map<(d0, d1) -> (0, 0, 0)>
#map1 = affine_map<(d0, d1) -> (0, 0)>
module attributes {stable_mosaic.version = 14 : i64} {
  func.func @_deg_sc(%arg0: i32, %arg1: i32, %arg2: memref<32x80x128xi32, #tpu.memory_space<hbm>>, %arg3: memref<2x10240xf32, #tpu.memory_space<hbm>>, %arg4: memref<80x128xi32, #tpu.memory_space<vmem>>, %arg5: memref<128xf32, #tpu.memory_space<vmem>>, %arg6: memref<640xf32, #tpu.memory_space<vmem>>, %arg7: memref<10240xf32, #tpu.memory_space<vmem_shared>>, %arg8: memref<!tpu.dma_semaphore, #tpu.memory_space<semaphore_mem>>) attributes {dimension_semantics = [#tpu.dimension_semantics<core_parallel>, #tpu.dimension_semantics<subcore_parallel>], iteration_bounds = array<i64: 2, 16>, scalar_prefetch = 0 : i64, scratch_operands = 5 : i64, tpu.core_type = #tpu.core_type<sc_vector_subcore>, window_params = [{transform_indices = #map}, {transform_indices = #map1}]} {
    %mul3A = arith.constant 16 : i32
    %mul3A_0 = arith.muli %arg0, %mul3A : i32
    %add3A = arith.addi %mul3A_0, %arg1 : i32
    "tpu.region"() ({
      %run_scoped3A = tpu.sem_alloc : memref<!tpu.dma_semaphore, #tpu.memory_space<semaphore_mem>>
      %dma_start3A = arith.constant 0 : i32
      %dma_start3A_71 = arith.constant 0 : i32
      %dma_start3A_72 = tpu.memref_slice %arg2[%add3A, %dma_start3A, %dma_start3A_71] : memref<32x80x128xi32, #tpu.memory_space<hbm>> -> memref<1x80x128xi32, #tpu.memory_space<hbm>>
      %dma_start3A_73 = tpu.memref_squeeze %dma_start3A_72 : memref<1x80x128xi32, #tpu.memory_space<hbm>> -> memref<80x128xi32, #tpu.memory_space<hbm>>
      %dma_start3A_74 = arith.constant 0 : i32
      %dma_start3A_75 = arith.constant 0 : i32
      %dma_start3A_76 = tpu.memref_slice %arg2[%add3A, %dma_start3A_74, %dma_start3A_75] : memref<32x80x128xi32, #tpu.memory_space<hbm>> -> memref<1x80x128xi32, #tpu.memory_space<hbm>>
      %dma_start3A_77 = tpu.memref_squeeze %dma_start3A_76 : memref<1x80x128xi32, #tpu.memory_space<hbm>> -> memref<80x128xi32, #tpu.memory_space<hbm>>
      tpu.enqueue_dma source(%dma_start3A_77 : memref<80x128xi32, #tpu.memory_space<hbm>>) target(%arg4 : memref<80x128xi32, #tpu.memory_space<vmem>>) target_semaphore(%run_scoped3A : memref<!tpu.dma_semaphore, #tpu.memory_space<semaphore_mem>>)
      %dma_wait3A = arith.constant 0 : i32
      %dma_wait3A_78 = arith.constant 0 : i32
      %dma_wait3A_79 = tpu.memref_slice %arg2[%add3A, %dma_wait3A, %dma_wait3A_78] : memref<32x80x128xi32, #tpu.memory_space<hbm>> -> memref<1x80x128xi32, #tpu.memory_space<hbm>>
      %dma_wait3A_80 = tpu.memref_squeeze %dma_wait3A_79 : memref<1x80x128xi32, #tpu.memory_space<hbm>> -> memref<80x128xi32, #tpu.memory_space<hbm>>
      %dma_wait3A_81 = arith.constant 0 : i32
      %dma_wait3A_82 = arith.constant 0 : i32
      %dma_wait3A_83 = tpu.memref_slice %arg2[%add3A, %dma_wait3A_81, %dma_wait3A_82] : memref<32x80x128xi32, #tpu.memory_space<hbm>> -> memref<1x80x128xi32, #tpu.memory_space<hbm>>
      %dma_wait3A_84 = tpu.memref_squeeze %dma_wait3A_83 : memref<1x80x128xi32, #tpu.memory_space<hbm>> -> memref<80x128xi32, #tpu.memory_space<hbm>>
      tpu.wait_dma2 semaphore(%run_scoped3A : memref<!tpu.dma_semaphore, #tpu.memory_space<semaphore_mem>>) src(%dma_wait3A_84 : memref<80x128xi32, #tpu.memory_space<hbm>>) dst(%arg4 : memref<80x128xi32, #tpu.memory_space<vmem>>)
      tpu.yield
    }) : () -> ()
    %broadcast_in_dim3A = arith.constant 1.000000e+00 : f32
    %broadcast_in_dim3A_1 = vector.broadcast %broadcast_in_dim3A : f32 to vector<16xf32>
    %swap3A = arith.constant 0 : index
    %swap3A_2 = tpu.vector_load %arg5[%swap3A] {strides = array<i32>} : memref<128xf32, #tpu.memory_space<vmem>>, vector<16xf32>,
    %swap3A_3 = vector.shape_cast %swap3A_2 : vector<16xf32> to vector<16xf32>
    %swap3A_4 = vector.shape_cast %broadcast_in_dim3A_1 : vector<16xf32> to vector<16xf32>
    tpu.vector_store %arg5[%swap3A], %swap3A_4 {strides = array<i32>} : memref<128xf32, #tpu.memory_space<vmem>>, vector<16xf32>,
    %broadcast_in_dim3A_5 = arith.constant 1.000000e+00 : f32
    %broadcast_in_dim3A_6 = vector.broadcast %broadcast_in_dim3A_5 : f32 to vector<16xf32>
    %swap3A_7 = arith.constant 16 : index
    %swap3A_8 = tpu.vector_load %arg5[%swap3A_7] {strides = array<i32>} : memref<128xf32, #tpu.memory_space<vmem>>, vector<16xf32>,
    %swap3A_9 = vector.shape_cast %swap3A_8 : vector<16xf32> to vector<16xf32>
    %swap3A_10 = vector.shape_cast %broadcast_in_dim3A_6 : vector<16xf32> to vector<16xf32>
    tpu.vector_store %arg5[%swap3A_7], %swap3A_10 {strides = array<i32>} : memref<128xf32, #tpu.memory_space<vmem>>, vector<16xf32>,
    %broadcast_in_dim3A_11 = arith.constant 1.000000e+00 : f32
    %broadcast_in_dim3A_12 = vector.broadcast %broadcast_in_dim3A_11 : f32 to vector<16xf32>
    %swap3A_13 = arith.constant 32 : index
    %swap3A_14 = tpu.vector_load %arg5[%swap3A_13] {strides = array<i32>} : memref<128xf32, #tpu.memory_space<vmem>>, vector<16xf32>,
    %swap3A_15 = vector.shape_cast %swap3A_14 : vector<16xf32> to vector<16xf32>
    %swap3A_16 = vector.shape_cast %broadcast_in_dim3A_12 : vector<16xf32> to vector<16xf32>
    tpu.vector_store %arg5[%swap3A_13], %swap3A_16 {strides = array<i32>} : memref<128xf32, #tpu.memory_space<vmem>>, vector<16xf32>,
    %broadcast_in_dim3A_17 = arith.constant 1.000000e+00 : f32
    %broadcast_in_dim3A_18 = vector.broadcast %broadcast_in_dim3A_17 : f32 to vector<16xf32>
    %swap3A_19 = arith.constant 48 : index
    %swap3A_20 = tpu.vector_load %arg5[%swap3A_19] {strides = array<i32>} : memref<128xf32, #tpu.memory_space<vmem>>, vector<16xf32>,
    %swap3A_21 = vector.shape_cast %swap3A_20 : vector<16xf32> to vector<16xf32>
    %swap3A_22 = vector.shape_cast %broadcast_in_dim3A_18 : vector<16xf32> to vector<16xf32>
    tpu.vector_store %arg5[%swap3A_19], %swap3A_22 {strides = array<i32>} : memref<128xf32, #tpu.memory_space<vmem>>, vector<16xf32>,
    %broadcast_in_dim3A_23 = arith.constant 1.000000e+00 : f32
    %broadcast_in_dim3A_24 = vector.broadcast %broadcast_in_dim3A_23 : f32 to vector<16xf32>
    %swap3A_25 = arith.constant 64 : index
    %swap3A_26 = tpu.vector_load %arg5[%swap3A_25] {strides = array<i32>} : memref<128xf32, #tpu.memory_space<vmem>>, vector<16xf32>,
    %swap3A_27 = vector.shape_cast %swap3A_26 : vector<16xf32> to vector<16xf32>
    %swap3A_28 = vector.shape_cast %broadcast_in_dim3A_24 : vector<16xf32> to vector<16xf32>
    tpu.vector_store %arg5[%swap3A_25], %swap3A_28 {strides = array<i32>} : memref<128xf32, #tpu.memory_space<vmem>>, vector<16xf32>,
    %broadcast_in_dim3A_29 = arith.constant 1.000000e+00 : f32
    %broadcast_in_dim3A_30 = vector.broadcast %broadcast_in_dim3A_29 : f32 to vector<16xf32>
    %swap3A_31 = arith.constant 80 : index
    %swap3A_32 = tpu.vector_load %arg5[%swap3A_31] {strides = array<i32>} : memref<128xf32, #tpu.memory_space<vmem>>, vector<16xf32>,
    %swap3A_33 = vector.shape_cast %swap3A_32 : vector<16xf32> to vector<16xf32>
    %swap3A_34 = vector.shape_cast %broadcast_in_dim3A_30 : vector<16xf32> to vector<16xf32>
    tpu.vector_store %arg5[%swap3A_31], %swap3A_34 {strides = array<i32>} : memref<128xf32, #tpu.memory_space<vmem>>, vector<16xf32>,
    %broadcast_in_dim3A_35 = arith.constant 1.000000e+00 : f32
    %broadcast_in_dim3A_36 = vector.broadcast %broadcast_in_dim3A_35 : f32 to vector<16xf32>
    %swap3A_37 = arith.constant 96 : index
    %swap3A_38 = tpu.vector_load %arg5[%swap3A_37] {strides = array<i32>} : memref<128xf32, #tpu.memory_space<vmem>>, vector<16xf32>,
    %swap3A_39 = vector.shape_cast %swap3A_38 : vector<16xf32> to vector<16xf32>
    %swap3A_40 = vector.shape_cast %broadcast_in_dim3A_36 : vector<16xf32> to vector<16xf32>
    tpu.vector_store %arg5[%swap3A_37], %swap3A_40 {strides = array<i32>} : memref<128xf32, #tpu.memory_space<vmem>>, vector<16xf32>,
    %broadcast_in_dim3A_41 = arith.constant 1.000000e+00 : f32
    %broadcast_in_dim3A_42 = vector.broadcast %broadcast_in_dim3A_41 : f32 to vector<16xf32>
    %swap3A_43 = arith.constant 112 : index
    %swap3A_44 = tpu.vector_load %arg5[%swap3A_43] {strides = array<i32>} : memref<128xf32, #tpu.memory_space<vmem>>, vector<16xf32>,
    %swap3A_45 = vector.shape_cast %swap3A_44 : vector<16xf32> to vector<16xf32>
    %swap3A_46 = vector.shape_cast %broadcast_in_dim3A_42 : vector<16xf32> to vector<16xf32>
    tpu.vector_store %arg5[%swap3A_43], %swap3A_46 {strides = array<i32>} : memref<128xf32, #tpu.memory_space<vmem>>, vector<16xf32>,
    %scan3A = arith.constant 0 : i32
    %scan3A_47 = arith.constant 0 : i32
    %scan3A_48 = arith.constant 40 : i32
    %scan3A_49 = arith.addi %scan3A_47, %scan3A_48 : i32
    %scan3A_50 = arith.constant 1 : i32
    scf.for %scan3A_71 = %scan3A_47 to %scan3A_49 step %scan3A_50  : i32 {
      %broadcast_in_dim3A_72 = arith.constant 0.000000e+00 : f32
      %broadcast_in_dim3A_73 = vector.broadcast %broadcast_in_dim3A_72 : f32 to vector<16xf32>
      %mul3A_74 = arith.constant 16 : i32
      %mul3A_75 = arith.muli %scan3A_71, %mul3A_74 : i32
      %swap3A_76 = arith.index_cast %mul3A_75 : i32 to index
      %swap3A_77 = tpu.vector_load %arg6[%swap3A_76] {strides = array<i32>} : memref<640xf32, #tpu.memory_space<vmem>>, vector<16xf32>,
      %swap3A_78 = vector.shape_cast %swap3A_77 : vector<16xf32> to vector<16xf32>
      %swap3A_79 = vector.shape_cast %broadcast_in_dim3A_73 : vector<16xf32> to vector<16xf32>
      tpu.vector_store %arg6[%swap3A_76], %swap3A_79 {strides = array<i32>} : memref<640xf32, #tpu.memory_space<vmem>>, vector<16xf32>,
    }
    %scan3A_51 = arith.constant 40 : i32
    %mul3A_52 = arith.constant 640 : i32
    %mul3A_53 = arith.muli %arg1, %mul3A_52 : i32
    "tpu.region"() ({
      %run_scoped3A = tpu.sem_alloc : memref<!tpu.dma_semaphore, #tpu.memory_space<semaphore_mem>>
      %dma_start3A = tpu.memref_slice %arg7[%mul3A_53] : memref<10240xf32, #tpu.memory_space<vmem_shared>> -> memref<640xf32, #tpu.memory_space<vmem_shared>>
      %dma_start3A_71 = tpu.memref_slice %arg7[%mul3A_53] : memref<10240xf32, #tpu.memory_space<vmem_shared>> -> memref<640xf32, #tpu.memory_space<vmem_shared>>
      tpu.enqueue_dma source(%arg6 : memref<640xf32, #tpu.memory_space<vmem>>) target(%dma_start3A_71 : memref<640xf32, #tpu.memory_space<vmem_shared>>) target_semaphore(%run_scoped3A : memref<!tpu.dma_semaphore, #tpu.memory_space<semaphore_mem>>)
      %dma_wait3A = tpu.memref_slice %arg7[%mul3A_53] : memref<10240xf32, #tpu.memory_space<vmem_shared>> -> memref<640xf32, #tpu.memory_space<vmem_shared>>
      %dma_wait3A_72 = tpu.memref_slice %arg7[%mul3A_53] : memref<10240xf32, #tpu.memory_space<vmem_shared>> -> memref<640xf32, #tpu.memory_space<vmem_shared>>
      tpu.wait_dma2 semaphore(%run_scoped3A : memref<!tpu.dma_semaphore, #tpu.memory_space<semaphore_mem>>) src(%arg6 : memref<640xf32, #tpu.memory_space<vmem>>) dst(%dma_wait3A_72 : memref<640xf32, #tpu.memory_space<vmem_shared>>)
      tpu.yield
    }) : () -> ()
    %barrier3A = arith.constant 0 : index
    tpu.barrier barrier_id(%barrier3A)
    %scan3A_54 = arith.constant 0 : i32
    %scan3A_55 = arith.constant 0 : i32
    %scan3A_56 = arith.constant 80 : i32
    %scan3A_57 = arith.addi %scan3A_55, %scan3A_56 : i32
    %scan3A_58 = arith.constant 1 : i32
    scf.for %scan3A_71 = %scan3A_55 to %scan3A_57 step %scan3A_58  : i32 {
      %dma_start3A = arith.constant 0 : i32
      %dma_start3A_72 = tpu.memref_slice %arg4[%scan3A_71, %dma_start3A] : memref<80x128xi32, #tpu.memory_space<vmem>> -> memref<1x128xi32, #tpu.memory_space<vmem>>
      %dma_start3A_73 = tpu.memref_squeeze %dma_start3A_72 : memref<1x128xi32, #tpu.memory_space<vmem>> -> memref<128xi32, #tpu.memory_space<vmem>>
      %dma_start3A_74 = arith.constant 0 : i32
      %dma_start3A_75 = tpu.memref_slice %arg7[%dma_start3A_74] : memref<10240xf32, #tpu.memory_space<vmem_shared>> -> memref<10240xf32, #tpu.memory_space<vmem_shared>>
      tpu.enqueue_indirect_dma source(%arg5 : memref<128xf32, #tpu.memory_space<vmem>>) target(%dma_start3A_75 : memref<10240xf32, #tpu.memory_space<vmem_shared>>) offsets(%dma_start3A_73 : memref<128xi32, #tpu.memory_space<vmem>>) semaphore(%arg8 : memref<!tpu.dma_semaphore, #tpu.memory_space<semaphore_mem>>) {add = true}
    }
    %scan3A_59 = arith.constant 80 : i32
    %scan3A_60 = arith.constant 0 : i32
    %scan3A_61 = arith.constant 0 : i32
    %scan3A_62 = arith.constant 80 : i32
    %scan3A_63 = arith.addi %scan3A_61, %scan3A_62 : i32
    %scan3A_64 = arith.constant 1 : i32
    scf.for %scan3A_71 = %scan3A_61 to %scan3A_63 step %scan3A_64  : i32 {
      %dma_wait3A = arith.constant 0 : i32
      %dma_wait3A_72 = arith.constant 0 : i32
      %dma_wait3A_73 = tpu.memref_slice %arg4[%dma_wait3A, %dma_wait3A_72] : memref<80x128xi32, #tpu.memory_space<vmem>> -> memref<1x128xi32, #tpu.memory_space<vmem>>
      %dma_wait3A_74 = tpu.memref_squeeze %dma_wait3A_73 : memref<1x128xi32, #tpu.memory_space<vmem>> -> memref<128xi32, #tpu.memory_space<vmem>>
      %dma_wait3A_75 = arith.constant 0 : i32
      %dma_wait3A_76 = tpu.memref_slice %arg7[%dma_wait3A_75] : memref<10240xf32, #tpu.memory_space<vmem_shared>> -> memref<10240xf32, #tpu.memory_space<vmem_shared>>
      tpu.wait_indirect_dma semaphore(%arg8 : memref<!tpu.dma_semaphore, #tpu.memory_space<semaphore_mem>>) src(%arg5 : memref<128xf32, #tpu.memory_space<vmem>>) dst(%dma_wait3A_76 : memref<10240xf32, #tpu.memory_space<vmem_shared>>)
    }
    %scan3A_65 = arith.constant 80 : i32
    %barrier3A_66 = arith.constant 0 : index
    tpu.barrier barrier_id(%barrier3A_66)
    %mul3A_67 = arith.constant 640 : i32
    %mul3A_68 = arith.muli %arg1, %mul3A_67 : i32
    %mul3A_69 = arith.constant 640 : i32
    %mul3A_70 = arith.muli %arg1, %mul3A_69 : i32
    "tpu.region"() ({
      %run_scoped3A = tpu.sem_alloc : memref<!tpu.dma_semaphore, #tpu.memory_space<semaphore_mem>>
      %dma_start3A = tpu.memref_slice %arg3[%arg0, %mul3A_70] : memref<2x10240xf32, #tpu.memory_space<hbm>> -> memref<1x640xf32, #tpu.memory_space<hbm>>
      %dma_start3A_71 = tpu.memref_squeeze %dma_start3A : memref<1x640xf32, #tpu.memory_space<hbm>> -> memref<640xf32, #tpu.memory_space<hbm>>
      %dma_start3A_72 = tpu.memref_slice %arg7[%mul3A_68] : memref<10240xf32, #tpu.memory_space<vmem_shared>> -> memref<640xf32, #tpu.memory_space<vmem_shared>>
      tpu.enqueue_dma source(%dma_start3A_72 : memref<640xf32, #tpu.memory_space<vmem_shared>>) target(%dma_start3A_71 : memref<640xf32, #tpu.memory_space<hbm>>) target_semaphore(%run_scoped3A : memref<!tpu.dma_semaphore, #tpu.memory_space<semaphore_mem>>)
      %dma_wait3A = tpu.memref_slice %arg3[%arg0, %mul3A_70] : memref<2x10240xf32, #tpu.memory_space<hbm>> -> memref<1x640xf32, #tpu.memory_space<hbm>>
      %dma_wait3A_73 = tpu.memref_squeeze %dma_wait3A : memref<1x640xf32, #tpu.memory_space<hbm>> -> memref<640xf32, #tpu.memory_space<hbm>>
      %dma_wait3A_74 = tpu.memref_slice %arg7[%mul3A_68] : memref<10240xf32, #tpu.memory_space<vmem_shared>> -> memref<640xf32, #tpu.memory_space<vmem_shared>>
      tpu.wait_dma2 semaphore(%run_scoped3A : memref<!tpu.dma_semaphore, #tpu.memory_space<semaphore_mem>>) src(%dma_wait3A_74 : memref<640xf32, #tpu.memory_space<vmem_shared>>) dst(%dma_wait3A_73 : memref<640xf32, #tpu.memory_space<hbm>>)
      tpu.yield
    }) : () -> ()
    return
  }
}

#map = affine_map<(d0, d1) -> (0, 0)>
#map1 = affine_map<(d0, d1) -> (0, 0, 0)>
module attributes {stable_mosaic.version = 14 : i64} {
  func.func @conv(%arg0: i32, %arg1: i32, %arg2: memref<10016x32xf32, #tpu.memory_space<hbm>>, %arg3: memref<16x160x128xi32, #tpu.memory_space<hbm>>, %arg4: memref<16x160x128xi32, #tpu.memory_space<hbm>>, %arg5: memref<10016x32xf32, #tpu.memory_space<hbm>>, %arg6: memref<160x128xi32, #tpu.memory_space<vmem>>, %arg7: memref<160x128xi32, #tpu.memory_space<vmem>>, %arg8: memref<128x16xf32, #tpu.memory_space<vmem>>, %arg9: memref<128x16xf32, #tpu.memory_space<vmem>>, %arg10: memref<128x16xf32, #tpu.memory_space<vmem>>, %arg11: memref<128x16xf32, #tpu.memory_space<vmem>>, %arg12: memref<128x16xf32, #tpu.memory_space<vmem>>, %arg13: memref<128x16xf32, #tpu.memory_space<vmem>>, %arg14: memref<128x16xf32, #tpu.memory_space<vmem>>, %arg15: memref<128x16xf32, #tpu.memory_space<vmem>>, %arg16: memref<10016x16xf32, #tpu.memory_space<vmem_shared>>, %arg17: memref<10016x16xf32, #tpu.memory_space<vmem_shared>>, %arg18: memref<!tpu.dma_semaphore, #tpu.memory_space<semaphore_mem>>, %arg19: memref<!tpu.dma_semaphore, #tpu.memory_space<semaphore_mem>>, %arg20: memref<!tpu.dma_semaphore, #tpu.memory_space<semaphore_mem>>, %arg21: memref<!tpu.dma_semaphore, #tpu.memory_space<semaphore_mem>>, %arg22: memref<!tpu.dma_semaphore, #tpu.memory_space<semaphore_mem>>, %arg23: memref<!tpu.dma_semaphore, #tpu.memory_space<semaphore_mem>>, %arg24: memref<!tpu.dma_semaphore, #tpu.memory_space<semaphore_mem>>, %arg25: memref<!tpu.dma_semaphore, #tpu.memory_space<semaphore_mem>>, %arg26: memref<!tpu.dma_semaphore, #tpu.memory_space<semaphore_mem>>, %arg27: memref<!tpu.dma_semaphore, #tpu.memory_space<semaphore_mem>>, %arg28: memref<!tpu.dma_semaphore, #tpu.memory_space<semaphore_mem>>, %arg29: memref<!tpu.dma_semaphore, #tpu.memory_space<semaphore_mem>>, %arg30: memref<!tpu.dma_semaphore, #tpu.memory_space<semaphore_mem>>, %arg31: memref<!tpu.dma_semaphore, #tpu.memory_space<semaphore_mem>>, %arg32: memref<!tpu.dma_semaphore, #tpu.memory_space<semaphore_mem>>, %arg33: memref<!tpu.dma_semaphore, #tpu.memory_space<semaphore_mem>>) attributes {dimension_semantics = [#tpu.dimension_semantics<core_parallel>, #tpu.dimension_semantics<subcore_parallel>], iteration_bounds = array<i64: 2, 16>, scalar_prefetch = 0 : i64, scratch_operands = 28 : i64, tpu.core_type = #tpu.core_type<sc_vector_subcore>, window_params = [{transform_indices = #map}, {transform_indices = #map1}, {transform_indices = #map1}, {transform_indices = #map}]} {
    %mul3A = arith.constant 16 : i32
    %mul3A_0 = arith.muli %arg0, %mul3A : i32
    %mul3A_1 = arith.constant 626 : i32
    %mul3A_2 = arith.muli %arg1, %mul3A_1 : i32
    %dma_start3A = arith.constant 0 : i32
    %dma_start3A_3 = arith.constant 0 : i32
    %dma_start3A_4 = tpu.memref_slice %arg3[%arg1, %dma_start3A, %dma_start3A_3] : memref<16x160x128xi32, #tpu.memory_space<hbm>> -> memref<1x160x128xi32, #tpu.memory_space<hbm>>
    %dma_start3A_5 = tpu.memref_squeeze %dma_start3A_4 : memref<1x160x128xi32, #tpu.memory_space<hbm>> -> memref<160x128xi32, #tpu.memory_space<hbm>>
    %dma_start3A_6 = arith.constant 0 : i32
    %dma_start3A_7 = arith.constant 0 : i32
    %dma_start3A_8 = tpu.memref_slice %arg3[%arg1, %dma_start3A_6, %dma_start3A_7] : memref<16x160x128xi32, #tpu.memory_space<hbm>> -> memref<1x160x128xi32, #tpu.memory_space<hbm>>
    %dma_start3A_9 = tpu.memref_squeeze %dma_start3A_8 : memref<1x160x128xi32, #tpu.memory_space<hbm>> -> memref<160x128xi32, #tpu.memory_space<hbm>>
    tpu.enqueue_dma source(%dma_start3A_9 : memref<160x128xi32, #tpu.memory_space<hbm>>) target(%arg6 : memref<160x128xi32, #tpu.memory_space<vmem>>) target_semaphore(%arg18 : memref<!tpu.dma_semaphore, #tpu.memory_space<semaphore_mem>>)
    %dma_start3A_10 = arith.constant 0 : i32
    %dma_start3A_11 = arith.constant 0 : i32
    %dma_start3A_12 = tpu.memref_slice %arg4[%arg1, %dma_start3A_10, %dma_start3A_11] : memref<16x160x128xi32, #tpu.memory_space<hbm>> -> memref<1x160x128xi32, #tpu.memory_space<hbm>>
    %dma_start3A_13 = tpu.memref_squeeze %dma_start3A_12 : memref<1x160x128xi32, #tpu.memory_space<hbm>> -> memref<160x128xi32, #tpu.memory_space<hbm>>
    %dma_start3A_14 = arith.constant 0 : i32
    %dma_start3A_15 = arith.constant 0 : i32
    %dma_start3A_16 = tpu.memref_slice %arg4[%arg1, %dma_start3A_14, %dma_start3A_15] : memref<16x160x128xi32, #tpu.memory_space<hbm>> -> memref<1x160x128xi32, #tpu.memory_space<hbm>>
    %dma_start3A_17 = tpu.memref_squeeze %dma_start3A_16 : memref<1x160x128xi32, #tpu.memory_space<hbm>> -> memref<160x128xi32, #tpu.memory_space<hbm>>
    tpu.enqueue_dma source(%dma_start3A_17 : memref<160x128xi32, #tpu.memory_space<hbm>>) target(%arg7 : memref<160x128xi32, #tpu.memory_space<vmem>>) target_semaphore(%arg19 : memref<!tpu.dma_semaphore, #tpu.memory_space<semaphore_mem>>)
    %dma_start3A_18 = arith.constant 0 : i32
    %dma_start3A_19 = tpu.memref_slice %arg16[%mul3A_2, %dma_start3A_18] : memref<10016x16xf32, #tpu.memory_space<vmem_shared>> -> memref<626x16xf32, #tpu.memory_space<vmem_shared>>
    %dma_start3A_20 = tpu.memref_slice %arg2[%mul3A_2, %mul3A_0] : memref<10016x32xf32, #tpu.memory_space<hbm>> -> memref<626x16xf32, #tpu.memory_space<hbm>>
    tpu.enqueue_dma source(%dma_start3A_20 : memref<626x16xf32, #tpu.memory_space<hbm>>) target(%dma_start3A_19 : memref<626x16xf32, #tpu.memory_space<vmem_shared>>) target_semaphore(%arg20 : memref<!tpu.dma_semaphore, #tpu.memory_space<semaphore_mem>>)
    %dma_start3A_21 = arith.constant 0 : i32
    %dma_start3A_22 = tpu.memref_slice %arg17[%mul3A_2, %dma_start3A_21] : memref<10016x16xf32, #tpu.memory_space<vmem_shared>> -> memref<626x16xf32, #tpu.memory_space<vmem_shared>>
    %dma_start3A_23 = tpu.memref_slice %arg2[%mul3A_2, %mul3A_0] : memref<10016x32xf32, #tpu.memory_space<hbm>> -> memref<626x16xf32, #tpu.memory_space<hbm>>
    tpu.enqueue_dma source(%dma_start3A_23 : memref<626x16xf32, #tpu.memory_space<hbm>>) target(%dma_start3A_22 : memref<626x16xf32, #tpu.memory_space<vmem_shared>>) target_semaphore(%arg21 : memref<!tpu.dma_semaphore, #tpu.memory_space<semaphore_mem>>)
    %dma_wait3A = arith.constant 0 : i32
    %dma_wait3A_24 = arith.constant 0 : i32
    %dma_wait3A_25 = tpu.memref_slice %arg3[%arg1, %dma_wait3A, %dma_wait3A_24] : memref<16x160x128xi32, #tpu.memory_space<hbm>> -> memref<1x160x128xi32, #tpu.memory_space<hbm>>
    %dma_wait3A_26 = tpu.memref_squeeze %dma_wait3A_25 : memref<1x160x128xi32, #tpu.memory_space<hbm>> -> memref<160x128xi32, #tpu.memory_space<hbm>>
    %dma_wait3A_27 = arith.constant 0 : i32
    %dma_wait3A_28 = arith.constant 0 : i32
    %dma_wait3A_29 = tpu.memref_slice %arg3[%arg1, %dma_wait3A_27, %dma_wait3A_28] : memref<16x160x128xi32, #tpu.memory_space<hbm>> -> memref<1x160x128xi32, #tpu.memory_space<hbm>>
    %dma_wait3A_30 = tpu.memref_squeeze %dma_wait3A_29 : memref<1x160x128xi32, #tpu.memory_space<hbm>> -> memref<160x128xi32, #tpu.memory_space<hbm>>
    tpu.wait_dma2 semaphore(%arg18 : memref<!tpu.dma_semaphore, #tpu.memory_space<semaphore_mem>>) src(%dma_wait3A_30 : memref<160x128xi32, #tpu.memory_space<hbm>>) dst(%arg6 : memref<160x128xi32, #tpu.memory_space<vmem>>)
    %dma_wait3A_31 = arith.constant 0 : i32
    %dma_wait3A_32 = arith.constant 0 : i32
    %dma_wait3A_33 = tpu.memref_slice %arg4[%arg1, %dma_wait3A_31, %dma_wait3A_32] : memref<16x160x128xi32, #tpu.memory_space<hbm>> -> memref<1x160x128xi32, #tpu.memory_space<hbm>>
    %dma_wait3A_34 = tpu.memref_squeeze %dma_wait3A_33 : memref<1x160x128xi32, #tpu.memory_space<hbm>> -> memref<160x128xi32, #tpu.memory_space<hbm>>
    %dma_wait3A_35 = arith.constant 0 : i32
    %dma_wait3A_36 = arith.constant 0 : i32
    %dma_wait3A_37 = tpu.memref_slice %arg4[%arg1, %dma_wait3A_35, %dma_wait3A_36] : memref<16x160x128xi32, #tpu.memory_space<hbm>> -> memref<1x160x128xi32, #tpu.memory_space<hbm>>
    %dma_wait3A_38 = tpu.memref_squeeze %dma_wait3A_37 : memref<1x160x128xi32, #tpu.memory_space<hbm>> -> memref<160x128xi32, #tpu.memory_space<hbm>>
    tpu.wait_dma2 semaphore(%arg19 : memref<!tpu.dma_semaphore, #tpu.memory_space<semaphore_mem>>) src(%dma_wait3A_38 : memref<160x128xi32, #tpu.memory_space<hbm>>) dst(%arg7 : memref<160x128xi32, #tpu.memory_space<vmem>>)
    %dma_wait3A_39 = arith.constant 0 : i32
    %dma_wait3A_40 = tpu.memref_slice %arg16[%mul3A_2, %dma_wait3A_39] : memref<10016x16xf32, #tpu.memory_space<vmem_shared>> -> memref<626x16xf32, #tpu.memory_space<vmem_shared>>
    %dma_wait3A_41 = tpu.memref_slice %arg2[%mul3A_2, %mul3A_0] : memref<10016x32xf32, #tpu.memory_space<hbm>> -> memref<626x16xf32, #tpu.memory_space<hbm>>
    tpu.wait_dma2 semaphore(%arg20 : memref<!tpu.dma_semaphore, #tpu.memory_space<semaphore_mem>>) src(%dma_wait3A_41 : memref<626x16xf32, #tpu.memory_space<hbm>>) dst(%dma_wait3A_40 : memref<626x16xf32, #tpu.memory_space<vmem_shared>>)
    %dma_wait3A_42 = arith.constant 0 : i32
    %dma_wait3A_43 = tpu.memref_slice %arg17[%mul3A_2, %dma_wait3A_42] : memref<10016x16xf32, #tpu.memory_space<vmem_shared>> -> memref<626x16xf32, #tpu.memory_space<vmem_shared>>
    %dma_wait3A_44 = tpu.memref_slice %arg2[%mul3A_2, %mul3A_0] : memref<10016x32xf32, #tpu.memory_space<hbm>> -> memref<626x16xf32, #tpu.memory_space<hbm>>
    tpu.wait_dma2 semaphore(%arg21 : memref<!tpu.dma_semaphore, #tpu.memory_space<semaphore_mem>>) src(%dma_wait3A_44 : memref<626x16xf32, #tpu.memory_space<hbm>>) dst(%dma_wait3A_43 : memref<626x16xf32, #tpu.memory_space<vmem_shared>>)
    %barrier3A = arith.constant 0 : index
    tpu.barrier barrier_id(%barrier3A)
    %dma_start3A_45 = arith.constant 0 : i32
    %dma_start3A_46 = arith.constant 0 : i32
    %dma_start3A_47 = tpu.memref_slice %arg6[%dma_start3A_45, %dma_start3A_46] : memref<160x128xi32, #tpu.memory_space<vmem>> -> memref<1x128xi32, #tpu.memory_space<vmem>>
    %dma_start3A_48 = tpu.memref_squeeze %dma_start3A_47 : memref<1x128xi32, #tpu.memory_space<vmem>> -> memref<128xi32, #tpu.memory_space<vmem>>
    %dma_start3A_49 = arith.constant 0 : i32
    %dma_start3A_50 = arith.constant 0 : i32
    %dma_start3A_51 = tpu.memref_slice %arg16[%dma_start3A_49, %dma_start3A_50] : memref<10016x16xf32, #tpu.memory_space<vmem_shared>> -> memref<10016x16xf32, #tpu.memory_space<vmem_shared>>
    tpu.enqueue_indirect_dma source(%dma_start3A_51 : memref<10016x16xf32, #tpu.memory_space<vmem_shared>>) target(%arg8 : memref<128x16xf32, #tpu.memory_space<vmem>>) offsets(%dma_start3A_48 : memref<128xi32, #tpu.memory_space<vmem>>) semaphore(%arg18 : memref<!tpu.dma_semaphore, #tpu.memory_space<semaphore_mem>>)
    %dma_start3A_52 = arith.constant 1 : i32
    %dma_start3A_53 = arith.constant 0 : i32
    %dma_start3A_54 = tpu.memref_slice %arg6[%dma_start3A_52, %dma_start3A_53] : memref<160x128xi32, #tpu.memory_space<vmem>> -> memref<1x128xi32, #tpu.memory_space<vmem>>
    %dma_start3A_55 = tpu.memref_squeeze %dma_start3A_54 : memref<1x128xi32, #tpu.memory_space<vmem>> -> memref<128xi32, #tpu.memory_space<vmem>>
    %dma_start3A_56 = arith.constant 0 : i32
    %dma_start3A_57 = arith.constant 0 : i32
    %dma_start3A_58 = tpu.memref_slice %arg16[%dma_start3A_56, %dma_start3A_57] : memref<10016x16xf32, #tpu.memory_space<vmem_shared>> -> memref<10016x16xf32, #tpu.memory_space<vmem_shared>>
    tpu.enqueue_indirect_dma source(%dma_start3A_58 : memref<10016x16xf32, #tpu.memory_space<vmem_shared>>) target(%arg9 : memref<128x16xf32, #tpu.memory_space<vmem>>) offsets(%dma_start3A_55 : memref<128xi32, #tpu.memory_space<vmem>>) semaphore(%arg19 : memref<!tpu.dma_semaphore, #tpu.memory_space<semaphore_mem>>)
    %dma_start3A_59 = arith.constant 2 : i32
    %dma_start3A_60 = arith.constant 0 : i32
    %dma_start3A_61 = tpu.memref_slice %arg6[%dma_start3A_59, %dma_start3A_60] : memref<160x128xi32, #tpu.memory_space<vmem>> -> memref<1x128xi32, #tpu.memory_space<vmem>>
    %dma_start3A_62 = tpu.memref_squeeze %dma_start3A_61 : memref<1x128xi32, #tpu.memory_space<vmem>> -> memref<128xi32, #tpu.memory_space<vmem>>
    %dma_start3A_63 = arith.constant 0 : i32
    %dma_start3A_64 = arith.constant 0 : i32
    %dma_start3A_65 = tpu.memref_slice %arg16[%dma_start3A_63, %dma_start3A_64] : memref<10016x16xf32, #tpu.memory_space<vmem_shared>> -> memref<10016x16xf32, #tpu.memory_space<vmem_shared>>
    tpu.enqueue_indirect_dma source(%dma_start3A_65 : memref<10016x16xf32, #tpu.memory_space<vmem_shared>>) target(%arg10 : memref<128x16xf32, #tpu.memory_space<vmem>>) offsets(%dma_start3A_62 : memref<128xi32, #tpu.memory_space<vmem>>) semaphore(%arg20 : memref<!tpu.dma_semaphore, #tpu.memory_space<semaphore_mem>>)
    %dma_start3A_66 = arith.constant 3 : i32
    %dma_start3A_67 = arith.constant 0 : i32
    %dma_start3A_68 = tpu.memref_slice %arg6[%dma_start3A_66, %dma_start3A_67] : memref<160x128xi32, #tpu.memory_space<vmem>> -> memref<1x128xi32, #tpu.memory_space<vmem>>
    %dma_start3A_69 = tpu.memref_squeeze %dma_start3A_68 : memref<1x128xi32, #tpu.memory_space<vmem>> -> memref<128xi32, #tpu.memory_space<vmem>>
    %dma_start3A_70 = arith.constant 0 : i32
    %dma_start3A_71 = arith.constant 0 : i32
    %dma_start3A_72 = tpu.memref_slice %arg16[%dma_start3A_70, %dma_start3A_71] : memref<10016x16xf32, #tpu.memory_space<vmem_shared>> -> memref<10016x16xf32, #tpu.memory_space<vmem_shared>>
    tpu.enqueue_indirect_dma source(%dma_start3A_72 : memref<10016x16xf32, #tpu.memory_space<vmem_shared>>) target(%arg11 : memref<128x16xf32, #tpu.memory_space<vmem>>) offsets(%dma_start3A_69 : memref<128xi32, #tpu.memory_space<vmem>>) semaphore(%arg21 : memref<!tpu.dma_semaphore, #tpu.memory_space<semaphore_mem>>)
    %dma_wait3A_73 = arith.constant 0 : i32
    %dma_wait3A_74 = arith.constant 0 : i32
    %dma_wait3A_75 = tpu.memref_slice %arg6[%dma_wait3A_73, %dma_wait3A_74] : memref<160x128xi32, #tpu.memory_space<vmem>> -> memref<1x128xi32, #tpu.memory_space<vmem>>
    %dma_wait3A_76 = tpu.memref_squeeze %dma_wait3A_75 : memref<1x128xi32, #tpu.memory_space<vmem>> -> memref<128xi32, #tpu.memory_space<vmem>>
    %dma_wait3A_77 = arith.constant 0 : i32
    %dma_wait3A_78 = arith.constant 0 : i32
    %dma_wait3A_79 = tpu.memref_slice %arg16[%dma_wait3A_77, %dma_wait3A_78] : memref<10016x16xf32, #tpu.memory_space<vmem_shared>> -> memref<10016x16xf32, #tpu.memory_space<vmem_shared>>
    tpu.wait_indirect_dma semaphore(%arg18 : memref<!tpu.dma_semaphore, #tpu.memory_space<semaphore_mem>>) src(%dma_wait3A_79 : memref<10016x16xf32, #tpu.memory_space<vmem_shared>>) dst(%arg8 : memref<128x16xf32, #tpu.memory_space<vmem>>)
    %dma_start3A_80 = arith.constant 0 : i32
    %dma_start3A_81 = arith.constant 0 : i32
    %dma_start3A_82 = tpu.memref_slice %arg7[%dma_start3A_80, %dma_start3A_81] : memref<160x128xi32, #tpu.memory_space<vmem>> -> memref<1x128xi32, #tpu.memory_space<vmem>>
    %dma_start3A_83 = tpu.memref_squeeze %dma_start3A_82 : memref<1x128xi32, #tpu.memory_space<vmem>> -> memref<128xi32, #tpu.memory_space<vmem>>
    %dma_start3A_84 = arith.constant 0 : i32
    %dma_start3A_85 = arith.constant 0 : i32
    %dma_start3A_86 = tpu.memref_slice %arg17[%dma_start3A_84, %dma_start3A_85] : memref<10016x16xf32, #tpu.memory_space<vmem_shared>> -> memref<10016x16xf32, #tpu.memory_space<vmem_shared>>
    tpu.enqueue_indirect_dma source(%arg8 : memref<128x16xf32, #tpu.memory_space<vmem>>) target(%dma_start3A_86 : memref<10016x16xf32, #tpu.memory_space<vmem_shared>>) offsets(%dma_start3A_83 : memref<128xi32, #tpu.memory_space<vmem>>) semaphore(%arg26 : memref<!tpu.dma_semaphore, #tpu.memory_space<semaphore_mem>>) {add = true}
    %dma_start3A_87 = arith.constant 4 : i32
    %dma_start3A_88 = arith.constant 0 : i32
    %dma_start3A_89 = tpu.memref_slice %arg6[%dma_start3A_87, %dma_start3A_88] : memref<160x128xi32, #tpu.memory_space<vmem>> -> memref<1x128xi32, #tpu.memory_space<vmem>>
    %dma_start3A_90 = tpu.memref_squeeze %dma_start3A_89 : memref<1x128xi32, #tpu.memory_space<vmem>> -> memref<128xi32, #tpu.memory_space<vmem>>
    %dma_start3A_91 = arith.constant 0 : i32
    %dma_start3A_92 = arith.constant 0 : i32
    %dma_start3A_93 = tpu.memref_slice %arg16[%dma_start3A_91, %dma_start3A_92] : memref<10016x16xf32, #tpu.memory_space<vmem_shared>> -> memref<10016x16xf32, #tpu.memory_space<vmem_shared>>
    tpu.enqueue_indirect_dma source(%dma_start3A_93 : memref<10016x16xf32, #tpu.memory_space<vmem_shared>>) target(%arg12 : memref<128x16xf32, #tpu.memory_space<vmem>>) offsets(%dma_start3A_90 : memref<128xi32, #tpu.memory_space<vmem>>) semaphore(%arg22 : memref<!tpu.dma_semaphore, #tpu.memory_space<semaphore_mem>>)
    %dma_wait3A_94 = arith.constant 1 : i32
    %dma_wait3A_95 = arith.constant 0 : i32
    %dma_wait3A_96 = tpu.memref_slice %arg6[%dma_wait3A_94, %dma_wait3A_95] : memref<160x128xi32, #tpu.memory_space<vmem>> -> memref<1x128xi32, #tpu.memory_space<vmem>>
    %dma_wait3A_97 = tpu.memref_squeeze %dma_wait3A_96 : memref<1x128xi32, #tpu.memory_space<vmem>> -> memref<128xi32, #tpu.memory_space<vmem>>
    %dma_wait3A_98 = arith.constant 0 : i32
    %dma_wait3A_99 = arith.constant 0 : i32
    %dma_wait3A_100 = tpu.memref_slice %arg16[%dma_wait3A_98, %dma_wait3A_99] : memref<10016x16xf32, #tpu.memory_space<vmem_shared>> -> memref<10016x16xf32, #tpu.memory_space<vmem_shared>>
    tpu.wait_indirect_dma semaphore(%arg19 : memref<!tpu.dma_semaphore, #tpu.memory_space<semaphore_mem>>) src(%dma_wait3A_100 : memref<10016x16xf32, #tpu.memory_space<vmem_shared>>) dst(%arg9 : memref<128x16xf32, #tpu.memory_space<vmem>>)
    %dma_start3A_101 = arith.constant 1 : i32
    %dma_start3A_102 = arith.constant 0 : i32
    %dma_start3A_103 = tpu.memref_slice %arg7[%dma_start3A_101, %dma_start3A_102] : memref<160x128xi32, #tpu.memory_space<vmem>> -> memref<1x128xi32, #tpu.memory_space<vmem>>
    %dma_start3A_104 = tpu.memref_squeeze %dma_start3A_103 : memref<1x128xi32, #tpu.memory_space<vmem>> -> memref<128xi32, #tpu.memory_space<vmem>>
    %dma_start3A_105 = arith.constant 0 : i32
    %dma_start3A_106 = arith.constant 0 : i32
    %dma_start3A_107 = tpu.memref_slice %arg17[%dma_start3A_105, %dma_start3A_106] : memref<10016x16xf32, #tpu.memory_space<vmem_shared>> -> memref<10016x16xf32, #tpu.memory_space<vmem_shared>>
    tpu.enqueue_indirect_dma source(%arg9 : memref<128x16xf32, #tpu.memory_space<vmem>>) target(%dma_start3A_107 : memref<10016x16xf32, #tpu.memory_space<vmem_shared>>) offsets(%dma_start3A_104 : memref<128xi32, #tpu.memory_space<vmem>>) semaphore(%arg27 : memref<!tpu.dma_semaphore, #tpu.memory_space<semaphore_mem>>) {add = true}
    %dma_start3A_108 = arith.constant 5 : i32
    %dma_start3A_109 = arith.constant 0 : i32
    %dma_start3A_110 = tpu.memref_slice %arg6[%dma_start3A_108, %dma_start3A_109] : memref<160x128xi32, #tpu.memory_space<vmem>> -> memref<1x128xi32, #tpu.memory_space<vmem>>
    %dma_start3A_111 = tpu.memref_squeeze %dma_start3A_110 : memref<1x128xi32, #tpu.memory_space<vmem>> -> memref<128xi32, #tpu.memory_space<vmem>>
    %dma_start3A_112 = arith.constant 0 : i32
    %dma_start3A_113 = arith.constant 0 : i32
    %dma_start3A_114 = tpu.memref_slice %arg16[%dma_start3A_112, %dma_start3A_113] : memref<10016x16xf32, #tpu.memory_space<vmem_shared>> -> memref<10016x16xf32, #tpu.memory_space<vmem_shared>>
    tpu.enqueue_indirect_dma source(%dma_start3A_114 : memref<10016x16xf32, #tpu.memory_space<vmem_shared>>) target(%arg13 : memref<128x16xf32, #tpu.memory_space<vmem>>) offsets(%dma_start3A_111 : memref<128xi32, #tpu.memory_space<vmem>>) semaphore(%arg23 : memref<!tpu.dma_semaphore, #tpu.memory_space<semaphore_mem>>)
    %dma_wait3A_115 = arith.constant 2 : i32
    %dma_wait3A_116 = arith.constant 0 : i32
    %dma_wait3A_117 = tpu.memref_slice %arg6[%dma_wait3A_115, %dma_wait3A_116] : memref<160x128xi32, #tpu.memory_space<vmem>> -> memref<1x128xi32, #tpu.memory_space<vmem>>
    %dma_wait3A_118 = tpu.memref_squeeze %dma_wait3A_117 : memref<1x128xi32, #tpu.memory_space<vmem>> -> memref<128xi32, #tpu.memory_space<vmem>>
    %dma_wait3A_119 = arith.constant 0 : i32
    %dma_wait3A_120 = arith.constant 0 : i32
    %dma_wait3A_121 = tpu.memref_slice %arg16[%dma_wait3A_119, %dma_wait3A_120] : memref<10016x16xf32, #tpu.memory_space<vmem_shared>> -> memref<10016x16xf32, #tpu.memory_space<vmem_shared>>
    tpu.wait_indirect_dma semaphore(%arg20 : memref<!tpu.dma_semaphore, #tpu.memory_space<semaphore_mem>>) src(%dma_wait3A_121 : memref<10016x16xf32, #tpu.memory_space<vmem_shared>>) dst(%arg10 : memref<128x16xf32, #tpu.memory_space<vmem>>)
    %dma_start3A_122 = arith.constant 2 : i32
    %dma_start3A_123 = arith.constant 0 : i32
    %dma_start3A_124 = tpu.memref_slice %arg7[%dma_start3A_122, %dma_start3A_123] : memref<160x128xi32, #tpu.memory_space<vmem>> -> memref<1x128xi32, #tpu.memory_space<vmem>>
    %dma_start3A_125 = tpu.memref_squeeze %dma_start3A_124 : memref<1x128xi32, #tpu.memory_space<vmem>> -> memref<128xi32, #tpu.memory_space<vmem>>
    %dma_start3A_126 = arith.constant 0 : i32
    %dma_start3A_127 = arith.constant 0 : i32
    %dma_start3A_128 = tpu.memref_slice %arg17[%dma_start3A_126, %dma_start3A_127] : memref<10016x16xf32, #tpu.memory_space<vmem_shared>> -> memref<10016x16xf32, #tpu.memory_space<vmem_shared>>
    tpu.enqueue_indirect_dma source(%arg10 : memref<128x16xf32, #tpu.memory_space<vmem>>) target(%dma_start3A_128 : memref<10016x16xf32, #tpu.memory_space<vmem_shared>>) offsets(%dma_start3A_125 : memref<128xi32, #tpu.memory_space<vmem>>) semaphore(%arg28 : memref<!tpu.dma_semaphore, #tpu.memory_space<semaphore_mem>>) {add = true}
    %dma_start3A_129 = arith.constant 6 : i32
    %dma_start3A_130 = arith.constant 0 : i32
    %dma_start3A_131 = tpu.memref_slice %arg6[%dma_start3A_129, %dma_start3A_130] : memref<160x128xi32, #tpu.memory_space<vmem>> -> memref<1x128xi32, #tpu.memory_space<vmem>>
    %dma_start3A_132 = tpu.memref_squeeze %dma_start3A_131 : memref<1x128xi32, #tpu.memory_space<vmem>> -> memref<128xi32, #tpu.memory_space<vmem>>
    %dma_start3A_133 = arith.constant 0 : i32
    %dma_start3A_134 = arith.constant 0 : i32
    %dma_start3A_135 = tpu.memref_slice %arg16[%dma_start3A_133, %dma_start3A_134] : memref<10016x16xf32, #tpu.memory_space<vmem_shared>> -> memref<10016x16xf32, #tpu.memory_space<vmem_shared>>
    tpu.enqueue_indirect_dma source(%dma_start3A_135 : memref<10016x16xf32, #tpu.memory_space<vmem_shared>>) target(%arg14 : memref<128x16xf32, #tpu.memory_space<vmem>>) offsets(%dma_start3A_132 : memref<128xi32, #tpu.memory_space<vmem>>) semaphore(%arg24 : memref<!tpu.dma_semaphore, #tpu.memory_space<semaphore_mem>>)
    %dma_wait3A_136 = arith.constant 3 : i32
    %dma_wait3A_137 = arith.constant 0 : i32
    %dma_wait3A_138 = tpu.memref_slice %arg6[%dma_wait3A_136, %dma_wait3A_137] : memref<160x128xi32, #tpu.memory_space<vmem>> -> memref<1x128xi32, #tpu.memory_space<vmem>>
    %dma_wait3A_139 = tpu.memref_squeeze %dma_wait3A_138 : memref<1x128xi32, #tpu.memory_space<vmem>> -> memref<128xi32, #tpu.memory_space<vmem>>
    %dma_wait3A_140 = arith.constant 0 : i32
    %dma_wait3A_141 = arith.constant 0 : i32
    %dma_wait3A_142 = tpu.memref_slice %arg16[%dma_wait3A_140, %dma_wait3A_141] : memref<10016x16xf32, #tpu.memory_space<vmem_shared>> -> memref<10016x16xf32, #tpu.memory_space<vmem_shared>>
    tpu.wait_indirect_dma semaphore(%arg21 : memref<!tpu.dma_semaphore, #tpu.memory_space<semaphore_mem>>) src(%dma_wait3A_142 : memref<10016x16xf32, #tpu.memory_space<vmem_shared>>) dst(%arg11 : memref<128x16xf32, #tpu.memory_space<vmem>>)
    %dma_start3A_143 = arith.constant 3 : i32
    %dma_start3A_144 = arith.constant 0 : i32
    %dma_start3A_145 = tpu.memref_slice %arg7[%dma_start3A_143, %dma_start3A_144] : memref<160x128xi32, #tpu.memory_space<vmem>> -> memref<1x128xi32, #tpu.memory_space<vmem>>
    %dma_start3A_146 = tpu.memref_squeeze %dma_start3A_145 : memref<1x128xi32, #tpu.memory_space<vmem>> -> memref<128xi32, #tpu.memory_space<vmem>>
    %dma_start3A_147 = arith.constant 0 : i32
    %dma_start3A_148 = arith.constant 0 : i32
    %dma_start3A_149 = tpu.memref_slice %arg17[%dma_start3A_147, %dma_start3A_148] : memref<10016x16xf32, #tpu.memory_space<vmem_shared>> -> memref<10016x16xf32, #tpu.memory_space<vmem_shared>>
    tpu.enqueue_indirect_dma source(%arg11 : memref<128x16xf32, #tpu.memory_space<vmem>>) target(%dma_start3A_149 : memref<10016x16xf32, #tpu.memory_space<vmem_shared>>) offsets(%dma_start3A_146 : memref<128xi32, #tpu.memory_space<vmem>>) semaphore(%arg29 : memref<!tpu.dma_semaphore, #tpu.memory_space<semaphore_mem>>) {add = true}
    %dma_start3A_150 = arith.constant 7 : i32
    %dma_start3A_151 = arith.constant 0 : i32
    %dma_start3A_152 = tpu.memref_slice %arg6[%dma_start3A_150, %dma_start3A_151] : memref<160x128xi32, #tpu.memory_space<vmem>> -> memref<1x128xi32, #tpu.memory_space<vmem>>
    %dma_start3A_153 = tpu.memref_squeeze %dma_start3A_152 : memref<1x128xi32, #tpu.memory_space<vmem>> -> memref<128xi32, #tpu.memory_space<vmem>>
    %dma_start3A_154 = arith.constant 0 : i32
    %dma_start3A_155 = arith.constant 0 : i32
    %dma_start3A_156 = tpu.memref_slice %arg16[%dma_start3A_154, %dma_start3A_155] : memref<10016x16xf32, #tpu.memory_space<vmem_shared>> -> memref<10016x16xf32, #tpu.memory_space<vmem_shared>>
    tpu.enqueue_indirect_dma source(%dma_start3A_156 : memref<10016x16xf32, #tpu.memory_space<vmem_shared>>) target(%arg15 : memref<128x16xf32, #tpu.memory_space<vmem>>) offsets(%dma_start3A_153 : memref<128xi32, #tpu.memory_space<vmem>>) semaphore(%arg25 : memref<!tpu.dma_semaphore, #tpu.memory_space<semaphore_mem>>)
    %dma_wait3A_157 = arith.constant 4 : i32
    %dma_wait3A_158 = arith.constant 0 : i32
    %dma_wait3A_159 = tpu.memref_slice %arg6[%dma_wait3A_157, %dma_wait3A_158] : memref<160x128xi32, #tpu.memory_space<vmem>> -> memref<1x128xi32, #tpu.memory_space<vmem>>
    %dma_wait3A_160 = tpu.memref_squeeze %dma_wait3A_159 : memref<1x128xi32, #tpu.memory_space<vmem>> -> memref<128xi32, #tpu.memory_space<vmem>>
    %dma_wait3A_161 = arith.constant 0 : i32
    %dma_wait3A_162 = arith.constant 0 : i32
    %dma_wait3A_163 = tpu.memref_slice %arg16[%dma_wait3A_161, %dma_wait3A_162] : memref<10016x16xf32, #tpu.memory_space<vmem_shared>> -> memref<10016x16xf32, #tpu.memory_space<vmem_shared>>
    tpu.wait_indirect_dma semaphore(%arg22 : memref<!tpu.dma_semaphore, #tpu.memory_space<semaphore_mem>>) src(%dma_wait3A_163 : memref<10016x16xf32, #tpu.memory_space<vmem_shared>>) dst(%arg12 : memref<128x16xf32, #tpu.memory_space<vmem>>)
    %dma_start3A_164 = arith.constant 4 : i32
    %dma_start3A_165 = arith.constant 0 : i32
    %dma_start3A_166 = tpu.memref_slice %arg7[%dma_start3A_164, %dma_start3A_165] : memref<160x128xi32, #tpu.memory_space<vmem>> -> memref<1x128xi32, #tpu.memory_space<vmem>>
    %dma_start3A_167 = tpu.memref_squeeze %dma_start3A_166 : memref<1x128xi32, #tpu.memory_space<vmem>> -> memref<128xi32, #tpu.memory_space<vmem>>
    %dma_start3A_168 = arith.constant 0 : i32
    %dma_start3A_169 = arith.constant 0 : i32
    %dma_start3A_170 = tpu.memref_slice %arg17[%dma_start3A_168, %dma_start3A_169] : memref<10016x16xf32, #tpu.memory_space<vmem_shared>> -> memref<10016x16xf32, #tpu.memory_space<vmem_shared>>
    tpu.enqueue_indirect_dma source(%arg12 : memref<128x16xf32, #tpu.memory_space<vmem>>) target(%dma_start3A_170 : memref<10016x16xf32, #tpu.memory_space<vmem_shared>>) offsets(%dma_start3A_167 : memref<128xi32, #tpu.memory_space<vmem>>) semaphore(%arg30 : memref<!tpu.dma_semaphore, #tpu.memory_space<semaphore_mem>>) {add = true}
    %dma_wait3A_171 = arith.constant 0 : i32
    %dma_wait3A_172 = arith.constant 0 : i32
    %dma_wait3A_173 = tpu.memref_slice %arg7[%dma_wait3A_171, %dma_wait3A_172] : memref<160x128xi32, #tpu.memory_space<vmem>> -> memref<1x128xi32, #tpu.memory_space<vmem>>
    %dma_wait3A_174 = tpu.memref_squeeze %dma_wait3A_173 : memref<1x128xi32, #tpu.memory_space<vmem>> -> memref<128xi32, #tpu.memory_space<vmem>>
    %dma_wait3A_175 = arith.constant 0 : i32
    %dma_wait3A_176 = arith.constant 0 : i32
    %dma_wait3A_177 = tpu.memref_slice %arg17[%dma_wait3A_175, %dma_wait3A_176] : memref<10016x16xf32, #tpu.memory_space<vmem_shared>> -> memref<10016x16xf32, #tpu.memory_space<vmem_shared>>
    tpu.wait_indirect_dma semaphore(%arg26 : memref<!tpu.dma_semaphore, #tpu.memory_space<semaphore_mem>>) src(%arg8 : memref<128x16xf32, #tpu.memory_space<vmem>>) dst(%dma_wait3A_177 : memref<10016x16xf32, #tpu.memory_space<vmem_shared>>)
    %dma_start3A_178 = arith.constant 8 : i32
    %dma_start3A_179 = arith.constant 0 : i32
    %dma_start3A_180 = tpu.memref_slice %arg6[%dma_start3A_178, %dma_start3A_179] : memref<160x128xi32, #tpu.memory_space<vmem>> -> memref<1x128xi32, #tpu.memory_space<vmem>>
    %dma_start3A_181 = tpu.memref_squeeze %dma_start3A_180 : memref<1x128xi32, #tpu.memory_space<vmem>> -> memref<128xi32, #tpu.memory_space<vmem>>
    %dma_start3A_182 = arith.constant 0 : i32
    %dma_start3A_183 = arith.constant 0 : i32
    %dma_start3A_184 = tpu.memref_slice %arg16[%dma_start3A_182, %dma_start3A_183] : memref<10016x16xf32, #tpu.memory_space<vmem_shared>> -> memref<10016x16xf32, #tpu.memory_space<vmem_shared>>
    tpu.enqueue_indirect_dma source(%dma_start3A_184 : memref<10016x16xf32, #tpu.memory_space<vmem_shared>>) target(%arg8 : memref<128x16xf32, #tpu.memory_space<vmem>>) offsets(%dma_start3A_181 : memref<128xi32, #tpu.memory_space<vmem>>) semaphore(%arg18 : memref<!tpu.dma_semaphore, #tpu.memory_space<semaphore_mem>>)
    %dma_wait3A_185 = arith.constant 5 : i32
    %dma_wait3A_186 = arith.constant 0 : i32
    %dma_wait3A_187 = tpu.memref_slice %arg6[%dma_wait3A_185, %dma_wait3A_186] : memref<160x128xi32, #tpu.memory_space<vmem>> -> memref<1x128xi32, #tpu.memory_space<vmem>>
    %dma_wait3A_188 = tpu.memref_squeeze %dma_wait3A_187 : memref<1x128xi32, #tpu.memory_space<vmem>> -> memref<128xi32, #tpu.memory_space<vmem>>
    %dma_wait3A_189 = arith.constant 0 : i32
    %dma_wait3A_190 = arith.constant 0 : i32
    %dma_wait3A_191 = tpu.memref_slice %arg16[%dma_wait3A_189, %dma_wait3A_190] : memref<10016x16xf32, #tpu.memory_space<vmem_shared>> -> memref<10016x16xf32, #tpu.memory_space<vmem_shared>>
    tpu.wait_indirect_dma semaphore(%arg23 : memref<!tpu.dma_semaphore, #tpu.memory_space<semaphore_mem>>) src(%dma_wait3A_191 : memref<10016x16xf32, #tpu.memory_space<vmem_shared>>) dst(%arg13 : memref<128x16xf32, #tpu.memory_space<vmem>>)
    %dma_start3A_192 = arith.constant 5 : i32
    %dma_start3A_193 = arith.constant 0 : i32
    %dma_start3A_194 = tpu.memref_slice %arg7[%dma_start3A_192, %dma_start3A_193] : memref<160x128xi32, #tpu.memory_space<vmem>> -> memref<1x128xi32, #tpu.memory_space<vmem>>
    %dma_start3A_195 = tpu.memref_squeeze %dma_start3A_194 : memref<1x128xi32, #tpu.memory_space<vmem>> -> memref<128xi32, #tpu.memory_space<vmem>>
    %dma_start3A_196 = arith.constant 0 : i32
    %dma_start3A_197 = arith.constant 0 : i32
    %dma_start3A_198 = tpu.memref_slice %arg17[%dma_start3A_196, %dma_start3A_197] : memref<10016x16xf32, #tpu.memory_space<vmem_shared>> -> memref<10016x16xf32, #tpu.memory_space<vmem_shared>>
    tpu.enqueue_indirect_dma source(%arg13 : memref<128x16xf32, #tpu.memory_space<vmem>>) target(%dma_start3A_198 : memref<10016x16xf32, #tpu.memory_space<vmem_shared>>) offsets(%dma_start3A_195 : memref<128xi32, #tpu.memory_space<vmem>>) semaphore(%arg31 : memref<!tpu.dma_semaphore, #tpu.memory_space<semaphore_mem>>) {add = true}
    %dma_wait3A_199 = arith.constant 1 : i32
    %dma_wait3A_200 = arith.constant 0 : i32
    %dma_wait3A_201 = tpu.memref_slice %arg7[%dma_wait3A_199, %dma_wait3A_200] : memref<160x128xi32, #tpu.memory_space<vmem>> -> memref<1x128xi32, #tpu.memory_space<vmem>>
    %dma_wait3A_202 = tpu.memref_squeeze %dma_wait3A_201 : memref<1x128xi32, #tpu.memory_space<vmem>> -> memref<128xi32, #tpu.memory_space<vmem>>
    %dma_wait3A_203 = arith.constant 0 : i32
    %dma_wait3A_204 = arith.constant 0 : i32
    %dma_wait3A_205 = tpu.memref_slice %arg17[%dma_wait3A_203, %dma_wait3A_204] : memref<10016x16xf32, #tpu.memory_space<vmem_shared>> -> memref<10016x16xf32, #tpu.memory_space<vmem_shared>>
    tpu.wait_indirect_dma semaphore(%arg27 : memref<!tpu.dma_semaphore, #tpu.memory_space<semaphore_mem>>) src(%arg9 : memref<128x16xf32, #tpu.memory_space<vmem>>) dst(%dma_wait3A_205 : memref<10016x16xf32, #tpu.memory_space<vmem_shared>>)
    %dma_start3A_206 = arith.constant 9 : i32
    %dma_start3A_207 = arith.constant 0 : i32
    %dma_start3A_208 = tpu.memref_slice %arg6[%dma_start3A_206, %dma_start3A_207] : memref<160x128xi32, #tpu.memory_space<vmem>> -> memref<1x128xi32, #tpu.memory_space<vmem>>
    %dma_start3A_209 = tpu.memref_squeeze %dma_start3A_208 : memref<1x128xi32, #tpu.memory_space<vmem>> -> memref<128xi32, #tpu.memory_space<vmem>>
    %dma_start3A_210 = arith.constant 0 : i32
    %dma_start3A_211 = arith.constant 0 : i32
    %dma_start3A_212 = tpu.memref_slice %arg16[%dma_start3A_210, %dma_start3A_211] : memref<10016x16xf32, #tpu.memory_space<vmem_shared>> -> memref<10016x16xf32, #tpu.memory_space<vmem_shared>>
    tpu.enqueue_indirect_dma source(%dma_start3A_212 : memref<10016x16xf32, #tpu.memory_space<vmem_shared>>) target(%arg9 : memref<128x16xf32, #tpu.memory_space<vmem>>) offsets(%dma_start3A_209 : memref<128xi32, #tpu.memory_space<vmem>>) semaphore(%arg19 : memref<!tpu.dma_semaphore, #tpu.memory_space<semaphore_mem>>)
    %dma_wait3A_213 = arith.constant 6 : i32
    %dma_wait3A_214 = arith.constant 0 : i32
    %dma_wait3A_215 = tpu.memref_slice %arg6[%dma_wait3A_213, %dma_wait3A_214] : memref<160x128xi32, #tpu.memory_space<vmem>> -> memref<1x128xi32, #tpu.memory_space<vmem>>
    %dma_wait3A_216 = tpu.memref_squeeze %dma_wait3A_215 : memref<1x128xi32, #tpu.memory_space<vmem>> -> memref<128xi32, #tpu.memory_space<vmem>>
    %dma_wait3A_217 = arith.constant 0 : i32
    %dma_wait3A_218 = arith.constant 0 : i32
    %dma_wait3A_219 = tpu.memref_slice %arg16[%dma_wait3A_217, %dma_wait3A_218] : memref<10016x16xf32, #tpu.memory_space<vmem_shared>> -> memref<10016x16xf32, #tpu.memory_space<vmem_shared>>
    tpu.wait_indirect_dma semaphore(%arg24 : memref<!tpu.dma_semaphore, #tpu.memory_space<semaphore_mem>>) src(%dma_wait3A_219 : memref<10016x16xf32, #tpu.memory_space<vmem_shared>>) dst(%arg14 : memref<128x16xf32, #tpu.memory_space<vmem>>)
    %dma_start3A_220 = arith.constant 6 : i32
    %dma_start3A_221 = arith.constant 0 : i32
    %dma_start3A_222 = tpu.memref_slice %arg7[%dma_start3A_220, %dma_start3A_221] : memref<160x128xi32, #tpu.memory_space<vmem>> -> memref<1x128xi32, #tpu.memory_space<vmem>>
    %dma_start3A_223 = tpu.memref_squeeze %dma_start3A_222 : memref<1x128xi32, #tpu.memory_space<vmem>> -> memref<128xi32, #tpu.memory_space<vmem>>
    %dma_start3A_224 = arith.constant 0 : i32
    %dma_start3A_225 = arith.constant 0 : i32
    %dma_start3A_226 = tpu.memref_slice %arg17[%dma_start3A_224, %dma_start3A_225] : memref<10016x16xf32, #tpu.memory_space<vmem_shared>> -> memref<10016x16xf32, #tpu.memory_space<vmem_shared>>
    tpu.enqueue_indirect_dma source(%arg14 : memref<128x16xf32, #tpu.memory_space<vmem>>) target(%dma_start3A_226 : memref<10016x16xf32, #tpu.memory_space<vmem_shared>>) offsets(%dma_start3A_223 : memref<128xi32, #tpu.memory_space<vmem>>) semaphore(%arg32 : memref<!tpu.dma_semaphore, #tpu.memory_space<semaphore_mem>>) {add = true}
    %dma_wait3A_227 = arith.constant 2 : i32
    %dma_wait3A_228 = arith.constant 0 : i32
    %dma_wait3A_229 = tpu.memref_slice %arg7[%dma_wait3A_227, %dma_wait3A_228] : memref<160x128xi32, #tpu.memory_space<vmem>> -> memref<1x128xi32, #tpu.memory_space<vmem>>
    %dma_wait3A_230 = tpu.memref_squeeze %dma_wait3A_229 : memref<1x128xi32, #tpu.memory_space<vmem>> -> memref<128xi32, #tpu.memory_space<vmem>>
    %dma_wait3A_231 = arith.constant 0 : i32
    %dma_wait3A_232 = arith.constant 0 : i32
    %dma_wait3A_233 = tpu.memref_slice %arg17[%dma_wait3A_231, %dma_wait3A_232] : memref<10016x16xf32, #tpu.memory_space<vmem_shared>> -> memref<10016x16xf32, #tpu.memory_space<vmem_shared>>
    tpu.wait_indirect_dma semaphore(%arg28 : memref<!tpu.dma_semaphore, #tpu.memory_space<semaphore_mem>>) src(%arg10 : memref<128x16xf32, #tpu.memory_space<vmem>>) dst(%dma_wait3A_233 : memref<10016x16xf32, #tpu.memory_space<vmem_shared>>)
    %dma_start3A_234 = arith.constant 10 : i32
    %dma_start3A_235 = arith.constant 0 : i32
    %dma_start3A_236 = tpu.memref_slice %arg6[%dma_start3A_234, %dma_start3A_235] : memref<160x128xi32, #tpu.memory_space<vmem>> -> memref<1x128xi32, #tpu.memory_space<vmem>>
    %dma_start3A_237 = tpu.memref_squeeze %dma_start3A_236 : memref<1x128xi32, #tpu.memory_space<vmem>> -> memref<128xi32, #tpu.memory_space<vmem>>
    %dma_start3A_238 = arith.constant 0 : i32
    %dma_start3A_239 = arith.constant 0 : i32
    %dma_start3A_240 = tpu.memref_slice %arg16[%dma_start3A_238, %dma_start3A_239] : memref<10016x16xf32, #tpu.memory_space<vmem_shared>> -> memref<10016x16xf32, #tpu.memory_space<vmem_shared>>
    tpu.enqueue_indirect_dma source(%dma_start3A_240 : memref<10016x16xf32, #tpu.memory_space<vmem_shared>>) target(%arg10 : memref<128x16xf32, #tpu.memory_space<vmem>>) offsets(%dma_start3A_237 : memref<128xi32, #tpu.memory_space<vmem>>) semaphore(%arg20 : memref<!tpu.dma_semaphore, #tpu.memory_space<semaphore_mem>>)
    %dma_wait3A_241 = arith.constant 7 : i32
    %dma_wait3A_242 = arith.constant 0 : i32
    %dma_wait3A_243 = tpu.memref_slice %arg6[%dma_wait3A_241, %dma_wait3A_242] : memref<160x128xi32, #tpu.memory_space<vmem>> -> memref<1x128xi32, #tpu.memory_space<vmem>>
    %dma_wait3A_244 = tpu.memref_squeeze %dma_wait3A_243 : memref<1x128xi32, #tpu.memory_space<vmem>> -> memref<128xi32, #tpu.memory_space<vmem>>
    %dma_wait3A_245 = arith.constant 0 : i32
    %dma_wait3A_246 = arith.constant 0 : i32
    %dma_wait3A_247 = tpu.memref_slice %arg16[%dma_wait3A_245, %dma_wait3A_246] : memref<10016x16xf32, #tpu.memory_space<vmem_shared>> -> memref<10016x16xf32, #tpu.memory_space<vmem_shared>>
    tpu.wait_indirect_dma semaphore(%arg25 : memref<!tpu.dma_semaphore, #tpu.memory_space<semaphore_mem>>) src(%dma_wait3A_247 : memref<10016x16xf32, #tpu.memory_space<vmem_shared>>) dst(%arg15 : memref<128x16xf32, #tpu.memory_space<vmem>>)
    %dma_start3A_248 = arith.constant 7 : i32
    %dma_start3A_249 = arith.constant 0 : i32
    %dma_start3A_250 = tpu.memref_slice %arg7[%dma_start3A_248, %dma_start3A_249] : memref<160x128xi32, #tpu.memory_space<vmem>> -> memref<1x128xi32, #tpu.memory_space<vmem>>
    %dma_start3A_251 = tpu.memref_squeeze %dma_start3A_250 : memref<1x128xi32, #tpu.memory_space<vmem>> -> memref<128xi32, #tpu.memory_space<vmem>>
    %dma_start3A_252 = arith.constant 0 : i32
    %dma_start3A_253 = arith.constant 0 : i32
    %dma_start3A_254 = tpu.memref_slice %arg17[%dma_start3A_252, %dma_start3A_253] : memref<10016x16xf32, #tpu.memory_space<vmem_shared>> -> memref<10016x16xf32, #tpu.memory_space<vmem_shared>>
    tpu.enqueue_indirect_dma source(%arg15 : memref<128x16xf32, #tpu.memory_space<vmem>>) target(%dma_start3A_254 : memref<10016x16xf32, #tpu.memory_space<vmem_shared>>) offsets(%dma_start3A_251 : memref<128xi32, #tpu.memory_space<vmem>>) semaphore(%arg33 : memref<!tpu.dma_semaphore, #tpu.memory_space<semaphore_mem>>) {add = true}
    %dma_wait3A_255 = arith.constant 3 : i32
    %dma_wait3A_256 = arith.constant 0 : i32
    %dma_wait3A_257 = tpu.memref_slice %arg7[%dma_wait3A_255, %dma_wait3A_256] : memref<160x128xi32, #tpu.memory_space<vmem>> -> memref<1x128xi32, #tpu.memory_space<vmem>>
    %dma_wait3A_258 = tpu.memref_squeeze %dma_wait3A_257 : memref<1x128xi32, #tpu.memory_space<vmem>> -> memref<128xi32, #tpu.memory_space<vmem>>
    %dma_wait3A_259 = arith.constant 0 : i32
    %dma_wait3A_260 = arith.constant 0 : i32
    %dma_wait3A_261 = tpu.memref_slice %arg17[%dma_wait3A_259, %dma_wait3A_260] : memref<10016x16xf32, #tpu.memory_space<vmem_shared>> -> memref<10016x16xf32, #tpu.memory_space<vmem_shared>>
    tpu.wait_indirect_dma semaphore(%arg29 : memref<!tpu.dma_semaphore, #tpu.memory_space<semaphore_mem>>) src(%arg11 : memref<128x16xf32, #tpu.memory_space<vmem>>) dst(%dma_wait3A_261 : memref<10016x16xf32, #tpu.memory_space<vmem_shared>>)
    %dma_start3A_262 = arith.constant 11 : i32
    %dma_start3A_263 = arith.constant 0 : i32
    %dma_start3A_264 = tpu.memref_slice %arg6[%dma_start3A_262, %dma_start3A_263] : memref<160x128xi32, #tpu.memory_space<vmem>> -> memref<1x128xi32, #tpu.memory_space<vmem>>
    %dma_start3A_265 = tpu.memref_squeeze %dma_start3A_264 : memref<1x128xi32, #tpu.memory_space<vmem>> -> memref<128xi32, #tpu.memory_space<vmem>>
    %dma_start3A_266 = arith.constant 0 : i32
    %dma_start3A_267 = arith.constant 0 : i32
    %dma_start3A_268 = tpu.memref_slice %arg16[%dma_start3A_266, %dma_start3A_267] : memref<10016x16xf32, #tpu.memory_space<vmem_shared>> -> memref<10016x16xf32, #tpu.memory_space<vmem_shared>>
    tpu.enqueue_indirect_dma source(%dma_start3A_268 : memref<10016x16xf32, #tpu.memory_space<vmem_shared>>) target(%arg11 : memref<128x16xf32, #tpu.memory_space<vmem>>) offsets(%dma_start3A_265 : memref<128xi32, #tpu.memory_space<vmem>>) semaphore(%arg21 : memref<!tpu.dma_semaphore, #tpu.memory_space<semaphore_mem>>)
    %scan3A = arith.constant 0 : i32
    %scan3A_269 = arith.constant 0 : i32
    %scan3A_270 = arith.constant 19 : i32
    %scan3A_271 = arith.addi %scan3A_269, %scan3A_270 : i32
    %scan3A_272 = arith.constant 1 : i32
    scf.for %scan3A_335 = %scan3A_269 to %scan3A_271 step %scan3A_272  : i32 {
      %mul3A_336 = arith.constant 8 : i32
      %mul3A_337 = arith.muli %scan3A_335, %mul3A_336 : i32
      %add3A = arith.constant 8 : i32
      %add3A_338 = arith.addi %add3A, %mul3A_337 : i32
      %add3A_339 = arith.constant 0 : i32
      %add3A_340 = arith.addi %add3A_338, %add3A_339 : i32
      %dma_wait3A_341 = arith.constant 0 : i32
      %dma_wait3A_342 = tpu.memref_slice %arg6[%add3A_340, %dma_wait3A_341] : memref<160x128xi32, #tpu.memory_space<vmem>> -> memref<1x128xi32, #tpu.memory_space<vmem>>
      %dma_wait3A_343 = tpu.memref_squeeze %dma_wait3A_342 : memref<1x128xi32, #tpu.memory_space<vmem>> -> memref<128xi32, #tpu.memory_space<vmem>>
      %dma_wait3A_344 = arith.constant 0 : i32
      %dma_wait3A_345 = arith.constant 0 : i32
      %dma_wait3A_346 = tpu.memref_slice %arg16[%dma_wait3A_344, %dma_wait3A_345] : memref<10016x16xf32, #tpu.memory_space<vmem_shared>> -> memref<10016x16xf32, #tpu.memory_space<vmem_shared>>
      tpu.wait_indirect_dma semaphore(%arg18 : memref<!tpu.dma_semaphore, #tpu.memory_space<semaphore_mem>>) src(%dma_wait3A_346 : memref<10016x16xf32, #tpu.memory_space<vmem_shared>>) dst(%arg8 : memref<128x16xf32, #tpu.memory_space<vmem>>)
      %dma_start3A_347 = arith.constant 0 : i32
      %dma_start3A_348 = tpu.memref_slice %arg7[%add3A_340, %dma_start3A_347] : memref<160x128xi32, #tpu.memory_space<vmem>> -> memref<1x128xi32, #tpu.memory_space<vmem>>
      %dma_start3A_349 = tpu.memref_squeeze %dma_start3A_348 : memref<1x128xi32, #tpu.memory_space<vmem>> -> memref<128xi32, #tpu.memory_space<vmem>>
      %dma_start3A_350 = arith.constant 0 : i32
      %dma_start3A_351 = arith.constant 0 : i32
      %dma_start3A_352 = tpu.memref_slice %arg17[%dma_start3A_350, %dma_start3A_351] : memref<10016x16xf32, #tpu.memory_space<vmem_shared>> -> memref<10016x16xf32, #tpu.memory_space<vmem_shared>>
      tpu.enqueue_indirect_dma source(%arg8 : memref<128x16xf32, #tpu.memory_space<vmem>>) target(%dma_start3A_352 : memref<10016x16xf32, #tpu.memory_space<vmem_shared>>) offsets(%dma_start3A_349 : memref<128xi32, #tpu.memory_space<vmem>>) semaphore(%arg26 : memref<!tpu.dma_semaphore, #tpu.memory_space<semaphore_mem>>) {add = true}
      %sub3A = arith.constant 4 : i32
      %sub3A_353 = arith.subi %add3A_340, %sub3A : i32
      %dma_wait3A_354 = arith.constant 0 : i32
      %dma_wait3A_355 = tpu.memref_slice %arg7[%sub3A_353, %dma_wait3A_354] : memref<160x128xi32, #tpu.memory_space<vmem>> -> memref<1x128xi32, #tpu.memory_space<vmem>>
      %dma_wait3A_356 = tpu.memref_squeeze %dma_wait3A_355 : memref<1x128xi32, #tpu.memory_space<vmem>> -> memref<128xi32, #tpu.memory_space<vmem>>
      %dma_wait3A_357 = arith.constant 0 : i32
      %dma_wait3A_358 = arith.constant 0 : i32
      %dma_wait3A_359 = tpu.memref_slice %arg17[%dma_wait3A_357, %dma_wait3A_358] : memref<10016x16xf32, #tpu.memory_space<vmem_shared>> -> memref<10016x16xf32, #tpu.memory_space<vmem_shared>>
      tpu.wait_indirect_dma semaphore(%arg30 : memref<!tpu.dma_semaphore, #tpu.memory_space<semaphore_mem>>) src(%arg12 : memref<128x16xf32, #tpu.memory_space<vmem>>) dst(%dma_wait3A_359 : memref<10016x16xf32, #tpu.memory_space<vmem_shared>>)
      %add3A_360 = arith.constant 4 : i32
      %add3A_361 = arith.addi %add3A_340, %add3A_360 : i32
      %min3A = arith.constant 159 : i32
      %min3A_362 = arith.minsi %add3A_361, %min3A : i32
      %dma_start3A_363 = arith.constant 0 : i32
      %dma_start3A_364 = tpu.memref_slice %arg6[%min3A_362, %dma_start3A_363] : memref<160x128xi32, #tpu.memory_space<vmem>> -> memref<1x128xi32, #tpu.memory_space<vmem>>
      %dma_start3A_365 = tpu.memref_squeeze %dma_start3A_364 : memref<1x128xi32, #tpu.memory_space<vmem>> -> memref<128xi32, #tpu.memory_space<vmem>>
      %dma_start3A_366 = arith.constant 0 : i32
      %dma_start3A_367 = arith.constant 0 : i32
      %dma_start3A_368 = tpu.memref_slice %arg16[%dma_start3A_366, %dma_start3A_367] : memref<10016x16xf32, #tpu.memory_space<vmem_shared>> -> memref<10016x16xf32, #tpu.memory_space<vmem_shared>>
      tpu.enqueue_indirect_dma source(%dma_start3A_368 : memref<10016x16xf32, #tpu.memory_space<vmem_shared>>) target(%arg12 : memref<128x16xf32, #tpu.memory_space<vmem>>) offsets(%dma_start3A_365 : memref<128xi32, #tpu.memory_space<vmem>>) semaphore(%arg22 : memref<!tpu.dma_semaphore, #tpu.memory_space<semaphore_mem>>)
      %add3A_369 = arith.constant 1 : i32
      %add3A_370 = arith.addi %add3A_338, %add3A_369 : i32
      %dma_wait3A_371 = arith.constant 0 : i32
      %dma_wait3A_372 = tpu.memref_slice %arg6[%add3A_370, %dma_wait3A_371] : memref<160x128xi32, #tpu.memory_space<vmem>> -> memref<1x128xi32, #tpu.memory_space<vmem>>
      %dma_wait3A_373 = tpu.memref_squeeze %dma_wait3A_372 : memref<1x128xi32, #tpu.memory_space<vmem>> -> memref<128xi32, #tpu.memory_space<vmem>>
      %dma_wait3A_374 = arith.constant 0 : i32
      %dma_wait3A_375 = arith.constant 0 : i32
      %dma_wait3A_376 = tpu.memref_slice %arg16[%dma_wait3A_374, %dma_wait3A_375] : memref<10016x16xf32, #tpu.memory_space<vmem_shared>> -> memref<10016x16xf32, #tpu.memory_space<vmem_shared>>
      tpu.wait_indirect_dma semaphore(%arg19 : memref<!tpu.dma_semaphore, #tpu.memory_space<semaphore_mem>>) src(%dma_wait3A_376 : memref<10016x16xf32, #tpu.memory_space<vmem_shared>>) dst(%arg9 : memref<128x16xf32, #tpu.memory_space<vmem>>)
      %dma_start3A_377 = arith.constant 0 : i32
      %dma_start3A_378 = tpu.memref_slice %arg7[%add3A_370, %dma_start3A_377] : memref<160x128xi32, #tpu.memory_space<vmem>> -> memref<1x128xi32, #tpu.memory_space<vmem>>
      %dma_start3A_379 = tpu.memref_squeeze %dma_start3A_378 : memref<1x128xi32, #tpu.memory_space<vmem>> -> memref<128xi32, #tpu.memory_space<vmem>>
      %dma_start3A_380 = arith.constant 0 : i32
      %dma_start3A_381 = arith.constant 0 : i32
      %dma_start3A_382 = tpu.memref_slice %arg17[%dma_start3A_380, %dma_start3A_381] : memref<10016x16xf32, #tpu.memory_space<vmem_shared>> -> memref<10016x16xf32, #tpu.memory_space<vmem_shared>>
      tpu.enqueue_indirect_dma source(%arg9 : memref<128x16xf32, #tpu.memory_space<vmem>>) target(%dma_start3A_382 : memref<10016x16xf32, #tpu.memory_space<vmem_shared>>) offsets(%dma_start3A_379 : memref<128xi32, #tpu.memory_space<vmem>>) semaphore(%arg27 : memref<!tpu.dma_semaphore, #tpu.memory_space<semaphore_mem>>) {add = true}
      %sub3A_383 = arith.constant 4 : i32
      %sub3A_384 = arith.subi %add3A_370, %sub3A_383 : i32
      %dma_wait3A_385 = arith.constant 0 : i32
      %dma_wait3A_386 = tpu.memref_slice %arg7[%sub3A_384, %dma_wait3A_385] : memref<160x128xi32, #tpu.memory_space<vmem>> -> memref<1x128xi32, #tpu.memory_space<vmem>>
      %dma_wait3A_387 = tpu.memref_squeeze %dma_wait3A_386 : memref<1x128xi32, #tpu.memory_space<vmem>> -> memref<128xi32, #tpu.memory_space<vmem>>
      %dma_wait3A_388 = arith.constant 0 : i32
      %dma_wait3A_389 = arith.constant 0 : i32
      %dma_wait3A_390 = tpu.memref_slice %arg17[%dma_wait3A_388, %dma_wait3A_389] : memref<10016x16xf32, #tpu.memory_space<vmem_shared>> -> memref<10016x16xf32, #tpu.memory_space<vmem_shared>>
      tpu.wait_indirect_dma semaphore(%arg31 : memref<!tpu.dma_semaphore, #tpu.memory_space<semaphore_mem>>) src(%arg13 : memref<128x16xf32, #tpu.memory_space<vmem>>) dst(%dma_wait3A_390 : memref<10016x16xf32, #tpu.memory_space<vmem_shared>>)
      %add3A_391 = arith.constant 4 : i32
      %add3A_392 = arith.addi %add3A_370, %add3A_391 : i32
      %min3A_393 = arith.constant 159 : i32
      %min3A_394 = arith.minsi %add3A_392, %min3A_393 : i32
      %dma_start3A_395 = arith.constant 0 : i32
      %dma_start3A_396 = tpu.memref_slice %arg6[%min3A_394, %dma_start3A_395] : memref<160x128xi32, #tpu.memory_space<vmem>> -> memref<1x128xi32, #tpu.memory_space<vmem>>
      %dma_start3A_397 = tpu.memref_squeeze %dma_start3A_396 : memref<1x128xi32, #tpu.memory_space<vmem>> -> memref<128xi32, #tpu.memory_space<vmem>>
      %dma_start3A_398 = arith.constant 0 : i32
      %dma_start3A_399 = arith.constant 0 : i32
      %dma_start3A_400 = tpu.memref_slice %arg16[%dma_start3A_398, %dma_start3A_399] : memref<10016x16xf32, #tpu.memory_space<vmem_shared>> -> memref<10016x16xf32, #tpu.memory_space<vmem_shared>>
      tpu.enqueue_indirect_dma source(%dma_start3A_400 : memref<10016x16xf32, #tpu.memory_space<vmem_shared>>) target(%arg13 : memref<128x16xf32, #tpu.memory_space<vmem>>) offsets(%dma_start3A_397 : memref<128xi32, #tpu.memory_space<vmem>>) semaphore(%arg23 : memref<!tpu.dma_semaphore, #tpu.memory_space<semaphore_mem>>)
      %add3A_401 = arith.constant 2 : i32
      %add3A_402 = arith.addi %add3A_338, %add3A_401 : i32
      %dma_wait3A_403 = arith.constant 0 : i32
      %dma_wait3A_404 = tpu.memref_slice %arg6[%add3A_402, %dma_wait3A_403] : memref<160x128xi32, #tpu.memory_space<vmem>> -> memref<1x128xi32, #tpu.memory_space<vmem>>
      %dma_wait3A_405 = tpu.memref_squeeze %dma_wait3A_404 : memref<1x128xi32, #tpu.memory_space<vmem>> -> memref<128xi32, #tpu.memory_space<vmem>>
      %dma_wait3A_406 = arith.constant 0 : i32
      %dma_wait3A_407 = arith.constant 0 : i32
      %dma_wait3A_408 = tpu.memref_slice %arg16[%dma_wait3A_406, %dma_wait3A_407] : memref<10016x16xf32, #tpu.memory_space<vmem_shared>> -> memref<10016x16xf32, #tpu.memory_space<vmem_shared>>
      tpu.wait_indirect_dma semaphore(%arg20 : memref<!tpu.dma_semaphore, #tpu.memory_space<semaphore_mem>>) src(%dma_wait3A_408 : memref<10016x16xf32, #tpu.memory_space<vmem_shared>>) dst(%arg10 : memref<128x16xf32, #tpu.memory_space<vmem>>)
      %dma_start3A_409 = arith.constant 0 : i32
      %dma_start3A_410 = tpu.memref_slice %arg7[%add3A_402, %dma_start3A_409] : memref<160x128xi32, #tpu.memory_space<vmem>> -> memref<1x128xi32, #tpu.memory_space<vmem>>
      %dma_start3A_411 = tpu.memref_squeeze %dma_start3A_410 : memref<1x128xi32, #tpu.memory_space<vmem>> -> memref<128xi32, #tpu.memory_space<vmem>>
      %dma_start3A_412 = arith.constant 0 : i32
      %dma_start3A_413 = arith.constant 0 : i32
      %dma_start3A_414 = tpu.memref_slice %arg17[%dma_start3A_412, %dma_start3A_413] : memref<10016x16xf32, #tpu.memory_space<vmem_shared>> -> memref<10016x16xf32, #tpu.memory_space<vmem_shared>>
      tpu.enqueue_indirect_dma source(%arg10 : memref<128x16xf32, #tpu.memory_space<vmem>>) target(%dma_start3A_414 : memref<10016x16xf32, #tpu.memory_space<vmem_shared>>) offsets(%dma_start3A_411 : memref<128xi32, #tpu.memory_space<vmem>>) semaphore(%arg28 : memref<!tpu.dma_semaphore, #tpu.memory_space<semaphore_mem>>) {add = true}
      %sub3A_415 = arith.constant 4 : i32
      %sub3A_416 = arith.subi %add3A_402, %sub3A_415 : i32
      %dma_wait3A_417 = arith.constant 0 : i32
      %dma_wait3A_418 = tpu.memref_slice %arg7[%sub3A_416, %dma_wait3A_417] : memref<160x128xi32, #tpu.memory_space<vmem>> -> memref<1x128xi32, #tpu.memory_space<vmem>>
      %dma_wait3A_419 = tpu.memref_squeeze %dma_wait3A_418 : memref<1x128xi32, #tpu.memory_space<vmem>> -> memref<128xi32, #tpu.memory_space<vmem>>
      %dma_wait3A_420 = arith.constant 0 : i32
      %dma_wait3A_421 = arith.constant 0 : i32
      %dma_wait3A_422 = tpu.memref_slice %arg17[%dma_wait3A_420, %dma_wait3A_421] : memref<10016x16xf32, #tpu.memory_space<vmem_shared>> -> memref<10016x16xf32, #tpu.memory_space<vmem_shared>>
      tpu.wait_indirect_dma semaphore(%arg32 : memref<!tpu.dma_semaphore, #tpu.memory_space<semaphore_mem>>) src(%arg14 : memref<128x16xf32, #tpu.memory_space<vmem>>) dst(%dma_wait3A_422 : memref<10016x16xf32, #tpu.memory_space<vmem_shared>>)
      %add3A_423 = arith.constant 4 : i32
      %add3A_424 = arith.addi %add3A_402, %add3A_423 : i32
      %min3A_425 = arith.constant 159 : i32
      %min3A_426 = arith.minsi %add3A_424, %min3A_425 : i32
      %dma_start3A_427 = arith.constant 0 : i32
      %dma_start3A_428 = tpu.memref_slice %arg6[%min3A_426, %dma_start3A_427] : memref<160x128xi32, #tpu.memory_space<vmem>> -> memref<1x128xi32, #tpu.memory_space<vmem>>
      %dma_start3A_429 = tpu.memref_squeeze %dma_start3A_428 : memref<1x128xi32, #tpu.memory_space<vmem>> -> memref<128xi32, #tpu.memory_space<vmem>>
      %dma_start3A_430 = arith.constant 0 : i32
      %dma_start3A_431 = arith.constant 0 : i32
      %dma_start3A_432 = tpu.memref_slice %arg16[%dma_start3A_430, %dma_start3A_431] : memref<10016x16xf32, #tpu.memory_space<vmem_shared>> -> memref<10016x16xf32, #tpu.memory_space<vmem_shared>>
      tpu.enqueue_indirect_dma source(%dma_start3A_432 : memref<10016x16xf32, #tpu.memory_space<vmem_shared>>) target(%arg14 : memref<128x16xf32, #tpu.memory_space<vmem>>) offsets(%dma_start3A_429 : memref<128xi32, #tpu.memory_space<vmem>>) semaphore(%arg24 : memref<!tpu.dma_semaphore, #tpu.memory_space<semaphore_mem>>)
      %add3A_433 = arith.constant 3 : i32
      %add3A_434 = arith.addi %add3A_338, %add3A_433 : i32
      %dma_wait3A_435 = arith.constant 0 : i32
      %dma_wait3A_436 = tpu.memref_slice %arg6[%add3A_434, %dma_wait3A_435] : memref<160x128xi32, #tpu.memory_space<vmem>> -> memref<1x128xi32, #tpu.memory_space<vmem>>
      %dma_wait3A_437 = tpu.memref_squeeze %dma_wait3A_436 : memref<1x128xi32, #tpu.memory_space<vmem>> -> memref<128xi32, #tpu.memory_space<vmem>>
      %dma_wait3A_438 = arith.constant 0 : i32
      %dma_wait3A_439 = arith.constant 0 : i32
      %dma_wait3A_440 = tpu.memref_slice %arg16[%dma_wait3A_438, %dma_wait3A_439] : memref<10016x16xf32, #tpu.memory_space<vmem_shared>> -> memref<10016x16xf32, #tpu.memory_space<vmem_shared>>
      tpu.wait_indirect_dma semaphore(%arg21 : memref<!tpu.dma_semaphore, #tpu.memory_space<semaphore_mem>>) src(%dma_wait3A_440 : memref<10016x16xf32, #tpu.memory_space<vmem_shared>>) dst(%arg11 : memref<128x16xf32, #tpu.memory_space<vmem>>)
      %dma_start3A_441 = arith.constant 0 : i32
      %dma_start3A_442 = tpu.memref_slice %arg7[%add3A_434, %dma_start3A_441] : memref<160x128xi32, #tpu.memory_space<vmem>> -> memref<1x128xi32, #tpu.memory_space<vmem>>
      %dma_start3A_443 = tpu.memref_squeeze %dma_start3A_442 : memref<1x128xi32, #tpu.memory_space<vmem>> -> memref<128xi32, #tpu.memory_space<vmem>>
      %dma_start3A_444 = arith.constant 0 : i32
      %dma_start3A_445 = arith.constant 0 : i32
      %dma_start3A_446 = tpu.memref_slice %arg17[%dma_start3A_444, %dma_start3A_445] : memref<10016x16xf32, #tpu.memory_space<vmem_shared>> -> memref<10016x16xf32, #tpu.memory_space<vmem_shared>>
      tpu.enqueue_indirect_dma source(%arg11 : memref<128x16xf32, #tpu.memory_space<vmem>>) target(%dma_start3A_446 : memref<10016x16xf32, #tpu.memory_space<vmem_shared>>) offsets(%dma_start3A_443 : memref<128xi32, #tpu.memory_space<vmem>>) semaphore(%arg29 : memref<!tpu.dma_semaphore, #tpu.memory_space<semaphore_mem>>) {add = true}
      %sub3A_447 = arith.constant 4 : i32
      %sub3A_448 = arith.subi %add3A_434, %sub3A_447 : i32
      %dma_wait3A_449 = arith.constant 0 : i32
      %dma_wait3A_450 = tpu.memref_slice %arg7[%sub3A_448, %dma_wait3A_449] : memref<160x128xi32, #tpu.memory_space<vmem>> -> memref<1x128xi32, #tpu.memory_space<vmem>>
      %dma_wait3A_451 = tpu.memref_squeeze %dma_wait3A_450 : memref<1x128xi32, #tpu.memory_space<vmem>> -> memref<128xi32, #tpu.memory_space<vmem>>
      %dma_wait3A_452 = arith.constant 0 : i32
      %dma_wait3A_453 = arith.constant 0 : i32
      %dma_wait3A_454 = tpu.memref_slice %arg17[%dma_wait3A_452, %dma_wait3A_453] : memref<10016x16xf32, #tpu.memory_space<vmem_shared>> -> memref<10016x16xf32, #tpu.memory_space<vmem_shared>>
      tpu.wait_indirect_dma semaphore(%arg33 : memref<!tpu.dma_semaphore, #tpu.memory_space<semaphore_mem>>) src(%arg15 : memref<128x16xf32, #tpu.memory_space<vmem>>) dst(%dma_wait3A_454 : memref<10016x16xf32, #tpu.memory_space<vmem_shared>>)
      %add3A_455 = arith.constant 4 : i32
      %add3A_456 = arith.addi %add3A_434, %add3A_455 : i32
      %min3A_457 = arith.constant 159 : i32
      %min3A_458 = arith.minsi %add3A_456, %min3A_457 : i32
      %dma_start3A_459 = arith.constant 0 : i32
      %dma_start3A_460 = tpu.memref_slice %arg6[%min3A_458, %dma_start3A_459] : memref<160x128xi32, #tpu.memory_space<vmem>> -> memref<1x128xi32, #tpu.memory_space<vmem>>
      %dma_start3A_461 = tpu.memref_squeeze %dma_start3A_460 : memref<1x128xi32, #tpu.memory_space<vmem>> -> memref<128xi32, #tpu.memory_space<vmem>>
      %dma_start3A_462 = arith.constant 0 : i32
      %dma_start3A_463 = arith.constant 0 : i32
      %dma_start3A_464 = tpu.memref_slice %arg16[%dma_start3A_462, %dma_start3A_463] : memref<10016x16xf32, #tpu.memory_space<vmem_shared>> -> memref<10016x16xf32, #tpu.memory_space<vmem_shared>>
      tpu.enqueue_indirect_dma source(%dma_start3A_464 : memref<10016x16xf32, #tpu.memory_space<vmem_shared>>) target(%arg15 : memref<128x16xf32, #tpu.memory_space<vmem>>) offsets(%dma_start3A_461 : memref<128xi32, #tpu.memory_space<vmem>>) semaphore(%arg25 : memref<!tpu.dma_semaphore, #tpu.memory_space<semaphore_mem>>)
      %add3A_465 = arith.constant 4 : i32
      %add3A_466 = arith.addi %add3A_338, %add3A_465 : i32
      %dma_wait3A_467 = arith.constant 0 : i32
      %dma_wait3A_468 = tpu.memref_slice %arg6[%add3A_466, %dma_wait3A_467] : memref<160x128xi32, #tpu.memory_space<vmem>> -> memref<1x128xi32, #tpu.memory_space<vmem>>
      %dma_wait3A_469 = tpu.memref_squeeze %dma_wait3A_468 : memref<1x128xi32, #tpu.memory_space<vmem>> -> memref<128xi32, #tpu.memory_space<vmem>>
      %dma_wait3A_470 = arith.constant 0 : i32
      %dma_wait3A_471 = arith.constant 0 : i32
      %dma_wait3A_472 = tpu.memref_slice %arg16[%dma_wait3A_470, %dma_wait3A_471] : memref<10016x16xf32, #tpu.memory_space<vmem_shared>> -> memref<10016x16xf32, #tpu.memory_space<vmem_shared>>
      tpu.wait_indirect_dma semaphore(%arg22 : memref<!tpu.dma_semaphore, #tpu.memory_space<semaphore_mem>>) src(%dma_wait3A_472 : memref<10016x16xf32, #tpu.memory_space<vmem_shared>>) dst(%arg12 : memref<128x16xf32, #tpu.memory_space<vmem>>)
      %dma_start3A_473 = arith.constant 0 : i32
      %dma_start3A_474 = tpu.memref_slice %arg7[%add3A_466, %dma_start3A_473] : memref<160x128xi32, #tpu.memory_space<vmem>> -> memref<1x128xi32, #tpu.memory_space<vmem>>
      %dma_start3A_475 = tpu.memref_squeeze %dma_start3A_474 : memref<1x128xi32, #tpu.memory_space<vmem>> -> memref<128xi32, #tpu.memory_space<vmem>>
      %dma_start3A_476 = arith.constant 0 : i32
      %dma_start3A_477 = arith.constant 0 : i32
      %dma_start3A_478 = tpu.memref_slice %arg17[%dma_start3A_476, %dma_start3A_477] : memref<10016x16xf32, #tpu.memory_space<vmem_shared>> -> memref<10016x16xf32, #tpu.memory_space<vmem_shared>>
      tpu.enqueue_indirect_dma source(%arg12 : memref<128x16xf32, #tpu.memory_space<vmem>>) target(%dma_start3A_478 : memref<10016x16xf32, #tpu.memory_space<vmem_shared>>) offsets(%dma_start3A_475 : memref<128xi32, #tpu.memory_space<vmem>>) semaphore(%arg30 : memref<!tpu.dma_semaphore, #tpu.memory_space<semaphore_mem>>) {add = true}
      %sub3A_479 = arith.constant 4 : i32
      %sub3A_480 = arith.subi %add3A_466, %sub3A_479 : i32
      %dma_wait3A_481 = arith.constant 0 : i32
      %dma_wait3A_482 = tpu.memref_slice %arg7[%sub3A_480, %dma_wait3A_481] : memref<160x128xi32, #tpu.memory_space<vmem>> -> memref<1x128xi32, #tpu.memory_space<vmem>>
      %dma_wait3A_483 = tpu.memref_squeeze %dma_wait3A_482 : memref<1x128xi32, #tpu.memory_space<vmem>> -> memref<128xi32, #tpu.memory_space<vmem>>
      %dma_wait3A_484 = arith.constant 0 : i32
      %dma_wait3A_485 = arith.constant 0 : i32
      %dma_wait3A_486 = tpu.memref_slice %arg17[%dma_wait3A_484, %dma_wait3A_485] : memref<10016x16xf32, #tpu.memory_space<vmem_shared>> -> memref<10016x16xf32, #tpu.memory_space<vmem_shared>>
      tpu.wait_indirect_dma semaphore(%arg26 : memref<!tpu.dma_semaphore, #tpu.memory_space<semaphore_mem>>) src(%arg8 : memref<128x16xf32, #tpu.memory_space<vmem>>) dst(%dma_wait3A_486 : memref<10016x16xf32, #tpu.memory_space<vmem_shared>>)
      %add3A_487 = arith.constant 4 : i32
      %add3A_488 = arith.addi %add3A_466, %add3A_487 : i32
      %min3A_489 = arith.constant 159 : i32
      %min3A_490 = arith.minsi %add3A_488, %min3A_489 : i32
      %dma_start3A_491 = arith.constant 0 : i32
      %dma_start3A_492 = tpu.memref_slice %arg6[%min3A_490, %dma_start3A_491] : memref<160x128xi32, #tpu.memory_space<vmem>> -> memref<1x128xi32, #tpu.memory_space<vmem>>
      %dma_start3A_493 = tpu.memref_squeeze %dma_start3A_492 : memref<1x128xi32, #tpu.memory_space<vmem>> -> memref<128xi32, #tpu.memory_space<vmem>>
      %dma_start3A_494 = arith.constant 0 : i32
      %dma_start3A_495 = arith.constant 0 : i32
      %dma_start3A_496 = tpu.memref_slice %arg16[%dma_start3A_494, %dma_start3A_495] : memref<10016x16xf32, #tpu.memory_space<vmem_shared>> -> memref<10016x16xf32, #tpu.memory_space<vmem_shared>>
      tpu.enqueue_indirect_dma source(%dma_start3A_496 : memref<10016x16xf32, #tpu.memory_space<vmem_shared>>) target(%arg8 : memref<128x16xf32, #tpu.memory_space<vmem>>) offsets(%dma_start3A_493 : memref<128xi32, #tpu.memory_space<vmem>>) semaphore(%arg18 : memref<!tpu.dma_semaphore, #tpu.memory_space<semaphore_mem>>)
      %add3A_497 = arith.constant 5 : i32
      %add3A_498 = arith.addi %add3A_338, %add3A_497 : i32
      %dma_wait3A_499 = arith.constant 0 : i32
      %dma_wait3A_500 = tpu.memref_slice %arg6[%add3A_498, %dma_wait3A_499] : memref<160x128xi32, #tpu.memory_space<vmem>> -> memref<1x128xi32, #tpu.memory_space<vmem>>
      %dma_wait3A_501 = tpu.memref_squeeze %dma_wait3A_500 : memref<1x128xi32, #tpu.memory_space<vmem>> -> memref<128xi32, #tpu.memory_space<vmem>>
      %dma_wait3A_502 = arith.constant 0 : i32
      %dma_wait3A_503 = arith.constant 0 : i32
      %dma_wait3A_504 = tpu.memref_slice %arg16[%dma_wait3A_502, %dma_wait3A_503] : memref<10016x16xf32, #tpu.memory_space<vmem_shared>> -> memref<10016x16xf32, #tpu.memory_space<vmem_shared>>
      tpu.wait_indirect_dma semaphore(%arg23 : memref<!tpu.dma_semaphore, #tpu.memory_space<semaphore_mem>>) src(%dma_wait3A_504 : memref<10016x16xf32, #tpu.memory_space<vmem_shared>>) dst(%arg13 : memref<128x16xf32, #tpu.memory_space<vmem>>)
      %dma_start3A_505 = arith.constant 0 : i32
      %dma_start3A_506 = tpu.memref_slice %arg7[%add3A_498, %dma_start3A_505] : memref<160x128xi32, #tpu.memory_space<vmem>> -> memref<1x128xi32, #tpu.memory_space<vmem>>
      %dma_start3A_507 = tpu.memref_squeeze %dma_start3A_506 : memref<1x128xi32, #tpu.memory_space<vmem>> -> memref<128xi32, #tpu.memory_space<vmem>>
      %dma_start3A_508 = arith.constant 0 : i32
      %dma_start3A_509 = arith.constant 0 : i32
      %dma_start3A_510 = tpu.memref_slice %arg17[%dma_start3A_508, %dma_start3A_509] : memref<10016x16xf32, #tpu.memory_space<vmem_shared>> -> memref<10016x16xf32, #tpu.memory_space<vmem_shared>>
      tpu.enqueue_indirect_dma source(%arg13 : memref<128x16xf32, #tpu.memory_space<vmem>>) target(%dma_start3A_510 : memref<10016x16xf32, #tpu.memory_space<vmem_shared>>) offsets(%dma_start3A_507 : memref<128xi32, #tpu.memory_space<vmem>>) semaphore(%arg31 : memref<!tpu.dma_semaphore, #tpu.memory_space<semaphore_mem>>) {add = true}
      %sub3A_511 = arith.constant 4 : i32
      %sub3A_512 = arith.subi %add3A_498, %sub3A_511 : i32
      %dma_wait3A_513 = arith.constant 0 : i32
      %dma_wait3A_514 = tpu.memref_slice %arg7[%sub3A_512, %dma_wait3A_513] : memref<160x128xi32, #tpu.memory_space<vmem>> -> memref<1x128xi32, #tpu.memory_space<vmem>>
      %dma_wait3A_515 = tpu.memref_squeeze %dma_wait3A_514 : memref<1x128xi32, #tpu.memory_space<vmem>> -> memref<128xi32, #tpu.memory_space<vmem>>
      %dma_wait3A_516 = arith.constant 0 : i32
      %dma_wait3A_517 = arith.constant 0 : i32
      %dma_wait3A_518 = tpu.memref_slice %arg17[%dma_wait3A_516, %dma_wait3A_517] : memref<10016x16xf32, #tpu.memory_space<vmem_shared>> -> memref<10016x16xf32, #tpu.memory_space<vmem_shared>>
      tpu.wait_indirect_dma semaphore(%arg27 : memref<!tpu.dma_semaphore, #tpu.memory_space<semaphore_mem>>) src(%arg9 : memref<128x16xf32, #tpu.memory_space<vmem>>) dst(%dma_wait3A_518 : memref<10016x16xf32, #tpu.memory_space<vmem_shared>>)
      %add3A_519 = arith.constant 4 : i32
      %add3A_520 = arith.addi %add3A_498, %add3A_519 : i32
      %min3A_521 = arith.constant 159 : i32
      %min3A_522 = arith.minsi %add3A_520, %min3A_521 : i32
      %dma_start3A_523 = arith.constant 0 : i32
      %dma_start3A_524 = tpu.memref_slice %arg6[%min3A_522, %dma_start3A_523] : memref<160x128xi32, #tpu.memory_space<vmem>> -> memref<1x128xi32, #tpu.memory_space<vmem>>
      %dma_start3A_525 = tpu.memref_squeeze %dma_start3A_524 : memref<1x128xi32, #tpu.memory_space<vmem>> -> memref<128xi32, #tpu.memory_space<vmem>>
      %dma_start3A_526 = arith.constant 0 : i32
      %dma_start3A_527 = arith.constant 0 : i32
      %dma_start3A_528 = tpu.memref_slice %arg16[%dma_start3A_526, %dma_start3A_527] : memref<10016x16xf32, #tpu.memory_space<vmem_shared>> -> memref<10016x16xf32, #tpu.memory_space<vmem_shared>>
      tpu.enqueue_indirect_dma source(%dma_start3A_528 : memref<10016x16xf32, #tpu.memory_space<vmem_shared>>) target(%arg9 : memref<128x16xf32, #tpu.memory_space<vmem>>) offsets(%dma_start3A_525 : memref<128xi32, #tpu.memory_space<vmem>>) semaphore(%arg19 : memref<!tpu.dma_semaphore, #tpu.memory_space<semaphore_mem>>)
      %add3A_529 = arith.constant 6 : i32
      %add3A_530 = arith.addi %add3A_338, %add3A_529 : i32
      %dma_wait3A_531 = arith.constant 0 : i32
      %dma_wait3A_532 = tpu.memref_slice %arg6[%add3A_530, %dma_wait3A_531] : memref<160x128xi32, #tpu.memory_space<vmem>> -> memref<1x128xi32, #tpu.memory_space<vmem>>
      %dma_wait3A_533 = tpu.memref_squeeze %dma_wait3A_532 : memref<1x128xi32, #tpu.memory_space<vmem>> -> memref<128xi32, #tpu.memory_space<vmem>>
      %dma_wait3A_534 = arith.constant 0 : i32
      %dma_wait3A_535 = arith.constant 0 : i32
      %dma_wait3A_536 = tpu.memref_slice %arg16[%dma_wait3A_534, %dma_wait3A_535] : memref<10016x16xf32, #tpu.memory_space<vmem_shared>> -> memref<10016x16xf32, #tpu.memory_space<vmem_shared>>
      tpu.wait_indirect_dma semaphore(%arg24 : memref<!tpu.dma_semaphore, #tpu.memory_space<semaphore_mem>>) src(%dma_wait3A_536 : memref<10016x16xf32, #tpu.memory_space<vmem_shared>>) dst(%arg14 : memref<128x16xf32, #tpu.memory_space<vmem>>)
      %dma_start3A_537 = arith.constant 0 : i32
      %dma_start3A_538 = tpu.memref_slice %arg7[%add3A_530, %dma_start3A_537] : memref<160x128xi32, #tpu.memory_space<vmem>> -> memref<1x128xi32, #tpu.memory_space<vmem>>
      %dma_start3A_539 = tpu.memref_squeeze %dma_start3A_538 : memref<1x128xi32, #tpu.memory_space<vmem>> -> memref<128xi32, #tpu.memory_space<vmem>>
      %dma_start3A_540 = arith.constant 0 : i32
      %dma_start3A_541 = arith.constant 0 : i32
      %dma_start3A_542 = tpu.memref_slice %arg17[%dma_start3A_540, %dma_start3A_541] : memref<10016x16xf32, #tpu.memory_space<vmem_shared>> -> memref<10016x16xf32, #tpu.memory_space<vmem_shared>>
      tpu.enqueue_indirect_dma source(%arg14 : memref<128x16xf32, #tpu.memory_space<vmem>>) target(%dma_start3A_542 : memref<10016x16xf32, #tpu.memory_space<vmem_shared>>) offsets(%dma_start3A_539 : memref<128xi32, #tpu.memory_space<vmem>>) semaphore(%arg32 : memref<!tpu.dma_semaphore, #tpu.memory_space<semaphore_mem>>) {add = true}
      %sub3A_543 = arith.constant 4 : i32
      %sub3A_544 = arith.subi %add3A_530, %sub3A_543 : i32
      %dma_wait3A_545 = arith.constant 0 : i32
      %dma_wait3A_546 = tpu.memref_slice %arg7[%sub3A_544, %dma_wait3A_545] : memref<160x128xi32, #tpu.memory_space<vmem>> -> memref<1x128xi32, #tpu.memory_space<vmem>>
      %dma_wait3A_547 = tpu.memref_squeeze %dma_wait3A_546 : memref<1x128xi32, #tpu.memory_space<vmem>> -> memref<128xi32, #tpu.memory_space<vmem>>
      %dma_wait3A_548 = arith.constant 0 : i32
      %dma_wait3A_549 = arith.constant 0 : i32
      %dma_wait3A_550 = tpu.memref_slice %arg17[%dma_wait3A_548, %dma_wait3A_549] : memref<10016x16xf32, #tpu.memory_space<vmem_shared>> -> memref<10016x16xf32, #tpu.memory_space<vmem_shared>>
      tpu.wait_indirect_dma semaphore(%arg28 : memref<!tpu.dma_semaphore, #tpu.memory_space<semaphore_mem>>) src(%arg10 : memref<128x16xf32, #tpu.memory_space<vmem>>) dst(%dma_wait3A_550 : memref<10016x16xf32, #tpu.memory_space<vmem_shared>>)
      %add3A_551 = arith.constant 4 : i32
      %add3A_552 = arith.addi %add3A_530, %add3A_551 : i32
      %min3A_553 = arith.constant 159 : i32
      %min3A_554 = arith.minsi %add3A_552, %min3A_553 : i32
      %dma_start3A_555 = arith.constant 0 : i32
      %dma_start3A_556 = tpu.memref_slice %arg6[%min3A_554, %dma_start3A_555] : memref<160x128xi32, #tpu.memory_space<vmem>> -> memref<1x128xi32, #tpu.memory_space<vmem>>
      %dma_start3A_557 = tpu.memref_squeeze %dma_start3A_556 : memref<1x128xi32, #tpu.memory_space<vmem>> -> memref<128xi32, #tpu.memory_space<vmem>>
      %dma_start3A_558 = arith.constant 0 : i32
      %dma_start3A_559 = arith.constant 0 : i32
      %dma_start3A_560 = tpu.memref_slice %arg16[%dma_start3A_558, %dma_start3A_559] : memref<10016x16xf32, #tpu.memory_space<vmem_shared>> -> memref<10016x16xf32, #tpu.memory_space<vmem_shared>>
      tpu.enqueue_indirect_dma source(%dma_start3A_560 : memref<10016x16xf32, #tpu.memory_space<vmem_shared>>) target(%arg10 : memref<128x16xf32, #tpu.memory_space<vmem>>) offsets(%dma_start3A_557 : memref<128xi32, #tpu.memory_space<vmem>>) semaphore(%arg20 : memref<!tpu.dma_semaphore, #tpu.memory_space<semaphore_mem>>)
      %add3A_561 = arith.constant 7 : i32
      %add3A_562 = arith.addi %add3A_338, %add3A_561 : i32
      %dma_wait3A_563 = arith.constant 0 : i32
      %dma_wait3A_564 = tpu.memref_slice %arg6[%add3A_562, %dma_wait3A_563] : memref<160x128xi32, #tpu.memory_space<vmem>> -> memref<1x128xi32, #tpu.memory_space<vmem>>
      %dma_wait3A_565 = tpu.memref_squeeze %dma_wait3A_564 : memref<1x128xi32, #tpu.memory_space<vmem>> -> memref<128xi32, #tpu.memory_space<vmem>>
      %dma_wait3A_566 = arith.constant 0 : i32
      %dma_wait3A_567 = arith.constant 0 : i32
      %dma_wait3A_568 = tpu.memref_slice %arg16[%dma_wait3A_566, %dma_wait3A_567] : memref<10016x16xf32, #tpu.memory_space<vmem_shared>> -> memref<10016x16xf32, #tpu.memory_space<vmem_shared>>
      tpu.wait_indirect_dma semaphore(%arg25 : memref<!tpu.dma_semaphore, #tpu.memory_space<semaphore_mem>>) src(%dma_wait3A_568 : memref<10016x16xf32, #tpu.memory_space<vmem_shared>>) dst(%arg15 : memref<128x16xf32, #tpu.memory_space<vmem>>)
      %dma_start3A_569 = arith.constant 0 : i32
      %dma_start3A_570 = tpu.memref_slice %arg7[%add3A_562, %dma_start3A_569] : memref<160x128xi32, #tpu.memory_space<vmem>> -> memref<1x128xi32, #tpu.memory_space<vmem>>
      %dma_start3A_571 = tpu.memref_squeeze %dma_start3A_570 : memref<1x128xi32, #tpu.memory_space<vmem>> -> memref<128xi32, #tpu.memory_space<vmem>>
      %dma_start3A_572 = arith.constant 0 : i32
      %dma_start3A_573 = arith.constant 0 : i32
      %dma_start3A_574 = tpu.memref_slice %arg17[%dma_start3A_572, %dma_start3A_573] : memref<10016x16xf32, #tpu.memory_space<vmem_shared>> -> memref<10016x16xf32, #tpu.memory_space<vmem_shared>>
      tpu.enqueue_indirect_dma source(%arg15 : memref<128x16xf32, #tpu.memory_space<vmem>>) target(%dma_start3A_574 : memref<10016x16xf32, #tpu.memory_space<vmem_shared>>) offsets(%dma_start3A_571 : memref<128xi32, #tpu.memory_space<vmem>>) semaphore(%arg33 : memref<!tpu.dma_semaphore, #tpu.memory_space<semaphore_mem>>) {add = true}
      %sub3A_575 = arith.constant 4 : i32
      %sub3A_576 = arith.subi %add3A_562, %sub3A_575 : i32
      %dma_wait3A_577 = arith.constant 0 : i32
      %dma_wait3A_578 = tpu.memref_slice %arg7[%sub3A_576, %dma_wait3A_577] : memref<160x128xi32, #tpu.memory_space<vmem>> -> memref<1x128xi32, #tpu.memory_space<vmem>>
      %dma_wait3A_579 = tpu.memref_squeeze %dma_wait3A_578 : memref<1x128xi32, #tpu.memory_space<vmem>> -> memref<128xi32, #tpu.memory_space<vmem>>
      %dma_wait3A_580 = arith.constant 0 : i32
      %dma_wait3A_581 = arith.constant 0 : i32
      %dma_wait3A_582 = tpu.memref_slice %arg17[%dma_wait3A_580, %dma_wait3A_581] : memref<10016x16xf32, #tpu.memory_space<vmem_shared>> -> memref<10016x16xf32, #tpu.memory_space<vmem_shared>>
      tpu.wait_indirect_dma semaphore(%arg29 : memref<!tpu.dma_semaphore, #tpu.memory_space<semaphore_mem>>) src(%arg11 : memref<128x16xf32, #tpu.memory_space<vmem>>) dst(%dma_wait3A_582 : memref<10016x16xf32, #tpu.memory_space<vmem_shared>>)
      %add3A_583 = arith.constant 4 : i32
      %add3A_584 = arith.addi %add3A_562, %add3A_583 : i32
      %min3A_585 = arith.constant 159 : i32
      %min3A_586 = arith.minsi %add3A_584, %min3A_585 : i32
      %dma_start3A_587 = arith.constant 0 : i32
      %dma_start3A_588 = tpu.memref_slice %arg6[%min3A_586, %dma_start3A_587] : memref<160x128xi32, #tpu.memory_space<vmem>> -> memref<1x128xi32, #tpu.memory_space<vmem>>
      %dma_start3A_589 = tpu.memref_squeeze %dma_start3A_588 : memref<1x128xi32, #tpu.memory_space<vmem>> -> memref<128xi32, #tpu.memory_space<vmem>>
      %dma_start3A_590 = arith.constant 0 : i32
      %dma_start3A_591 = arith.constant 0 : i32
      %dma_start3A_592 = tpu.memref_slice %arg16[%dma_start3A_590, %dma_start3A_591] : memref<10016x16xf32, #tpu.memory_space<vmem_shared>> -> memref<10016x16xf32, #tpu.memory_space<vmem_shared>>
      tpu.enqueue_indirect_dma source(%dma_start3A_592 : memref<10016x16xf32, #tpu.memory_space<vmem_shared>>) target(%arg11 : memref<128x16xf32, #tpu.memory_space<vmem>>) offsets(%dma_start3A_589 : memref<128xi32, #tpu.memory_space<vmem>>) semaphore(%arg21 : memref<!tpu.dma_semaphore, #tpu.memory_space<semaphore_mem>>)
    }
    %scan3A_273 = arith.constant 19 : i32
    %dma_wait3A_274 = arith.constant 159 : i32
    %dma_wait3A_275 = arith.constant 0 : i32
    %dma_wait3A_276 = tpu.memref_slice %arg6[%dma_wait3A_274, %dma_wait3A_275] : memref<160x128xi32, #tpu.memory_space<vmem>> -> memref<1x128xi32, #tpu.memory_space<vmem>>
    %dma_wait3A_277 = tpu.memref_squeeze %dma_wait3A_276 : memref<1x128xi32, #tpu.memory_space<vmem>> -> memref<128xi32, #tpu.memory_space<vmem>>
    %dma_wait3A_278 = arith.constant 0 : i32
    %dma_wait3A_279 = arith.constant 0 : i32
    %dma_wait3A_280 = tpu.memref_slice %arg16[%dma_wait3A_278, %dma_wait3A_279] : memref<10016x16xf32, #tpu.memory_space<vmem_shared>> -> memref<10016x16xf32, #tpu.memory_space<vmem_shared>>
    tpu.wait_indirect_dma semaphore(%arg18 : memref<!tpu.dma_semaphore, #tpu.memory_space<semaphore_mem>>) src(%dma_wait3A_280 : memref<10016x16xf32, #tpu.memory_space<vmem_shared>>) dst(%arg8 : memref<128x16xf32, #tpu.memory_space<vmem>>)
    %dma_wait3A_281 = arith.constant 156 : i32
    %dma_wait3A_282 = arith.constant 0 : i32
    %dma_wait3A_283 = tpu.memref_slice %arg7[%dma_wait3A_281, %dma_wait3A_282] : memref<160x128xi32, #tpu.memory_space<vmem>> -> memref<1x128xi32, #tpu.memory_space<vmem>>
    %dma_wait3A_284 = tpu.memref_squeeze %dma_wait3A_283 : memref<1x128xi32, #tpu.memory_space<vmem>> -> memref<128xi32, #tpu.memory_space<vmem>>
    %dma_wait3A_285 = arith.constant 0 : i32
    %dma_wait3A_286 = arith.constant 0 : i32
    %dma_wait3A_287 = tpu.memref_slice %arg17[%dma_wait3A_285, %dma_wait3A_286] : memref<10016x16xf32, #tpu.memory_space<vmem_shared>> -> memref<10016x16xf32, #tpu.memory_space<vmem_shared>>
    tpu.wait_indirect_dma semaphore(%arg30 : memref<!tpu.dma_semaphore, #tpu.memory_space<semaphore_mem>>) src(%arg12 : memref<128x16xf32, #tpu.memory_space<vmem>>) dst(%dma_wait3A_287 : memref<10016x16xf32, #tpu.memory_space<vmem_shared>>)
    %dma_wait3A_288 = arith.constant 159 : i32
    %dma_wait3A_289 = arith.constant 0 : i32
    %dma_wait3A_290 = tpu.memref_slice %arg6[%dma_wait3A_288, %dma_wait3A_289] : memref<160x128xi32, #tpu.memory_space<vmem>> -> memref<1x128xi32, #tpu.memory_space<vmem>>
    %dma_wait3A_291 = tpu.memref_squeeze %dma_wait3A_290 : memref<1x128xi32, #tpu.memory_space<vmem>> -> memref<128xi32, #tpu.memory_space<vmem>>
    %dma_wait3A_292 = arith.constant 0 : i32
    %dma_wait3A_293 = arith.constant 0 : i32
    %dma_wait3A_294 = tpu.memref_slice %arg16[%dma_wait3A_292, %dma_wait3A_293] : memref<10016x16xf32, #tpu.memory_space<vmem_shared>> -> memref<10016x16xf32, #tpu.memory_space<vmem_shared>>
    tpu.wait_indirect_dma semaphore(%arg19 : memref<!tpu.dma_semaphore, #tpu.memory_space<semaphore_mem>>) src(%dma_wait3A_294 : memref<10016x16xf32, #tpu.memory_space<vmem_shared>>) dst(%arg9 : memref<128x16xf32, #tpu.memory_space<vmem>>)
    %dma_wait3A_295 = arith.constant 157 : i32
    %dma_wait3A_296 = arith.constant 0 : i32
    %dma_wait3A_297 = tpu.memref_slice %arg7[%dma_wait3A_295, %dma_wait3A_296] : memref<160x128xi32, #tpu.memory_space<vmem>> -> memref<1x128xi32, #tpu.memory_space<vmem>>
    %dma_wait3A_298 = tpu.memref_squeeze %dma_wait3A_297 : memref<1x128xi32, #tpu.memory_space<vmem>> -> memref<128xi32, #tpu.memory_space<vmem>>
    %dma_wait3A_299 = arith.constant 0 : i32
    %dma_wait3A_300 = arith.constant 0 : i32
    %dma_wait3A_301 = tpu.memref_slice %arg17[%dma_wait3A_299, %dma_wait3A_300] : memref<10016x16xf32, #tpu.memory_space<vmem_shared>> -> memref<10016x16xf32, #tpu.memory_space<vmem_shared>>
    tpu.wait_indirect_dma semaphore(%arg31 : memref<!tpu.dma_semaphore, #tpu.memory_space<semaphore_mem>>) src(%arg13 : memref<128x16xf32, #tpu.memory_space<vmem>>) dst(%dma_wait3A_301 : memref<10016x16xf32, #tpu.memory_space<vmem_shared>>)
    %dma_wait3A_302 = arith.constant 159 : i32
    %dma_wait3A_303 = arith.constant 0 : i32
    %dma_wait3A_304 = tpu.memref_slice %arg6[%dma_wait3A_302, %dma_wait3A_303] : memref<160x128xi32, #tpu.memory_space<vmem>> -> memref<1x128xi32, #tpu.memory_space<vmem>>
    %dma_wait3A_305 = tpu.memref_squeeze %dma_wait3A_304 : memref<1x128xi32, #tpu.memory_space<vmem>> -> memref<128xi32, #tpu.memory_space<vmem>>
    %dma_wait3A_306 = arith.constant 0 : i32
    %dma_wait3A_307 = arith.constant 0 : i32
    %dma_wait3A_308 = tpu.memref_slice %arg16[%dma_wait3A_306, %dma_wait3A_307] : memref<10016x16xf32, #tpu.memory_space<vmem_shared>> -> memref<10016x16xf32, #tpu.memory_space<vmem_shared>>
    tpu.wait_indirect_dma semaphore(%arg20 : memref<!tpu.dma_semaphore, #tpu.memory_space<semaphore_mem>>) src(%dma_wait3A_308 : memref<10016x16xf32, #tpu.memory_space<vmem_shared>>) dst(%arg10 : memref<128x16xf32, #tpu.memory_space<vmem>>)
    %dma_wait3A_309 = arith.constant 158 : i32
    %dma_wait3A_310 = arith.constant 0 : i32
    %dma_wait3A_311 = tpu.memref_slice %arg7[%dma_wait3A_309, %dma_wait3A_310] : memref<160x128xi32, #tpu.memory_space<vmem>> -> memref<1x128xi32, #tpu.memory_space<vmem>>
    %dma_wait3A_312 = tpu.memref_squeeze %dma_wait3A_311 : memref<1x128xi32, #tpu.memory_space<vmem>> -> memref<128xi32, #tpu.memory_space<vmem>>
    %dma_wait3A_313 = arith.constant 0 : i32
    %dma_wait3A_314 = arith.constant 0 : i32
    %dma_wait3A_315 = tpu.memref_slice %arg17[%dma_wait3A_313, %dma_wait3A_314] : memref<10016x16xf32, #tpu.memory_space<vmem_shared>> -> memref<10016x16xf32, #tpu.memory_space<vmem_shared>>
    tpu.wait_indirect_dma semaphore(%arg32 : memref<!tpu.dma_semaphore, #tpu.memory_space<semaphore_mem>>) src(%arg14 : memref<128x16xf32, #tpu.memory_space<vmem>>) dst(%dma_wait3A_315 : memref<10016x16xf32, #tpu.memory_space<vmem_shared>>)
    %dma_wait3A_316 = arith.constant 159 : i32
    %dma_wait3A_317 = arith.constant 0 : i32
    %dma_wait3A_318 = tpu.memref_slice %arg6[%dma_wait3A_316, %dma_wait3A_317] : memref<160x128xi32, #tpu.memory_space<vmem>> -> memref<1x128xi32, #tpu.memory_space<vmem>>
    %dma_wait3A_319 = tpu.memref_squeeze %dma_wait3A_318 : memref<1x128xi32, #tpu.memory_space<vmem>> -> memref<128xi32, #tpu.memory_space<vmem>>
    %dma_wait3A_320 = arith.constant 0 : i32
    %dma_wait3A_321 = arith.constant 0 : i32
    %dma_wait3A_322 = tpu.memref_slice %arg16[%dma_wait3A_320, %dma_wait3A_321] : memref<10016x16xf32, #tpu.memory_space<vmem_shared>> -> memref<10016x16xf32, #tpu.memory_space<vmem_shared>>
    tpu.wait_indirect_dma semaphore(%arg21 : memref<!tpu.dma_semaphore, #tpu.memory_space<semaphore_mem>>) src(%dma_wait3A_322 : memref<10016x16xf32, #tpu.memory_space<vmem_shared>>) dst(%arg11 : memref<128x16xf32, #tpu.memory_space<vmem>>)
    %dma_wait3A_323 = arith.constant 159 : i32
    %dma_wait3A_324 = arith.constant 0 : i32
    %dma_wait3A_325 = tpu.memref_slice %arg7[%dma_wait3A_323, %dma_wait3A_324] : memref<160x128xi32, #tpu.memory_space<vmem>> -> memref<1x128xi32, #tpu.memory_space<vmem>>
    %dma_wait3A_326 = tpu.memref_squeeze %dma_wait3A_325 : memref<1x128xi32, #tpu.memory_space<vmem>> -> memref<128xi32, #tpu.memory_space<vmem>>
    %dma_wait3A_327 = arith.constant 0 : i32
    %dma_wait3A_328 = arith.constant 0 : i32
    %dma_wait3A_329 = tpu.memref_slice %arg17[%dma_wait3A_327, %dma_wait3A_328] : memref<10016x16xf32, #tpu.memory_space<vmem_shared>> -> memref<10016x16xf32, #tpu.memory_space<vmem_shared>>
    tpu.wait_indirect_dma semaphore(%arg33 : memref<!tpu.dma_semaphore, #tpu.memory_space<semaphore_mem>>) src(%arg15 : memref<128x16xf32, #tpu.memory_space<vmem>>) dst(%dma_wait3A_329 : memref<10016x16xf32, #tpu.memory_space<vmem_shared>>)
    %barrier3A_330 = arith.constant 0 : index
    tpu.barrier barrier_id(%barrier3A_330)
    %mul3A_331 = arith.constant 626 : i32
    %mul3A_332 = arith.muli %arg1, %mul3A_331 : i32
    %mul3A_333 = arith.constant 626 : i32
    %mul3A_334 = arith.muli %arg1, %mul3A_333 : i32
    "tpu.region"() ({
      %run_scoped3A = tpu.sem_alloc : memref<!tpu.dma_semaphore, #tpu.memory_space<semaphore_mem>>
      %dma_start3A_335 = tpu.memref_slice %arg5[%mul3A_334, %mul3A_0] : memref<10016x32xf32, #tpu.memory_space<hbm>> -> memref<626x16xf32, #tpu.memory_space<hbm>>
      %dma_start3A_336 = arith.constant 0 : i32
      %dma_start3A_337 = tpu.memref_slice %arg17[%mul3A_332, %dma_start3A_336] : memref<10016x16xf32, #tpu.memory_space<vmem_shared>> -> memref<626x16xf32, #tpu.memory_space<vmem_shared>>
      tpu.enqueue_dma source(%dma_start3A_337 : memref<626x16xf32, #tpu.memory_space<vmem_shared>>) target(%dma_start3A_335 : memref<626x16xf32, #tpu.memory_space<hbm>>) target_semaphore(%run_scoped3A : memref<!tpu.dma_semaphore, #tpu.memory_space<semaphore_mem>>)
      %dma_wait3A_338 = tpu.memref_slice %arg5[%mul3A_334, %mul3A_0] : memref<10016x32xf32, #tpu.memory_space<hbm>> -> memref<626x16xf32, #tpu.memory_space<hbm>>
      %dma_wait3A_339 = arith.constant 0 : i32
      %dma_wait3A_340 = tpu.memref_slice %arg17[%mul3A_332, %dma_wait3A_339] : memref<10016x16xf32, #tpu.memory_space<vmem_shared>> -> memref<626x16xf32, #tpu.memory_space<vmem_shared>>
      tpu.wait_dma2 semaphore(%run_scoped3A : memref<!tpu.dma_semaphore, #tpu.memory_space<semaphore_mem>>) src(%dma_wait3A_340 : memref<626x16xf32, #tpu.memory_space<vmem_shared>>) dst(%dma_wait3A_338 : memref<626x16xf32, #tpu.memory_space<hbm>>)
      tpu.yield
    }) : () -> ()
    return
  }
}

#map = affine_map<(d0, d1) -> (0, 0)>
#map1 = affine_map<(d0, d1) -> (0, 0, 0)>
module attributes {stable_mosaic.version = 14 : i64} {
  func.func @conv(%arg0: i32, %arg1: i32, %arg2: memref<10016x64xf32, #tpu.memory_space<hbm>>, %arg3: memref<16x160x128xi32, #tpu.memory_space<hbm>>, %arg4: memref<16x160x128xi32, #tpu.memory_space<hbm>>, %arg5: memref<10016x64xf32, #tpu.memory_space<hbm>>, %arg6: memref<160x128xi32, #tpu.memory_space<vmem>>, %arg7: memref<160x128xi32, #tpu.memory_space<vmem>>, %arg8: memref<128x32xf32, #tpu.memory_space<vmem>>, %arg9: memref<128x32xf32, #tpu.memory_space<vmem>>, %arg10: memref<128x32xf32, #tpu.memory_space<vmem>>, %arg11: memref<128x32xf32, #tpu.memory_space<vmem>>, %arg12: memref<128x32xf32, #tpu.memory_space<vmem>>, %arg13: memref<128x32xf32, #tpu.memory_space<vmem>>, %arg14: memref<128x32xf32, #tpu.memory_space<vmem>>, %arg15: memref<128x32xf32, #tpu.memory_space<vmem>>, %arg16: memref<10016x32xf32, #tpu.memory_space<vmem_shared>>, %arg17: memref<10016x32xf32, #tpu.memory_space<vmem_shared>>, %arg18: memref<!tpu.dma_semaphore, #tpu.memory_space<semaphore_mem>>, %arg19: memref<!tpu.dma_semaphore, #tpu.memory_space<semaphore_mem>>, %arg20: memref<!tpu.dma_semaphore, #tpu.memory_space<semaphore_mem>>, %arg21: memref<!tpu.dma_semaphore, #tpu.memory_space<semaphore_mem>>, %arg22: memref<!tpu.dma_semaphore, #tpu.memory_space<semaphore_mem>>, %arg23: memref<!tpu.dma_semaphore, #tpu.memory_space<semaphore_mem>>, %arg24: memref<!tpu.dma_semaphore, #tpu.memory_space<semaphore_mem>>, %arg25: memref<!tpu.dma_semaphore, #tpu.memory_space<semaphore_mem>>, %arg26: memref<!tpu.dma_semaphore, #tpu.memory_space<semaphore_mem>>, %arg27: memref<!tpu.dma_semaphore, #tpu.memory_space<semaphore_mem>>, %arg28: memref<!tpu.dma_semaphore, #tpu.memory_space<semaphore_mem>>, %arg29: memref<!tpu.dma_semaphore, #tpu.memory_space<semaphore_mem>>, %arg30: memref<!tpu.dma_semaphore, #tpu.memory_space<semaphore_mem>>, %arg31: memref<!tpu.dma_semaphore, #tpu.memory_space<semaphore_mem>>, %arg32: memref<!tpu.dma_semaphore, #tpu.memory_space<semaphore_mem>>, %arg33: memref<!tpu.dma_semaphore, #tpu.memory_space<semaphore_mem>>) attributes {dimension_semantics = [#tpu.dimension_semantics<core_parallel>, #tpu.dimension_semantics<subcore_parallel>], iteration_bounds = array<i64: 2, 16>, scalar_prefetch = 0 : i64, scratch_operands = 28 : i64, tpu.core_type = #tpu.core_type<sc_vector_subcore>, window_params = [{transform_indices = #map}, {transform_indices = #map1}, {transform_indices = #map1}, {transform_indices = #map}]} {
    %mul3A = arith.constant 32 : i32
    %mul3A_0 = arith.muli %arg0, %mul3A : i32
    %mul3A_1 = arith.constant 626 : i32
    %mul3A_2 = arith.muli %arg1, %mul3A_1 : i32
    %dma_start3A = arith.constant 0 : i32
    %dma_start3A_3 = arith.constant 0 : i32
    %dma_start3A_4 = tpu.memref_slice %arg3[%arg1, %dma_start3A, %dma_start3A_3] : memref<16x160x128xi32, #tpu.memory_space<hbm>> -> memref<1x160x128xi32, #tpu.memory_space<hbm>>
    %dma_start3A_5 = tpu.memref_squeeze %dma_start3A_4 : memref<1x160x128xi32, #tpu.memory_space<hbm>> -> memref<160x128xi32, #tpu.memory_space<hbm>>
    %dma_start3A_6 = arith.constant 0 : i32
    %dma_start3A_7 = arith.constant 0 : i32
    %dma_start3A_8 = tpu.memref_slice %arg3[%arg1, %dma_start3A_6, %dma_start3A_7] : memref<16x160x128xi32, #tpu.memory_space<hbm>> -> memref<1x160x128xi32, #tpu.memory_space<hbm>>
    %dma_start3A_9 = tpu.memref_squeeze %dma_start3A_8 : memref<1x160x128xi32, #tpu.memory_space<hbm>> -> memref<160x128xi32, #tpu.memory_space<hbm>>
    tpu.enqueue_dma source(%dma_start3A_9 : memref<160x128xi32, #tpu.memory_space<hbm>>) target(%arg6 : memref<160x128xi32, #tpu.memory_space<vmem>>) target_semaphore(%arg18 : memref<!tpu.dma_semaphore, #tpu.memory_space<semaphore_mem>>)
    %dma_start3A_10 = arith.constant 0 : i32
    %dma_start3A_11 = arith.constant 0 : i32
    %dma_start3A_12 = tpu.memref_slice %arg4[%arg1, %dma_start3A_10, %dma_start3A_11] : memref<16x160x128xi32, #tpu.memory_space<hbm>> -> memref<1x160x128xi32, #tpu.memory_space<hbm>>
    %dma_start3A_13 = tpu.memref_squeeze %dma_start3A_12 : memref<1x160x128xi32, #tpu.memory_space<hbm>> -> memref<160x128xi32, #tpu.memory_space<hbm>>
    %dma_start3A_14 = arith.constant 0 : i32
    %dma_start3A_15 = arith.constant 0 : i32
    %dma_start3A_16 = tpu.memref_slice %arg4[%arg1, %dma_start3A_14, %dma_start3A_15] : memref<16x160x128xi32, #tpu.memory_space<hbm>> -> memref<1x160x128xi32, #tpu.memory_space<hbm>>
    %dma_start3A_17 = tpu.memref_squeeze %dma_start3A_16 : memref<1x160x128xi32, #tpu.memory_space<hbm>> -> memref<160x128xi32, #tpu.memory_space<hbm>>
    tpu.enqueue_dma source(%dma_start3A_17 : memref<160x128xi32, #tpu.memory_space<hbm>>) target(%arg7 : memref<160x128xi32, #tpu.memory_space<vmem>>) target_semaphore(%arg19 : memref<!tpu.dma_semaphore, #tpu.memory_space<semaphore_mem>>)
    %dma_start3A_18 = arith.constant 0 : i32
    %dma_start3A_19 = tpu.memref_slice %arg16[%mul3A_2, %dma_start3A_18] : memref<10016x32xf32, #tpu.memory_space<vmem_shared>> -> memref<626x32xf32, #tpu.memory_space<vmem_shared>>
    %dma_start3A_20 = tpu.memref_slice %arg2[%mul3A_2, %mul3A_0] : memref<10016x64xf32, #tpu.memory_space<hbm>> -> memref<626x32xf32, #tpu.memory_space<hbm>>
    tpu.enqueue_dma source(%dma_start3A_20 : memref<626x32xf32, #tpu.memory_space<hbm>>) target(%dma_start3A_19 : memref<626x32xf32, #tpu.memory_space<vmem_shared>>) target_semaphore(%arg20 : memref<!tpu.dma_semaphore, #tpu.memory_space<semaphore_mem>>)
    %dma_start3A_21 = arith.constant 0 : i32
    %dma_start3A_22 = tpu.memref_slice %arg17[%mul3A_2, %dma_start3A_21] : memref<10016x32xf32, #tpu.memory_space<vmem_shared>> -> memref<626x32xf32, #tpu.memory_space<vmem_shared>>
    %dma_start3A_23 = tpu.memref_slice %arg2[%mul3A_2, %mul3A_0] : memref<10016x64xf32, #tpu.memory_space<hbm>> -> memref<626x32xf32, #tpu.memory_space<hbm>>
    tpu.enqueue_dma source(%dma_start3A_23 : memref<626x32xf32, #tpu.memory_space<hbm>>) target(%dma_start3A_22 : memref<626x32xf32, #tpu.memory_space<vmem_shared>>) target_semaphore(%arg21 : memref<!tpu.dma_semaphore, #tpu.memory_space<semaphore_mem>>)
    %dma_wait3A = arith.constant 0 : i32
    %dma_wait3A_24 = arith.constant 0 : i32
    %dma_wait3A_25 = tpu.memref_slice %arg3[%arg1, %dma_wait3A, %dma_wait3A_24] : memref<16x160x128xi32, #tpu.memory_space<hbm>> -> memref<1x160x128xi32, #tpu.memory_space<hbm>>
    %dma_wait3A_26 = tpu.memref_squeeze %dma_wait3A_25 : memref<1x160x128xi32, #tpu.memory_space<hbm>> -> memref<160x128xi32, #tpu.memory_space<hbm>>
    %dma_wait3A_27 = arith.constant 0 : i32
    %dma_wait3A_28 = arith.constant 0 : i32
    %dma_wait3A_29 = tpu.memref_slice %arg3[%arg1, %dma_wait3A_27, %dma_wait3A_28] : memref<16x160x128xi32, #tpu.memory_space<hbm>> -> memref<1x160x128xi32, #tpu.memory_space<hbm>>
    %dma_wait3A_30 = tpu.memref_squeeze %dma_wait3A_29 : memref<1x160x128xi32, #tpu.memory_space<hbm>> -> memref<160x128xi32, #tpu.memory_space<hbm>>
    tpu.wait_dma2 semaphore(%arg18 : memref<!tpu.dma_semaphore, #tpu.memory_space<semaphore_mem>>) src(%dma_wait3A_30 : memref<160x128xi32, #tpu.memory_space<hbm>>) dst(%arg6 : memref<160x128xi32, #tpu.memory_space<vmem>>)
    %dma_wait3A_31 = arith.constant 0 : i32
    %dma_wait3A_32 = arith.constant 0 : i32
    %dma_wait3A_33 = tpu.memref_slice %arg4[%arg1, %dma_wait3A_31, %dma_wait3A_32] : memref<16x160x128xi32, #tpu.memory_space<hbm>> -> memref<1x160x128xi32, #tpu.memory_space<hbm>>
    %dma_wait3A_34 = tpu.memref_squeeze %dma_wait3A_33 : memref<1x160x128xi32, #tpu.memory_space<hbm>> -> memref<160x128xi32, #tpu.memory_space<hbm>>
    %dma_wait3A_35 = arith.constant 0 : i32
    %dma_wait3A_36 = arith.constant 0 : i32
    %dma_wait3A_37 = tpu.memref_slice %arg4[%arg1, %dma_wait3A_35, %dma_wait3A_36] : memref<16x160x128xi32, #tpu.memory_space<hbm>> -> memref<1x160x128xi32, #tpu.memory_space<hbm>>
    %dma_wait3A_38 = tpu.memref_squeeze %dma_wait3A_37 : memref<1x160x128xi32, #tpu.memory_space<hbm>> -> memref<160x128xi32, #tpu.memory_space<hbm>>
    tpu.wait_dma2 semaphore(%arg19 : memref<!tpu.dma_semaphore, #tpu.memory_space<semaphore_mem>>) src(%dma_wait3A_38 : memref<160x128xi32, #tpu.memory_space<hbm>>) dst(%arg7 : memref<160x128xi32, #tpu.memory_space<vmem>>)
    %dma_wait3A_39 = arith.constant 0 : i32
    %dma_wait3A_40 = tpu.memref_slice %arg16[%mul3A_2, %dma_wait3A_39] : memref<10016x32xf32, #tpu.memory_space<vmem_shared>> -> memref<626x32xf32, #tpu.memory_space<vmem_shared>>
    %dma_wait3A_41 = tpu.memref_slice %arg2[%mul3A_2, %mul3A_0] : memref<10016x64xf32, #tpu.memory_space<hbm>> -> memref<626x32xf32, #tpu.memory_space<hbm>>
    tpu.wait_dma2 semaphore(%arg20 : memref<!tpu.dma_semaphore, #tpu.memory_space<semaphore_mem>>) src(%dma_wait3A_41 : memref<626x32xf32, #tpu.memory_space<hbm>>) dst(%dma_wait3A_40 : memref<626x32xf32, #tpu.memory_space<vmem_shared>>)
    %dma_wait3A_42 = arith.constant 0 : i32
    %dma_wait3A_43 = tpu.memref_slice %arg17[%mul3A_2, %dma_wait3A_42] : memref<10016x32xf32, #tpu.memory_space<vmem_shared>> -> memref<626x32xf32, #tpu.memory_space<vmem_shared>>
    %dma_wait3A_44 = tpu.memref_slice %arg2[%mul3A_2, %mul3A_0] : memref<10016x64xf32, #tpu.memory_space<hbm>> -> memref<626x32xf32, #tpu.memory_space<hbm>>
    tpu.wait_dma2 semaphore(%arg21 : memref<!tpu.dma_semaphore, #tpu.memory_space<semaphore_mem>>) src(%dma_wait3A_44 : memref<626x32xf32, #tpu.memory_space<hbm>>) dst(%dma_wait3A_43 : memref<626x32xf32, #tpu.memory_space<vmem_shared>>)
    %barrier3A = arith.constant 0 : index
    tpu.barrier barrier_id(%barrier3A)
    %dma_start3A_45 = arith.constant 0 : i32
    %dma_start3A_46 = arith.constant 0 : i32
    %dma_start3A_47 = tpu.memref_slice %arg6[%dma_start3A_45, %dma_start3A_46] : memref<160x128xi32, #tpu.memory_space<vmem>> -> memref<1x128xi32, #tpu.memory_space<vmem>>
    %dma_start3A_48 = tpu.memref_squeeze %dma_start3A_47 : memref<1x128xi32, #tpu.memory_space<vmem>> -> memref<128xi32, #tpu.memory_space<vmem>>
    %dma_start3A_49 = arith.constant 0 : i32
    %dma_start3A_50 = arith.constant 0 : i32
    %dma_start3A_51 = tpu.memref_slice %arg16[%dma_start3A_49, %dma_start3A_50] : memref<10016x32xf32, #tpu.memory_space<vmem_shared>> -> memref<10016x32xf32, #tpu.memory_space<vmem_shared>>
    tpu.enqueue_indirect_dma source(%dma_start3A_51 : memref<10016x32xf32, #tpu.memory_space<vmem_shared>>) target(%arg8 : memref<128x32xf32, #tpu.memory_space<vmem>>) offsets(%dma_start3A_48 : memref<128xi32, #tpu.memory_space<vmem>>) semaphore(%arg18 : memref<!tpu.dma_semaphore, #tpu.memory_space<semaphore_mem>>)
    %dma_start3A_52 = arith.constant 1 : i32
    %dma_start3A_53 = arith.constant 0 : i32
    %dma_start3A_54 = tpu.memref_slice %arg6[%dma_start3A_52, %dma_start3A_53] : memref<160x128xi32, #tpu.memory_space<vmem>> -> memref<1x128xi32, #tpu.memory_space<vmem>>
    %dma_start3A_55 = tpu.memref_squeeze %dma_start3A_54 : memref<1x128xi32, #tpu.memory_space<vmem>> -> memref<128xi32, #tpu.memory_space<vmem>>
    %dma_start3A_56 = arith.constant 0 : i32
    %dma_start3A_57 = arith.constant 0 : i32
    %dma_start3A_58 = tpu.memref_slice %arg16[%dma_start3A_56, %dma_start3A_57] : memref<10016x32xf32, #tpu.memory_space<vmem_shared>> -> memref<10016x32xf32, #tpu.memory_space<vmem_shared>>
    tpu.enqueue_indirect_dma source(%dma_start3A_58 : memref<10016x32xf32, #tpu.memory_space<vmem_shared>>) target(%arg9 : memref<128x32xf32, #tpu.memory_space<vmem>>) offsets(%dma_start3A_55 : memref<128xi32, #tpu.memory_space<vmem>>) semaphore(%arg19 : memref<!tpu.dma_semaphore, #tpu.memory_space<semaphore_mem>>)
    %dma_start3A_59 = arith.constant 2 : i32
    %dma_start3A_60 = arith.constant 0 : i32
    %dma_start3A_61 = tpu.memref_slice %arg6[%dma_start3A_59, %dma_start3A_60] : memref<160x128xi32, #tpu.memory_space<vmem>> -> memref<1x128xi32, #tpu.memory_space<vmem>>
    %dma_start3A_62 = tpu.memref_squeeze %dma_start3A_61 : memref<1x128xi32, #tpu.memory_space<vmem>> -> memref<128xi32, #tpu.memory_space<vmem>>
    %dma_start3A_63 = arith.constant 0 : i32
    %dma_start3A_64 = arith.constant 0 : i32
    %dma_start3A_65 = tpu.memref_slice %arg16[%dma_start3A_63, %dma_start3A_64] : memref<10016x32xf32, #tpu.memory_space<vmem_shared>> -> memref<10016x32xf32, #tpu.memory_space<vmem_shared>>
    tpu.enqueue_indirect_dma source(%dma_start3A_65 : memref<10016x32xf32, #tpu.memory_space<vmem_shared>>) target(%arg10 : memref<128x32xf32, #tpu.memory_space<vmem>>) offsets(%dma_start3A_62 : memref<128xi32, #tpu.memory_space<vmem>>) semaphore(%arg20 : memref<!tpu.dma_semaphore, #tpu.memory_space<semaphore_mem>>)
    %dma_start3A_66 = arith.constant 3 : i32
    %dma_start3A_67 = arith.constant 0 : i32
    %dma_start3A_68 = tpu.memref_slice %arg6[%dma_start3A_66, %dma_start3A_67] : memref<160x128xi32, #tpu.memory_space<vmem>> -> memref<1x128xi32, #tpu.memory_space<vmem>>
    %dma_start3A_69 = tpu.memref_squeeze %dma_start3A_68 : memref<1x128xi32, #tpu.memory_space<vmem>> -> memref<128xi32, #tpu.memory_space<vmem>>
    %dma_start3A_70 = arith.constant 0 : i32
    %dma_start3A_71 = arith.constant 0 : i32
    %dma_start3A_72 = tpu.memref_slice %arg16[%dma_start3A_70, %dma_start3A_71] : memref<10016x32xf32, #tpu.memory_space<vmem_shared>> -> memref<10016x32xf32, #tpu.memory_space<vmem_shared>>
    tpu.enqueue_indirect_dma source(%dma_start3A_72 : memref<10016x32xf32, #tpu.memory_space<vmem_shared>>) target(%arg11 : memref<128x32xf32, #tpu.memory_space<vmem>>) offsets(%dma_start3A_69 : memref<128xi32, #tpu.memory_space<vmem>>) semaphore(%arg21 : memref<!tpu.dma_semaphore, #tpu.memory_space<semaphore_mem>>)
    %dma_wait3A_73 = arith.constant 0 : i32
    %dma_wait3A_74 = arith.constant 0 : i32
    %dma_wait3A_75 = tpu.memref_slice %arg6[%dma_wait3A_73, %dma_wait3A_74] : memref<160x128xi32, #tpu.memory_space<vmem>> -> memref<1x128xi32, #tpu.memory_space<vmem>>
    %dma_wait3A_76 = tpu.memref_squeeze %dma_wait3A_75 : memref<1x128xi32, #tpu.memory_space<vmem>> -> memref<128xi32, #tpu.memory_space<vmem>>
    %dma_wait3A_77 = arith.constant 0 : i32
    %dma_wait3A_78 = arith.constant 0 : i32
    %dma_wait3A_79 = tpu.memref_slice %arg16[%dma_wait3A_77, %dma_wait3A_78] : memref<10016x32xf32, #tpu.memory_space<vmem_shared>> -> memref<10016x32xf32, #tpu.memory_space<vmem_shared>>
    tpu.wait_indirect_dma semaphore(%arg18 : memref<!tpu.dma_semaphore, #tpu.memory_space<semaphore_mem>>) src(%dma_wait3A_79 : memref<10016x32xf32, #tpu.memory_space<vmem_shared>>) dst(%arg8 : memref<128x32xf32, #tpu.memory_space<vmem>>)
    %dma_start3A_80 = arith.constant 0 : i32
    %dma_start3A_81 = arith.constant 0 : i32
    %dma_start3A_82 = tpu.memref_slice %arg7[%dma_start3A_80, %dma_start3A_81] : memref<160x128xi32, #tpu.memory_space<vmem>> -> memref<1x128xi32, #tpu.memory_space<vmem>>
    %dma_start3A_83 = tpu.memref_squeeze %dma_start3A_82 : memref<1x128xi32, #tpu.memory_space<vmem>> -> memref<128xi32, #tpu.memory_space<vmem>>
    %dma_start3A_84 = arith.constant 0 : i32
    %dma_start3A_85 = arith.constant 0 : i32
    %dma_start3A_86 = tpu.memref_slice %arg17[%dma_start3A_84, %dma_start3A_85] : memref<10016x32xf32, #tpu.memory_space<vmem_shared>> -> memref<10016x32xf32, #tpu.memory_space<vmem_shared>>
    tpu.enqueue_indirect_dma source(%arg8 : memref<128x32xf32, #tpu.memory_space<vmem>>) target(%dma_start3A_86 : memref<10016x32xf32, #tpu.memory_space<vmem_shared>>) offsets(%dma_start3A_83 : memref<128xi32, #tpu.memory_space<vmem>>) semaphore(%arg26 : memref<!tpu.dma_semaphore, #tpu.memory_space<semaphore_mem>>) {add = true}
    %dma_start3A_87 = arith.constant 4 : i32
    %dma_start3A_88 = arith.constant 0 : i32
    %dma_start3A_89 = tpu.memref_slice %arg6[%dma_start3A_87, %dma_start3A_88] : memref<160x128xi32, #tpu.memory_space<vmem>> -> memref<1x128xi32, #tpu.memory_space<vmem>>
    %dma_start3A_90 = tpu.memref_squeeze %dma_start3A_89 : memref<1x128xi32, #tpu.memory_space<vmem>> -> memref<128xi32, #tpu.memory_space<vmem>>
    %dma_start3A_91 = arith.constant 0 : i32
    %dma_start3A_92 = arith.constant 0 : i32
    %dma_start3A_93 = tpu.memref_slice %arg16[%dma_start3A_91, %dma_start3A_92] : memref<10016x32xf32, #tpu.memory_space<vmem_shared>> -> memref<10016x32xf32, #tpu.memory_space<vmem_shared>>
    tpu.enqueue_indirect_dma source(%dma_start3A_93 : memref<10016x32xf32, #tpu.memory_space<vmem_shared>>) target(%arg12 : memref<128x32xf32, #tpu.memory_space<vmem>>) offsets(%dma_start3A_90 : memref<128xi32, #tpu.memory_space<vmem>>) semaphore(%arg22 : memref<!tpu.dma_semaphore, #tpu.memory_space<semaphore_mem>>)
    %dma_wait3A_94 = arith.constant 1 : i32
    %dma_wait3A_95 = arith.constant 0 : i32
    %dma_wait3A_96 = tpu.memref_slice %arg6[%dma_wait3A_94, %dma_wait3A_95] : memref<160x128xi32, #tpu.memory_space<vmem>> -> memref<1x128xi32, #tpu.memory_space<vmem>>
    %dma_wait3A_97 = tpu.memref_squeeze %dma_wait3A_96 : memref<1x128xi32, #tpu.memory_space<vmem>> -> memref<128xi32, #tpu.memory_space<vmem>>
    %dma_wait3A_98 = arith.constant 0 : i32
    %dma_wait3A_99 = arith.constant 0 : i32
    %dma_wait3A_100 = tpu.memref_slice %arg16[%dma_wait3A_98, %dma_wait3A_99] : memref<10016x32xf32, #tpu.memory_space<vmem_shared>> -> memref<10016x32xf32, #tpu.memory_space<vmem_shared>>
    tpu.wait_indirect_dma semaphore(%arg19 : memref<!tpu.dma_semaphore, #tpu.memory_space<semaphore_mem>>) src(%dma_wait3A_100 : memref<10016x32xf32, #tpu.memory_space<vmem_shared>>) dst(%arg9 : memref<128x32xf32, #tpu.memory_space<vmem>>)
    %dma_start3A_101 = arith.constant 1 : i32
    %dma_start3A_102 = arith.constant 0 : i32
    %dma_start3A_103 = tpu.memref_slice %arg7[%dma_start3A_101, %dma_start3A_102] : memref<160x128xi32, #tpu.memory_space<vmem>> -> memref<1x128xi32, #tpu.memory_space<vmem>>
    %dma_start3A_104 = tpu.memref_squeeze %dma_start3A_103 : memref<1x128xi32, #tpu.memory_space<vmem>> -> memref<128xi32, #tpu.memory_space<vmem>>
    %dma_start3A_105 = arith.constant 0 : i32
    %dma_start3A_106 = arith.constant 0 : i32
    %dma_start3A_107 = tpu.memref_slice %arg17[%dma_start3A_105, %dma_start3A_106] : memref<10016x32xf32, #tpu.memory_space<vmem_shared>> -> memref<10016x32xf32, #tpu.memory_space<vmem_shared>>
    tpu.enqueue_indirect_dma source(%arg9 : memref<128x32xf32, #tpu.memory_space<vmem>>) target(%dma_start3A_107 : memref<10016x32xf32, #tpu.memory_space<vmem_shared>>) offsets(%dma_start3A_104 : memref<128xi32, #tpu.memory_space<vmem>>) semaphore(%arg27 : memref<!tpu.dma_semaphore, #tpu.memory_space<semaphore_mem>>) {add = true}
    %dma_start3A_108 = arith.constant 5 : i32
    %dma_start3A_109 = arith.constant 0 : i32
    %dma_start3A_110 = tpu.memref_slice %arg6[%dma_start3A_108, %dma_start3A_109] : memref<160x128xi32, #tpu.memory_space<vmem>> -> memref<1x128xi32, #tpu.memory_space<vmem>>
    %dma_start3A_111 = tpu.memref_squeeze %dma_start3A_110 : memref<1x128xi32, #tpu.memory_space<vmem>> -> memref<128xi32, #tpu.memory_space<vmem>>
    %dma_start3A_112 = arith.constant 0 : i32
    %dma_start3A_113 = arith.constant 0 : i32
    %dma_start3A_114 = tpu.memref_slice %arg16[%dma_start3A_112, %dma_start3A_113] : memref<10016x32xf32, #tpu.memory_space<vmem_shared>> -> memref<10016x32xf32, #tpu.memory_space<vmem_shared>>
    tpu.enqueue_indirect_dma source(%dma_start3A_114 : memref<10016x32xf32, #tpu.memory_space<vmem_shared>>) target(%arg13 : memref<128x32xf32, #tpu.memory_space<vmem>>) offsets(%dma_start3A_111 : memref<128xi32, #tpu.memory_space<vmem>>) semaphore(%arg23 : memref<!tpu.dma_semaphore, #tpu.memory_space<semaphore_mem>>)
    %dma_wait3A_115 = arith.constant 2 : i32
    %dma_wait3A_116 = arith.constant 0 : i32
    %dma_wait3A_117 = tpu.memref_slice %arg6[%dma_wait3A_115, %dma_wait3A_116] : memref<160x128xi32, #tpu.memory_space<vmem>> -> memref<1x128xi32, #tpu.memory_space<vmem>>
    %dma_wait3A_118 = tpu.memref_squeeze %dma_wait3A_117 : memref<1x128xi32, #tpu.memory_space<vmem>> -> memref<128xi32, #tpu.memory_space<vmem>>
    %dma_wait3A_119 = arith.constant 0 : i32
    %dma_wait3A_120 = arith.constant 0 : i32
    %dma_wait3A_121 = tpu.memref_slice %arg16[%dma_wait3A_119, %dma_wait3A_120] : memref<10016x32xf32, #tpu.memory_space<vmem_shared>> -> memref<10016x32xf32, #tpu.memory_space<vmem_shared>>
    tpu.wait_indirect_dma semaphore(%arg20 : memref<!tpu.dma_semaphore, #tpu.memory_space<semaphore_mem>>) src(%dma_wait3A_121 : memref<10016x32xf32, #tpu.memory_space<vmem_shared>>) dst(%arg10 : memref<128x32xf32, #tpu.memory_space<vmem>>)
    %dma_start3A_122 = arith.constant 2 : i32
    %dma_start3A_123 = arith.constant 0 : i32
    %dma_start3A_124 = tpu.memref_slice %arg7[%dma_start3A_122, %dma_start3A_123] : memref<160x128xi32, #tpu.memory_space<vmem>> -> memref<1x128xi32, #tpu.memory_space<vmem>>
    %dma_start3A_125 = tpu.memref_squeeze %dma_start3A_124 : memref<1x128xi32, #tpu.memory_space<vmem>> -> memref<128xi32, #tpu.memory_space<vmem>>
    %dma_start3A_126 = arith.constant 0 : i32
    %dma_start3A_127 = arith.constant 0 : i32
    %dma_start3A_128 = tpu.memref_slice %arg17[%dma_start3A_126, %dma_start3A_127] : memref<10016x32xf32, #tpu.memory_space<vmem_shared>> -> memref<10016x32xf32, #tpu.memory_space<vmem_shared>>
    tpu.enqueue_indirect_dma source(%arg10 : memref<128x32xf32, #tpu.memory_space<vmem>>) target(%dma_start3A_128 : memref<10016x32xf32, #tpu.memory_space<vmem_shared>>) offsets(%dma_start3A_125 : memref<128xi32, #tpu.memory_space<vmem>>) semaphore(%arg28 : memref<!tpu.dma_semaphore, #tpu.memory_space<semaphore_mem>>) {add = true}
    %dma_start3A_129 = arith.constant 6 : i32
    %dma_start3A_130 = arith.constant 0 : i32
    %dma_start3A_131 = tpu.memref_slice %arg6[%dma_start3A_129, %dma_start3A_130] : memref<160x128xi32, #tpu.memory_space<vmem>> -> memref<1x128xi32, #tpu.memory_space<vmem>>
    %dma_start3A_132 = tpu.memref_squeeze %dma_start3A_131 : memref<1x128xi32, #tpu.memory_space<vmem>> -> memref<128xi32, #tpu.memory_space<vmem>>
    %dma_start3A_133 = arith.constant 0 : i32
    %dma_start3A_134 = arith.constant 0 : i32
    %dma_start3A_135 = tpu.memref_slice %arg16[%dma_start3A_133, %dma_start3A_134] : memref<10016x32xf32, #tpu.memory_space<vmem_shared>> -> memref<10016x32xf32, #tpu.memory_space<vmem_shared>>
    tpu.enqueue_indirect_dma source(%dma_start3A_135 : memref<10016x32xf32, #tpu.memory_space<vmem_shared>>) target(%arg14 : memref<128x32xf32, #tpu.memory_space<vmem>>) offsets(%dma_start3A_132 : memref<128xi32, #tpu.memory_space<vmem>>) semaphore(%arg24 : memref<!tpu.dma_semaphore, #tpu.memory_space<semaphore_mem>>)
    %dma_wait3A_136 = arith.constant 3 : i32
    %dma_wait3A_137 = arith.constant 0 : i32
    %dma_wait3A_138 = tpu.memref_slice %arg6[%dma_wait3A_136, %dma_wait3A_137] : memref<160x128xi32, #tpu.memory_space<vmem>> -> memref<1x128xi32, #tpu.memory_space<vmem>>
    %dma_wait3A_139 = tpu.memref_squeeze %dma_wait3A_138 : memref<1x128xi32, #tpu.memory_space<vmem>> -> memref<128xi32, #tpu.memory_space<vmem>>
    %dma_wait3A_140 = arith.constant 0 : i32
    %dma_wait3A_141 = arith.constant 0 : i32
    %dma_wait3A_142 = tpu.memref_slice %arg16[%dma_wait3A_140, %dma_wait3A_141] : memref<10016x32xf32, #tpu.memory_space<vmem_shared>> -> memref<10016x32xf32, #tpu.memory_space<vmem_shared>>
    tpu.wait_indirect_dma semaphore(%arg21 : memref<!tpu.dma_semaphore, #tpu.memory_space<semaphore_mem>>) src(%dma_wait3A_142 : memref<10016x32xf32, #tpu.memory_space<vmem_shared>>) dst(%arg11 : memref<128x32xf32, #tpu.memory_space<vmem>>)
    %dma_start3A_143 = arith.constant 3 : i32
    %dma_start3A_144 = arith.constant 0 : i32
    %dma_start3A_145 = tpu.memref_slice %arg7[%dma_start3A_143, %dma_start3A_144] : memref<160x128xi32, #tpu.memory_space<vmem>> -> memref<1x128xi32, #tpu.memory_space<vmem>>
    %dma_start3A_146 = tpu.memref_squeeze %dma_start3A_145 : memref<1x128xi32, #tpu.memory_space<vmem>> -> memref<128xi32, #tpu.memory_space<vmem>>
    %dma_start3A_147 = arith.constant 0 : i32
    %dma_start3A_148 = arith.constant 0 : i32
    %dma_start3A_149 = tpu.memref_slice %arg17[%dma_start3A_147, %dma_start3A_148] : memref<10016x32xf32, #tpu.memory_space<vmem_shared>> -> memref<10016x32xf32, #tpu.memory_space<vmem_shared>>
    tpu.enqueue_indirect_dma source(%arg11 : memref<128x32xf32, #tpu.memory_space<vmem>>) target(%dma_start3A_149 : memref<10016x32xf32, #tpu.memory_space<vmem_shared>>) offsets(%dma_start3A_146 : memref<128xi32, #tpu.memory_space<vmem>>) semaphore(%arg29 : memref<!tpu.dma_semaphore, #tpu.memory_space<semaphore_mem>>) {add = true}
    %dma_start3A_150 = arith.constant 7 : i32
    %dma_start3A_151 = arith.constant 0 : i32
    %dma_start3A_152 = tpu.memref_slice %arg6[%dma_start3A_150, %dma_start3A_151] : memref<160x128xi32, #tpu.memory_space<vmem>> -> memref<1x128xi32, #tpu.memory_space<vmem>>
    %dma_start3A_153 = tpu.memref_squeeze %dma_start3A_152 : memref<1x128xi32, #tpu.memory_space<vmem>> -> memref<128xi32, #tpu.memory_space<vmem>>
    %dma_start3A_154 = arith.constant 0 : i32
    %dma_start3A_155 = arith.constant 0 : i32
    %dma_start3A_156 = tpu.memref_slice %arg16[%dma_start3A_154, %dma_start3A_155] : memref<10016x32xf32, #tpu.memory_space<vmem_shared>> -> memref<10016x32xf32, #tpu.memory_space<vmem_shared>>
    tpu.enqueue_indirect_dma source(%dma_start3A_156 : memref<10016x32xf32, #tpu.memory_space<vmem_shared>>) target(%arg15 : memref<128x32xf32, #tpu.memory_space<vmem>>) offsets(%dma_start3A_153 : memref<128xi32, #tpu.memory_space<vmem>>) semaphore(%arg25 : memref<!tpu.dma_semaphore, #tpu.memory_space<semaphore_mem>>)
    %dma_wait3A_157 = arith.constant 4 : i32
    %dma_wait3A_158 = arith.constant 0 : i32
    %dma_wait3A_159 = tpu.memref_slice %arg6[%dma_wait3A_157, %dma_wait3A_158] : memref<160x128xi32, #tpu.memory_space<vmem>> -> memref<1x128xi32, #tpu.memory_space<vmem>>
    %dma_wait3A_160 = tpu.memref_squeeze %dma_wait3A_159 : memref<1x128xi32, #tpu.memory_space<vmem>> -> memref<128xi32, #tpu.memory_space<vmem>>
    %dma_wait3A_161 = arith.constant 0 : i32
    %dma_wait3A_162 = arith.constant 0 : i32
    %dma_wait3A_163 = tpu.memref_slice %arg16[%dma_wait3A_161, %dma_wait3A_162] : memref<10016x32xf32, #tpu.memory_space<vmem_shared>> -> memref<10016x32xf32, #tpu.memory_space<vmem_shared>>
    tpu.wait_indirect_dma semaphore(%arg22 : memref<!tpu.dma_semaphore, #tpu.memory_space<semaphore_mem>>) src(%dma_wait3A_163 : memref<10016x32xf32, #tpu.memory_space<vmem_shared>>) dst(%arg12 : memref<128x32xf32, #tpu.memory_space<vmem>>)
    %dma_start3A_164 = arith.constant 4 : i32
    %dma_start3A_165 = arith.constant 0 : i32
    %dma_start3A_166 = tpu.memref_slice %arg7[%dma_start3A_164, %dma_start3A_165] : memref<160x128xi32, #tpu.memory_space<vmem>> -> memref<1x128xi32, #tpu.memory_space<vmem>>
    %dma_start3A_167 = tpu.memref_squeeze %dma_start3A_166 : memref<1x128xi32, #tpu.memory_space<vmem>> -> memref<128xi32, #tpu.memory_space<vmem>>
    %dma_start3A_168 = arith.constant 0 : i32
    %dma_start3A_169 = arith.constant 0 : i32
    %dma_start3A_170 = tpu.memref_slice %arg17[%dma_start3A_168, %dma_start3A_169] : memref<10016x32xf32, #tpu.memory_space<vmem_shared>> -> memref<10016x32xf32, #tpu.memory_space<vmem_shared>>
    tpu.enqueue_indirect_dma source(%arg12 : memref<128x32xf32, #tpu.memory_space<vmem>>) target(%dma_start3A_170 : memref<10016x32xf32, #tpu.memory_space<vmem_shared>>) offsets(%dma_start3A_167 : memref<128xi32, #tpu.memory_space<vmem>>) semaphore(%arg30 : memref<!tpu.dma_semaphore, #tpu.memory_space<semaphore_mem>>) {add = true}
    %dma_wait3A_171 = arith.constant 0 : i32
    %dma_wait3A_172 = arith.constant 0 : i32
    %dma_wait3A_173 = tpu.memref_slice %arg7[%dma_wait3A_171, %dma_wait3A_172] : memref<160x128xi32, #tpu.memory_space<vmem>> -> memref<1x128xi32, #tpu.memory_space<vmem>>
    %dma_wait3A_174 = tpu.memref_squeeze %dma_wait3A_173 : memref<1x128xi32, #tpu.memory_space<vmem>> -> memref<128xi32, #tpu.memory_space<vmem>>
    %dma_wait3A_175 = arith.constant 0 : i32
    %dma_wait3A_176 = arith.constant 0 : i32
    %dma_wait3A_177 = tpu.memref_slice %arg17[%dma_wait3A_175, %dma_wait3A_176] : memref<10016x32xf32, #tpu.memory_space<vmem_shared>> -> memref<10016x32xf32, #tpu.memory_space<vmem_shared>>
    tpu.wait_indirect_dma semaphore(%arg26 : memref<!tpu.dma_semaphore, #tpu.memory_space<semaphore_mem>>) src(%arg8 : memref<128x32xf32, #tpu.memory_space<vmem>>) dst(%dma_wait3A_177 : memref<10016x32xf32, #tpu.memory_space<vmem_shared>>)
    %dma_start3A_178 = arith.constant 8 : i32
    %dma_start3A_179 = arith.constant 0 : i32
    %dma_start3A_180 = tpu.memref_slice %arg6[%dma_start3A_178, %dma_start3A_179] : memref<160x128xi32, #tpu.memory_space<vmem>> -> memref<1x128xi32, #tpu.memory_space<vmem>>
    %dma_start3A_181 = tpu.memref_squeeze %dma_start3A_180 : memref<1x128xi32, #tpu.memory_space<vmem>> -> memref<128xi32, #tpu.memory_space<vmem>>
    %dma_start3A_182 = arith.constant 0 : i32
    %dma_start3A_183 = arith.constant 0 : i32
    %dma_start3A_184 = tpu.memref_slice %arg16[%dma_start3A_182, %dma_start3A_183] : memref<10016x32xf32, #tpu.memory_space<vmem_shared>> -> memref<10016x32xf32, #tpu.memory_space<vmem_shared>>
    tpu.enqueue_indirect_dma source(%dma_start3A_184 : memref<10016x32xf32, #tpu.memory_space<vmem_shared>>) target(%arg8 : memref<128x32xf32, #tpu.memory_space<vmem>>) offsets(%dma_start3A_181 : memref<128xi32, #tpu.memory_space<vmem>>) semaphore(%arg18 : memref<!tpu.dma_semaphore, #tpu.memory_space<semaphore_mem>>)
    %dma_wait3A_185 = arith.constant 5 : i32
    %dma_wait3A_186 = arith.constant 0 : i32
    %dma_wait3A_187 = tpu.memref_slice %arg6[%dma_wait3A_185, %dma_wait3A_186] : memref<160x128xi32, #tpu.memory_space<vmem>> -> memref<1x128xi32, #tpu.memory_space<vmem>>
    %dma_wait3A_188 = tpu.memref_squeeze %dma_wait3A_187 : memref<1x128xi32, #tpu.memory_space<vmem>> -> memref<128xi32, #tpu.memory_space<vmem>>
    %dma_wait3A_189 = arith.constant 0 : i32
    %dma_wait3A_190 = arith.constant 0 : i32
    %dma_wait3A_191 = tpu.memref_slice %arg16[%dma_wait3A_189, %dma_wait3A_190] : memref<10016x32xf32, #tpu.memory_space<vmem_shared>> -> memref<10016x32xf32, #tpu.memory_space<vmem_shared>>
    tpu.wait_indirect_dma semaphore(%arg23 : memref<!tpu.dma_semaphore, #tpu.memory_space<semaphore_mem>>) src(%dma_wait3A_191 : memref<10016x32xf32, #tpu.memory_space<vmem_shared>>) dst(%arg13 : memref<128x32xf32, #tpu.memory_space<vmem>>)
    %dma_start3A_192 = arith.constant 5 : i32
    %dma_start3A_193 = arith.constant 0 : i32
    %dma_start3A_194 = tpu.memref_slice %arg7[%dma_start3A_192, %dma_start3A_193] : memref<160x128xi32, #tpu.memory_space<vmem>> -> memref<1x128xi32, #tpu.memory_space<vmem>>
    %dma_start3A_195 = tpu.memref_squeeze %dma_start3A_194 : memref<1x128xi32, #tpu.memory_space<vmem>> -> memref<128xi32, #tpu.memory_space<vmem>>
    %dma_start3A_196 = arith.constant 0 : i32
    %dma_start3A_197 = arith.constant 0 : i32
    %dma_start3A_198 = tpu.memref_slice %arg17[%dma_start3A_196, %dma_start3A_197] : memref<10016x32xf32, #tpu.memory_space<vmem_shared>> -> memref<10016x32xf32, #tpu.memory_space<vmem_shared>>
    tpu.enqueue_indirect_dma source(%arg13 : memref<128x32xf32, #tpu.memory_space<vmem>>) target(%dma_start3A_198 : memref<10016x32xf32, #tpu.memory_space<vmem_shared>>) offsets(%dma_start3A_195 : memref<128xi32, #tpu.memory_space<vmem>>) semaphore(%arg31 : memref<!tpu.dma_semaphore, #tpu.memory_space<semaphore_mem>>) {add = true}
    %dma_wait3A_199 = arith.constant 1 : i32
    %dma_wait3A_200 = arith.constant 0 : i32
    %dma_wait3A_201 = tpu.memref_slice %arg7[%dma_wait3A_199, %dma_wait3A_200] : memref<160x128xi32, #tpu.memory_space<vmem>> -> memref<1x128xi32, #tpu.memory_space<vmem>>
    %dma_wait3A_202 = tpu.memref_squeeze %dma_wait3A_201 : memref<1x128xi32, #tpu.memory_space<vmem>> -> memref<128xi32, #tpu.memory_space<vmem>>
    %dma_wait3A_203 = arith.constant 0 : i32
    %dma_wait3A_204 = arith.constant 0 : i32
    %dma_wait3A_205 = tpu.memref_slice %arg17[%dma_wait3A_203, %dma_wait3A_204] : memref<10016x32xf32, #tpu.memory_space<vmem_shared>> -> memref<10016x32xf32, #tpu.memory_space<vmem_shared>>
    tpu.wait_indirect_dma semaphore(%arg27 : memref<!tpu.dma_semaphore, #tpu.memory_space<semaphore_mem>>) src(%arg9 : memref<128x32xf32, #tpu.memory_space<vmem>>) dst(%dma_wait3A_205 : memref<10016x32xf32, #tpu.memory_space<vmem_shared>>)
    %dma_start3A_206 = arith.constant 9 : i32
    %dma_start3A_207 = arith.constant 0 : i32
    %dma_start3A_208 = tpu.memref_slice %arg6[%dma_start3A_206, %dma_start3A_207] : memref<160x128xi32, #tpu.memory_space<vmem>> -> memref<1x128xi32, #tpu.memory_space<vmem>>
    %dma_start3A_209 = tpu.memref_squeeze %dma_start3A_208 : memref<1x128xi32, #tpu.memory_space<vmem>> -> memref<128xi32, #tpu.memory_space<vmem>>
    %dma_start3A_210 = arith.constant 0 : i32
    %dma_start3A_211 = arith.constant 0 : i32
    %dma_start3A_212 = tpu.memref_slice %arg16[%dma_start3A_210, %dma_start3A_211] : memref<10016x32xf32, #tpu.memory_space<vmem_shared>> -> memref<10016x32xf32, #tpu.memory_space<vmem_shared>>
    tpu.enqueue_indirect_dma source(%dma_start3A_212 : memref<10016x32xf32, #tpu.memory_space<vmem_shared>>) target(%arg9 : memref<128x32xf32, #tpu.memory_space<vmem>>) offsets(%dma_start3A_209 : memref<128xi32, #tpu.memory_space<vmem>>) semaphore(%arg19 : memref<!tpu.dma_semaphore, #tpu.memory_space<semaphore_mem>>)
    %dma_wait3A_213 = arith.constant 6 : i32
    %dma_wait3A_214 = arith.constant 0 : i32
    %dma_wait3A_215 = tpu.memref_slice %arg6[%dma_wait3A_213, %dma_wait3A_214] : memref<160x128xi32, #tpu.memory_space<vmem>> -> memref<1x128xi32, #tpu.memory_space<vmem>>
    %dma_wait3A_216 = tpu.memref_squeeze %dma_wait3A_215 : memref<1x128xi32, #tpu.memory_space<vmem>> -> memref<128xi32, #tpu.memory_space<vmem>>
    %dma_wait3A_217 = arith.constant 0 : i32
    %dma_wait3A_218 = arith.constant 0 : i32
    %dma_wait3A_219 = tpu.memref_slice %arg16[%dma_wait3A_217, %dma_wait3A_218] : memref<10016x32xf32, #tpu.memory_space<vmem_shared>> -> memref<10016x32xf32, #tpu.memory_space<vmem_shared>>
    tpu.wait_indirect_dma semaphore(%arg24 : memref<!tpu.dma_semaphore, #tpu.memory_space<semaphore_mem>>) src(%dma_wait3A_219 : memref<10016x32xf32, #tpu.memory_space<vmem_shared>>) dst(%arg14 : memref<128x32xf32, #tpu.memory_space<vmem>>)
    %dma_start3A_220 = arith.constant 6 : i32
    %dma_start3A_221 = arith.constant 0 : i32
    %dma_start3A_222 = tpu.memref_slice %arg7[%dma_start3A_220, %dma_start3A_221] : memref<160x128xi32, #tpu.memory_space<vmem>> -> memref<1x128xi32, #tpu.memory_space<vmem>>
    %dma_start3A_223 = tpu.memref_squeeze %dma_start3A_222 : memref<1x128xi32, #tpu.memory_space<vmem>> -> memref<128xi32, #tpu.memory_space<vmem>>
    %dma_start3A_224 = arith.constant 0 : i32
    %dma_start3A_225 = arith.constant 0 : i32
    %dma_start3A_226 = tpu.memref_slice %arg17[%dma_start3A_224, %dma_start3A_225] : memref<10016x32xf32, #tpu.memory_space<vmem_shared>> -> memref<10016x32xf32, #tpu.memory_space<vmem_shared>>
    tpu.enqueue_indirect_dma source(%arg14 : memref<128x32xf32, #tpu.memory_space<vmem>>) target(%dma_start3A_226 : memref<10016x32xf32, #tpu.memory_space<vmem_shared>>) offsets(%dma_start3A_223 : memref<128xi32, #tpu.memory_space<vmem>>) semaphore(%arg32 : memref<!tpu.dma_semaphore, #tpu.memory_space<semaphore_mem>>) {add = true}
    %dma_wait3A_227 = arith.constant 2 : i32
    %dma_wait3A_228 = arith.constant 0 : i32
    %dma_wait3A_229 = tpu.memref_slice %arg7[%dma_wait3A_227, %dma_wait3A_228] : memref<160x128xi32, #tpu.memory_space<vmem>> -> memref<1x128xi32, #tpu.memory_space<vmem>>
    %dma_wait3A_230 = tpu.memref_squeeze %dma_wait3A_229 : memref<1x128xi32, #tpu.memory_space<vmem>> -> memref<128xi32, #tpu.memory_space<vmem>>
    %dma_wait3A_231 = arith.constant 0 : i32
    %dma_wait3A_232 = arith.constant 0 : i32
    %dma_wait3A_233 = tpu.memref_slice %arg17[%dma_wait3A_231, %dma_wait3A_232] : memref<10016x32xf32, #tpu.memory_space<vmem_shared>> -> memref<10016x32xf32, #tpu.memory_space<vmem_shared>>
    tpu.wait_indirect_dma semaphore(%arg28 : memref<!tpu.dma_semaphore, #tpu.memory_space<semaphore_mem>>) src(%arg10 : memref<128x32xf32, #tpu.memory_space<vmem>>) dst(%dma_wait3A_233 : memref<10016x32xf32, #tpu.memory_space<vmem_shared>>)
    %dma_start3A_234 = arith.constant 10 : i32
    %dma_start3A_235 = arith.constant 0 : i32
    %dma_start3A_236 = tpu.memref_slice %arg6[%dma_start3A_234, %dma_start3A_235] : memref<160x128xi32, #tpu.memory_space<vmem>> -> memref<1x128xi32, #tpu.memory_space<vmem>>
    %dma_start3A_237 = tpu.memref_squeeze %dma_start3A_236 : memref<1x128xi32, #tpu.memory_space<vmem>> -> memref<128xi32, #tpu.memory_space<vmem>>
    %dma_start3A_238 = arith.constant 0 : i32
    %dma_start3A_239 = arith.constant 0 : i32
    %dma_start3A_240 = tpu.memref_slice %arg16[%dma_start3A_238, %dma_start3A_239] : memref<10016x32xf32, #tpu.memory_space<vmem_shared>> -> memref<10016x32xf32, #tpu.memory_space<vmem_shared>>
    tpu.enqueue_indirect_dma source(%dma_start3A_240 : memref<10016x32xf32, #tpu.memory_space<vmem_shared>>) target(%arg10 : memref<128x32xf32, #tpu.memory_space<vmem>>) offsets(%dma_start3A_237 : memref<128xi32, #tpu.memory_space<vmem>>) semaphore(%arg20 : memref<!tpu.dma_semaphore, #tpu.memory_space<semaphore_mem>>)
    %dma_wait3A_241 = arith.constant 7 : i32
    %dma_wait3A_242 = arith.constant 0 : i32
    %dma_wait3A_243 = tpu.memref_slice %arg6[%dma_wait3A_241, %dma_wait3A_242] : memref<160x128xi32, #tpu.memory_space<vmem>> -> memref<1x128xi32, #tpu.memory_space<vmem>>
    %dma_wait3A_244 = tpu.memref_squeeze %dma_wait3A_243 : memref<1x128xi32, #tpu.memory_space<vmem>> -> memref<128xi32, #tpu.memory_space<vmem>>
    %dma_wait3A_245 = arith.constant 0 : i32
    %dma_wait3A_246 = arith.constant 0 : i32
    %dma_wait3A_247 = tpu.memref_slice %arg16[%dma_wait3A_245, %dma_wait3A_246] : memref<10016x32xf32, #tpu.memory_space<vmem_shared>> -> memref<10016x32xf32, #tpu.memory_space<vmem_shared>>
    tpu.wait_indirect_dma semaphore(%arg25 : memref<!tpu.dma_semaphore, #tpu.memory_space<semaphore_mem>>) src(%dma_wait3A_247 : memref<10016x32xf32, #tpu.memory_space<vmem_shared>>) dst(%arg15 : memref<128x32xf32, #tpu.memory_space<vmem>>)
    %dma_start3A_248 = arith.constant 7 : i32
    %dma_start3A_249 = arith.constant 0 : i32
    %dma_start3A_250 = tpu.memref_slice %arg7[%dma_start3A_248, %dma_start3A_249] : memref<160x128xi32, #tpu.memory_space<vmem>> -> memref<1x128xi32, #tpu.memory_space<vmem>>
    %dma_start3A_251 = tpu.memref_squeeze %dma_start3A_250 : memref<1x128xi32, #tpu.memory_space<vmem>> -> memref<128xi32, #tpu.memory_space<vmem>>
    %dma_start3A_252 = arith.constant 0 : i32
    %dma_start3A_253 = arith.constant 0 : i32
    %dma_start3A_254 = tpu.memref_slice %arg17[%dma_start3A_252, %dma_start3A_253] : memref<10016x32xf32, #tpu.memory_space<vmem_shared>> -> memref<10016x32xf32, #tpu.memory_space<vmem_shared>>
    tpu.enqueue_indirect_dma source(%arg15 : memref<128x32xf32, #tpu.memory_space<vmem>>) target(%dma_start3A_254 : memref<10016x32xf32, #tpu.memory_space<vmem_shared>>) offsets(%dma_start3A_251 : memref<128xi32, #tpu.memory_space<vmem>>) semaphore(%arg33 : memref<!tpu.dma_semaphore, #tpu.memory_space<semaphore_mem>>) {add = true}
    %dma_wait3A_255 = arith.constant 3 : i32
    %dma_wait3A_256 = arith.constant 0 : i32
    %dma_wait3A_257 = tpu.memref_slice %arg7[%dma_wait3A_255, %dma_wait3A_256] : memref<160x128xi32, #tpu.memory_space<vmem>> -> memref<1x128xi32, #tpu.memory_space<vmem>>
    %dma_wait3A_258 = tpu.memref_squeeze %dma_wait3A_257 : memref<1x128xi32, #tpu.memory_space<vmem>> -> memref<128xi32, #tpu.memory_space<vmem>>
    %dma_wait3A_259 = arith.constant 0 : i32
    %dma_wait3A_260 = arith.constant 0 : i32
    %dma_wait3A_261 = tpu.memref_slice %arg17[%dma_wait3A_259, %dma_wait3A_260] : memref<10016x32xf32, #tpu.memory_space<vmem_shared>> -> memref<10016x32xf32, #tpu.memory_space<vmem_shared>>
    tpu.wait_indirect_dma semaphore(%arg29 : memref<!tpu.dma_semaphore, #tpu.memory_space<semaphore_mem>>) src(%arg11 : memref<128x32xf32, #tpu.memory_space<vmem>>) dst(%dma_wait3A_261 : memref<10016x32xf32, #tpu.memory_space<vmem_shared>>)
    %dma_start3A_262 = arith.constant 11 : i32
    %dma_start3A_263 = arith.constant 0 : i32
    %dma_start3A_264 = tpu.memref_slice %arg6[%dma_start3A_262, %dma_start3A_263] : memref<160x128xi32, #tpu.memory_space<vmem>> -> memref<1x128xi32, #tpu.memory_space<vmem>>
    %dma_start3A_265 = tpu.memref_squeeze %dma_start3A_264 : memref<1x128xi32, #tpu.memory_space<vmem>> -> memref<128xi32, #tpu.memory_space<vmem>>
    %dma_start3A_266 = arith.constant 0 : i32
    %dma_start3A_267 = arith.constant 0 : i32
    %dma_start3A_268 = tpu.memref_slice %arg16[%dma_start3A_266, %dma_start3A_267] : memref<10016x32xf32, #tpu.memory_space<vmem_shared>> -> memref<10016x32xf32, #tpu.memory_space<vmem_shared>>
    tpu.enqueue_indirect_dma source(%dma_start3A_268 : memref<10016x32xf32, #tpu.memory_space<vmem_shared>>) target(%arg11 : memref<128x32xf32, #tpu.memory_space<vmem>>) offsets(%dma_start3A_265 : memref<128xi32, #tpu.memory_space<vmem>>) semaphore(%arg21 : memref<!tpu.dma_semaphore, #tpu.memory_space<semaphore_mem>>)
    %scan3A = arith.constant 0 : i32
    %scan3A_269 = arith.constant 0 : i32
    %scan3A_270 = arith.constant 19 : i32
    %scan3A_271 = arith.addi %scan3A_269, %scan3A_270 : i32
    %scan3A_272 = arith.constant 1 : i32
    scf.for %scan3A_335 = %scan3A_269 to %scan3A_271 step %scan3A_272  : i32 {
      %mul3A_336 = arith.constant 8 : i32
      %mul3A_337 = arith.muli %scan3A_335, %mul3A_336 : i32
      %add3A = arith.constant 8 : i32
      %add3A_338 = arith.addi %add3A, %mul3A_337 : i32
      %add3A_339 = arith.constant 0 : i32
      %add3A_340 = arith.addi %add3A_338, %add3A_339 : i32
      %dma_wait3A_341 = arith.constant 0 : i32
      %dma_wait3A_342 = tpu.memref_slice %arg6[%add3A_340, %dma_wait3A_341] : memref<160x128xi32, #tpu.memory_space<vmem>> -> memref<1x128xi32, #tpu.memory_space<vmem>>
      %dma_wait3A_343 = tpu.memref_squeeze %dma_wait3A_342 : memref<1x128xi32, #tpu.memory_space<vmem>> -> memref<128xi32, #tpu.memory_space<vmem>>
      %dma_wait3A_344 = arith.constant 0 : i32
      %dma_wait3A_345 = arith.constant 0 : i32
      %dma_wait3A_346 = tpu.memref_slice %arg16[%dma_wait3A_344, %dma_wait3A_345] : memref<10016x32xf32, #tpu.memory_space<vmem_shared>> -> memref<10016x32xf32, #tpu.memory_space<vmem_shared>>
      tpu.wait_indirect_dma semaphore(%arg18 : memref<!tpu.dma_semaphore, #tpu.memory_space<semaphore_mem>>) src(%dma_wait3A_346 : memref<10016x32xf32, #tpu.memory_space<vmem_shared>>) dst(%arg8 : memref<128x32xf32, #tpu.memory_space<vmem>>)
      %dma_start3A_347 = arith.constant 0 : i32
      %dma_start3A_348 = tpu.memref_slice %arg7[%add3A_340, %dma_start3A_347] : memref<160x128xi32, #tpu.memory_space<vmem>> -> memref<1x128xi32, #tpu.memory_space<vmem>>
      %dma_start3A_349 = tpu.memref_squeeze %dma_start3A_348 : memref<1x128xi32, #tpu.memory_space<vmem>> -> memref<128xi32, #tpu.memory_space<vmem>>
      %dma_start3A_350 = arith.constant 0 : i32
      %dma_start3A_351 = arith.constant 0 : i32
      %dma_start3A_352 = tpu.memref_slice %arg17[%dma_start3A_350, %dma_start3A_351] : memref<10016x32xf32, #tpu.memory_space<vmem_shared>> -> memref<10016x32xf32, #tpu.memory_space<vmem_shared>>
      tpu.enqueue_indirect_dma source(%arg8 : memref<128x32xf32, #tpu.memory_space<vmem>>) target(%dma_start3A_352 : memref<10016x32xf32, #tpu.memory_space<vmem_shared>>) offsets(%dma_start3A_349 : memref<128xi32, #tpu.memory_space<vmem>>) semaphore(%arg26 : memref<!tpu.dma_semaphore, #tpu.memory_space<semaphore_mem>>) {add = true}
      %sub3A = arith.constant 4 : i32
      %sub3A_353 = arith.subi %add3A_340, %sub3A : i32
      %dma_wait3A_354 = arith.constant 0 : i32
      %dma_wait3A_355 = tpu.memref_slice %arg7[%sub3A_353, %dma_wait3A_354] : memref<160x128xi32, #tpu.memory_space<vmem>> -> memref<1x128xi32, #tpu.memory_space<vmem>>
      %dma_wait3A_356 = tpu.memref_squeeze %dma_wait3A_355 : memref<1x128xi32, #tpu.memory_space<vmem>> -> memref<128xi32, #tpu.memory_space<vmem>>
      %dma_wait3A_357 = arith.constant 0 : i32
      %dma_wait3A_358 = arith.constant 0 : i32
      %dma_wait3A_359 = tpu.memref_slice %arg17[%dma_wait3A_357, %dma_wait3A_358] : memref<10016x32xf32, #tpu.memory_space<vmem_shared>> -> memref<10016x32xf32, #tpu.memory_space<vmem_shared>>
      tpu.wait_indirect_dma semaphore(%arg30 : memref<!tpu.dma_semaphore, #tpu.memory_space<semaphore_mem>>) src(%arg12 : memref<128x32xf32, #tpu.memory_space<vmem>>) dst(%dma_wait3A_359 : memref<10016x32xf32, #tpu.memory_space<vmem_shared>>)
      %add3A_360 = arith.constant 4 : i32
      %add3A_361 = arith.addi %add3A_340, %add3A_360 : i32
      %min3A = arith.constant 159 : i32
      %min3A_362 = arith.minsi %add3A_361, %min3A : i32
      %dma_start3A_363 = arith.constant 0 : i32
      %dma_start3A_364 = tpu.memref_slice %arg6[%min3A_362, %dma_start3A_363] : memref<160x128xi32, #tpu.memory_space<vmem>> -> memref<1x128xi32, #tpu.memory_space<vmem>>
      %dma_start3A_365 = tpu.memref_squeeze %dma_start3A_364 : memref<1x128xi32, #tpu.memory_space<vmem>> -> memref<128xi32, #tpu.memory_space<vmem>>
      %dma_start3A_366 = arith.constant 0 : i32
      %dma_start3A_367 = arith.constant 0 : i32
      %dma_start3A_368 = tpu.memref_slice %arg16[%dma_start3A_366, %dma_start3A_367] : memref<10016x32xf32, #tpu.memory_space<vmem_shared>> -> memref<10016x32xf32, #tpu.memory_space<vmem_shared>>
      tpu.enqueue_indirect_dma source(%dma_start3A_368 : memref<10016x32xf32, #tpu.memory_space<vmem_shared>>) target(%arg12 : memref<128x32xf32, #tpu.memory_space<vmem>>) offsets(%dma_start3A_365 : memref<128xi32, #tpu.memory_space<vmem>>) semaphore(%arg22 : memref<!tpu.dma_semaphore, #tpu.memory_space<semaphore_mem>>)
      %add3A_369 = arith.constant 1 : i32
      %add3A_370 = arith.addi %add3A_338, %add3A_369 : i32
      %dma_wait3A_371 = arith.constant 0 : i32
      %dma_wait3A_372 = tpu.memref_slice %arg6[%add3A_370, %dma_wait3A_371] : memref<160x128xi32, #tpu.memory_space<vmem>> -> memref<1x128xi32, #tpu.memory_space<vmem>>
      %dma_wait3A_373 = tpu.memref_squeeze %dma_wait3A_372 : memref<1x128xi32, #tpu.memory_space<vmem>> -> memref<128xi32, #tpu.memory_space<vmem>>
      %dma_wait3A_374 = arith.constant 0 : i32
      %dma_wait3A_375 = arith.constant 0 : i32
      %dma_wait3A_376 = tpu.memref_slice %arg16[%dma_wait3A_374, %dma_wait3A_375] : memref<10016x32xf32, #tpu.memory_space<vmem_shared>> -> memref<10016x32xf32, #tpu.memory_space<vmem_shared>>
      tpu.wait_indirect_dma semaphore(%arg19 : memref<!tpu.dma_semaphore, #tpu.memory_space<semaphore_mem>>) src(%dma_wait3A_376 : memref<10016x32xf32, #tpu.memory_space<vmem_shared>>) dst(%arg9 : memref<128x32xf32, #tpu.memory_space<vmem>>)
      %dma_start3A_377 = arith.constant 0 : i32
      %dma_start3A_378 = tpu.memref_slice %arg7[%add3A_370, %dma_start3A_377] : memref<160x128xi32, #tpu.memory_space<vmem>> -> memref<1x128xi32, #tpu.memory_space<vmem>>
      %dma_start3A_379 = tpu.memref_squeeze %dma_start3A_378 : memref<1x128xi32, #tpu.memory_space<vmem>> -> memref<128xi32, #tpu.memory_space<vmem>>
      %dma_start3A_380 = arith.constant 0 : i32
      %dma_start3A_381 = arith.constant 0 : i32
      %dma_start3A_382 = tpu.memref_slice %arg17[%dma_start3A_380, %dma_start3A_381] : memref<10016x32xf32, #tpu.memory_space<vmem_shared>> -> memref<10016x32xf32, #tpu.memory_space<vmem_shared>>
      tpu.enqueue_indirect_dma source(%arg9 : memref<128x32xf32, #tpu.memory_space<vmem>>) target(%dma_start3A_382 : memref<10016x32xf32, #tpu.memory_space<vmem_shared>>) offsets(%dma_start3A_379 : memref<128xi32, #tpu.memory_space<vmem>>) semaphore(%arg27 : memref<!tpu.dma_semaphore, #tpu.memory_space<semaphore_mem>>) {add = true}
      %sub3A_383 = arith.constant 4 : i32
      %sub3A_384 = arith.subi %add3A_370, %sub3A_383 : i32
      %dma_wait3A_385 = arith.constant 0 : i32
      %dma_wait3A_386 = tpu.memref_slice %arg7[%sub3A_384, %dma_wait3A_385] : memref<160x128xi32, #tpu.memory_space<vmem>> -> memref<1x128xi32, #tpu.memory_space<vmem>>
      %dma_wait3A_387 = tpu.memref_squeeze %dma_wait3A_386 : memref<1x128xi32, #tpu.memory_space<vmem>> -> memref<128xi32, #tpu.memory_space<vmem>>
      %dma_wait3A_388 = arith.constant 0 : i32
      %dma_wait3A_389 = arith.constant 0 : i32
      %dma_wait3A_390 = tpu.memref_slice %arg17[%dma_wait3A_388, %dma_wait3A_389] : memref<10016x32xf32, #tpu.memory_space<vmem_shared>> -> memref<10016x32xf32, #tpu.memory_space<vmem_shared>>
      tpu.wait_indirect_dma semaphore(%arg31 : memref<!tpu.dma_semaphore, #tpu.memory_space<semaphore_mem>>) src(%arg13 : memref<128x32xf32, #tpu.memory_space<vmem>>) dst(%dma_wait3A_390 : memref<10016x32xf32, #tpu.memory_space<vmem_shared>>)
      %add3A_391 = arith.constant 4 : i32
      %add3A_392 = arith.addi %add3A_370, %add3A_391 : i32
      %min3A_393 = arith.constant 159 : i32
      %min3A_394 = arith.minsi %add3A_392, %min3A_393 : i32
      %dma_start3A_395 = arith.constant 0 : i32
      %dma_start3A_396 = tpu.memref_slice %arg6[%min3A_394, %dma_start3A_395] : memref<160x128xi32, #tpu.memory_space<vmem>> -> memref<1x128xi32, #tpu.memory_space<vmem>>
      %dma_start3A_397 = tpu.memref_squeeze %dma_start3A_396 : memref<1x128xi32, #tpu.memory_space<vmem>> -> memref<128xi32, #tpu.memory_space<vmem>>
      %dma_start3A_398 = arith.constant 0 : i32
      %dma_start3A_399 = arith.constant 0 : i32
      %dma_start3A_400 = tpu.memref_slice %arg16[%dma_start3A_398, %dma_start3A_399] : memref<10016x32xf32, #tpu.memory_space<vmem_shared>> -> memref<10016x32xf32, #tpu.memory_space<vmem_shared>>
      tpu.enqueue_indirect_dma source(%dma_start3A_400 : memref<10016x32xf32, #tpu.memory_space<vmem_shared>>) target(%arg13 : memref<128x32xf32, #tpu.memory_space<vmem>>) offsets(%dma_start3A_397 : memref<128xi32, #tpu.memory_space<vmem>>) semaphore(%arg23 : memref<!tpu.dma_semaphore, #tpu.memory_space<semaphore_mem>>)
      %add3A_401 = arith.constant 2 : i32
      %add3A_402 = arith.addi %add3A_338, %add3A_401 : i32
      %dma_wait3A_403 = arith.constant 0 : i32
      %dma_wait3A_404 = tpu.memref_slice %arg6[%add3A_402, %dma_wait3A_403] : memref<160x128xi32, #tpu.memory_space<vmem>> -> memref<1x128xi32, #tpu.memory_space<vmem>>
      %dma_wait3A_405 = tpu.memref_squeeze %dma_wait3A_404 : memref<1x128xi32, #tpu.memory_space<vmem>> -> memref<128xi32, #tpu.memory_space<vmem>>
      %dma_wait3A_406 = arith.constant 0 : i32
      %dma_wait3A_407 = arith.constant 0 : i32
      %dma_wait3A_408 = tpu.memref_slice %arg16[%dma_wait3A_406, %dma_wait3A_407] : memref<10016x32xf32, #tpu.memory_space<vmem_shared>> -> memref<10016x32xf32, #tpu.memory_space<vmem_shared>>
      tpu.wait_indirect_dma semaphore(%arg20 : memref<!tpu.dma_semaphore, #tpu.memory_space<semaphore_mem>>) src(%dma_wait3A_408 : memref<10016x32xf32, #tpu.memory_space<vmem_shared>>) dst(%arg10 : memref<128x32xf32, #tpu.memory_space<vmem>>)
      %dma_start3A_409 = arith.constant 0 : i32
      %dma_start3A_410 = tpu.memref_slice %arg7[%add3A_402, %dma_start3A_409] : memref<160x128xi32, #tpu.memory_space<vmem>> -> memref<1x128xi32, #tpu.memory_space<vmem>>
      %dma_start3A_411 = tpu.memref_squeeze %dma_start3A_410 : memref<1x128xi32, #tpu.memory_space<vmem>> -> memref<128xi32, #tpu.memory_space<vmem>>
      %dma_start3A_412 = arith.constant 0 : i32
      %dma_start3A_413 = arith.constant 0 : i32
      %dma_start3A_414 = tpu.memref_slice %arg17[%dma_start3A_412, %dma_start3A_413] : memref<10016x32xf32, #tpu.memory_space<vmem_shared>> -> memref<10016x32xf32, #tpu.memory_space<vmem_shared>>
      tpu.enqueue_indirect_dma source(%arg10 : memref<128x32xf32, #tpu.memory_space<vmem>>) target(%dma_start3A_414 : memref<10016x32xf32, #tpu.memory_space<vmem_shared>>) offsets(%dma_start3A_411 : memref<128xi32, #tpu.memory_space<vmem>>) semaphore(%arg28 : memref<!tpu.dma_semaphore, #tpu.memory_space<semaphore_mem>>) {add = true}
      %sub3A_415 = arith.constant 4 : i32
      %sub3A_416 = arith.subi %add3A_402, %sub3A_415 : i32
      %dma_wait3A_417 = arith.constant 0 : i32
      %dma_wait3A_418 = tpu.memref_slice %arg7[%sub3A_416, %dma_wait3A_417] : memref<160x128xi32, #tpu.memory_space<vmem>> -> memref<1x128xi32, #tpu.memory_space<vmem>>
      %dma_wait3A_419 = tpu.memref_squeeze %dma_wait3A_418 : memref<1x128xi32, #tpu.memory_space<vmem>> -> memref<128xi32, #tpu.memory_space<vmem>>
      %dma_wait3A_420 = arith.constant 0 : i32
      %dma_wait3A_421 = arith.constant 0 : i32
      %dma_wait3A_422 = tpu.memref_slice %arg17[%dma_wait3A_420, %dma_wait3A_421] : memref<10016x32xf32, #tpu.memory_space<vmem_shared>> -> memref<10016x32xf32, #tpu.memory_space<vmem_shared>>
      tpu.wait_indirect_dma semaphore(%arg32 : memref<!tpu.dma_semaphore, #tpu.memory_space<semaphore_mem>>) src(%arg14 : memref<128x32xf32, #tpu.memory_space<vmem>>) dst(%dma_wait3A_422 : memref<10016x32xf32, #tpu.memory_space<vmem_shared>>)
      %add3A_423 = arith.constant 4 : i32
      %add3A_424 = arith.addi %add3A_402, %add3A_423 : i32
      %min3A_425 = arith.constant 159 : i32
      %min3A_426 = arith.minsi %add3A_424, %min3A_425 : i32
      %dma_start3A_427 = arith.constant 0 : i32
      %dma_start3A_428 = tpu.memref_slice %arg6[%min3A_426, %dma_start3A_427] : memref<160x128xi32, #tpu.memory_space<vmem>> -> memref<1x128xi32, #tpu.memory_space<vmem>>
      %dma_start3A_429 = tpu.memref_squeeze %dma_start3A_428 : memref<1x128xi32, #tpu.memory_space<vmem>> -> memref<128xi32, #tpu.memory_space<vmem>>
      %dma_start3A_430 = arith.constant 0 : i32
      %dma_start3A_431 = arith.constant 0 : i32
      %dma_start3A_432 = tpu.memref_slice %arg16[%dma_start3A_430, %dma_start3A_431] : memref<10016x32xf32, #tpu.memory_space<vmem_shared>> -> memref<10016x32xf32, #tpu.memory_space<vmem_shared>>
      tpu.enqueue_indirect_dma source(%dma_start3A_432 : memref<10016x32xf32, #tpu.memory_space<vmem_shared>>) target(%arg14 : memref<128x32xf32, #tpu.memory_space<vmem>>) offsets(%dma_start3A_429 : memref<128xi32, #tpu.memory_space<vmem>>) semaphore(%arg24 : memref<!tpu.dma_semaphore, #tpu.memory_space<semaphore_mem>>)
      %add3A_433 = arith.constant 3 : i32
      %add3A_434 = arith.addi %add3A_338, %add3A_433 : i32
      %dma_wait3A_435 = arith.constant 0 : i32
      %dma_wait3A_436 = tpu.memref_slice %arg6[%add3A_434, %dma_wait3A_435] : memref<160x128xi32, #tpu.memory_space<vmem>> -> memref<1x128xi32, #tpu.memory_space<vmem>>
      %dma_wait3A_437 = tpu.memref_squeeze %dma_wait3A_436 : memref<1x128xi32, #tpu.memory_space<vmem>> -> memref<128xi32, #tpu.memory_space<vmem>>
      %dma_wait3A_438 = arith.constant 0 : i32
      %dma_wait3A_439 = arith.constant 0 : i32
      %dma_wait3A_440 = tpu.memref_slice %arg16[%dma_wait3A_438, %dma_wait3A_439] : memref<10016x32xf32, #tpu.memory_space<vmem_shared>> -> memref<10016x32xf32, #tpu.memory_space<vmem_shared>>
      tpu.wait_indirect_dma semaphore(%arg21 : memref<!tpu.dma_semaphore, #tpu.memory_space<semaphore_mem>>) src(%dma_wait3A_440 : memref<10016x32xf32, #tpu.memory_space<vmem_shared>>) dst(%arg11 : memref<128x32xf32, #tpu.memory_space<vmem>>)
      %dma_start3A_441 = arith.constant 0 : i32
      %dma_start3A_442 = tpu.memref_slice %arg7[%add3A_434, %dma_start3A_441] : memref<160x128xi32, #tpu.memory_space<vmem>> -> memref<1x128xi32, #tpu.memory_space<vmem>>
      %dma_start3A_443 = tpu.memref_squeeze %dma_start3A_442 : memref<1x128xi32, #tpu.memory_space<vmem>> -> memref<128xi32, #tpu.memory_space<vmem>>
      %dma_start3A_444 = arith.constant 0 : i32
      %dma_start3A_445 = arith.constant 0 : i32
      %dma_start3A_446 = tpu.memref_slice %arg17[%dma_start3A_444, %dma_start3A_445] : memref<10016x32xf32, #tpu.memory_space<vmem_shared>> -> memref<10016x32xf32, #tpu.memory_space<vmem_shared>>
      tpu.enqueue_indirect_dma source(%arg11 : memref<128x32xf32, #tpu.memory_space<vmem>>) target(%dma_start3A_446 : memref<10016x32xf32, #tpu.memory_space<vmem_shared>>) offsets(%dma_start3A_443 : memref<128xi32, #tpu.memory_space<vmem>>) semaphore(%arg29 : memref<!tpu.dma_semaphore, #tpu.memory_space<semaphore_mem>>) {add = true}
      %sub3A_447 = arith.constant 4 : i32
      %sub3A_448 = arith.subi %add3A_434, %sub3A_447 : i32
      %dma_wait3A_449 = arith.constant 0 : i32
      %dma_wait3A_450 = tpu.memref_slice %arg7[%sub3A_448, %dma_wait3A_449] : memref<160x128xi32, #tpu.memory_space<vmem>> -> memref<1x128xi32, #tpu.memory_space<vmem>>
      %dma_wait3A_451 = tpu.memref_squeeze %dma_wait3A_450 : memref<1x128xi32, #tpu.memory_space<vmem>> -> memref<128xi32, #tpu.memory_space<vmem>>
      %dma_wait3A_452 = arith.constant 0 : i32
      %dma_wait3A_453 = arith.constant 0 : i32
      %dma_wait3A_454 = tpu.memref_slice %arg17[%dma_wait3A_452, %dma_wait3A_453] : memref<10016x32xf32, #tpu.memory_space<vmem_shared>> -> memref<10016x32xf32, #tpu.memory_space<vmem_shared>>
      tpu.wait_indirect_dma semaphore(%arg33 : memref<!tpu.dma_semaphore, #tpu.memory_space<semaphore_mem>>) src(%arg15 : memref<128x32xf32, #tpu.memory_space<vmem>>) dst(%dma_wait3A_454 : memref<10016x32xf32, #tpu.memory_space<vmem_shared>>)
      %add3A_455 = arith.constant 4 : i32
      %add3A_456 = arith.addi %add3A_434, %add3A_455 : i32
      %min3A_457 = arith.constant 159 : i32
      %min3A_458 = arith.minsi %add3A_456, %min3A_457 : i32
      %dma_start3A_459 = arith.constant 0 : i32
      %dma_start3A_460 = tpu.memref_slice %arg6[%min3A_458, %dma_start3A_459] : memref<160x128xi32, #tpu.memory_space<vmem>> -> memref<1x128xi32, #tpu.memory_space<vmem>>
      %dma_start3A_461 = tpu.memref_squeeze %dma_start3A_460 : memref<1x128xi32, #tpu.memory_space<vmem>> -> memref<128xi32, #tpu.memory_space<vmem>>
      %dma_start3A_462 = arith.constant 0 : i32
      %dma_start3A_463 = arith.constant 0 : i32
      %dma_start3A_464 = tpu.memref_slice %arg16[%dma_start3A_462, %dma_start3A_463] : memref<10016x32xf32, #tpu.memory_space<vmem_shared>> -> memref<10016x32xf32, #tpu.memory_space<vmem_shared>>
      tpu.enqueue_indirect_dma source(%dma_start3A_464 : memref<10016x32xf32, #tpu.memory_space<vmem_shared>>) target(%arg15 : memref<128x32xf32, #tpu.memory_space<vmem>>) offsets(%dma_start3A_461 : memref<128xi32, #tpu.memory_space<vmem>>) semaphore(%arg25 : memref<!tpu.dma_semaphore, #tpu.memory_space<semaphore_mem>>)
      %add3A_465 = arith.constant 4 : i32
      %add3A_466 = arith.addi %add3A_338, %add3A_465 : i32
      %dma_wait3A_467 = arith.constant 0 : i32
      %dma_wait3A_468 = tpu.memref_slice %arg6[%add3A_466, %dma_wait3A_467] : memref<160x128xi32, #tpu.memory_space<vmem>> -> memref<1x128xi32, #tpu.memory_space<vmem>>
      %dma_wait3A_469 = tpu.memref_squeeze %dma_wait3A_468 : memref<1x128xi32, #tpu.memory_space<vmem>> -> memref<128xi32, #tpu.memory_space<vmem>>
      %dma_wait3A_470 = arith.constant 0 : i32
      %dma_wait3A_471 = arith.constant 0 : i32
      %dma_wait3A_472 = tpu.memref_slice %arg16[%dma_wait3A_470, %dma_wait3A_471] : memref<10016x32xf32, #tpu.memory_space<vmem_shared>> -> memref<10016x32xf32, #tpu.memory_space<vmem_shared>>
      tpu.wait_indirect_dma semaphore(%arg22 : memref<!tpu.dma_semaphore, #tpu.memory_space<semaphore_mem>>) src(%dma_wait3A_472 : memref<10016x32xf32, #tpu.memory_space<vmem_shared>>) dst(%arg12 : memref<128x32xf32, #tpu.memory_space<vmem>>)
      %dma_start3A_473 = arith.constant 0 : i32
      %dma_start3A_474 = tpu.memref_slice %arg7[%add3A_466, %dma_start3A_473] : memref<160x128xi32, #tpu.memory_space<vmem>> -> memref<1x128xi32, #tpu.memory_space<vmem>>
      %dma_start3A_475 = tpu.memref_squeeze %dma_start3A_474 : memref<1x128xi32, #tpu.memory_space<vmem>> -> memref<128xi32, #tpu.memory_space<vmem>>
      %dma_start3A_476 = arith.constant 0 : i32
      %dma_start3A_477 = arith.constant 0 : i32
      %dma_start3A_478 = tpu.memref_slice %arg17[%dma_start3A_476, %dma_start3A_477] : memref<10016x32xf32, #tpu.memory_space<vmem_shared>> -> memref<10016x32xf32, #tpu.memory_space<vmem_shared>>
      tpu.enqueue_indirect_dma source(%arg12 : memref<128x32xf32, #tpu.memory_space<vmem>>) target(%dma_start3A_478 : memref<10016x32xf32, #tpu.memory_space<vmem_shared>>) offsets(%dma_start3A_475 : memref<128xi32, #tpu.memory_space<vmem>>) semaphore(%arg30 : memref<!tpu.dma_semaphore, #tpu.memory_space<semaphore_mem>>) {add = true}
      %sub3A_479 = arith.constant 4 : i32
      %sub3A_480 = arith.subi %add3A_466, %sub3A_479 : i32
      %dma_wait3A_481 = arith.constant 0 : i32
      %dma_wait3A_482 = tpu.memref_slice %arg7[%sub3A_480, %dma_wait3A_481] : memref<160x128xi32, #tpu.memory_space<vmem>> -> memref<1x128xi32, #tpu.memory_space<vmem>>
      %dma_wait3A_483 = tpu.memref_squeeze %dma_wait3A_482 : memref<1x128xi32, #tpu.memory_space<vmem>> -> memref<128xi32, #tpu.memory_space<vmem>>
      %dma_wait3A_484 = arith.constant 0 : i32
      %dma_wait3A_485 = arith.constant 0 : i32
      %dma_wait3A_486 = tpu.memref_slice %arg17[%dma_wait3A_484, %dma_wait3A_485] : memref<10016x32xf32, #tpu.memory_space<vmem_shared>> -> memref<10016x32xf32, #tpu.memory_space<vmem_shared>>
      tpu.wait_indirect_dma semaphore(%arg26 : memref<!tpu.dma_semaphore, #tpu.memory_space<semaphore_mem>>) src(%arg8 : memref<128x32xf32, #tpu.memory_space<vmem>>) dst(%dma_wait3A_486 : memref<10016x32xf32, #tpu.memory_space<vmem_shared>>)
      %add3A_487 = arith.constant 4 : i32
      %add3A_488 = arith.addi %add3A_466, %add3A_487 : i32
      %min3A_489 = arith.constant 159 : i32
      %min3A_490 = arith.minsi %add3A_488, %min3A_489 : i32
      %dma_start3A_491 = arith.constant 0 : i32
      %dma_start3A_492 = tpu.memref_slice %arg6[%min3A_490, %dma_start3A_491] : memref<160x128xi32, #tpu.memory_space<vmem>> -> memref<1x128xi32, #tpu.memory_space<vmem>>
      %dma_start3A_493 = tpu.memref_squeeze %dma_start3A_492 : memref<1x128xi32, #tpu.memory_space<vmem>> -> memref<128xi32, #tpu.memory_space<vmem>>
      %dma_start3A_494 = arith.constant 0 : i32
      %dma_start3A_495 = arith.constant 0 : i32
      %dma_start3A_496 = tpu.memref_slice %arg16[%dma_start3A_494, %dma_start3A_495] : memref<10016x32xf32, #tpu.memory_space<vmem_shared>> -> memref<10016x32xf32, #tpu.memory_space<vmem_shared>>
      tpu.enqueue_indirect_dma source(%dma_start3A_496 : memref<10016x32xf32, #tpu.memory_space<vmem_shared>>) target(%arg8 : memref<128x32xf32, #tpu.memory_space<vmem>>) offsets(%dma_start3A_493 : memref<128xi32, #tpu.memory_space<vmem>>) semaphore(%arg18 : memref<!tpu.dma_semaphore, #tpu.memory_space<semaphore_mem>>)
      %add3A_497 = arith.constant 5 : i32
      %add3A_498 = arith.addi %add3A_338, %add3A_497 : i32
      %dma_wait3A_499 = arith.constant 0 : i32
      %dma_wait3A_500 = tpu.memref_slice %arg6[%add3A_498, %dma_wait3A_499] : memref<160x128xi32, #tpu.memory_space<vmem>> -> memref<1x128xi32, #tpu.memory_space<vmem>>
      %dma_wait3A_501 = tpu.memref_squeeze %dma_wait3A_500 : memref<1x128xi32, #tpu.memory_space<vmem>> -> memref<128xi32, #tpu.memory_space<vmem>>
      %dma_wait3A_502 = arith.constant 0 : i32
      %dma_wait3A_503 = arith.constant 0 : i32
      %dma_wait3A_504 = tpu.memref_slice %arg16[%dma_wait3A_502, %dma_wait3A_503] : memref<10016x32xf32, #tpu.memory_space<vmem_shared>> -> memref<10016x32xf32, #tpu.memory_space<vmem_shared>>
      tpu.wait_indirect_dma semaphore(%arg23 : memref<!tpu.dma_semaphore, #tpu.memory_space<semaphore_mem>>) src(%dma_wait3A_504 : memref<10016x32xf32, #tpu.memory_space<vmem_shared>>) dst(%arg13 : memref<128x32xf32, #tpu.memory_space<vmem>>)
      %dma_start3A_505 = arith.constant 0 : i32
      %dma_start3A_506 = tpu.memref_slice %arg7[%add3A_498, %dma_start3A_505] : memref<160x128xi32, #tpu.memory_space<vmem>> -> memref<1x128xi32, #tpu.memory_space<vmem>>
      %dma_start3A_507 = tpu.memref_squeeze %dma_start3A_506 : memref<1x128xi32, #tpu.memory_space<vmem>> -> memref<128xi32, #tpu.memory_space<vmem>>
      %dma_start3A_508 = arith.constant 0 : i32
      %dma_start3A_509 = arith.constant 0 : i32
      %dma_start3A_510 = tpu.memref_slice %arg17[%dma_start3A_508, %dma_start3A_509] : memref<10016x32xf32, #tpu.memory_space<vmem_shared>> -> memref<10016x32xf32, #tpu.memory_space<vmem_shared>>
      tpu.enqueue_indirect_dma source(%arg13 : memref<128x32xf32, #tpu.memory_space<vmem>>) target(%dma_start3A_510 : memref<10016x32xf32, #tpu.memory_space<vmem_shared>>) offsets(%dma_start3A_507 : memref<128xi32, #tpu.memory_space<vmem>>) semaphore(%arg31 : memref<!tpu.dma_semaphore, #tpu.memory_space<semaphore_mem>>) {add = true}
      %sub3A_511 = arith.constant 4 : i32
      %sub3A_512 = arith.subi %add3A_498, %sub3A_511 : i32
      %dma_wait3A_513 = arith.constant 0 : i32
      %dma_wait3A_514 = tpu.memref_slice %arg7[%sub3A_512, %dma_wait3A_513] : memref<160x128xi32, #tpu.memory_space<vmem>> -> memref<1x128xi32, #tpu.memory_space<vmem>>
      %dma_wait3A_515 = tpu.memref_squeeze %dma_wait3A_514 : memref<1x128xi32, #tpu.memory_space<vmem>> -> memref<128xi32, #tpu.memory_space<vmem>>
      %dma_wait3A_516 = arith.constant 0 : i32
      %dma_wait3A_517 = arith.constant 0 : i32
      %dma_wait3A_518 = tpu.memref_slice %arg17[%dma_wait3A_516, %dma_wait3A_517] : memref<10016x32xf32, #tpu.memory_space<vmem_shared>> -> memref<10016x32xf32, #tpu.memory_space<vmem_shared>>
      tpu.wait_indirect_dma semaphore(%arg27 : memref<!tpu.dma_semaphore, #tpu.memory_space<semaphore_mem>>) src(%arg9 : memref<128x32xf32, #tpu.memory_space<vmem>>) dst(%dma_wait3A_518 : memref<10016x32xf32, #tpu.memory_space<vmem_shared>>)
      %add3A_519 = arith.constant 4 : i32
      %add3A_520 = arith.addi %add3A_498, %add3A_519 : i32
      %min3A_521 = arith.constant 159 : i32
      %min3A_522 = arith.minsi %add3A_520, %min3A_521 : i32
      %dma_start3A_523 = arith.constant 0 : i32
      %dma_start3A_524 = tpu.memref_slice %arg6[%min3A_522, %dma_start3A_523] : memref<160x128xi32, #tpu.memory_space<vmem>> -> memref<1x128xi32, #tpu.memory_space<vmem>>
      %dma_start3A_525 = tpu.memref_squeeze %dma_start3A_524 : memref<1x128xi32, #tpu.memory_space<vmem>> -> memref<128xi32, #tpu.memory_space<vmem>>
      %dma_start3A_526 = arith.constant 0 : i32
      %dma_start3A_527 = arith.constant 0 : i32
      %dma_start3A_528 = tpu.memref_slice %arg16[%dma_start3A_526, %dma_start3A_527] : memref<10016x32xf32, #tpu.memory_space<vmem_shared>> -> memref<10016x32xf32, #tpu.memory_space<vmem_shared>>
      tpu.enqueue_indirect_dma source(%dma_start3A_528 : memref<10016x32xf32, #tpu.memory_space<vmem_shared>>) target(%arg9 : memref<128x32xf32, #tpu.memory_space<vmem>>) offsets(%dma_start3A_525 : memref<128xi32, #tpu.memory_space<vmem>>) semaphore(%arg19 : memref<!tpu.dma_semaphore, #tpu.memory_space<semaphore_mem>>)
      %add3A_529 = arith.constant 6 : i32
      %add3A_530 = arith.addi %add3A_338, %add3A_529 : i32
      %dma_wait3A_531 = arith.constant 0 : i32
      %dma_wait3A_532 = tpu.memref_slice %arg6[%add3A_530, %dma_wait3A_531] : memref<160x128xi32, #tpu.memory_space<vmem>> -> memref<1x128xi32, #tpu.memory_space<vmem>>
      %dma_wait3A_533 = tpu.memref_squeeze %dma_wait3A_532 : memref<1x128xi32, #tpu.memory_space<vmem>> -> memref<128xi32, #tpu.memory_space<vmem>>
      %dma_wait3A_534 = arith.constant 0 : i32
      %dma_wait3A_535 = arith.constant 0 : i32
      %dma_wait3A_536 = tpu.memref_slice %arg16[%dma_wait3A_534, %dma_wait3A_535] : memref<10016x32xf32, #tpu.memory_space<vmem_shared>> -> memref<10016x32xf32, #tpu.memory_space<vmem_shared>>
      tpu.wait_indirect_dma semaphore(%arg24 : memref<!tpu.dma_semaphore, #tpu.memory_space<semaphore_mem>>) src(%dma_wait3A_536 : memref<10016x32xf32, #tpu.memory_space<vmem_shared>>) dst(%arg14 : memref<128x32xf32, #tpu.memory_space<vmem>>)
      %dma_start3A_537 = arith.constant 0 : i32
      %dma_start3A_538 = tpu.memref_slice %arg7[%add3A_530, %dma_start3A_537] : memref<160x128xi32, #tpu.memory_space<vmem>> -> memref<1x128xi32, #tpu.memory_space<vmem>>
      %dma_start3A_539 = tpu.memref_squeeze %dma_start3A_538 : memref<1x128xi32, #tpu.memory_space<vmem>> -> memref<128xi32, #tpu.memory_space<vmem>>
      %dma_start3A_540 = arith.constant 0 : i32
      %dma_start3A_541 = arith.constant 0 : i32
      %dma_start3A_542 = tpu.memref_slice %arg17[%dma_start3A_540, %dma_start3A_541] : memref<10016x32xf32, #tpu.memory_space<vmem_shared>> -> memref<10016x32xf32, #tpu.memory_space<vmem_shared>>
      tpu.enqueue_indirect_dma source(%arg14 : memref<128x32xf32, #tpu.memory_space<vmem>>) target(%dma_start3A_542 : memref<10016x32xf32, #tpu.memory_space<vmem_shared>>) offsets(%dma_start3A_539 : memref<128xi32, #tpu.memory_space<vmem>>) semaphore(%arg32 : memref<!tpu.dma_semaphore, #tpu.memory_space<semaphore_mem>>) {add = true}
      %sub3A_543 = arith.constant 4 : i32
      %sub3A_544 = arith.subi %add3A_530, %sub3A_543 : i32
      %dma_wait3A_545 = arith.constant 0 : i32
      %dma_wait3A_546 = tpu.memref_slice %arg7[%sub3A_544, %dma_wait3A_545] : memref<160x128xi32, #tpu.memory_space<vmem>> -> memref<1x128xi32, #tpu.memory_space<vmem>>
      %dma_wait3A_547 = tpu.memref_squeeze %dma_wait3A_546 : memref<1x128xi32, #tpu.memory_space<vmem>> -> memref<128xi32, #tpu.memory_space<vmem>>
      %dma_wait3A_548 = arith.constant 0 : i32
      %dma_wait3A_549 = arith.constant 0 : i32
      %dma_wait3A_550 = tpu.memref_slice %arg17[%dma_wait3A_548, %dma_wait3A_549] : memref<10016x32xf32, #tpu.memory_space<vmem_shared>> -> memref<10016x32xf32, #tpu.memory_space<vmem_shared>>
      tpu.wait_indirect_dma semaphore(%arg28 : memref<!tpu.dma_semaphore, #tpu.memory_space<semaphore_mem>>) src(%arg10 : memref<128x32xf32, #tpu.memory_space<vmem>>) dst(%dma_wait3A_550 : memref<10016x32xf32, #tpu.memory_space<vmem_shared>>)
      %add3A_551 = arith.constant 4 : i32
      %add3A_552 = arith.addi %add3A_530, %add3A_551 : i32
      %min3A_553 = arith.constant 159 : i32
      %min3A_554 = arith.minsi %add3A_552, %min3A_553 : i32
      %dma_start3A_555 = arith.constant 0 : i32
      %dma_start3A_556 = tpu.memref_slice %arg6[%min3A_554, %dma_start3A_555] : memref<160x128xi32, #tpu.memory_space<vmem>> -> memref<1x128xi32, #tpu.memory_space<vmem>>
      %dma_start3A_557 = tpu.memref_squeeze %dma_start3A_556 : memref<1x128xi32, #tpu.memory_space<vmem>> -> memref<128xi32, #tpu.memory_space<vmem>>
      %dma_start3A_558 = arith.constant 0 : i32
      %dma_start3A_559 = arith.constant 0 : i32
      %dma_start3A_560 = tpu.memref_slice %arg16[%dma_start3A_558, %dma_start3A_559] : memref<10016x32xf32, #tpu.memory_space<vmem_shared>> -> memref<10016x32xf32, #tpu.memory_space<vmem_shared>>
      tpu.enqueue_indirect_dma source(%dma_start3A_560 : memref<10016x32xf32, #tpu.memory_space<vmem_shared>>) target(%arg10 : memref<128x32xf32, #tpu.memory_space<vmem>>) offsets(%dma_start3A_557 : memref<128xi32, #tpu.memory_space<vmem>>) semaphore(%arg20 : memref<!tpu.dma_semaphore, #tpu.memory_space<semaphore_mem>>)
      %add3A_561 = arith.constant 7 : i32
      %add3A_562 = arith.addi %add3A_338, %add3A_561 : i32
      %dma_wait3A_563 = arith.constant 0 : i32
      %dma_wait3A_564 = tpu.memref_slice %arg6[%add3A_562, %dma_wait3A_563] : memref<160x128xi32, #tpu.memory_space<vmem>> -> memref<1x128xi32, #tpu.memory_space<vmem>>
      %dma_wait3A_565 = tpu.memref_squeeze %dma_wait3A_564 : memref<1x128xi32, #tpu.memory_space<vmem>> -> memref<128xi32, #tpu.memory_space<vmem>>
      %dma_wait3A_566 = arith.constant 0 : i32
      %dma_wait3A_567 = arith.constant 0 : i32
      %dma_wait3A_568 = tpu.memref_slice %arg16[%dma_wait3A_566, %dma_wait3A_567] : memref<10016x32xf32, #tpu.memory_space<vmem_shared>> -> memref<10016x32xf32, #tpu.memory_space<vmem_shared>>
      tpu.wait_indirect_dma semaphore(%arg25 : memref<!tpu.dma_semaphore, #tpu.memory_space<semaphore_mem>>) src(%dma_wait3A_568 : memref<10016x32xf32, #tpu.memory_space<vmem_shared>>) dst(%arg15 : memref<128x32xf32, #tpu.memory_space<vmem>>)
      %dma_start3A_569 = arith.constant 0 : i32
      %dma_start3A_570 = tpu.memref_slice %arg7[%add3A_562, %dma_start3A_569] : memref<160x128xi32, #tpu.memory_space<vmem>> -> memref<1x128xi32, #tpu.memory_space<vmem>>
      %dma_start3A_571 = tpu.memref_squeeze %dma_start3A_570 : memref<1x128xi32, #tpu.memory_space<vmem>> -> memref<128xi32, #tpu.memory_space<vmem>>
      %dma_start3A_572 = arith.constant 0 : i32
      %dma_start3A_573 = arith.constant 0 : i32
      %dma_start3A_574 = tpu.memref_slice %arg17[%dma_start3A_572, %dma_start3A_573] : memref<10016x32xf32, #tpu.memory_space<vmem_shared>> -> memref<10016x32xf32, #tpu.memory_space<vmem_shared>>
      tpu.enqueue_indirect_dma source(%arg15 : memref<128x32xf32, #tpu.memory_space<vmem>>) target(%dma_start3A_574 : memref<10016x32xf32, #tpu.memory_space<vmem_shared>>) offsets(%dma_start3A_571 : memref<128xi32, #tpu.memory_space<vmem>>) semaphore(%arg33 : memref<!tpu.dma_semaphore, #tpu.memory_space<semaphore_mem>>) {add = true}
      %sub3A_575 = arith.constant 4 : i32
      %sub3A_576 = arith.subi %add3A_562, %sub3A_575 : i32
      %dma_wait3A_577 = arith.constant 0 : i32
      %dma_wait3A_578 = tpu.memref_slice %arg7[%sub3A_576, %dma_wait3A_577] : memref<160x128xi32, #tpu.memory_space<vmem>> -> memref<1x128xi32, #tpu.memory_space<vmem>>
      %dma_wait3A_579 = tpu.memref_squeeze %dma_wait3A_578 : memref<1x128xi32, #tpu.memory_space<vmem>> -> memref<128xi32, #tpu.memory_space<vmem>>
      %dma_wait3A_580 = arith.constant 0 : i32
      %dma_wait3A_581 = arith.constant 0 : i32
      %dma_wait3A_582 = tpu.memref_slice %arg17[%dma_wait3A_580, %dma_wait3A_581] : memref<10016x32xf32, #tpu.memory_space<vmem_shared>> -> memref<10016x32xf32, #tpu.memory_space<vmem_shared>>
      tpu.wait_indirect_dma semaphore(%arg29 : memref<!tpu.dma_semaphore, #tpu.memory_space<semaphore_mem>>) src(%arg11 : memref<128x32xf32, #tpu.memory_space<vmem>>) dst(%dma_wait3A_582 : memref<10016x32xf32, #tpu.memory_space<vmem_shared>>)
      %add3A_583 = arith.constant 4 : i32
      %add3A_584 = arith.addi %add3A_562, %add3A_583 : i32
      %min3A_585 = arith.constant 159 : i32
      %min3A_586 = arith.minsi %add3A_584, %min3A_585 : i32
      %dma_start3A_587 = arith.constant 0 : i32
      %dma_start3A_588 = tpu.memref_slice %arg6[%min3A_586, %dma_start3A_587] : memref<160x128xi32, #tpu.memory_space<vmem>> -> memref<1x128xi32, #tpu.memory_space<vmem>>
      %dma_start3A_589 = tpu.memref_squeeze %dma_start3A_588 : memref<1x128xi32, #tpu.memory_space<vmem>> -> memref<128xi32, #tpu.memory_space<vmem>>
      %dma_start3A_590 = arith.constant 0 : i32
      %dma_start3A_591 = arith.constant 0 : i32
      %dma_start3A_592 = tpu.memref_slice %arg16[%dma_start3A_590, %dma_start3A_591] : memref<10016x32xf32, #tpu.memory_space<vmem_shared>> -> memref<10016x32xf32, #tpu.memory_space<vmem_shared>>
      tpu.enqueue_indirect_dma source(%dma_start3A_592 : memref<10016x32xf32, #tpu.memory_space<vmem_shared>>) target(%arg11 : memref<128x32xf32, #tpu.memory_space<vmem>>) offsets(%dma_start3A_589 : memref<128xi32, #tpu.memory_space<vmem>>) semaphore(%arg21 : memref<!tpu.dma_semaphore, #tpu.memory_space<semaphore_mem>>)
    }
    %scan3A_273 = arith.constant 19 : i32
    %dma_wait3A_274 = arith.constant 159 : i32
    %dma_wait3A_275 = arith.constant 0 : i32
    %dma_wait3A_276 = tpu.memref_slice %arg6[%dma_wait3A_274, %dma_wait3A_275] : memref<160x128xi32, #tpu.memory_space<vmem>> -> memref<1x128xi32, #tpu.memory_space<vmem>>
    %dma_wait3A_277 = tpu.memref_squeeze %dma_wait3A_276 : memref<1x128xi32, #tpu.memory_space<vmem>> -> memref<128xi32, #tpu.memory_space<vmem>>
    %dma_wait3A_278 = arith.constant 0 : i32
    %dma_wait3A_279 = arith.constant 0 : i32
    %dma_wait3A_280 = tpu.memref_slice %arg16[%dma_wait3A_278, %dma_wait3A_279] : memref<10016x32xf32, #tpu.memory_space<vmem_shared>> -> memref<10016x32xf32, #tpu.memory_space<vmem_shared>>
    tpu.wait_indirect_dma semaphore(%arg18 : memref<!tpu.dma_semaphore, #tpu.memory_space<semaphore_mem>>) src(%dma_wait3A_280 : memref<10016x32xf32, #tpu.memory_space<vmem_shared>>) dst(%arg8 : memref<128x32xf32, #tpu.memory_space<vmem>>)
    %dma_wait3A_281 = arith.constant 156 : i32
    %dma_wait3A_282 = arith.constant 0 : i32
    %dma_wait3A_283 = tpu.memref_slice %arg7[%dma_wait3A_281, %dma_wait3A_282] : memref<160x128xi32, #tpu.memory_space<vmem>> -> memref<1x128xi32, #tpu.memory_space<vmem>>
    %dma_wait3A_284 = tpu.memref_squeeze %dma_wait3A_283 : memref<1x128xi32, #tpu.memory_space<vmem>> -> memref<128xi32, #tpu.memory_space<vmem>>
    %dma_wait3A_285 = arith.constant 0 : i32
    %dma_wait3A_286 = arith.constant 0 : i32
    %dma_wait3A_287 = tpu.memref_slice %arg17[%dma_wait3A_285, %dma_wait3A_286] : memref<10016x32xf32, #tpu.memory_space<vmem_shared>> -> memref<10016x32xf32, #tpu.memory_space<vmem_shared>>
    tpu.wait_indirect_dma semaphore(%arg30 : memref<!tpu.dma_semaphore, #tpu.memory_space<semaphore_mem>>) src(%arg12 : memref<128x32xf32, #tpu.memory_space<vmem>>) dst(%dma_wait3A_287 : memref<10016x32xf32, #tpu.memory_space<vmem_shared>>)
    %dma_wait3A_288 = arith.constant 159 : i32
    %dma_wait3A_289 = arith.constant 0 : i32
    %dma_wait3A_290 = tpu.memref_slice %arg6[%dma_wait3A_288, %dma_wait3A_289] : memref<160x128xi32, #tpu.memory_space<vmem>> -> memref<1x128xi32, #tpu.memory_space<vmem>>
    %dma_wait3A_291 = tpu.memref_squeeze %dma_wait3A_290 : memref<1x128xi32, #tpu.memory_space<vmem>> -> memref<128xi32, #tpu.memory_space<vmem>>
    %dma_wait3A_292 = arith.constant 0 : i32
    %dma_wait3A_293 = arith.constant 0 : i32
    %dma_wait3A_294 = tpu.memref_slice %arg16[%dma_wait3A_292, %dma_wait3A_293] : memref<10016x32xf32, #tpu.memory_space<vmem_shared>> -> memref<10016x32xf32, #tpu.memory_space<vmem_shared>>
    tpu.wait_indirect_dma semaphore(%arg19 : memref<!tpu.dma_semaphore, #tpu.memory_space<semaphore_mem>>) src(%dma_wait3A_294 : memref<10016x32xf32, #tpu.memory_space<vmem_shared>>) dst(%arg9 : memref<128x32xf32, #tpu.memory_space<vmem>>)
    %dma_wait3A_295 = arith.constant 157 : i32
    %dma_wait3A_296 = arith.constant 0 : i32
    %dma_wait3A_297 = tpu.memref_slice %arg7[%dma_wait3A_295, %dma_wait3A_296] : memref<160x128xi32, #tpu.memory_space<vmem>> -> memref<1x128xi32, #tpu.memory_space<vmem>>
    %dma_wait3A_298 = tpu.memref_squeeze %dma_wait3A_297 : memref<1x128xi32, #tpu.memory_space<vmem>> -> memref<128xi32, #tpu.memory_space<vmem>>
    %dma_wait3A_299 = arith.constant 0 : i32
    %dma_wait3A_300 = arith.constant 0 : i32
    %dma_wait3A_301 = tpu.memref_slice %arg17[%dma_wait3A_299, %dma_wait3A_300] : memref<10016x32xf32, #tpu.memory_space<vmem_shared>> -> memref<10016x32xf32, #tpu.memory_space<vmem_shared>>
    tpu.wait_indirect_dma semaphore(%arg31 : memref<!tpu.dma_semaphore, #tpu.memory_space<semaphore_mem>>) src(%arg13 : memref<128x32xf32, #tpu.memory_space<vmem>>) dst(%dma_wait3A_301 : memref<10016x32xf32, #tpu.memory_space<vmem_shared>>)
    %dma_wait3A_302 = arith.constant 159 : i32
    %dma_wait3A_303 = arith.constant 0 : i32
    %dma_wait3A_304 = tpu.memref_slice %arg6[%dma_wait3A_302, %dma_wait3A_303] : memref<160x128xi32, #tpu.memory_space<vmem>> -> memref<1x128xi32, #tpu.memory_space<vmem>>
    %dma_wait3A_305 = tpu.memref_squeeze %dma_wait3A_304 : memref<1x128xi32, #tpu.memory_space<vmem>> -> memref<128xi32, #tpu.memory_space<vmem>>
    %dma_wait3A_306 = arith.constant 0 : i32
    %dma_wait3A_307 = arith.constant 0 : i32
    %dma_wait3A_308 = tpu.memref_slice %arg16[%dma_wait3A_306, %dma_wait3A_307] : memref<10016x32xf32, #tpu.memory_space<vmem_shared>> -> memref<10016x32xf32, #tpu.memory_space<vmem_shared>>
    tpu.wait_indirect_dma semaphore(%arg20 : memref<!tpu.dma_semaphore, #tpu.memory_space<semaphore_mem>>) src(%dma_wait3A_308 : memref<10016x32xf32, #tpu.memory_space<vmem_shared>>) dst(%arg10 : memref<128x32xf32, #tpu.memory_space<vmem>>)
    %dma_wait3A_309 = arith.constant 158 : i32
    %dma_wait3A_310 = arith.constant 0 : i32
    %dma_wait3A_311 = tpu.memref_slice %arg7[%dma_wait3A_309, %dma_wait3A_310] : memref<160x128xi32, #tpu.memory_space<vmem>> -> memref<1x128xi32, #tpu.memory_space<vmem>>
    %dma_wait3A_312 = tpu.memref_squeeze %dma_wait3A_311 : memref<1x128xi32, #tpu.memory_space<vmem>> -> memref<128xi32, #tpu.memory_space<vmem>>
    %dma_wait3A_313 = arith.constant 0 : i32
    %dma_wait3A_314 = arith.constant 0 : i32
    %dma_wait3A_315 = tpu.memref_slice %arg17[%dma_wait3A_313, %dma_wait3A_314] : memref<10016x32xf32, #tpu.memory_space<vmem_shared>> -> memref<10016x32xf32, #tpu.memory_space<vmem_shared>>
    tpu.wait_indirect_dma semaphore(%arg32 : memref<!tpu.dma_semaphore, #tpu.memory_space<semaphore_mem>>) src(%arg14 : memref<128x32xf32, #tpu.memory_space<vmem>>) dst(%dma_wait3A_315 : memref<10016x32xf32, #tpu.memory_space<vmem_shared>>)
    %dma_wait3A_316 = arith.constant 159 : i32
    %dma_wait3A_317 = arith.constant 0 : i32
    %dma_wait3A_318 = tpu.memref_slice %arg6[%dma_wait3A_316, %dma_wait3A_317] : memref<160x128xi32, #tpu.memory_space<vmem>> -> memref<1x128xi32, #tpu.memory_space<vmem>>
    %dma_wait3A_319 = tpu.memref_squeeze %dma_wait3A_318 : memref<1x128xi32, #tpu.memory_space<vmem>> -> memref<128xi32, #tpu.memory_space<vmem>>
    %dma_wait3A_320 = arith.constant 0 : i32
    %dma_wait3A_321 = arith.constant 0 : i32
    %dma_wait3A_322 = tpu.memref_slice %arg16[%dma_wait3A_320, %dma_wait3A_321] : memref<10016x32xf32, #tpu.memory_space<vmem_shared>> -> memref<10016x32xf32, #tpu.memory_space<vmem_shared>>
    tpu.wait_indirect_dma semaphore(%arg21 : memref<!tpu.dma_semaphore, #tpu.memory_space<semaphore_mem>>) src(%dma_wait3A_322 : memref<10016x32xf32, #tpu.memory_space<vmem_shared>>) dst(%arg11 : memref<128x32xf32, #tpu.memory_space<vmem>>)
    %dma_wait3A_323 = arith.constant 159 : i32
    %dma_wait3A_324 = arith.constant 0 : i32
    %dma_wait3A_325 = tpu.memref_slice %arg7[%dma_wait3A_323, %dma_wait3A_324] : memref<160x128xi32, #tpu.memory_space<vmem>> -> memref<1x128xi32, #tpu.memory_space<vmem>>
    %dma_wait3A_326 = tpu.memref_squeeze %dma_wait3A_325 : memref<1x128xi32, #tpu.memory_space<vmem>> -> memref<128xi32, #tpu.memory_space<vmem>>
    %dma_wait3A_327 = arith.constant 0 : i32
    %dma_wait3A_328 = arith.constant 0 : i32
    %dma_wait3A_329 = tpu.memref_slice %arg17[%dma_wait3A_327, %dma_wait3A_328] : memref<10016x32xf32, #tpu.memory_space<vmem_shared>> -> memref<10016x32xf32, #tpu.memory_space<vmem_shared>>
    tpu.wait_indirect_dma semaphore(%arg33 : memref<!tpu.dma_semaphore, #tpu.memory_space<semaphore_mem>>) src(%arg15 : memref<128x32xf32, #tpu.memory_space<vmem>>) dst(%dma_wait3A_329 : memref<10016x32xf32, #tpu.memory_space<vmem_shared>>)
    %barrier3A_330 = arith.constant 0 : index
    tpu.barrier barrier_id(%barrier3A_330)
    %mul3A_331 = arith.constant 626 : i32
    %mul3A_332 = arith.muli %arg1, %mul3A_331 : i32
    %mul3A_333 = arith.constant 626 : i32
    %mul3A_334 = arith.muli %arg1, %mul3A_333 : i32
    "tpu.region"() ({
      %run_scoped3A = tpu.sem_alloc : memref<!tpu.dma_semaphore, #tpu.memory_space<semaphore_mem>>
      %dma_start3A_335 = tpu.memref_slice %arg5[%mul3A_334, %mul3A_0] : memref<10016x64xf32, #tpu.memory_space<hbm>> -> memref<626x32xf32, #tpu.memory_space<hbm>>
      %dma_start3A_336 = arith.constant 0 : i32
      %dma_start3A_337 = tpu.memref_slice %arg17[%mul3A_332, %dma_start3A_336] : memref<10016x32xf32, #tpu.memory_space<vmem_shared>> -> memref<626x32xf32, #tpu.memory_space<vmem_shared>>
      tpu.enqueue_dma source(%dma_start3A_337 : memref<626x32xf32, #tpu.memory_space<vmem_shared>>) target(%dma_start3A_335 : memref<626x32xf32, #tpu.memory_space<hbm>>) target_semaphore(%run_scoped3A : memref<!tpu.dma_semaphore, #tpu.memory_space<semaphore_mem>>)
      %dma_wait3A_338 = tpu.memref_slice %arg5[%mul3A_334, %mul3A_0] : memref<10016x64xf32, #tpu.memory_space<hbm>> -> memref<626x32xf32, #tpu.memory_space<hbm>>
      %dma_wait3A_339 = arith.constant 0 : i32
      %dma_wait3A_340 = tpu.memref_slice %arg17[%mul3A_332, %dma_wait3A_339] : memref<10016x32xf32, #tpu.memory_space<vmem_shared>> -> memref<626x32xf32, #tpu.memory_space<vmem_shared>>
      tpu.wait_dma2 semaphore(%run_scoped3A : memref<!tpu.dma_semaphore, #tpu.memory_space<semaphore_mem>>) src(%dma_wait3A_340 : memref<626x32xf32, #tpu.memory_space<vmem_shared>>) dst(%dma_wait3A_338 : memref<626x32xf32, #tpu.memory_space<hbm>>)
      tpu.yield
    }) : () -> ()
    return
  }
}

module attributes {stable_mosaic.version = 14 : i64} {
  func.func @_enc_tc(%arg0: memref<10000x128xf32, #tpu.memory_space<vmem>>, %arg1: memref<128x64xf32, #tpu.memory_space<vmem>>, %arg2: memref<64xf32, #tpu.memory_space<vmem>>, %arg3: memref<64xf32, #tpu.memory_space<vmem>>, %arg4: memref<64xf32, #tpu.memory_space<vmem>>, %arg5: memref<64x64xf32, #tpu.memory_space<vmem>>, %arg6: memref<64xf32, #tpu.memory_space<vmem>>, %arg7: memref<10000x64xf32, #tpu.memory_space<vmem>>) attributes {dimension_semantics = [], scalar_prefetch = 0 : i64, scratch_operands = 0 : i64, tpu.core_type = #tpu.core_type<tc>} {
    %get3A = arith.constant 0 : index
    %get3A_0 = arith.constant 0 : index
    %get3A_1 = vector.load %arg0[%get3A, %get3A_0] : memref<10000x128xf32, #tpu.memory_space<vmem>>, vector<10000x128xf32>
    %get3A_2 = arith.constant 0 : index
    %get3A_3 = arith.constant 0 : index
    %get3A_4 = vector.load %arg1[%get3A_2, %get3A_3] : memref<128x64xf32, #tpu.memory_space<vmem>>, vector<128x64xf32>
    %convert_element_type3A = arith.truncf %get3A_1 : vector<10000x128xf32> to vector<10000x128xbf16>
    %convert_element_type3A_5 = arith.extf %convert_element_type3A : vector<10000x128xbf16> to vector<10000x128xf32>
    %sub3A = arith.subf %get3A_1, %convert_element_type3A_5 : vector<10000x128xf32>
    %convert_element_type3A_6 = arith.truncf %sub3A : vector<10000x128xf32> to vector<10000x128xbf16>
    %convert_element_type3A_7 = arith.truncf %get3A_4 : vector<128x64xf32> to vector<128x64xbf16>
    %convert_element_type3A_8 = arith.extf %convert_element_type3A_7 : vector<128x64xbf16> to vector<128x64xf32>
    %sub3A_9 = arith.subf %get3A_4, %convert_element_type3A_8 : vector<128x64xf32>
    %convert_element_type3A_10 = arith.truncf %sub3A_9 : vector<128x64xf32> to vector<128x64xbf16>
    %dot_general3A = arith.constant dense<0.000000e+00> : vector<10000x64xf32>
    %dot_general3A_11 = tpu.matmul %convert_element_type3A, %convert_element_type3A_7, %dot_general3A {dimension_numbers = #tpu.dot_dimension_numbers<[1], [0], [0], [1], [0, 0, 1, 1], [], []>, transpose_lhs_hint = false} : vector<10000x128xbf16>, vector<128x64xbf16>, vector<10000x64xf32> -> vector<10000x64xf32>
    %dot_general3A_12 = arith.constant dense<0.000000e+00> : vector<10000x64xf32>
    %dot_general3A_13 = tpu.matmul %convert_element_type3A, %convert_element_type3A_10, %dot_general3A_12 {dimension_numbers = #tpu.dot_dimension_numbers<[1], [0], [0], [1], [0, 0, 1, 1], [], []>, transpose_lhs_hint = false} : vector<10000x128xbf16>, vector<128x64xbf16>, vector<10000x64xf32> -> vector<10000x64xf32>
    %dot_general3A_14 = arith.constant dense<0.000000e+00> : vector<10000x64xf32>
    %dot_general3A_15 = tpu.matmul %convert_element_type3A_6, %convert_element_type3A_7, %dot_general3A_14 {dimension_numbers = #tpu.dot_dimension_numbers<[1], [0], [0], [1], [0, 0, 1, 1], [], []>, transpose_lhs_hint = false} : vector<10000x128xbf16>, vector<128x64xbf16>, vector<10000x64xf32> -> vector<10000x64xf32>
    %add3A = arith.addf %dot_general3A_13, %dot_general3A_15 : vector<10000x64xf32>
    %add3A_16 = arith.addf %dot_general3A_11, %add3A : vector<10000x64xf32>
    %get3A_17 = arith.constant 0 : index
    %get3A_18 = vector.load %arg2[%get3A_17] : memref<64xf32, #tpu.memory_space<vmem>>, vector<64xf32>
    %broadcast_in_dim3A = vector.shape_cast %get3A_18 : vector<64xf32> to vector<1x64xf32>
    %add3A_19 = vector.broadcast %broadcast_in_dim3A : vector<1x64xf32> to vector<10000x64xf32>
    %add3A_20 = arith.addf %add3A_16, %add3A_19 : vector<10000x64xf32>
    %max3A = arith.constant 0.000000e+00 : f32
    %max3A_21 = vector.broadcast %max3A : f32 to vector<10000x64xf32>
    %max3A_22 = arith.maximumf %add3A_20, %max3A_21 : vector<10000x64xf32>
    %get3A_23 = arith.constant 0 : index
    %get3A_24 = vector.load %arg3[%get3A_23] : memref<64xf32, #tpu.memory_space<vmem>>, vector<64xf32>
    %broadcast_in_dim3A_25 = vector.shape_cast %get3A_24 : vector<64xf32> to vector<1x64xf32>
    %get3A_26 = arith.constant 0 : index
    %get3A_27 = vector.load %arg4[%get3A_26] : memref<64xf32, #tpu.memory_space<vmem>>, vector<64xf32>
    %broadcast_in_dim3A_28 = vector.shape_cast %get3A_27 : vector<64xf32> to vector<1x64xf32>
    %reduce_sum3A = arith.constant dense<0.000000e+00> : vector<64xf32>
    %reduce_sum3A_29 = vector.multi_reduction <add>, %max3A_22, %reduce_sum3A [0] : vector<10000x64xf32> to vector<64xf32>
    %broadcast_in_dim3A_30 = vector.shape_cast %reduce_sum3A_29 : vector<64xf32> to vector<1x64xf32>
    %div3A = arith.constant 1.000000e+04 : f32
    %div3A_31 = vector.broadcast %div3A : f32 to vector<1x64xf32>
    %div3A_32 = arith.divf %broadcast_in_dim3A_30, %div3A_31 : vector<1x64xf32>
    %sub3A_33 = vector.broadcast %div3A_32 : vector<1x64xf32> to vector<10000x64xf32>
    %sub3A_34 = arith.subf %max3A_22, %sub3A_33 : vector<10000x64xf32>
    %sub3A_35 = vector.broadcast %div3A_32 : vector<1x64xf32> to vector<10000x64xf32>
    %sub3A_36 = arith.subf %max3A_22, %sub3A_35 : vector<10000x64xf32>
    %mul3A = arith.mulf %sub3A_34, %sub3A_36 : vector<10000x64xf32>
    %reduce_sum3A_37 = arith.constant dense<0.000000e+00> : vector<64xf32>
    %reduce_sum3A_38 = vector.multi_reduction <add>, %mul3A, %reduce_sum3A_37 [0] : vector<10000x64xf32> to vector<64xf32>
    %broadcast_in_dim3A_39 = vector.shape_cast %reduce_sum3A_38 : vector<64xf32> to vector<1x64xf32>
    %div3A_40 = arith.constant 1.000000e+04 : f32
    %div3A_41 = vector.broadcast %div3A_40 : f32 to vector<1x64xf32>
    %div3A_42 = arith.divf %broadcast_in_dim3A_39, %div3A_41 : vector<1x64xf32>
    %sub3A_43 = vector.broadcast %div3A_32 : vector<1x64xf32> to vector<10000x64xf32>
    %sub3A_44 = arith.subf %max3A_22, %sub3A_43 : vector<10000x64xf32>
    %add3A_45 = arith.constant 9.99999974E-6 : f32
    %add3A_46 = vector.broadcast %add3A_45 : f32 to vector<1x64xf32>
    %add3A_47 = arith.addf %div3A_42, %add3A_46 : vector<1x64xf32>
    %rsqrt3A = math.rsqrt %add3A_47 : vector<1x64xf32>
    %mul3A_48 = vector.broadcast %rsqrt3A : vector<1x64xf32> to vector<10000x64xf32>
    %mul3A_49 = arith.mulf %sub3A_44, %mul3A_48 : vector<10000x64xf32>
    %mul3A_50 = vector.broadcast %broadcast_in_dim3A_25 : vector<1x64xf32> to vector<10000x64xf32>
    %mul3A_51 = arith.mulf %mul3A_49, %mul3A_50 : vector<10000x64xf32>
    %add3A_52 = vector.broadcast %broadcast_in_dim3A_28 : vector<1x64xf32> to vector<10000x64xf32>
    %add3A_53 = arith.addf %mul3A_51, %add3A_52 : vector<10000x64xf32>
    %get3A_54 = arith.constant 0 : index
    %get3A_55 = arith.constant 0 : index
    %get3A_56 = vector.load %arg5[%get3A_54, %get3A_55] : memref<64x64xf32, #tpu.memory_space<vmem>>, vector<64x64xf32>
    %convert_element_type3A_57 = arith.truncf %add3A_53 : vector<10000x64xf32> to vector<10000x64xbf16>
    %convert_element_type3A_58 = arith.extf %convert_element_type3A_57 : vector<10000x64xbf16> to vector<10000x64xf32>
    %sub3A_59 = arith.subf %add3A_53, %convert_element_type3A_58 : vector<10000x64xf32>
    %convert_element_type3A_60 = arith.truncf %sub3A_59 : vector<10000x64xf32> to vector<10000x64xbf16>
    %convert_element_type3A_61 = arith.truncf %get3A_56 : vector<64x64xf32> to vector<64x64xbf16>
    %convert_element_type3A_62 = arith.extf %convert_element_type3A_61 : vector<64x64xbf16> to vector<64x64xf32>
    %sub3A_63 = arith.subf %get3A_56, %convert_element_type3A_62 : vector<64x64xf32>
    %convert_element_type3A_64 = arith.truncf %sub3A_63 : vector<64x64xf32> to vector<64x64xbf16>
    %dot_general3A_65 = arith.constant dense<0.000000e+00> : vector<10000x64xf32>
    %dot_general3A_66 = tpu.matmul %convert_element_type3A_57, %convert_element_type3A_61, %dot_general3A_65 {dimension_numbers = #tpu.dot_dimension_numbers<[1], [0], [0], [1], [0, 0, 1, 1], [], []>, transpose_lhs_hint = false} : vector<10000x64xbf16>, vector<64x64xbf16>, vector<10000x64xf32> -> vector<10000x64xf32>
    %dot_general3A_67 = arith.constant dense<0.000000e+00> : vector<10000x64xf32>
    %dot_general3A_68 = tpu.matmul %convert_element_type3A_57, %convert_element_type3A_64, %dot_general3A_67 {dimension_numbers = #tpu.dot_dimension_numbers<[1], [0], [0], [1], [0, 0, 1, 1], [], []>, transpose_lhs_hint = false} : vector<10000x64xbf16>, vector<64x64xbf16>, vector<10000x64xf32> -> vector<10000x64xf32>
    %dot_general3A_69 = arith.constant dense<0.000000e+00> : vector<10000x64xf32>
    %dot_general3A_70 = tpu.matmul %convert_element_type3A_60, %convert_element_type3A_61, %dot_general3A_69 {dimension_numbers = #tpu.dot_dimension_numbers<[1], [0], [0], [1], [0, 0, 1, 1], [], []>, transpose_lhs_hint = false} : vector<10000x64xbf16>, vector<64x64xbf16>, vector<10000x64xf32> -> vector<10000x64xf32>
    %add3A_71 = arith.addf %dot_general3A_68, %dot_general3A_70 : vector<10000x64xf32>
    %add3A_72 = arith.addf %dot_general3A_66, %add3A_71 : vector<10000x64xf32>
    %get3A_73 = arith.constant 0 : index
    %get3A_74 = vector.load %arg6[%get3A_73] : memref<64xf32, #tpu.memory_space<vmem>>, vector<64xf32>
    %broadcast_in_dim3A_75 = vector.shape_cast %get3A_74 : vector<64xf32> to vector<1x64xf32>
    %add3A_76 = vector.broadcast %broadcast_in_dim3A_75 : vector<1x64xf32> to vector<10000x64xf32>
    %add3A_77 = arith.addf %add3A_72, %add3A_76 : vector<10000x64xf32>
    %swap3A = arith.constant 0 : index
    %swap3A_78 = arith.constant 0 : index
    %swap3A_79 = vector.load %arg7[%swap3A, %swap3A_78] : memref<10000x64xf32, #tpu.memory_space<vmem>>, vector<10000x64xf32>
    tpu.vector_store %arg7[%swap3A, %swap3A_78], %add3A_77 {strides = array<i32>} : memref<10000x64xf32, #tpu.memory_space<vmem>>, vector<10000x64xf32>,
    return
  }
}

module attributes {stable_mosaic.version = 14 : i64} {
  func.func @_g1_tc(%arg0: memref<10000x64xf32, #tpu.memory_space<vmem>>, %arg1: memref<2x10240xf32, #tpu.memory_space<vmem>>, %arg2: memref<64x64xf32, #tpu.memory_space<vmem>>, %arg3: memref<10016x64xf32, #tpu.memory_space<vmem>>, %arg4: memref<10000x1xf32, #tpu.memory_space<vmem>>) attributes {dimension_semantics = [], scalar_prefetch = 0 : i64, scratch_operands = 0 : i64, tpu.core_type = #tpu.core_type<tc>} {
    %get3A = arith.constant 0 : index
    %get3A_0 = arith.constant 0 : index
    %get3A_1 = vector.load %arg1[%get3A, %get3A_0] : memref<2x10240xf32, #tpu.memory_space<vmem>>, vector<2x10240xf32>
    %slice3A = vector.extract_strided_slice %get3A_1 {offsets = [0, 0], sizes = [1, 10000], strides = [1, 1]} : vector<2x10240xf32> to vector<1x10000xf32>
    %slice3A_2 = vector.extract_strided_slice %get3A_1 {offsets = [1, 0], sizes = [1, 10000], strides = [1, 1]} : vector<2x10240xf32> to vector<1x10000xf32>
    %add3A = arith.addf %slice3A, %slice3A_2 : vector<1x10000xf32>
    %add3A_3 = arith.constant 1.000000e+00 : f32
    %add3A_4 = vector.broadcast %add3A_3 : f32 to vector<1x10000xf32>
    %add3A_5 = arith.addf %add3A, %add3A_4 : vector<1x10000xf32>
    %rsqrt3A = math.rsqrt %add3A_5 : vector<1x10000xf32>
    %transpose3A = tpu.transpose %rsqrt3A, [1, 0] : vector<1x10000xf32> -> vector<10000x1xf32>
    %swap3A = arith.constant 0 : index
    %swap3A_6 = arith.constant 0 : index
    %swap3A_7 = vector.load %arg4[%swap3A, %swap3A_6] : memref<10000x1xf32, #tpu.memory_space<vmem>>, vector<10000x1xf32>
    tpu.vector_store %arg4[%swap3A, %swap3A_6], %transpose3A {strides = array<i32>} : memref<10000x1xf32, #tpu.memory_space<vmem>>, vector<10000x1xf32>,
    %get3A_8 = arith.constant 0 : index
    %get3A_9 = arith.constant 0 : index
    %get3A_10 = vector.load %arg0[%get3A_8, %get3A_9] : memref<10000x64xf32, #tpu.memory_space<vmem>>, vector<10000x64xf32>
    %get3A_11 = arith.constant 0 : index
    %get3A_12 = arith.constant 0 : index
    %get3A_13 = vector.load %arg2[%get3A_11, %get3A_12] : memref<64x64xf32, #tpu.memory_space<vmem>>, vector<64x64xf32>
    %convert_element_type3A = arith.truncf %get3A_10 : vector<10000x64xf32> to vector<10000x64xbf16>
    %convert_element_type3A_14 = arith.extf %convert_element_type3A : vector<10000x64xbf16> to vector<10000x64xf32>
    %sub3A = arith.subf %get3A_10, %convert_element_type3A_14 : vector<10000x64xf32>
    %convert_element_type3A_15 = arith.truncf %sub3A : vector<10000x64xf32> to vector<10000x64xbf16>
    %convert_element_type3A_16 = arith.truncf %get3A_13 : vector<64x64xf32> to vector<64x64xbf16>
    %convert_element_type3A_17 = arith.extf %convert_element_type3A_16 : vector<64x64xbf16> to vector<64x64xf32>
    %sub3A_18 = arith.subf %get3A_13, %convert_element_type3A_17 : vector<64x64xf32>
    %convert_element_type3A_19 = arith.truncf %sub3A_18 : vector<64x64xf32> to vector<64x64xbf16>
    %dot_general3A = arith.constant dense<0.000000e+00> : vector<10000x64xf32>
    %dot_general3A_20 = tpu.matmul %convert_element_type3A, %convert_element_type3A_16, %dot_general3A {dimension_numbers = #tpu.dot_dimension_numbers<[1], [0], [0], [1], [0, 0, 1, 1], [], []>, transpose_lhs_hint = false} : vector<10000x64xbf16>, vector<64x64xbf16>, vector<10000x64xf32> -> vector<10000x64xf32>
    %dot_general3A_21 = arith.constant dense<0.000000e+00> : vector<10000x64xf32>
    %dot_general3A_22 = tpu.matmul %convert_element_type3A, %convert_element_type3A_19, %dot_general3A_21 {dimension_numbers = #tpu.dot_dimension_numbers<[1], [0], [0], [1], [0, 0, 1, 1], [], []>, transpose_lhs_hint = false} : vector<10000x64xbf16>, vector<64x64xbf16>, vector<10000x64xf32> -> vector<10000x64xf32>
    %dot_general3A_23 = arith.constant dense<0.000000e+00> : vector<10000x64xf32>
    %dot_general3A_24 = tpu.matmul %convert_element_type3A_15, %convert_element_type3A_16, %dot_general3A_23 {dimension_numbers = #tpu.dot_dimension_numbers<[1], [0], [0], [1], [0, 0, 1, 1], [], []>, transpose_lhs_hint = false} : vector<10000x64xbf16>, vector<64x64xbf16>, vector<10000x64xf32> -> vector<10000x64xf32>
    %add3A_25 = arith.addf %dot_general3A_22, %dot_general3A_24 : vector<10000x64xf32>
    %add3A_26 = arith.addf %dot_general3A_20, %add3A_25 : vector<10000x64xf32>
    %mul3A = vector.broadcast %transpose3A : vector<10000x1xf32> to vector<10000x64xf32>
    %mul3A_27 = arith.mulf %mul3A, %add3A_26 : vector<10000x64xf32>
    %broadcast_in_dim3A = arith.constant 0.000000e+00 : f32
    %broadcast_in_dim3A_28 = vector.broadcast %broadcast_in_dim3A : f32 to vector<16x64xf32>
    %concatenate3A = tpu.concatenate %mul3A_27, %broadcast_in_dim3A_28 in 0 : vector<10000x64xf32>, vector<16x64xf32> -> vector<10016x64xf32>
    %swap3A_29 = arith.constant 0 : index
    %swap3A_30 = arith.constant 0 : index
    %swap3A_31 = vector.load %arg3[%swap3A_29, %swap3A_30] : memref<10016x64xf32, #tpu.memory_space<vmem>>, vector<10016x64xf32>
    tpu.vector_store %arg3[%swap3A_29, %swap3A_30], %concatenate3A {strides = array<i32>} : memref<10016x64xf32, #tpu.memory_space<vmem>>, vector<10016x64xf32>,
    return
  }
}

module attributes {stable_mosaic.version = 14 : i64} {
  func.func @_stage_mid_tc(%arg0: memref<10016x64xf32, #tpu.memory_space<vmem>>, %arg1: memref<10000x1xf32, #tpu.memory_space<vmem>>, %arg2: memref<64xf32, #tpu.memory_space<vmem>>, %arg3: memref<64xf32, #tpu.memory_space<vmem>>, %arg4: memref<64xf32, #tpu.memory_space<vmem>>, %arg5: memref<64x64xf32, #tpu.memory_space<vmem>>, %arg6: memref<10016x64xf32, #tpu.memory_space<vmem>>) attributes {dimension_semantics = [], scalar_prefetch = 0 : i64, scratch_operands = 0 : i64, tpu.core_type = #tpu.core_type<tc>} {
    %get3A = arith.constant 0 : index
    %get3A_0 = arith.constant 0 : index
    %get3A_1 = vector.load %arg1[%get3A, %get3A_0] : memref<10000x1xf32, #tpu.memory_space<vmem>>, vector<10000x1xf32>
    %get3A_2 = arith.constant 0 : index
    %get3A_3 = arith.constant 0 : index
    %get3A_4 = vector.load %arg0[%get3A_2, %get3A_3] : memref<10016x64xf32, #tpu.memory_space<vmem>>, vector<10000x64xf32>
    %mul3A = vector.broadcast %get3A_1 : vector<10000x1xf32> to vector<10000x64xf32>
    %mul3A_5 = arith.mulf %mul3A, %get3A_4 : vector<10000x64xf32>
    %get3A_6 = arith.constant 0 : index
    %get3A_7 = vector.load %arg2[%get3A_6] : memref<64xf32, #tpu.memory_space<vmem>>, vector<64xf32>
    %broadcast_in_dim3A = vector.shape_cast %get3A_7 : vector<64xf32> to vector<1x64xf32>
    %add3A = vector.broadcast %broadcast_in_dim3A : vector<1x64xf32> to vector<10000x64xf32>
    %add3A_8 = arith.addf %mul3A_5, %add3A : vector<10000x64xf32>
    %get3A_9 = arith.constant 0 : index
    %get3A_10 = vector.load %arg3[%get3A_9] : memref<64xf32, #tpu.memory_space<vmem>>, vector<64xf32>
    %broadcast_in_dim3A_11 = vector.shape_cast %get3A_10 : vector<64xf32> to vector<1x64xf32>
    %get3A_12 = arith.constant 0 : index
    %get3A_13 = vector.load %arg4[%get3A_12] : memref<64xf32, #tpu.memory_space<vmem>>, vector<64xf32>
    %broadcast_in_dim3A_14 = vector.shape_cast %get3A_13 : vector<64xf32> to vector<1x64xf32>
    %reduce_sum3A = arith.constant dense<0.000000e+00> : vector<64xf32>
    %reduce_sum3A_15 = vector.multi_reduction <add>, %add3A_8, %reduce_sum3A [0] : vector<10000x64xf32> to vector<64xf32>
    %broadcast_in_dim3A_16 = vector.shape_cast %reduce_sum3A_15 : vector<64xf32> to vector<1x64xf32>
    %div3A = arith.constant 1.000000e+04 : f32
    %div3A_17 = vector.broadcast %div3A : f32 to vector<1x64xf32>
    %div3A_18 = arith.divf %broadcast_in_dim3A_16, %div3A_17 : vector<1x64xf32>
    %sub3A = vector.broadcast %div3A_18 : vector<1x64xf32> to vector<10000x64xf32>
    %sub3A_19 = arith.subf %add3A_8, %sub3A : vector<10000x64xf32>
    %sub3A_20 = vector.broadcast %div3A_18 : vector<1x64xf32> to vector<10000x64xf32>
    %sub3A_21 = arith.subf %add3A_8, %sub3A_20 : vector<10000x64xf32>
    %mul3A_22 = arith.mulf %sub3A_19, %sub3A_21 : vector<10000x64xf32>
    %reduce_sum3A_23 = arith.constant dense<0.000000e+00> : vector<64xf32>
    %reduce_sum3A_24 = vector.multi_reduction <add>, %mul3A_22, %reduce_sum3A_23 [0] : vector<10000x64xf32> to vector<64xf32>
    %broadcast_in_dim3A_25 = vector.shape_cast %reduce_sum3A_24 : vector<64xf32> to vector<1x64xf32>
    %div3A_26 = arith.constant 1.000000e+04 : f32
    %div3A_27 = vector.broadcast %div3A_26 : f32 to vector<1x64xf32>
    %div3A_28 = arith.divf %broadcast_in_dim3A_25, %div3A_27 : vector<1x64xf32>
    %sub3A_29 = vector.broadcast %div3A_18 : vector<1x64xf32> to vector<10000x64xf32>
    %sub3A_30 = arith.subf %add3A_8, %sub3A_29 : vector<10000x64xf32>
    %add3A_31 = arith.constant 9.99999974E-6 : f32
    %add3A_32 = vector.broadcast %add3A_31 : f32 to vector<1x64xf32>
    %add3A_33 = arith.addf %div3A_28, %add3A_32 : vector<1x64xf32>
    %rsqrt3A = math.rsqrt %add3A_33 : vector<1x64xf32>
    %mul3A_34 = vector.broadcast %rsqrt3A : vector<1x64xf32> to vector<10000x64xf32>
    %mul3A_35 = arith.mulf %sub3A_30, %mul3A_34 : vector<10000x64xf32>
    %mul3A_36 = vector.broadcast %broadcast_in_dim3A_11 : vector<1x64xf32> to vector<10000x64xf32>
    %mul3A_37 = arith.mulf %mul3A_35, %mul3A_36 : vector<10000x64xf32>
    %add3A_38 = vector.broadcast %broadcast_in_dim3A_14 : vector<1x64xf32> to vector<10000x64xf32>
    %add3A_39 = arith.addf %mul3A_37, %add3A_38 : vector<10000x64xf32>
    %max3A = arith.constant 0.000000e+00 : f32
    %max3A_40 = vector.broadcast %max3A : f32 to vector<10000x64xf32>
    %max3A_41 = arith.maximumf %add3A_39, %max3A_40 : vector<10000x64xf32>
    %get3A_42 = arith.constant 0 : index
    %get3A_43 = arith.constant 0 : index
    %get3A_44 = vector.load %arg5[%get3A_42, %get3A_43] : memref<64x64xf32, #tpu.memory_space<vmem>>, vector<64x64xf32>
    %convert_element_type3A = arith.truncf %max3A_41 : vector<10000x64xf32> to vector<10000x64xbf16>
    %convert_element_type3A_45 = arith.extf %convert_element_type3A : vector<10000x64xbf16> to vector<10000x64xf32>
    %sub3A_46 = arith.subf %max3A_41, %convert_element_type3A_45 : vector<10000x64xf32>
    %convert_element_type3A_47 = arith.truncf %sub3A_46 : vector<10000x64xf32> to vector<10000x64xbf16>
    %convert_element_type3A_48 = arith.truncf %get3A_44 : vector<64x64xf32> to vector<64x64xbf16>
    %convert_element_type3A_49 = arith.extf %convert_element_type3A_48 : vector<64x64xbf16> to vector<64x64xf32>
    %sub3A_50 = arith.subf %get3A_44, %convert_element_type3A_49 : vector<64x64xf32>
    %convert_element_type3A_51 = arith.truncf %sub3A_50 : vector<64x64xf32> to vector<64x64xbf16>
    %dot_general3A = arith.constant dense<0.000000e+00> : vector<10000x64xf32>
    %dot_general3A_52 = tpu.matmul %convert_element_type3A, %convert_element_type3A_48, %dot_general3A {dimension_numbers = #tpu.dot_dimension_numbers<[1], [0], [0], [1], [0, 0, 1, 1], [], []>, transpose_lhs_hint = false} : vector<10000x64xbf16>, vector<64x64xbf16>, vector<10000x64xf32> -> vector<10000x64xf32>
    %dot_general3A_53 = arith.constant dense<0.000000e+00> : vector<10000x64xf32>
    %dot_general3A_54 = tpu.matmul %convert_element_type3A, %convert_element_type3A_51, %dot_general3A_53 {dimension_numbers = #tpu.dot_dimension_numbers<[1], [0], [0], [1], [0, 0, 1, 1], [], []>, transpose_lhs_hint = false} : vector<10000x64xbf16>, vector<64x64xbf16>, vector<10000x64xf32> -> vector<10000x64xf32>
    %dot_general3A_55 = arith.constant dense<0.000000e+00> : vector<10000x64xf32>
    %dot_general3A_56 = tpu.matmul %convert_element_type3A_47, %convert_element_type3A_48, %dot_general3A_55 {dimension_numbers = #tpu.dot_dimension_numbers<[1], [0], [0], [1], [0, 0, 1, 1], [], []>, transpose_lhs_hint = false} : vector<10000x64xbf16>, vector<64x64xbf16>, vector<10000x64xf32> -> vector<10000x64xf32>
    %add3A_57 = arith.addf %dot_general3A_54, %dot_general3A_56 : vector<10000x64xf32>
    %add3A_58 = arith.addf %dot_general3A_52, %add3A_57 : vector<10000x64xf32>
    %mul3A_59 = vector.broadcast %get3A_1 : vector<10000x1xf32> to vector<10000x64xf32>
    %mul3A_60 = arith.mulf %mul3A_59, %add3A_58 : vector<10000x64xf32>
    %broadcast_in_dim3A_61 = arith.constant 0.000000e+00 : f32
    %broadcast_in_dim3A_62 = vector.broadcast %broadcast_in_dim3A_61 : f32 to vector<16x64xf32>
    %concatenate3A = tpu.concatenate %mul3A_60, %broadcast_in_dim3A_62 in 0 : vector<10000x64xf32>, vector<16x64xf32> -> vector<10016x64xf32>
    %swap3A = arith.constant 0 : index
    %swap3A_63 = arith.constant 0 : index
    %swap3A_64 = vector.load %arg6[%swap3A, %swap3A_63] : memref<10016x64xf32, #tpu.memory_space<vmem>>, vector<10016x64xf32>
    tpu.vector_store %arg6[%swap3A, %swap3A_63], %concatenate3A {strides = array<i32>} : memref<10016x64xf32, #tpu.memory_space<vmem>>, vector<10016x64xf32>,
    return
  }
}

module attributes {stable_mosaic.version = 14 : i64} {
  func.func @_stage_mid_tc(%arg0: memref<10016x64xf32, #tpu.memory_space<vmem>>, %arg1: memref<10000x1xf32, #tpu.memory_space<vmem>>, %arg2: memref<64xf32, #tpu.memory_space<vmem>>, %arg3: memref<64xf32, #tpu.memory_space<vmem>>, %arg4: memref<64xf32, #tpu.memory_space<vmem>>, %arg5: memref<64x32xf32, #tpu.memory_space<vmem>>, %arg6: memref<10016x32xf32, #tpu.memory_space<vmem>>) attributes {dimension_semantics = [], scalar_prefetch = 0 : i64, scratch_operands = 0 : i64, tpu.core_type = #tpu.core_type<tc>} {
    %get3A = arith.constant 0 : index
    %get3A_0 = arith.constant 0 : index
    %get3A_1 = vector.load %arg1[%get3A, %get3A_0] : memref<10000x1xf32, #tpu.memory_space<vmem>>, vector<10000x1xf32>
    %get3A_2 = arith.constant 0 : index
    %get3A_3 = arith.constant 0 : index
    %get3A_4 = vector.load %arg0[%get3A_2, %get3A_3] : memref<10016x64xf32, #tpu.memory_space<vmem>>, vector<10000x64xf32>
    %mul3A = vector.broadcast %get3A_1 : vector<10000x1xf32> to vector<10000x64xf32>
    %mul3A_5 = arith.mulf %mul3A, %get3A_4 : vector<10000x64xf32>
    %get3A_6 = arith.constant 0 : index
    %get3A_7 = vector.load %arg2[%get3A_6] : memref<64xf32, #tpu.memory_space<vmem>>, vector<64xf32>
    %broadcast_in_dim3A = vector.shape_cast %get3A_7 : vector<64xf32> to vector<1x64xf32>
    %add3A = vector.broadcast %broadcast_in_dim3A : vector<1x64xf32> to vector<10000x64xf32>
    %add3A_8 = arith.addf %mul3A_5, %add3A : vector<10000x64xf32>
    %get3A_9 = arith.constant 0 : index
    %get3A_10 = vector.load %arg3[%get3A_9] : memref<64xf32, #tpu.memory_space<vmem>>, vector<64xf32>
    %broadcast_in_dim3A_11 = vector.shape_cast %get3A_10 : vector<64xf32> to vector<1x64xf32>
    %get3A_12 = arith.constant 0 : index
    %get3A_13 = vector.load %arg4[%get3A_12] : memref<64xf32, #tpu.memory_space<vmem>>, vector<64xf32>
    %broadcast_in_dim3A_14 = vector.shape_cast %get3A_13 : vector<64xf32> to vector<1x64xf32>
    %reduce_sum3A = arith.constant dense<0.000000e+00> : vector<64xf32>
    %reduce_sum3A_15 = vector.multi_reduction <add>, %add3A_8, %reduce_sum3A [0] : vector<10000x64xf32> to vector<64xf32>
    %broadcast_in_dim3A_16 = vector.shape_cast %reduce_sum3A_15 : vector<64xf32> to vector<1x64xf32>
    %div3A = arith.constant 1.000000e+04 : f32
    %div3A_17 = vector.broadcast %div3A : f32 to vector<1x64xf32>
    %div3A_18 = arith.divf %broadcast_in_dim3A_16, %div3A_17 : vector<1x64xf32>
    %sub3A = vector.broadcast %div3A_18 : vector<1x64xf32> to vector<10000x64xf32>
    %sub3A_19 = arith.subf %add3A_8, %sub3A : vector<10000x64xf32>
    %sub3A_20 = vector.broadcast %div3A_18 : vector<1x64xf32> to vector<10000x64xf32>
    %sub3A_21 = arith.subf %add3A_8, %sub3A_20 : vector<10000x64xf32>
    %mul3A_22 = arith.mulf %sub3A_19, %sub3A_21 : vector<10000x64xf32>
    %reduce_sum3A_23 = arith.constant dense<0.000000e+00> : vector<64xf32>
    %reduce_sum3A_24 = vector.multi_reduction <add>, %mul3A_22, %reduce_sum3A_23 [0] : vector<10000x64xf32> to vector<64xf32>
    %broadcast_in_dim3A_25 = vector.shape_cast %reduce_sum3A_24 : vector<64xf32> to vector<1x64xf32>
    %div3A_26 = arith.constant 1.000000e+04 : f32
    %div3A_27 = vector.broadcast %div3A_26 : f32 to vector<1x64xf32>
    %div3A_28 = arith.divf %broadcast_in_dim3A_25, %div3A_27 : vector<1x64xf32>
    %sub3A_29 = vector.broadcast %div3A_18 : vector<1x64xf32> to vector<10000x64xf32>
    %sub3A_30 = arith.subf %add3A_8, %sub3A_29 : vector<10000x64xf32>
    %add3A_31 = arith.constant 9.99999974E-6 : f32
    %add3A_32 = vector.broadcast %add3A_31 : f32 to vector<1x64xf32>
    %add3A_33 = arith.addf %div3A_28, %add3A_32 : vector<1x64xf32>
    %rsqrt3A = math.rsqrt %add3A_33 : vector<1x64xf32>
    %mul3A_34 = vector.broadcast %rsqrt3A : vector<1x64xf32> to vector<10000x64xf32>
    %mul3A_35 = arith.mulf %sub3A_30, %mul3A_34 : vector<10000x64xf32>
    %mul3A_36 = vector.broadcast %broadcast_in_dim3A_11 : vector<1x64xf32> to vector<10000x64xf32>
    %mul3A_37 = arith.mulf %mul3A_35, %mul3A_36 : vector<10000x64xf32>
    %add3A_38 = vector.broadcast %broadcast_in_dim3A_14 : vector<1x64xf32> to vector<10000x64xf32>
    %add3A_39 = arith.addf %mul3A_37, %add3A_38 : vector<10000x64xf32>
    %max3A = arith.constant 0.000000e+00 : f32
    %max3A_40 = vector.broadcast %max3A : f32 to vector<10000x64xf32>
    %max3A_41 = arith.maximumf %add3A_39, %max3A_40 : vector<10000x64xf32>
    %get3A_42 = arith.constant 0 : index
    %get3A_43 = arith.constant 0 : index
    %get3A_44 = vector.load %arg5[%get3A_42, %get3A_43] : memref<64x32xf32, #tpu.memory_space<vmem>>, vector<64x32xf32>
    %convert_element_type3A = arith.truncf %max3A_41 : vector<10000x64xf32> to vector<10000x64xbf16>
    %convert_element_type3A_45 = arith.extf %convert_element_type3A : vector<10000x64xbf16> to vector<10000x64xf32>
    %sub3A_46 = arith.subf %max3A_41, %convert_element_type3A_45 : vector<10000x64xf32>
    %convert_element_type3A_47 = arith.truncf %sub3A_46 : vector<10000x64xf32> to vector<10000x64xbf16>
    %convert_element_type3A_48 = arith.truncf %get3A_44 : vector<64x32xf32> to vector<64x32xbf16>
    %convert_element_type3A_49 = arith.extf %convert_element_type3A_48 : vector<64x32xbf16> to vector<64x32xf32>
    %sub3A_50 = arith.subf %get3A_44, %convert_element_type3A_49 : vector<64x32xf32>
    %convert_element_type3A_51 = arith.truncf %sub3A_50 : vector<64x32xf32> to vector<64x32xbf16>
    %dot_general3A = arith.constant dense<0.000000e+00> : vector<10000x32xf32>
    %dot_general3A_52 = tpu.matmul %convert_element_type3A, %convert_element_type3A_48, %dot_general3A {dimension_numbers = #tpu.dot_dimension_numbers<[1], [0], [0], [1], [0, 0, 1, 1], [], []>, transpose_lhs_hint = false} : vector<10000x64xbf16>, vector<64x32xbf16>, vector<10000x32xf32> -> vector<10000x32xf32>
    %dot_general3A_53 = arith.constant dense<0.000000e+00> : vector<10000x32xf32>
    %dot_general3A_54 = tpu.matmul %convert_element_type3A, %convert_element_type3A_51, %dot_general3A_53 {dimension_numbers = #tpu.dot_dimension_numbers<[1], [0], [0], [1], [0, 0, 1, 1], [], []>, transpose_lhs_hint = false} : vector<10000x64xbf16>, vector<64x32xbf16>, vector<10000x32xf32> -> vector<10000x32xf32>
    %dot_general3A_55 = arith.constant dense<0.000000e+00> : vector<10000x32xf32>
    %dot_general3A_56 = tpu.matmul %convert_element_type3A_47, %convert_element_type3A_48, %dot_general3A_55 {dimension_numbers = #tpu.dot_dimension_numbers<[1], [0], [0], [1], [0, 0, 1, 1], [], []>, transpose_lhs_hint = false} : vector<10000x64xbf16>, vector<64x32xbf16>, vector<10000x32xf32> -> vector<10000x32xf32>
    %add3A_57 = arith.addf %dot_general3A_54, %dot_general3A_56 : vector<10000x32xf32>
    %add3A_58 = arith.addf %dot_general3A_52, %add3A_57 : vector<10000x32xf32>
    %mul3A_59 = vector.broadcast %get3A_1 : vector<10000x1xf32> to vector<10000x32xf32>
    %mul3A_60 = arith.mulf %mul3A_59, %add3A_58 : vector<10000x32xf32>
    %broadcast_in_dim3A_61 = arith.constant 0.000000e+00 : f32
    %broadcast_in_dim3A_62 = vector.broadcast %broadcast_in_dim3A_61 : f32 to vector<16x32xf32>
    %concatenate3A = tpu.concatenate %mul3A_60, %broadcast_in_dim3A_62 in 0 : vector<10000x32xf32>, vector<16x32xf32> -> vector<10016x32xf32>
    %swap3A = arith.constant 0 : index
    %swap3A_63 = arith.constant 0 : index
    %swap3A_64 = vector.load %arg6[%swap3A, %swap3A_63] : memref<10016x32xf32, #tpu.memory_space<vmem>>, vector<10016x32xf32>
    tpu.vector_store %arg6[%swap3A, %swap3A_63], %concatenate3A {strides = array<i32>} : memref<10016x32xf32, #tpu.memory_space<vmem>>, vector<10016x32xf32>,
    return
  }
}

module attributes {stable_mosaic.version = 14 : i64} {
  func.func @_stage_final_tc(%arg0: memref<10016x32xf32, #tpu.memory_space<vmem>>, %arg1: memref<10000x1xf32, #tpu.memory_space<vmem>>, %arg2: memref<32xf32, #tpu.memory_space<vmem>>, %arg3: memref<32xf32, #tpu.memory_space<vmem>>, %arg4: memref<32xf32, #tpu.memory_space<vmem>>, %arg5: memref<10000x32xf32, #tpu.memory_space<vmem>>) attributes {dimension_semantics = [], scalar_prefetch = 0 : i64, scratch_operands = 0 : i64, tpu.core_type = #tpu.core_type<tc>} {
    %get3A = arith.constant 0 : index
    %get3A_0 = arith.constant 0 : index
    %get3A_1 = vector.load %arg1[%get3A, %get3A_0] : memref<10000x1xf32, #tpu.memory_space<vmem>>, vector<10000x1xf32>
    %get3A_2 = arith.constant 0 : index
    %get3A_3 = arith.constant 0 : index
    %get3A_4 = vector.load %arg0[%get3A_2, %get3A_3] : memref<10016x32xf32, #tpu.memory_space<vmem>>, vector<10000x32xf32>
    %mul3A = vector.broadcast %get3A_1 : vector<10000x1xf32> to vector<10000x32xf32>
    %mul3A_5 = arith.mulf %mul3A, %get3A_4 : vector<10000x32xf32>
    %get3A_6 = arith.constant 0 : index
    %get3A_7 = vector.load %arg2[%get3A_6] : memref<32xf32, #tpu.memory_space<vmem>>, vector<32xf32>
    %broadcast_in_dim3A = vector.shape_cast %get3A_7 : vector<32xf32> to vector<1x32xf32>
    %add3A = vector.broadcast %broadcast_in_dim3A : vector<1x32xf32> to vector<10000x32xf32>
    %add3A_8 = arith.addf %mul3A_5, %add3A : vector<10000x32xf32>
    %get3A_9 = arith.constant 0 : index
    %get3A_10 = vector.load %arg3[%get3A_9] : memref<32xf32, #tpu.memory_space<vmem>>, vector<32xf32>
    %broadcast_in_dim3A_11 = vector.shape_cast %get3A_10 : vector<32xf32> to vector<1x32xf32>
    %get3A_12 = arith.constant 0 : index
    %get3A_13 = vector.load %arg4[%get3A_12] : memref<32xf32, #tpu.memory_space<vmem>>, vector<32xf32>
    %broadcast_in_dim3A_14 = vector.shape_cast %get3A_13 : vector<32xf32> to vector<1x32xf32>
    %reduce_sum3A = arith.constant dense<0.000000e+00> : vector<32xf32>
    %reduce_sum3A_15 = vector.multi_reduction <add>, %add3A_8, %reduce_sum3A [0] : vector<10000x32xf32> to vector<32xf32>
    %broadcast_in_dim3A_16 = vector.shape_cast %reduce_sum3A_15 : vector<32xf32> to vector<1x32xf32>
    %div3A = arith.constant 1.000000e+04 : f32
    %div3A_17 = vector.broadcast %div3A : f32 to vector<1x32xf32>
    %div3A_18 = arith.divf %broadcast_in_dim3A_16, %div3A_17 : vector<1x32xf32>
    %sub3A = vector.broadcast %div3A_18 : vector<1x32xf32> to vector<10000x32xf32>
    %sub3A_19 = arith.subf %add3A_8, %sub3A : vector<10000x32xf32>
    %sub3A_20 = vector.broadcast %div3A_18 : vector<1x32xf32> to vector<10000x32xf32>
    %sub3A_21 = arith.subf %add3A_8, %sub3A_20 : vector<10000x32xf32>
    %mul3A_22 = arith.mulf %sub3A_19, %sub3A_21 : vector<10000x32xf32>
    %reduce_sum3A_23 = arith.constant dense<0.000000e+00> : vector<32xf32>
    %reduce_sum3A_24 = vector.multi_reduction <add>, %mul3A_22, %reduce_sum3A_23 [0] : vector<10000x32xf32> to vector<32xf32>
    %broadcast_in_dim3A_25 = vector.shape_cast %reduce_sum3A_24 : vector<32xf32> to vector<1x32xf32>
    %div3A_26 = arith.constant 1.000000e+04 : f32
    %div3A_27 = vector.broadcast %div3A_26 : f32 to vector<1x32xf32>
    %div3A_28 = arith.divf %broadcast_in_dim3A_25, %div3A_27 : vector<1x32xf32>
    %sub3A_29 = vector.broadcast %div3A_18 : vector<1x32xf32> to vector<10000x32xf32>
    %sub3A_30 = arith.subf %add3A_8, %sub3A_29 : vector<10000x32xf32>
    %add3A_31 = arith.constant 9.99999974E-6 : f32
    %add3A_32 = vector.broadcast %add3A_31 : f32 to vector<1x32xf32>
    %add3A_33 = arith.addf %div3A_28, %add3A_32 : vector<1x32xf32>
    %rsqrt3A = math.rsqrt %add3A_33 : vector<1x32xf32>
    %mul3A_34 = vector.broadcast %rsqrt3A : vector<1x32xf32> to vector<10000x32xf32>
    %mul3A_35 = arith.mulf %sub3A_30, %mul3A_34 : vector<10000x32xf32>
    %mul3A_36 = vector.broadcast %broadcast_in_dim3A_11 : vector<1x32xf32> to vector<10000x32xf32>
    %mul3A_37 = arith.mulf %mul3A_35, %mul3A_36 : vector<10000x32xf32>
    %add3A_38 = vector.broadcast %broadcast_in_dim3A_14 : vector<1x32xf32> to vector<10000x32xf32>
    %add3A_39 = arith.addf %mul3A_37, %add3A_38 : vector<10000x32xf32>
    %mul3A_40 = arith.mulf %add3A_39, %add3A_39 : vector<10000x32xf32>
    %reduce_sum3A_41 = arith.constant dense<0.000000e+00> : vector<10000xf32>
    %reduce_sum3A_42 = vector.multi_reduction <add>, %mul3A_40, %reduce_sum3A_41 [1] : vector<10000x32xf32> to vector<10000xf32>
    %broadcast_in_dim3A_43 = vector.shape_cast %reduce_sum3A_42 : vector<10000xf32> to vector<10000x1xf32>
    %sqrt3A = math.sqrt %broadcast_in_dim3A_43 : vector<10000x1xf32>
    %max3A = arith.constant 9.99999996E-13 : f32
    %max3A_44 = vector.broadcast %max3A : f32 to vector<10000x1xf32>
    %max3A_45 = arith.maximumf %sqrt3A, %max3A_44 : vector<10000x1xf32>
    %div3A_46 = vector.broadcast %max3A_45 : vector<10000x1xf32> to vector<10000x32xf32>
    %div3A_47 = arith.divf %add3A_39, %div3A_46 : vector<10000x32xf32>
    %swap3A = arith.constant 0 : index
    %swap3A_48 = arith.constant 0 : index
    %swap3A_49 = vector.load %arg5[%swap3A, %swap3A_48] : memref<10000x32xf32, #tpu.memory_space<vmem>>, vector<10000x32xf32>
    tpu.vector_store %arg5[%swap3A, %swap3A_48], %div3A_47 {strides = array<i32>} : memref<10000x32xf32, #tpu.memory_space<vmem>>, vector<10000x32xf32>,
    return
  }
}

</mosaic_0001>

<sc_bundles>
// kernel: kernel.11.cloned.1.call-start
scs
__scs_entry_jumppad:
0x0: {  	(pc) =	sbr.rel $0x88, $3  }
0x1: {  	(tag) =	ssettag $0x0;
	lr =	simm.s32 $0x1  }
0x2: {  	[smem:$0x3F8D] =	sst lr;
	_ =	strace $0xD0000000  }
0x3: {  	_ = 	snop  }
0x4: {  	_ = 	snop  }
0x5: {  	_ = 	snop  }
0x6: {  	_ = 	snop  }
0x7: {  	_ = 	snop  }
__scs_overlays_trampoline_lowered:
0x8: {  	[smem:$0x3F9C] =	sst s0  }
0x9: {  	[smem:$0x3F9D] =	sst s1  }
0xa: {  	[smem:$0x3F9E] =	sst s2  }
0xb: {  	[smem:$0x3F9F] =	sst s3  }
0xc: {  	[smem:$0x3FA0] =	sst s4  }
0xd: {  	[smem:$0x3FA1] =	sst s5  }
0xe: {  	[smem:$0x3FA2] =	sst s6  }
0xf: {  	[smem:$0x3FA3] =	sst s7  }
0x10: {  	[smem:$0x3FA4] =	sst s8  }
0x11: {  	[smem:$0x3FA5] =	sst s9;
	s0 =	simm.s32 @!p0 $0x0  }
0x12: {  	s1 =	sld [smem:$0x3F8B];
	s0 =	simm.s32 @p0 $0x1  }
0x13: {  	[smem:$0x3FA6] =	sst s0;
	s0 =	simm.s32 @!p1 $0x0  }
0x14: {  	s2 =	sld [smem:$0x3F8A];
	s0 =	simm.s32 @p1 $0x1  }
0x15: {  	[smem:$0x3FA7] =	sst s0;
	s0 =	simm.s32 @!p2 $0x0  }
0x16: {  	s3 =	sld [smem:$0x3FDB];
	s0 =	simm.s32 @p2 $0x1  }
0x17: {  	s4 =	simm.s32 $0x1BF5;
	[smem:$0x3FA9] =	sst s0  }
0x18: {  	s0 =	sld [smem:$0x3F8C];
	_ =	swait.ge [sflag:s4], $0x0  }
0x19: {  	s7 =	sld [smem:$0x3F8D]  }
0x1a: {  	s8 =	sadd.s32 $0xFFFFE003, lr  }
0x1b: {  	s9 =	sadd.s32 $0xFFFFFEF7, lr;
	s5 =	simm.s32 $0xFFFFFFFF;
	p2 =	slt.u32 s8, $0xFFFFF086  }
0x1c: {  	p1 =	slt.u32 s9, $0xF7A;
	s5 =	simm.s32 @!p2 $0x0  }
0x1d: {  	s5 =	simm.s32 @p1 $0x1;
	p0 =	seq.s32 s7, s2  }
0x1e: {  	s7 =	smul.u32 @!p0 $0xF7A, s2;
	p2 =	seq.s32 @!p0 s5, $0x0  }
0x1f: {  	s9 =	smul.u32 $0xF7A, s1;
	s8 =	simm.s32 @!p0 $0x1BF5;
	p2 =	por !p2, p0  }
0x20: {  	[sflag:s8] =	ssyncset.s32 @!p0 $0xFFFFF086;
	s6 =	sadd.s32 @!p0 s3, s7;
	s7 =	simm.s32 @!p0 $0x108  }
0x21: {  	s3 =	sadd.s32 s3, s9;
	s6 =	sadd.s32 @!p0 $0x88, s6;
	s7 =	simm.s32 @p2 $0x1082  }
0x22: {  	[simem:s7], [sflag:s8] =	dma.local @!p0 [hbm:s6], $0xF7A  }
0x23: {  	s9 =	sor.u32 $0xD0000000, s2;
	s6 =	simm.s32 $0x108;
	_ =	swait.ge @!p0 [sflag:s8], $0x0  }
0x24: {  	s3 =	sadd.s32 $0x88, s3;
	s6 =	simm.s32 @!p1 $0x1082;
	[sflag:s4] =	ssyncset.s32 $0xFFFFF086  }
0x25: {  	[simem:s6], [sflag:s4] =	dma.local [hbm:s3], $0xF7A  }
0x26: {  	[smem:$0x3F8D] =	sst s1;
	(tag) =	ssettag s2;
	_ =	strace s9  }
0x27: {  	s1 =	sld [smem:$0x3F9D]  }
0x28: {  	s2 =	sld [smem:$0x3F9E]  }
0x29: {  	s4 =	sld [smem:$0x3FA0]  }
0x2a: {  	p0 =	seq.s32 s5, $0x0;
	s5 =	sld [smem:$0x3FA1]  }
0x2b: {  	s6 =	sld [smem:$0x3FA2]  }
0x2c: {  	s7 =	sld [smem:$0x3FA3]  }
0x2d: {  	s3 =	simm.s32 $0x108;
	s8 =	sld [smem:$0x3FA4]  }
0x2e: {  	s3 =	simm.s32 @!p0 $0x1082;
	s9 =	sld [smem:$0x3FA5]  }
0x2f: {  	lr =	sadd.s32 s0, s3;
	s0 =	sld [smem:$0x3F9C]  }
0x30: {  	s3 =	sld [smem:$0x3F9F]  }
0x31: {  	[smem:$0x3FA8] =	sst s10  }
0x32: {  	s10 =	sld [smem:$0x3FA6];
	_ =	sdelay $0x3  }
0x33: {  	p0 =	seq.s32 s10, $0x1;
	s10 =	sld [smem:$0x3FA8];
	_ =	sdelay $0x3  }
0x34: {  	[smem:$0x3FA8] =	sst s10  }
0x35: {  	s10 =	sld [smem:$0x3FA7];
	_ =	sdelay $0x3  }
0x36: {  	p1 =	seq.s32 s10, $0x1;
	s10 =	sld [smem:$0x3FA8];
	_ =	sdelay $0x3  }
0x37: {  	[smem:$0x3FA8] =	sst s10  }
0x38: {  	s10 =	sld [smem:$0x3FA9]  }
0x39: {  	_ = 	snop;
	(pc) =	sbr.ind lr, $3  }
0x3a: {  	_ = 	snop  }
0x3b: {  	_ = 	snop  }
0x3c: {  	p2 =	seq.s32 s10, $0x1;
	s10 =	sld [smem:$0x3FA8]  }
0x3d: {  	_ =	shalt  }
0x3e: {  	_ =	shalt  }
0x3f: {  	_ =	shalt  }
0x40: {  	_ =	shalt  }
0x41: {  	_ =	shalt  }
0x42: {  	_ =	shalt  }
0x43: {  	_ =	shalt  }
0x44: {  	_ =	shalt  }
0x45: {  	_ =	shalt  }
0x46: {  	_ =	shalt  }
0x47: {  	_ =	shalt  }
0x48: {  	_ =	shalt  }
0x49: {  	_ =	shalt  }
0x4a: {  	_ =	shalt  }
0x4b: {  	_ =	shalt  }
0x4c: {  	_ =	shalt  }
0x4d: {  	_ =	shalt  }
0x4e: {  	_ =	shalt  }
0x4f: {  	_ =	shalt  }
0x50: {  	_ =	shalt  }
0x51: {  	_ =	shalt  }
0x52: {  	_ =	shalt  }
0x53: {  	_ =	shalt  }
0x54: {  	_ =	shalt  }
0x55: {  	_ =	shalt  }
0x56: {  	_ =	shalt  }
0x57: {  	_ =	shalt  }
0x58: {  	_ =	shalt  }
0x59: {  	_ =	shalt  }
0x5a: {  	_ =	shalt  }
0x5b: {  	_ =	shalt  }
0x5c: {  	_ =	shalt  }
0x5d: {  	_ =	shalt  }
0x5e: {  	_ =	shalt  }
0x5f: {  	_ =	shalt  }
0x60: {  	_ =	shalt  }
0x61: {  	_ =	shalt  }
0x62: {  	_ =	shalt  }
0x63: {  	_ =	shalt  }
0x64: {  	_ =	shalt  }
0x65: {  	_ =	shalt  }
0x66: {  	_ =	shalt  }
0x67: {  	_ =	shalt  }
0x68: {  	_ =	shalt  }
0x69: {  	_ =	shalt  }
0x6a: {  	_ =	shalt  }
0x6b: {  	_ =	shalt  }
0x6c: {  	_ =	shalt  }
0x6d: {  	_ =	shalt  }
0x6e: {  	_ =	shalt  }
0x6f: {  	_ =	shalt  }
0x70: {  	_ =	shalt  }
0x71: {  	_ =	shalt  }
0x72: {  	_ =	shalt  }
0x73: {  	_ =	shalt  }
0x74: {  	_ =	shalt  }
0x75: {  	_ =	shalt  }
0x76: {  	_ =	shalt  }
0x77: {  	_ =	shalt  }
0x78: {  	_ =	shalt  }
0x79: {  	_ =	shalt  }
0x7a: {  	_ =	shalt  }
0x7b: {  	_ =	shalt  }
0x7c: {  	_ =	shalt  }
0x7d: {  	_ =	shalt  }
0x7e: {  	_ =	shalt  }
0x7f: {  	_ =	shalt  }
0x80: {  	_ =	shalt  }
0x81: {  	_ =	shalt  }
0x82: {  	_ =	shalt  }
0x83: {  	_ =	shalt  }
0x84: {  	_ =	shalt  }
0x85: {  	_ =	shalt  }
0x86: {  	_ =	shalt  }
0x87: {  	_ =	shalt  }
.Lfunc_end0:
.L_simem_size_0:
called_computation_lowered:
.L_overlay_start_0:
0x88: {  	s2 =	sld [smem:$0x3FD9]  }
0x89: {  	s3 =	sld [smem:$0x3FFE];
	_ =	sdelay $0x1  }
0x8a: {  	s1 =	srdreg.scid  }
0x8b: {  	s0 =	sand.u32 $0x1, s1  }
0x8c: {  	s17 =	sshll.u32 s0, $0xA;
	s2 =	sadd.s32 s3, s2  }
0x8d: {  	s2 =	sadd.s32 s2, s17  }
0x8e: {  	[smem:$0x3FB4] =	sst s2  }
0x8f: {  	_ = 	snop  }
0x90: {  	s2 =	sld [smem:$0x3FD0];
	(tm) =	ssettm $0x1  }
0x91: {  	s18 =	sld [smem:$0x3FFB];
	_ =	sdelay $0x3  }
0x92: {  	_ =	strace s18  }
0x93: {  	s3 =	sld [smem:$0x3FFC];
	_ =	sdelay $0x3  }
0x94: {  	_ =	strace s3  }
0x95: {  	s3 =	sld [smem:$0x3FFD];
	_ =	sdelay $0x3  }
0x96: {  	_ =	strace s3  }
0x97: {  	_ =	strace $0x8FFFFFFF  }
0x98: {  	s19 =	sld [smem:$0x3FDB];
	_ =	sdelay $0x1  }
0x99: {  	s4 =	simm.s32 $_scs_section_size  }
0x9a: {  	s5 =	simm.s32 $_size__tile_overlayer_lowered;
	s6 =	simm.s32 $_tile_overlayer_lowered  }
0x9b: {  	s22 =	simm.s32 $0x1BFF;
	s21 =	sshll.u32 s6, $0x1;
	s3 =	sadd.s32 s4, s19  }
0x9c: {  	s7 =	simm.s32 $0x0;
	s20 =	sshll.u32 s5, $0x1;
	s5 =	sadd.s32 s21, s3  }
0x9d: {  	[timem:s7], [sflag:s22] =	dma.local [hbm:s5], s20  }
0x9e: {  	_ =	swait.ge [sflag:s22], s20  }
0x9f: {  	s4 =	ssub.s32 $0x0, s20;
	[sflag:s22] =	ssyncset.done $0x0  }
0xa0: {  	[sflag:s22] =	ssyncadd.s32 s4;
	_ =	sdelay $0x1  }
0xa1: {  	s23 =	simm.s32 $0x1B8B  }
0xa2: {  	_ =	swait.ge [sflag:s23], $0x1  }
0xa3: {  	[sflag:s23] =	ssyncset.done $0x0  }
0xa4: {  	s25 =	simm.s32 $0x1B8E;
	s24 =	sld [smem:$0x3FFE];
	[sflag:s23] =	ssyncadd.s32 $0xFFFFFFFF  }
0xa5: {  	s26 =	simm.s32 $execute0_lowered;
	[smem:$0x3FD2] =	sst s25  }
0xa6: {  	s5 =	sshll.u32 s26, $0x1;
	_ =	strace $0x80000046;
	[dreg:$0x1] =	wrdreg $0xFFFFFFFF  }
0xa7: {  	s28 =	simm.s32 $_size_execute0_lowered;
	s3 =	sadd.s32 s3, s5;
	[dreg:$0x0] =	wrdreg $0x0  }
0xa8: {  	s5 =	sshll.u32 s28, $0x1;
	[dreg:$0x2] =	wrdreg s3  }
0xa9: {  	[dreg:$0x3] =	wrdreg s5  }
0xaa: {  	[dreg:$0x4] =	wrdreg $0xC0  }
0xab: {  	_ =	task [dreg:s7], $0x5FFFF  }
0xac: {  	[dreg:$0x1] =	wrdreg $0xFFFFFFFF  }
0xad: {  	[dreg:$0x0] =	wrdreg $0x60  }
0xae: {  	[dreg:$0x2] =	wrdreg s24  }
0xaf: {  	[dreg:$0x3] =	wrdreg s2  }
0xb0: {  	[dreg:$0x4] =	wrdreg $0x2B000  }
0xb1: {  	[dreg:$0x5] =	wrdreg $0x9  }
0xb2: {  	_ =	task.clear_ibuf [dreg:s7], $0x6FFFF;
	_ =	strace $0x90000046  }
0xb3: {  	s29 =	simm.s32 $0x9;
	_ =	strace $0x80000048  }
0xb4: {  	_ =	swait.ge [sflag:s29], $0x1  }
0xb5: {  	[sflag:s29] =	ssyncadd.s32 $0xFFFFFFFF  }
0xb6: {  	_ =	strace $0x90000048  }
0xb7: {  	_ =	sfence  }
0xb8: {  	s30 =	sld [smem:$0x0];
	_ =	sdelay $0x2  }
0xb9: {  	s31 =	sshll.u32 s1, $0xD;
	s1 =	sshrl.u32 s1, $0x2  }
0xba: {  	s3 =	sand.u32 $0x4000, s31;
	s1 =	sadd.s32 s1, s30  }
0xbb: {  	s0 =	sor.u32 s3, s0;
	s1 =	sshll.u32 s1, $0x11  }
0xbc: {  	s0 =	sor.u32 s1, s0  }
0xbd: {  	s0 =	sadd.s32 $0x8F2B, s0  }
0xbe: {  	[sflag:s0] =	ssyncadd.remote.s32 $0x1  }
0xbf: {  	_ =	sfence.sel $0xFFFF  }
0xc0: {  	[dreg:$0x0] =	wrdreg $0xFFFFFFFF;
	(pc) =	sbr.abs _section_cstart, $3  }
0xc1: {  	[dreg:$0x1] =	wrdreg $0xFFFFFFFF  }
0xc2: {  	_ =	task.clear_ibuf [dreg:s7], $0x2FFFF;
	_ =	strace $0x9FFFFFFF  }
0xc3: {  	(tm) =	ssettm $0x7FFFFFFF  }
tec
execute0_lowered:
.L_overlay_start_1:
0x0: {  	(tag) =	ssettag $0x1  }
0x1: {  	s5 =	rddreg [dreg:$0x0]  }
0x2: {  	s6 =	rddreg [dreg:$0x1]  }
0x3: {  	s0 =	srdreg.scid;
	s2 =	rddreg [dreg:$0x2]  }
0x4: {  	s3 =	simm.s32 $0x0;
	s10 =	simm.s32 $0x80;
	s11 =	simm.s32 $0x2800  }
0x5: {  	s12 =	simm.s32 $0x1;
	s4 =	sand.u32 $0x1, s0;
	s0 =	stileid.u32  }
0x6: {  	s15 =	simm.s32 $0x0;
	[smem:$0x7FF] =	sst s3;
	s8 =	smul.u32 $0x280, s0  }
0x7: {  	s1 =	sshll.u32 s4, $0x4;
	s9 =	smul.u32 $0x2800, s4;
	s4 =	ssub.s32 $0x2, s4  }
0x8: {  	s13 =	sshll.u32 s0, $0x6;
	s1 =	sor.u32 s0, s1;
	s31 =	sshrl.u32 s4, $0x1  }
0x9: {  	s13 =	sor.u32 $0x1C02, s13;
	s7 =	smul.u32 $0x500, s1;
	s9 =	sadd.s32 s8, s9  }
0xa: {  	s1 =	rddreg [dreg:$0x3];
	_ =	strace $0x80000047;
	s9 =	sshrl.u32 s9, $0x3  }
0xb: {  	s5 =	sadd.s32 s7, s5;
	s7 =	ssub.s32 s4, s31;
	s6 =	sadd.s32 s6, s9  }
0xc: {  	s9 =	simm.s32 $0x2880;
	s4 =	sadd.s32 $0x3600, s5;
	s5 =	sadd.s32 s8, s2  }
0xd: {  	v0 =	vimm.f32 $1.000000000e+00;
	v1 =	vimm.f32 $0.0e+00;
	s7 =	smax.u32 s7, $0x1;
	s8 =	simm.s32 $0x2;
	s14 =	sshrl.u32 s5, $0x3  }
.LBB2_1:
0xe: {  	[tilespmem:s3], [sflag:$0x2] =	stream.linear.gather [hbm4b:s4+s3], $0x2800, $0x38;
	[tilespmem:$0x2D80] =	vst v63  }
0xf: {  	_ =	swait.ge [sflag:s8], $0x2800  }
0x10: {  	[sflag:s8] =	ssyncset.done $0x0  }
0x11: {  	[sflag:s8] =	ssyncadd.s32 $0xFFFFD800  }
0x12: {  	[tilespmem:$0x2800] =	vst v0  }
0x13: {  	[tilespmem:$0x2810] =	vst v0  }
0x14: {  	[tilespmem:$0x2820] =	vst v0  }
0x15: {  	[tilespmem:$0x2830] =	vst v0  }
0x16: {  	[tilespmem:$0x2840] =	vst v0  }
0x17: {  	[tilespmem:$0x2850] =	vst v0  }
0x18: {  	[tilespmem:$0x2860] =	vst v0  }
0x19: {  	[tilespmem:$0x2870] =	vst v0  }
0x1a: {  	[tilespmem:$0x2880] =	vst v1  }
0x1b: {  	[tilespmem:$0x2890] =	vst v1  }
0x1c: {  	[tilespmem:$0x28A0] =	vst v1  }
0x1d: {  	[tilespmem:$0x28B0] =	vst v1  }
0x1e: {  	[tilespmem:$0x28C0] =	vst v1  }
0x1f: {  	[tilespmem:$0x28D0] =	vst v1  }
0x20: {  	[tilespmem:$0x28E0] =	vst v1  }
0x21: {  	[tilespmem:$0x28F0] =	vst v1  }
0x22: {  	[tilespmem:$0x2900] =	vst v1  }
0x23: {  	[tilespmem:$0x2910] =	vst v1  }
0x24: {  	[tilespmem:$0x2920] =	vst v1  }
0x25: {  	[tilespmem:$0x2930] =	vst v1  }
0x26: {  	[tilespmem:$0x2940] =	vst v1  }
0x27: {  	[tilespmem:$0x2950] =	vst v1  }
0x28: {  	[tilespmem:$0x2960] =	vst v1  }
0x29: {  	[tilespmem:$0x2970] =	vst v1  }
0x2a: {  	[tilespmem:$0x2980] =	vst v1  }
0x2b: {  	[tilespmem:$0x2990] =	vst v1  }
0x2c: {  	[tilespmem:$0x29A0] =	vst v1  }
0x2d: {  	[tilespmem:$0x29B0] =	vst v1  }
0x2e: {  	[tilespmem:$0x29C0] =	vst v1  }
0x2f: {  	[tilespmem:$0x29D0] =	vst v1  }
0x30: {  	[tilespmem:$0x29E0] =	vst v1  }
0x31: {  	[tilespmem:$0x29F0] =	vst v1  }
0x32: {  	[tilespmem:$0x2A00] =	vst v1  }
0x33: {  	[tilespmem:$0x2A10] =	vst v1  }
0x34: {  	[tilespmem:$0x2A20] =	vst v1  }
0x35: {  	[tilespmem:$0x2A30] =	vst v1  }
0x36: {  	[tilespmem:$0x2A40] =	vst v1  }
0x37: {  	[tilespmem:$0x2A50] =	vst v1  }
0x38: {  	[tilespmem:$0x2A60] =	vst v1  }
0x39: {  	[tilespmem:$0x2A70] =	vst v1  }
0x3a: {  	[tilespmem:$0x2A80] =	vst v1  }
0x3b: {  	[tilespmem:$0x2A90] =	vst v1  }
0x3c: {  	[tilespmem:$0x2AA0] =	vst v1  }
0x3d: {  	[tilespmem:$0x2AB0] =	vst v1  }
0x3e: {  	[tilespmem:$0x2AC0] =	vst v1  }
0x3f: {  	[tilespmem:$0x2AD0] =	vst v1  }
0x40: {  	[tilespmem:$0x2AE0] =	vst v1  }
0x41: {  	[tilespmem:$0x2AF0] =	vst v1  }
0x42: {  	[spmem:s5] =	stream.linear.scatter [tilespmem:s9], [sflag:$0x2], $0x280, $0x38;
	[tilespmem:$0x2D80] =	vst v63  }
0x43: {  	_ =	swait.ge [sflag:s8], $0x280  }
0x44: {  	[sflag:s8] =	ssyncset.done $0x0  }
0x45: {  	[sflag:s8] =	ssyncadd.s32 $0xFFFFFD80  }
0x46: {  	s16 =	simm.s32 $0x0;
	[bflag:$0x0] =	sbarrier.arrive $0xFFFF  }
.LBB2_2:
0x47: {  	p0 =	sne.s32 s16, $0x9E00  }
.Ltmp0:
0x48: {  	_ = 	snop;
	(pc) =	sbr.rel @p0 .LBB2_2-.Ltmp0, $3  }
0x49: {  	_ =	sdelay $0x1  }
0x4a: {  	s17 =	sshra.s32 s16, $0x2;
	s16 =	sadd.s32 $0x200, s16  }
0x4b: {  	[spmem:s2] =	stream.indirect.scatter.add.f32 [tilespmem:s11], [sflag:$0x1], $0x1, s17, s10, $0xb8;
	[tilespmem:$0x2D80] =	vst v63  }
0x4c: {  	_ =	swait.ge [sflag:s12], $0x80  }
0x4d: {  	s16 =	simm.s32 $0x4F;
	[sflag:s12] =	ssyncset.done $0x0  }
.LBB2_4:
0x4e: {  	p0 =	sne.s32 s16, $0x1;
	s16 =	sadd.s32 $0xFFFFFFFF, s16;
	[sflag:s12] =	ssyncadd.s32 $0xFFFFFF80  }
.Ltmp1:
0x4f: {  	(pc) =	sbr.rel @p0 .LBB2_4-.Ltmp1, $3  }
0x50: {  	_ =	sdelay $0x1  }
0x51: {  	_ =	swait.ge [sflag:s12], $0x80  }
0x52: {  	[sflag:s12] =	ssyncset.done $0x0  }
0x53: {  	s15 =	sadd.s32 $0x1, s15  }
0x54: {  	[sflag:s12] =	ssyncadd.s32 $0xFFFFFF80;
	p0 =	sne.s32 s15, s7  }
.Ltmp2:
0x55: {  	[bflag:$0x0] =	sbarrier.arrive $0xFFFF;
	(pc) =	sbr.rel @p0 .LBB2_1-.Ltmp2, $4  }
0x56: {  	[hbm:s6], [sflag:s13] =	dma.local [spmem:s14], $0x50  }
0x57: {  	_ =	swait.ge [sflag:s8], $0x50  }
0x58: {  	[sflag:s8] =	ssyncset.done $0x0  }
0x59: {  	[sflag:s8] =	ssyncadd.s32 $0xFFFFFFB0  }
0x5a: {  	_ =	sfence.sel $0x180000  }
0x5b: {  	[bflag:$0x0] =	sbarrier.arrive $0xFFFF  }
0x5c: {  	p0 =	sne.s32 s0, $0x0;
	_ =	strace $0x90000047  }
0x5d: {  	s0 =	sadd.s32 @!p0 $0x100000, s1;
	[bflag:$0x2] =	sbarrier.arrive $0xFFFF  }
0x5e: {  	[sflag:s0] =	ssyncadd.tile.s32 @!p0 $0x1;
	_ =	shalt  }
.Lfunc_end2:
_tile_overlayer_lowered:
.L_overlay_start_2:
0x5f: {  	(tag) =	ssettag $0x2  }
0x60: {  	s0 =	rddreg [dreg:$0x0];
	s2 =	stileid.u32  }
0x61: {  	s1 =	rddreg [dreg:$0x1];
	p0 =	sne.s32 s2, $0x0  }
0x62: {  	s3 =	rddreg [dreg:$0x2];
	[bflag:$0x3] =	sbarrier.arrive $0xFFFF;
	s2 =	simm.s32 @!p0 $0x1C02  }
0x63: {  	[timem:s3], [sflag:s2] =	dma.local @!p0 [hbm:s0], s1  }
0x64: {  	s0 =	simm.s32 @!p0 $0x2  }
0x65: {  	_ =	swait.ge @!p0 [sflag:s0], s1  }
0x66: {  	s1 =	ssub.s32 @!p0 $0x0, s1;
	[sflag:s0] =	ssyncset.done @!p0 $0x0  }
0x67: {  	[sflag:s0] =	ssyncadd.s32 @!p0 s1  }
0x68: {  	[bflag:$0x3] =	sbarrier.arrive $0xFFFF  }
0x69: {  	_ =	shalt  }

// kernel: kernel.14.cloned.1.call-start
scs
__scs_entry_jumppad:
0x0: {  	(pc) =	sbr.rel $0x88, $3  }
0x1: {  	(tag) =	ssettag $0x0;
	lr =	simm.s32 $0x1  }
0x2: {  	[smem:$0x3F8D] =	sst lr;
	_ =	strace $0xD0000000  }
0x3: {  	_ = 	snop  }
0x4: {  	_ = 	snop  }
0x5: {  	_ = 	snop  }
0x6: {  	_ = 	snop  }
0x7: {  	_ = 	snop  }
__scs_overlays_trampoline_lowered:
0x8: {  	[smem:$0x3F9C] =	sst s0  }
0x9: {  	[smem:$0x3F9D] =	sst s1  }
0xa: {  	[smem:$0x3F9E] =	sst s2  }
0xb: {  	[smem:$0x3F9F] =	sst s3  }
0xc: {  	[smem:$0x3FA0] =	sst s4  }
0xd: {  	[smem:$0x3FA1] =	sst s5  }
0xe: {  	[smem:$0x3FA2] =	sst s6  }
0xf: {  	[smem:$0x3FA3] =	sst s7  }
0x10: {  	[smem:$0x3FA4] =	sst s8  }
0x11: {  	[smem:$0x3FA5] =	sst s9;
	s0 =	simm.s32 @!p0 $0x0  }
0x12: {  	s1 =	sld [smem:$0x3F8B];
	s0 =	simm.s32 @p0 $0x1  }
0x13: {  	[smem:$0x3FA6] =	sst s0;
	s0 =	simm.s32 @!p1 $0x0  }
0x14: {  	s2 =	sld [smem:$0x3F8A];
	s0 =	simm.s32 @p1 $0x1  }
0x15: {  	[smem:$0x3FA7] =	sst s0;
	s0 =	simm.s32 @!p2 $0x0  }
0x16: {  	s3 =	sld [smem:$0x3FDB];
	s0 =	simm.s32 @p2 $0x1  }
0x17: {  	s4 =	simm.s32 $0x1BF5;
	[smem:$0x3FA9] =	sst s0  }
0x18: {  	s0 =	sld [smem:$0x3F8C];
	_ =	swait.ge [sflag:s4], $0x0  }
0x19: {  	s7 =	sld [smem:$0x3F8D]  }
0x1a: {  	s8 =	sadd.s32 $0xFFFFE003, lr  }
0x1b: {  	s9 =	sadd.s32 $0xFFFFFEF7, lr;
	s5 =	simm.s32 $0xFFFFFFFF;
	p2 =	slt.u32 s8, $0xFFFFF086  }
0x1c: {  	p1 =	slt.u32 s9, $0xF7A;
	s5 =	simm.s32 @!p2 $0x0  }
0x1d: {  	s5 =	simm.s32 @p1 $0x1;
	p0 =	seq.s32 s7, s2  }
0x1e: {  	s7 =	smul.u32 @!p0 $0xF7A, s2;
	p2 =	seq.s32 @!p0 s5, $0x0  }
0x1f: {  	s9 =	smul.u32 $0xF7A, s1;
	s8 =	simm.s32 @!p0 $0x1BF5;
	p2 =	por !p2, p0  }
0x20: {  	[sflag:s8] =	ssyncset.s32 @!p0 $0xFFFFF086;
	s6 =	sadd.s32 @!p0 s3, s7;
	s7 =	simm.s32 @!p0 $0x108  }
0x21: {  	s3 =	sadd.s32 s3, s9;
	s6 =	sadd.s32 @!p0 $0x88, s6;
	s7 =	simm.s32 @p2 $0x1082  }
0x22: {  	[simem:s7], [sflag:s8] =	dma.local @!p0 [hbm:s6], $0xF7A  }
0x23: {  	s9 =	sor.u32 $0xD0000000, s2;
	s6 =	simm.s32 $0x108;
	_ =	swait.ge @!p0 [sflag:s8], $0x0  }
0x24: {  	s3 =	sadd.s32 $0x88, s3;
	s6 =	simm.s32 @!p1 $0x1082;
	[sflag:s4] =	ssyncset.s32 $0xFFFFF086  }
0x25: {  	[simem:s6], [sflag:s4] =	dma.local [hbm:s3], $0xF7A  }
0x26: {  	[smem:$0x3F8D] =	sst s1;
	(tag) =	ssettag s2;
	_ =	strace s9  }
0x27: {  	s1 =	sld [smem:$0x3F9D]  }
0x28: {  	s2 =	sld [smem:$0x3F9E]  }
0x29: {  	s4 =	sld [smem:$0x3FA0]  }
0x2a: {  	p0 =	seq.s32 s5, $0x0;
	s5 =	sld [smem:$0x3FA1]  }
0x2b: {  	s6 =	sld [smem:$0x3FA2]  }
0x2c: {  	s7 =	sld [smem:$0x3FA3]  }
0x2d: {  	s3 =	simm.s32 $0x108;
	s8 =	sld [smem:$0x3FA4]  }
0x2e: {  	s3 =	simm.s32 @!p0 $0x1082;
	s9 =	sld [smem:$0x3FA5]  }
0x2f: {  	lr =	sadd.s32 s0, s3;
	s0 =	sld [smem:$0x3F9C]  }
0x30: {  	s3 =	sld [smem:$0x3F9F]  }
0x31: {  	[smem:$0x3FA8] =	sst s10  }
0x32: {  	s10 =	sld [smem:$0x3FA6];
	_ =	sdelay $0x3  }
0x33: {  	p0 =	seq.s32 s10, $0x1;
	s10 =	sld [smem:$0x3FA8];
	_ =	sdelay $0x3  }
0x34: {  	[smem:$0x3FA8] =	sst s10  }
0x35: {  	s10 =	sld [smem:$0x3FA7];
	_ =	sdelay $0x3  }
0x36: {  	p1 =	seq.s32 s10, $0x1;
	s10 =	sld [smem:$0x3FA8];
	_ =	sdelay $0x3  }
0x37: {  	[smem:$0x3FA8] =	sst s10  }
0x38: {  	s10 =	sld [smem:$0x3FA9]  }
0x39: {  	_ = 	snop;
	(pc) =	sbr.ind lr, $3  }
0x3a: {  	_ = 	snop  }
0x3b: {  	_ = 	snop  }
0x3c: {  	p2 =	seq.s32 s10, $0x1;
	s10 =	sld [smem:$0x3FA8]  }
0x3d: {  	_ =	shalt  }
0x3e: {  	_ =	shalt  }
0x3f: {  	_ =	shalt  }
0x40: {  	_ =	shalt  }
0x41: {  	_ =	shalt  }
0x42: {  	_ =	shalt  }
0x43: {  	_ =	shalt  }
0x44: {  	_ =	shalt  }
0x45: {  	_ =	shalt  }
0x46: {  	_ =	shalt  }
0x47: {  	_ =	shalt  }
0x48: {  	_ =	shalt  }
0x49: {  	_ =	shalt  }
0x4a: {  	_ =	shalt  }
0x4b: {  	_ =	shalt  }
0x4c: {  	_ =	shalt  }
0x4d: {  	_ =	shalt  }
0x4e: {  	_ =	shalt  }
0x4f: {  	_ =	shalt  }
0x50: {  	_ =	shalt  }
0x51: {  	_ =	shalt  }
0x52: {  	_ =	shalt  }
0x53: {  	_ =	shalt  }
0x54: {  	_ =	shalt  }
0x55: {  	_ =	shalt  }
0x56: {  	_ =	shalt  }
0x57: {  	_ =	shalt  }
0x58: {  	_ =	shalt  }
0x59: {  	_ =	shalt  }
0x5a: {  	_ =	shalt  }
0x5b: {  	_ =	shalt  }
0x5c: {  	_ =	shalt  }
0x5d: {  	_ =	shalt  }
0x5e: {  	_ =	shalt  }
0x5f: {  	_ =	shalt  }
0x60: {  	_ =	shalt  }
0x61: {  	_ =	shalt  }
0x62: {  	_ =	shalt  }
0x63: {  	_ =	shalt  }
0x64: {  	_ =	shalt  }
0x65: {  	_ =	shalt  }
0x66: {  	_ =	shalt  }
0x67: {  	_ =	shalt  }
0x68: {  	_ =	shalt  }
0x69: {  	_ =	shalt  }
0x6a: {  	_ =	shalt  }
0x6b: {  	_ =	shalt  }
0x6c: {  	_ =	shalt  }
0x6d: {  	_ =	shalt  }
0x6e: {  	_ =	shalt  }
0x6f: {  	_ =	shalt  }
0x70: {  	_ =	shalt  }
0x71: {  	_ =	shalt  }
0x72: {  	_ =	shalt  }
0x73: {  	_ =	shalt  }
0x74: {  	_ =	shalt  }
0x75: {  	_ =	shalt  }
0x76: {  	_ =	shalt  }
0x77: {  	_ =	shalt  }
0x78: {  	_ =	shalt  }
0x79: {  	_ =	shalt  }
0x7a: {  	_ =	shalt  }
0x7b: {  	_ =	shalt  }
0x7c: {  	_ =	shalt  }
0x7d: {  	_ =	shalt  }
0x7e: {  	_ =	shalt  }
0x7f: {  	_ =	shalt  }
0x80: {  	_ =	shalt  }
0x81: {  	_ =	shalt  }
0x82: {  	_ =	shalt  }
0x83: {  	_ =	shalt  }
0x84: {  	_ =	shalt  }
0x85: {  	_ =	shalt  }
0x86: {  	_ =	shalt  }
0x87: {  	_ =	shalt  }
.Lfunc_end0:
.L_simem_size_0:
called_computation.1_lowered:
.L_overlay_start_0:
0x88: {  	s2 =	sld [smem:$0x3FD9]  }
0x89: {  	s3 =	sld [smem:$0x3FFE];
	_ =	sdelay $0x1  }
0x8a: {  	s1 =	srdreg.scid  }
0x8b: {  	s0 =	sand.u32 $0x1, s1  }
0x8c: {  	s16 =	sshll.u32 s0, $0xA;
	s2 =	sadd.s32 s3, s2  }
0x8d: {  	s2 =	sadd.s32 s2, s16  }
0x8e: {  	[smem:$0x3FB4] =	sst s2  }
0x8f: {  	_ = 	snop  }
0x90: {  	(tm) =	ssettm $0x1  }
0x91: {  	s17 =	sld [smem:$0x3FFB];
	_ =	sdelay $0x3  }
0x92: {  	_ =	strace s17  }
0x93: {  	s2 =	sld [smem:$0x3FFC];
	_ =	sdelay $0x3  }
0x94: {  	_ =	strace s2  }
0x95: {  	s2 =	sld [smem:$0x3FFD];
	_ =	sdelay $0x3  }
0x96: {  	_ =	strace s2  }
0x97: {  	_ =	strace $0x8FFFFFFF  }
0x98: {  	s18 =	sld [smem:$0x3FDB];
	_ =	sdelay $0x1  }
0x99: {  	s19 =	simm.s32 $_scs_section_size  }
0x9a: {  	s4 =	simm.s32 $_size__tile_overlayer_lowered;
	s5 =	simm.s32 $_tile_overlayer_lowered  }
0x9b: {  	s22 =	simm.s32 $0x1BFF;
	s21 =	sshll.u32 s5, $0x1;
	s2 =	sadd.s32 s19, s18  }
0x9c: {  	s6 =	simm.s32 $0x0;
	s20 =	sshll.u32 s4, $0x1;
	s4 =	sadd.s32 s21, s2  }
0x9d: {  	[timem:s6], [sflag:s22] =	dma.local [hbm:s4], s20  }
0x9e: {  	_ =	swait.ge [sflag:s22], s20  }
0x9f: {  	s3 =	ssub.s32 $0x0, s20;
	[sflag:s22] =	ssyncset.done $0x0  }
0xa0: {  	[sflag:s22] =	ssyncadd.s32 s3;
	_ =	sdelay $0x1  }
0xa1: {  	s23 =	simm.s32 $0x1B8B  }
0xa2: {  	_ =	swait.ge [sflag:s23], $0x1  }
0xa3: {  	[sflag:s23] =	ssyncset.done $0x0  }
0xa4: {  	s25 =	simm.s32 $0x1B8E;
	s24 =	sld [smem:$0x3FFE];
	[sflag:s23] =	ssyncadd.s32 $0xFFFFFFFF  }
0xa5: {  	s26 =	simm.s32 $execute0_lowered;
	[smem:$0x3FD2] =	sst s25  }
0xa6: {  	s4 =	sshll.u32 s26, $0x1;
	_ =	strace $0x80000049;
	[dreg:$0x1] =	wrdreg $0xFFFFFFFF  }
0xa7: {  	s28 =	simm.s32 $_size_execute0_lowered;
	s2 =	sadd.s32 s2, s4;
	[dreg:$0x0] =	wrdreg $0x0  }
0xa8: {  	s4 =	sshll.u32 s28, $0x1;
	[dreg:$0x2] =	wrdreg s2  }
0xa9: {  	[dreg:$0x3] =	wrdreg s4  }
0xaa: {  	[dreg:$0x4] =	wrdreg $0xC0  }
0xab: {  	_ =	task [dreg:s6], $0x5FFFF  }
0xac: {  	[dreg:$0x1] =	wrdreg $0xFFFFFFFF  }
0xad: {  	[dreg:$0x0] =	wrdreg $0x60  }
0xae: {  	[dreg:$0x2] =	wrdreg s24  }
0xaf: {  	[dreg:$0x3] =	wrdreg $0x120000  }
0xb0: {  	[dreg:$0x4] =	wrdreg $0x16E400  }
0xb1: {  	[dreg:$0x5] =	wrdreg $0x9  }
0xb2: {  	_ =	task.clear_ibuf [dreg:s6], $0x6FFFF;
	_ =	strace $0x90000049  }
0xb3: {  	s29 =	simm.s32 $0x9;
	_ =	strace $0x8000004B  }
0xb4: {  	_ =	swait.ge [sflag:s29], $0x1  }
0xb5: {  	[sflag:s29] =	ssyncadd.s32 $0xFFFFFFFF  }
0xb6: {  	_ =	strace $0x9000004B  }
0xb7: {  	_ =	sfence  }
0xb8: {  	s30 =	sld [smem:$0x0];
	_ =	sdelay $0x2  }
0xb9: {  	s31 =	sshll.u32 s1, $0xD;
	s1 =	sshrl.u32 s1, $0x2  }
0xba: {  	s3 =	sand.u32 $0x4000, s31;
	s1 =	sadd.s32 s1, s30  }
0xbb: {  	s0 =	sor.u32 s3, s0;
	s1 =	sshll.u32 s1, $0x11  }
0xbc: {  	s0 =	sor.u32 s1, s0  }
0xbd: {  	s0 =	sadd.s32 $0x8F2B, s0  }
0xbe: {  	[sflag:s0] =	ssyncadd.remote.s32 $0x1  }
0xbf: {  	_ =	sfence.sel $0xFFFF  }
0xc0: {  	[dreg:$0x0] =	wrdreg $0xFFFFFFFF;
	(pc) =	sbr.abs _section_cstart, $3  }
0xc1: {  	[dreg:$0x1] =	wrdreg $0xFFFFFFFF  }
0xc2: {  	_ =	task.clear_ibuf [dreg:s6], $0x2FFFF;
	_ =	strace $0x9FFFFFFF  }
0xc3: {  	(tm) =	ssettm $0x7FFFFFFF  }
tec
execute0_lowered:
.L_overlay_start_1:
0x0: {  	(tag) =	ssettag $0x1  }
0x1: {  	s0 =	rddreg [dreg:$0x0]  }
0x2: {  	s2 =	rddreg [dreg:$0x1]  }
0x3: {  	s3 =	rddreg [dreg:$0x2]  }
0x4: {  	s7 =	stileid.u32;
	s1 =	srdreg.scid  }
0x5: {  	s5 =	simm.s32 $0x0;
	s14 =	simm.s32 $0x1;
	s15 =	simm.s32 $0x4  }
0x6: {  	s28 =	simm.s32 $0xD000;
	s30 =	simm.s32 $0xE000;
	s29 =	simm.s32 $0x10000  }
0x7: {  	s31 =	simm.s32 $0x6;
	s12 =	simm.s32 $0xB;
	s9 =	simm.s32 $0xC  }
0x8: {  	s10 =	simm.s32 $0xD;
	s11 =	simm.s32 $0xE;
	s4 =	smul.u32 $0x9C80, s7  }
0x9: {  	s13 =	simm.s32 $0xF;
	s1 =	sand.u32 $0x1, s1;
	s16 =	smul.u32 $0xA00, s7  }
0xa: {  	[smem:$0x7FF] =	sst s5;
	s18 =	smul.u32 $0x4E40, s7;
	s20 =	sshll.u32 s7, $0x6  }
0xb: {  	s6 =	sshll.u32 s1, $0x5;
	_ =	strace $0x8000004A;
	s1 =	ssub.s32 $0x2, s1  }
0xc: {  	s23 =	sor.u32 $0x1C03, s20;
	[dreg:$0x6] =	wrdreg s20;
	s26 =	sor.u32 $0x1C04, s20  }
0xd: {  	s20 =	simm.s32 $0x3;
	s4 =	sor.u32 s6, s4;
	s5 =	sadd.s32 s16, s0  }
0xe: {  	s17 =	sshrl.u32 s1, $0x1;
	s21 =	sadd.s32 s18, s2;
	[dreg:$0x8] =	wrdreg s23  }
0xf: {  	s16 =	simm.s32 $0x8;
	[dreg:$0xc] =	wrdreg s26;
	s23 =	simm.s32 $0xB000  }
0x10: {  	s26 =	simm.s32 $0x5;
	s6 =	simm.s32 $0x7;
	s4 =	sshrl.u32 s4, $0x3  }
0x11: {  	s1 =	ssub.s32 s1, s17;
	s19 =	sadd.s32 $0xD600, s5;
	s5 =	sadd.s32 $0x3600, s5  }
0x12: {  	s25 =	sshrl.u32 s21, $0x3;
	s21 =	simm.s32 $0x80;
	[dreg:$0x4] =	wrdreg s19  }
0x13: {  	s17 =	simm.s32 $0x10;
	s0 =	sadd.s32 s4, s0;
	[dreg:$0x5] =	wrdreg s5  }
0x14: {  	s4 =	sadd.s32 s18, s3;
	s24 =	smax.u32 s1, $0x1;
	[dreg:$0xb] =	wrdreg s25  }
0x15: {  	s19 =	simm.s32 $0x2;
	s25 =	simm.s32 $0xC000;
	s1 =	simm.s32 $0xF000  }
0x16: {  	s5 =	simm.s32 $0xA;
	s22 =	sadd.s32 $0x17600, s0;
	[dreg:$0xa] =	wrdreg s24  }
0x17: {  	s18 =	simm.s32 $0x0;
	s0 =	sadd.s32 $0x2B000, s0;
	[dreg:$0x7] =	wrdreg s22  }
0x18: {  	s7 =	sshrl.u32 s4, $0x3;
	s24 =	simm.s32 $0x11000;
	[dreg:$0x9] =	wrdreg s0  }
0x19: {  	s22 =	simm.s32 $0xA000;
	s0 =	simm.s32 $0x9;
	[dreg:$0xd] =	wrdreg s7  }
.LBB2_1:
0x1a: {  	[dreg:$0xe] =	wrdreg s18  }
0x1b: {  	s8 =	simm.s32 $0x0;
	s4 =	rddreg [dreg:$0x4]  }
0x1c: {  	[tilespmem:s8], [sflag:$0x1] =	stream.linear.gather [hbm4b:s4+s8], $0x5000, $0x38;
	[tilespmem:$0x1BC80] =	vst v63  }
0x1d: {  	s18 =	simm.s32 $0x5000;
	s4 =	rddreg [dreg:$0x5]  }
0x1e: {  	[tilespmem:s18], [sflag:$0x2] =	stream.linear.gather [hbm4b:s4+s8], $0x5000, $0x38;
	[tilespmem:$0x1BC80] =	vst v63  }
0x1f: {  	s4 =	rddreg [dreg:$0x7]  }
0x20: {  	s8 =	rddreg [dreg:$0x8]  }
0x21: {  	s18 =	smov.u32 s7;
	s7 =	rddreg [dreg:$0xb]  }
0x22: {  	[spmem:s7@s15], [sflag:s8] =	dma.strided [hbm:s4@s16], $0x9C8, s14, $0x4   }
0x23: {  	s7 =	rddreg [dreg:$0xc]  }
0x24: {  	[spmem:s18@s15], [sflag:s7] =	dma.strided [hbm:s4@s16], $0x9C8, s14, $0x4   }
0x25: {  	_ =	swait.ge [sflag:s14], $0x5000  }
0x26: {  	[sflag:s14] =	ssyncset.done $0x0  }
0x27: {  	[sflag:s14] =	ssyncadd.s32 $0xFFFFB000  }
0x28: {  	_ =	swait.ge [sflag:s19], $0x5000  }
0x29: {  	[sflag:s19] =	ssyncset.done $0x0  }
0x2a: {  	[sflag:s19] =	ssyncadd.s32 $0xFFFFB000  }
0x2b: {  	_ =	swait.ge [sflag:s20], $0x9C8  }
0x2c: {  	[sflag:s20] =	ssyncset.done $0x0  }
0x2d: {  	[sflag:s20] =	ssyncadd.s32 $0xFFFFF638  }
0x2e: {  	_ =	swait.ge [sflag:s15], $0x9C8  }
0x2f: {  	[sflag:s15] =	ssyncset.done $0x0  }
0x30: {  	[sflag:s15] =	ssyncadd.s32 $0xFFFFF638  }
0x31: {  	s7 =	simm.s32 $0x0;
	[bflag:$0x0] =	sbarrier.arrive $0xFFFF  }
0x32: {  	[tilespmem:s22], [sflag:$0x1] =	stream.indirect.gather [spmem:s2], $0x20, s7, s21, $0xb8;
	[tilespmem:$0x1BC80] =	vst v63  }
0x33: {  	_ = 	snop  }
0x34: {  	[tilespmem:s23], [sflag:$0x2] =	stream.indirect.gather [spmem:s2], $0x20, s21, s21, $0xb8;
	[tilespmem:$0x1BC80] =	vst v63  }
0x35: {  	s18 =	simm.s32 $0x100  }
0x36: {  	[tilespmem:s25], [sflag:$0x3] =	stream.indirect.gather [spmem:s2], $0x20, s18, s21, $0xb8;
	[tilespmem:$0x1BC80] =	vst v63  }
0x37: {  	s8 =	simm.s32 $0x180  }
0x38: {  	[tilespmem:s28], [sflag:$0x4] =	stream.indirect.gather [spmem:s2], $0x20, s8, s21, $0xb8;
	[tilespmem:$0x1BC80] =	vst v63  }
0x39: {  	_ =	swait.ge [sflag:s14], $0x1000  }
0x3a: {  	[sflag:s14] =	ssyncset.done $0x0  }
0x3b: {  	s18 =	simm.s32 $0x5000;
	[sflag:s14] =	ssyncadd.s32 $0xFFFFF000  }
0x3c: {  	[spmem:s3] =	stream.indirect.scatter.add.f32 [tilespmem:s22], [sflag:$0x9], $0x20, s18, s21, $0xb8;
	[tilespmem:$0x1BC80] =	vst v63  }
0x3d: {  	s8 =	simm.s32 $0x200  }
0x3e: {  	[tilespmem:s30], [sflag:$0x5] =	stream.indirect.gather [spmem:s2], $0x20, s8, s21, $0xb8;
	[tilespmem:$0x1BC80] =	vst v63  }
0x3f: {  	_ =	swait.ge [sflag:s19], $0x1000  }
0x40: {  	[sflag:s19] =	ssyncset.done $0x0  }
0x41: {  	s18 =	simm.s32 $0x5080;
	[sflag:s19] =	ssyncadd.s32 $0xFFFFF000  }
0x42: {  	[spmem:s3] =	stream.indirect.scatter.add.f32 [tilespmem:s23], [sflag:$0xA], $0x20, s18, s21, $0xb8;
	[tilespmem:$0x1BC80] =	vst v63  }
0x43: {  	s8 =	simm.s32 $0x280  }
0x44: {  	[tilespmem:s1], [sflag:$0x6] =	stream.indirect.gather [spmem:s2], $0x20, s8, s21, $0xb8;
	[tilespmem:$0x1BC80] =	vst v63  }
0x45: {  	_ =	swait.ge [sflag:s20], $0x1000  }
0x46: {  	[sflag:s20] =	ssyncset.done $0x0  }
0x47: {  	s18 =	simm.s32 $0x5100;
	[sflag:s20] =	ssyncadd.s32 $0xFFFFF000  }
0x48: {  	[spmem:s3] =	stream.indirect.scatter.add.f32 [tilespmem:s25], [sflag:$0xB], $0x20, s18, s21, $0xb8;
	[tilespmem:$0x1BC80] =	vst v63  }
0x49: {  	s8 =	simm.s32 $0x300  }
0x4a: {  	[tilespmem:s29], [sflag:$0x7] =	stream.indirect.gather [spmem:s2], $0x20, s8, s21, $0xb8;
	[tilespmem:$0x1BC80] =	vst v63  }
0x4b: {  	_ =	swait.ge [sflag:s15], $0x1000  }
0x4c: {  	[sflag:s15] =	ssyncset.done $0x0  }
0x4d: {  	s18 =	simm.s32 $0x5180;
	[sflag:s15] =	ssyncadd.s32 $0xFFFFF000  }
0x4e: {  	[spmem:s3] =	stream.indirect.scatter.add.f32 [tilespmem:s28], [sflag:$0xC], $0x20, s18, s21, $0xb8;
	[tilespmem:$0x1BC80] =	vst v63  }
0x4f: {  	s8 =	simm.s32 $0x380  }
0x50: {  	[tilespmem:s24], [sflag:$0x8] =	stream.indirect.gather [spmem:s2], $0x20, s8, s21, $0xb8;
	[tilespmem:$0x1BC80] =	vst v63  }
0x51: {  	_ =	swait.ge [sflag:s26], $0x1000  }
0x52: {  	[sflag:s26] =	ssyncset.done $0x0  }
0x53: {  	s18 =	simm.s32 $0x5200;
	[sflag:s26] =	ssyncadd.s32 $0xFFFFF000  }
0x54: {  	[spmem:s3] =	stream.indirect.scatter.add.f32 [tilespmem:s30], [sflag:$0xD], $0x20, s18, s21, $0xb8;
	[tilespmem:$0x1BC80] =	vst v63  }
0x55: {  	_ =	swait.ge [sflag:s0], $0x1000  }
0x56: {  	[sflag:s0] =	ssyncset.done $0x0  }
0x57: {  	s8 =	simm.s32 $0x400;
	[sflag:s0] =	ssyncadd.s32 $0xFFFFF000  }
0x58: {  	[tilespmem:s22], [sflag:$0x1] =	stream.indirect.gather [spmem:s2], $0x20, s8, s21, $0xb8;
	[tilespmem:$0x1BC80] =	vst v63  }
0x59: {  	_ =	swait.ge [sflag:s31], $0x1000  }
0x5a: {  	[sflag:s31] =	ssyncset.done $0x0  }
0x5b: {  	s18 =	simm.s32 $0x5280;
	[sflag:s31] =	ssyncadd.s32 $0xFFFFF000  }
0x5c: {  	[spmem:s3] =	stream.indirect.scatter.add.f32 [tilespmem:s1], [sflag:$0xE], $0x20, s18, s21, $0xb8;
	[tilespmem:$0x1BC80] =	vst v63  }
0x5d: {  	_ =	swait.ge [sflag:s5], $0x1000  }
0x5e: {  	[sflag:s5] =	ssyncset.done $0x0  }
0x5f: {  	s8 =	simm.s32 $0x480;
	[sflag:s5] =	ssyncadd.s32 $0xFFFFF000  }
0x60: {  	[tilespmem:s23], [sflag:$0x2] =	stream.indirect.gather [spmem:s2], $0x20, s8, s21, $0xb8;
	[tilespmem:$0x1BC80] =	vst v63  }
0x61: {  	_ =	swait.ge [sflag:s6], $0x1000  }
0x62: {  	[sflag:s6] =	ssyncset.done $0x0  }
0x63: {  	s18 =	simm.s32 $0x5300;
	[sflag:s6] =	ssyncadd.s32 $0xFFFFF000  }
0x64: {  	[spmem:s3] =	stream.indirect.scatter.add.f32 [tilespmem:s29], [sflag:$0xF], $0x20, s18, s21, $0xb8;
	[tilespmem:$0x1BC80] =	vst v63  }
0x65: {  	_ =	swait.ge [sflag:s12], $0x1000  }
0x66: {  	[sflag:s12] =	ssyncset.done $0x0  }
0x67: {  	s8 =	simm.s32 $0x500;
	[sflag:s12] =	ssyncadd.s32 $0xFFFFF000  }
0x68: {  	[tilespmem:s25], [sflag:$0x3] =	stream.indirect.gather [spmem:s2], $0x20, s8, s21, $0xb8;
	[tilespmem:$0x1BC80] =	vst v63  }
0x69: {  	_ =	swait.ge [sflag:s16], $0x1000  }
0x6a: {  	[sflag:s16] =	ssyncset.done $0x0  }
0x6b: {  	s18 =	simm.s32 $0x5380;
	[sflag:s16] =	ssyncadd.s32 $0xFFFFF000  }
0x6c: {  	[spmem:s3] =	stream.indirect.scatter.add.f32 [tilespmem:s24], [sflag:$0x10], $0x20, s18, s21, $0xb8;
	[tilespmem:$0x1BC80] =	vst v63  }
0x6d: {  	_ =	swait.ge [sflag:s9], $0x1000  }
0x6e: {  	[sflag:s9] =	ssyncset.done $0x0  }
0x6f: {  	s8 =	simm.s32 $0x580;
	[sflag:s9] =	ssyncadd.s32 $0xFFFFF000  }
0x70: {  	[tilespmem:s28], [sflag:$0x4] =	stream.indirect.gather [spmem:s2], $0x20, s8, s21, $0xb8;
	[tilespmem:$0x1BC80] =	vst v63  }
0x71: {  	_ =	swait.ge [sflag:s14], $0x1000  }
0x72: {  	[sflag:s14] =	ssyncset.done $0x0  }
0x73: {  	s18 =	simm.s32 $0x5400;
	[sflag:s14] =	ssyncadd.s32 $0xFFFFF000  }
0x74: {  	[spmem:s3] =	stream.indirect.scatter.add.f32 [tilespmem:s22], [sflag:$0x9], $0x20, s18, s21, $0xb8;
	[tilespmem:$0x1BC80] =	vst v63  }
0x75: {  	_ =	swait.ge [sflag:s10], $0x1000  }
0x76: {  	[sflag:s10] =	ssyncset.done $0x0  }
0x77: {  	s8 =	simm.s32 $0x600;
	[sflag:s10] =	ssyncadd.s32 $0xFFFFF000  }
0x78: {  	[tilespmem:s30], [sflag:$0x5] =	stream.indirect.gather [spmem:s2], $0x20, s8, s21, $0xb8;
	[tilespmem:$0x1BC80] =	vst v63  }
0x79: {  	_ =	swait.ge [sflag:s19], $0x1000  }
0x7a: {  	[sflag:s19] =	ssyncset.done $0x0  }
0x7b: {  	s18 =	simm.s32 $0x5480;
	[sflag:s19] =	ssyncadd.s32 $0xFFFFF000  }
0x7c: {  	[spmem:s3] =	stream.indirect.scatter.add.f32 [tilespmem:s23], [sflag:$0xA], $0x20, s18, s21, $0xb8;
	[tilespmem:$0x1BC80] =	vst v63  }
0x7d: {  	_ =	swait.ge [sflag:s11], $0x1000  }
0x7e: {  	[sflag:s11] =	ssyncset.done $0x0  }
0x7f: {  	s8 =	simm.s32 $0x680;
	[sflag:s11] =	ssyncadd.s32 $0xFFFFF000  }
0x80: {  	[tilespmem:s1], [sflag:$0x6] =	stream.indirect.gather [spmem:s2], $0x20, s8, s21, $0xb8;
	[tilespmem:$0x1BC80] =	vst v63  }
0x81: {  	_ =	swait.ge [sflag:s20], $0x1000  }
0x82: {  	[sflag:s20] =	ssyncset.done $0x0  }
0x83: {  	s18 =	simm.s32 $0x5500;
	[sflag:s20] =	ssyncadd.s32 $0xFFFFF000  }
0x84: {  	[spmem:s3] =	stream.indirect.scatter.add.f32 [tilespmem:s25], [sflag:$0xB], $0x20, s18, s21, $0xb8;
	[tilespmem:$0x1BC80] =	vst v63  }
0x85: {  	_ =	swait.ge [sflag:s13], $0x1000  }
0x86: {  	[sflag:s13] =	ssyncset.done $0x0  }
0x87: {  	s8 =	simm.s32 $0x700;
	[sflag:s13] =	ssyncadd.s32 $0xFFFFF000  }
0x88: {  	[tilespmem:s29], [sflag:$0x7] =	stream.indirect.gather [spmem:s2], $0x20, s8, s21, $0xb8;
	[tilespmem:$0x1BC80] =	vst v63  }
0x89: {  	_ =	swait.ge [sflag:s15], $0x1000  }
0x8a: {  	[sflag:s15] =	ssyncset.done $0x0  }
0x8b: {  	s18 =	simm.s32 $0x5580;
	[sflag:s15] =	ssyncadd.s32 $0xFFFFF000  }
0x8c: {  	[spmem:s3] =	stream.indirect.scatter.add.f32 [tilespmem:s28], [sflag:$0xC], $0x20, s18, s21, $0xb8;
	[tilespmem:$0x1BC80] =	vst v63  }
0x8d: {  	_ =	swait.ge [sflag:s17], $0x1000  }
0x8e: {  	[sflag:s17] =	ssyncset.done $0x0  }
0x8f: {  	s8 =	simm.s32 $0x780;
	[sflag:s17] =	ssyncadd.s32 $0xFFFFF000  }
0x90: {  	[tilespmem:s24], [sflag:$0x8] =	stream.indirect.gather [spmem:s2], $0x20, s8, s21, $0xb8;
	[tilespmem:$0x1BC80] =	vst v63  }
0x91: {  	_ =	swait.ge [sflag:s26], $0x1000  }
0x92: {  	[sflag:s26] =	ssyncset.done $0x0  }
0x93: {  	s18 =	simm.s32 $0x5600;
	[sflag:s26] =	ssyncadd.s32 $0xFFFFF000  }
0x94: {  	[spmem:s3] =	stream.indirect.scatter.add.f32 [tilespmem:s30], [sflag:$0xD], $0x20, s18, s21, $0xb8;
	[tilespmem:$0x1BC80] =	vst v63  }
0x95: {  	s8 =	smin.u32 s7, $0x8F;
	_ =	swait.ge [sflag:s0], $0x1000  }
0x96: {  	s4 =	sshll.u32 s8, $0x7;
	[sflag:s0] =	ssyncset.done $0x0  }
0x97: {  	s4 =	sadd.s32 $0x800, s4;
	[sflag:s0] =	ssyncadd.s32 $0xFFFFF000  }
0x98: {  	[tilespmem:s22], [sflag:$0x1] =	stream.indirect.gather [spmem:s2], $0x20, s4, s21, $0xb8;
	[tilespmem:$0x1BC80] =	vst v63  }
0x99: {  	_ =	swait.ge [sflag:s31], $0x1000  }
0x9a: {  	[sflag:s31] =	ssyncset.done $0x0  }
0x9b: {  	s18 =	simm.s32 $0x5680;
	[sflag:s31] =	ssyncadd.s32 $0xFFFFF000  }
0x9c: {  	[spmem:s3] =	stream.indirect.scatter.add.f32 [tilespmem:s1], [sflag:$0xE], $0x20, s18, s21, $0xb8;
	[tilespmem:$0x1BC80] =	vst v63  }
0x9d: {  	s8 =	smin.u32 s7, $0x8E;
	_ =	swait.ge [sflag:s5], $0x1000  }
0x9e: {  	s4 =	sshll.u32 s8, $0x7;
	[sflag:s5] =	ssyncset.done $0x0  }
0x9f: {  	s4 =	sadd.s32 $0x880, s4;
	[sflag:s5] =	ssyncadd.s32 $0xFFFFF000  }
0xa0: {  	[tilespmem:s23], [sflag:$0x2] =	stream.indirect.gather [spmem:s2], $0x20, s4, s21, $0xb8;
	[tilespmem:$0x1BC80] =	vst v63  }
0xa1: {  	_ =	swait.ge [sflag:s6], $0x1000  }
0xa2: {  	[sflag:s6] =	ssyncset.done $0x0  }
0xa3: {  	s18 =	simm.s32 $0x5700;
	[sflag:s6] =	ssyncadd.s32 $0xFFFFF000  }
0xa4: {  	[spmem:s3] =	stream.indirect.scatter.add.f32 [tilespmem:s29], [sflag:$0xF], $0x20, s18, s21, $0xb8;
	[tilespmem:$0x1BC80] =	vst v63  }
0xa5: {  	s8 =	smin.u32 s7, $0x8D;
	_ =	swait.ge [sflag:s12], $0x1000  }
0xa6: {  	s4 =	sshll.u32 s8, $0x7;
	[sflag:s12] =	ssyncset.done $0x0  }
0xa7: {  	s4 =	sadd.s32 $0x900, s4;
	[sflag:s12] =	ssyncadd.s32 $0xFFFFF000  }
0xa8: {  	[tilespmem:s25], [sflag:$0x3] =	stream.indirect.gather [spmem:s2], $0x20, s4, s21, $0xb8;
	[tilespmem:$0x1BC80] =	vst v63  }
0xa9: {  	_ =	swait.ge [sflag:s16], $0x1000  }
0xaa: {  	[sflag:s16] =	ssyncset.done $0x0  }
0xab: {  	s8 =	simm.s32 $0x5780;
	s18 =	simm.s32 $0x0;
	[sflag:s16] =	ssyncadd.s32 $0xFFFFF000  }
0xac: {  	[spmem:s3] =	stream.indirect.scatter.add.f32 [tilespmem:s24], [sflag:$0x10], $0x20, s8, s21, $0xb8;
	[tilespmem:$0x1BC80] =	vst v63  }
0xad: {  	s18 =	smin.u32 s18, $0x8C;
	_ =	swait.ge [sflag:s9], $0x1000  }
0xae: {  	s4 =	sshll.u32 s18, $0x7;
	s18 =	simm.s32 $0x8;
	[sflag:s9] =	ssyncset.done $0x0  }
0xaf: {  	s4 =	sadd.s32 $0x980, s4;
	s8 =	simm.s32 $0x1000;
	[sflag:s9] =	ssyncadd.s32 $0xFFFFF000  }
.LBB2_2:
0xb0: {  	[tilespmem:s28], [sflag:$0x4] =	stream.indirect.gather [spmem:s2], $0x20, s4, s21, $0xb8;
	[tilespmem:$0x1BC80] =	vst v63  }
0xb1: {  	s4 =	smov.u32 s8  }
0xb2: {  	p0 =	sne.s32 s8, $0x12000;
	s8 =	sadd.s32 $0x1000, s8;
	_ =	swait.ge [sflag:s14], $0x1000  }
0xb3: {  	s4 =	sshra.s32 s4, $0x2;
	[sflag:s14] =	ssyncset.done $0x0  }
0xb4: {  	s7 =	sadd.s32 $0x5400, s4;
	[sflag:s14] =	ssyncadd.s32 $0xFFFFF000  }
0xb5: {  	[spmem:s3] =	stream.indirect.scatter.add.f32 [tilespmem:s22], [sflag:$0x9], $0x20, s7, s21, $0xb8;
	[tilespmem:$0x1BC80] =	vst v63  }
0xb6: {  	_ =	swait.ge [sflag:s10], $0x1000  }
0xb7: {  	[sflag:s10] =	ssyncset.done $0x0  }
0xb8: {  	s7 =	sadd.s32 $0x600, s4;
	[sflag:s10] =	ssyncadd.s32 $0xFFFFF000  }
0xb9: {  	[tilespmem:s30], [sflag:$0x5] =	stream.indirect.gather [spmem:s2], $0x20, s7, s21, $0xb8;
	[tilespmem:$0x1BC80] =	vst v63  }
0xba: {  	_ =	swait.ge [sflag:s19], $0x1000  }
0xbb: {  	[sflag:s19] =	ssyncset.done $0x0  }
0xbc: {  	s7 =	sadd.s32 $0x5480, s4;
	[sflag:s19] =	ssyncadd.s32 $0xFFFFF000  }
0xbd: {  	[spmem:s3] =	stream.indirect.scatter.add.f32 [tilespmem:s23], [sflag:$0xA], $0x20, s7, s21, $0xb8;
	[tilespmem:$0x1BC80] =	vst v63  }
0xbe: {  	_ =	swait.ge [sflag:s11], $0x1000  }
0xbf: {  	[sflag:s11] =	ssyncset.done $0x0  }
0xc0: {  	s7 =	sadd.s32 $0x680, s4;
	[sflag:s11] =	ssyncadd.s32 $0xFFFFF000  }
0xc1: {  	[tilespmem:s1], [sflag:$0x6] =	stream.indirect.gather [spmem:s2], $0x20, s7, s21, $0xb8;
	[tilespmem:$0x1BC80] =	vst v63  }
0xc2: {  	_ =	swait.ge [sflag:s20], $0x1000  }
0xc3: {  	[sflag:s20] =	ssyncset.done $0x0  }
0xc4: {  	s7 =	sadd.s32 $0x5500, s4;
	[sflag:s20] =	ssyncadd.s32 $0xFFFFF000  }
0xc5: {  	[spmem:s3] =	stream.indirect.scatter.add.f32 [tilespmem:s25], [sflag:$0xB], $0x20, s7, s21, $0xb8;
	[tilespmem:$0x1BC80] =	vst v63  }
0xc6: {  	_ =	swait.ge [sflag:s13], $0x1000  }
0xc7: {  	[sflag:s13] =	ssyncset.done $0x0  }
0xc8: {  	s7 =	sadd.s32 $0x700, s4;
	[sflag:s13] =	ssyncadd.s32 $0xFFFFF000  }
0xc9: {  	[tilespmem:s29], [sflag:$0x7] =	stream.indirect.gather [spmem:s2], $0x20, s7, s21, $0xb8;
	[tilespmem:$0x1BC80] =	vst v63  }
0xca: {  	_ =	swait.ge [sflag:s15], $0x1000  }
0xcb: {  	[sflag:s15] =	ssyncset.done $0x0  }
0xcc: {  	s7 =	sadd.s32 $0x5580, s4;
	[sflag:s15] =	ssyncadd.s32 $0xFFFFF000  }
0xcd: {  	[spmem:s3] =	stream.indirect.scatter.add.f32 [tilespmem:s28], [sflag:$0xC], $0x20, s7, s21, $0xb8;
	[tilespmem:$0x1BC80] =	vst v63  }
0xce: {  	_ =	swait.ge [sflag:s17], $0x1000  }
0xcf: {  	[sflag:s17] =	ssyncset.done $0x0  }
0xd0: {  	s7 =	sadd.s32 $0x780, s4;
	[sflag:s17] =	ssyncadd.s32 $0xFFFFF000  }
0xd1: {  	[tilespmem:s24], [sflag:$0x8] =	stream.indirect.gather [spmem:s2], $0x20, s7, s21, $0xb8;
	[tilespmem:$0x1BC80] =	vst v63  }
0xd2: {  	_ =	swait.ge [sflag:s26], $0x1000  }
0xd3: {  	[sflag:s26] =	ssyncset.done $0x0  }
0xd4: {  	s7 =	sadd.s32 $0x5600, s4;
	[sflag:s26] =	ssyncadd.s32 $0xFFFFF000  }
0xd5: {  	[spmem:s3] =	stream.indirect.scatter.add.f32 [tilespmem:s30], [sflag:$0xD], $0x20, s7, s21, $0xb8;
	[tilespmem:$0x1BC80] =	vst v63  }
0xd6: {  	s7 =	smin.u32 s18, $0x8F;
	_ =	swait.ge [sflag:s0], $0x1000  }
0xd7: {  	s7 =	sshll.u32 s7, $0x7;
	[sflag:s0] =	ssyncset.done $0x0  }
0xd8: {  	s7 =	sadd.s32 $0x800, s7;
	[sflag:s0] =	ssyncadd.s32 $0xFFFFF000  }
0xd9: {  	[tilespmem:s22], [sflag:$0x1] =	stream.indirect.gather [spmem:s2], $0x20, s7, s21, $0xb8;
	[tilespmem:$0x1BC80] =	vst v63  }
0xda: {  	_ =	swait.ge [sflag:s31], $0x1000  }
0xdb: {  	[sflag:s31] =	ssyncset.done $0x0  }
0xdc: {  	s7 =	sadd.s32 $0x5680, s4;
	[sflag:s31] =	ssyncadd.s32 $0xFFFFF000  }
0xdd: {  	[spmem:s3] =	stream.indirect.scatter.add.f32 [tilespmem:s1], [sflag:$0xE], $0x20, s7, s21, $0xb8;
	[tilespmem:$0x1BC80] =	vst v63  }
0xde: {  	s7 =	smin.u32 s18, $0x8E;
	_ =	swait.ge [sflag:s5], $0x1000  }
0xdf: {  	s7 =	sshll.u32 s7, $0x7;
	[sflag:s5] =	ssyncset.done $0x0  }
0xe0: {  	s7 =	sadd.s32 $0x880, s7;
	[sflag:s5] =	ssyncadd.s32 $0xFFFFF000  }
0xe1: {  	[tilespmem:s23], [sflag:$0x2] =	stream.indirect.gather [spmem:s2], $0x20, s7, s21, $0xb8;
	[tilespmem:$0x1BC80] =	vst v63  }
0xe2: {  	_ =	swait.ge [sflag:s6], $0x1000  }
0xe3: {  	[sflag:s6] =	ssyncset.done $0x0  }
0xe4: {  	s7 =	sadd.s32 $0x5700, s4;
	[sflag:s6] =	ssyncadd.s32 $0xFFFFF000  }
0xe5: {  	[spmem:s3] =	stream.indirect.scatter.add.f32 [tilespmem:s29], [sflag:$0xF], $0x20, s7, s21, $0xb8;
	[tilespmem:$0x1BC80] =	vst v63  }
0xe6: {  	s7 =	smin.u32 s18, $0x8D;
	_ =	swait.ge [sflag:s12], $0x1000  }
0xe7: {  	s7 =	sshll.u32 s7, $0x7;
	[sflag:s12] =	ssyncset.done $0x0  }
0xe8: {  	s7 =	sadd.s32 $0x900, s7;
	[sflag:s12] =	ssyncadd.s32 $0xFFFFF000  }
0xe9: {  	[tilespmem:s25], [sflag:$0x3] =	stream.indirect.gather [spmem:s2], $0x20, s7, s21, $0xb8;
	[tilespmem:$0x1BC80] =	vst v63  }
0xea: {  	_ =	swait.ge [sflag:s16], $0x1000  }
0xeb: {  	[sflag:s16] =	ssyncset.done $0x0  }
.Ltmp0:
0xec: {  	s4 =	sadd.s32 $0x5780, s4;
	[sflag:s16] =	ssyncadd.s32 $0xFFFFF000;
	(pc) =	sbr.rel @p0 .LBB2_2-.Ltmp0, $4  }
0xed: {  	[spmem:s3] =	stream.indirect.scatter.add.f32 [tilespmem:s24], [sflag:$0x10], $0x20, s4, s21, $0xb8;
	[tilespmem:$0x1BC80] =	vst v63  }
0xee: {  	s4 =	smin.u32 s18, $0x8C;
	_ =	swait.ge [sflag:s9], $0x1000  }
0xef: {  	s4 =	sshll.u32 s4, $0x7;
	[sflag:s9] =	ssyncset.done $0x0  }
0xf0: {  	s18 =	sadd.s32 $0x8, s18;
	s4 =	sadd.s32 $0x980, s4;
	[sflag:s9] =	ssyncadd.s32 $0xFFFFF000  }
0xf1: {  	[tilespmem:s28], [sflag:$0x4] =	stream.indirect.gather [spmem:s2], $0x20, s4, s21, $0xb8;
	[tilespmem:$0x1BC80] =	vst v63  }
0xf2: {  	_ =	swait.ge [sflag:s14], $0x1000  }
0xf3: {  	[sflag:s14] =	ssyncset.done $0x0  }
0xf4: {  	[sflag:s14] =	ssyncadd.s32 $0xFFFFF000  }
0xf5: {  	_ =	swait.ge [sflag:s10], $0x1000  }
0xf6: {  	[sflag:s10] =	ssyncset.done $0x0  }
0xf7: {  	[sflag:s10] =	ssyncadd.s32 $0xFFFFF000  }
0xf8: {  	_ =	swait.ge [sflag:s19], $0x1000  }
0xf9: {  	[sflag:s19] =	ssyncset.done $0x0  }
0xfa: {  	[sflag:s19] =	ssyncadd.s32 $0xFFFFF000  }
0xfb: {  	_ =	swait.ge [sflag:s11], $0x1000  }
0xfc: {  	[sflag:s11] =	ssyncset.done $0x0  }
0xfd: {  	[sflag:s11] =	ssyncadd.s32 $0xFFFFF000  }
0xfe: {  	_ =	swait.ge [sflag:s20], $0x1000  }
0xff: {  	[sflag:s20] =	ssyncset.done $0x0  }
0x100: {  	[sflag:s20] =	ssyncadd.s32 $0xFFFFF000  }
0x101: {  	_ =	swait.ge [sflag:s13], $0x1000  }
0x102: {  	[sflag:s13] =	ssyncset.done $0x0  }
0x103: {  	[sflag:s13] =	ssyncadd.s32 $0xFFFFF000  }
0x104: {  	_ =	swait.ge [sflag:s15], $0x1000  }
0x105: {  	[sflag:s15] =	ssyncset.done $0x0  }
0x106: {  	[sflag:s15] =	ssyncadd.s32 $0xFFFFF000  }
0x107: {  	_ =	swait.ge [sflag:s17], $0x1000  }
0x108: {  	[sflag:s17] =	ssyncset.done $0x0  }
0x109: {  	[sflag:s17] =	ssyncadd.s32 $0xFFFFF000  }
0x10a: {  	[bflag:$0x0] =	sbarrier.arrive $0xFFFF  }
0x10b: {  	s18 =	rddreg [dreg:$0x6]  }
0x10c: {  	s7 =	rddreg [dreg:$0x9]  }
0x10d: {  	s8 =	rddreg [dreg:$0xd];
	s4 =	sor.u32 $0x1C11, s18  }
0x10e: {  	[hbm:s7@s16], [sflag:s4] =	dma.strided [spmem:s8@s15], $0x9C8, s14, $0x4   }
0x10f: {  	s7 =	smov.u32 s8;
	s8 =	simm.s32 $0x11  }
0x110: {  	_ =	swait.ge [sflag:s8], $0x9C8  }
0x111: {  	s18 =	rddreg [dreg:$0xe]  }
0x112: {  	s4 =	rddreg [dreg:$0xa];
	s18 =	sadd.s32 $0x1, s18  }
0x113: {  	p0 =	sne.s32 s18, s4  }
.Ltmp1:
0x114: {  	_ = 	snop;
	(pc) =	sbr.rel @p0 .LBB2_1-.Ltmp1, $3  }
0x115: {  	_ =	sdelay $0x1  }
0x116: {  	[sflag:s8] =	ssyncset.done $0x0  }
0x117: {  	[sflag:s8] =	ssyncadd.s32 $0xFFFFF638  }
0x118: {  	_ =	sfence.sel $0x180000  }
0x119: {  	[bflag:$0x0] =	sbarrier.arrive $0xFFFF  }
0x11a: {  	_ =	strace $0x9000004A  }
0x11b: {  	s0 =	stileid.u32;
	[bflag:$0x2] =	sbarrier.arrive $0xFFFF  }
0x11c: {  	p0 =	sne.s32 s0, $0x0;
	s0 =	rddreg [dreg:$0x3]  }
0x11d: {  	s0 =	sadd.s32 @!p0 $0x100000, s0  }
0x11e: {  	[sflag:s0] =	ssyncadd.tile.s32 @!p0 $0x1;
	_ =	shalt  }
.Lfunc_end2:
_tile_overlayer_lowered:
.L_overlay_start_2:
0x11f: {  	(tag) =	ssettag $0x2  }
0x120: {  	s0 =	rddreg [dreg:$0x0];
	s2 =	stileid.u32  }
0x121: {  	s1 =	rddreg [dreg:$0x1];
	p0 =	sne.s32 s2, $0x0  }
0x122: {  	s3 =	rddreg [dreg:$0x2];
	[bflag:$0x3] =	sbarrier.arrive $0xFFFF;
	s2 =	simm.s32 @!p0 $0x1C11  }
0x123: {  	[timem:s3], [sflag:s2] =	dma.local @!p0 [hbm:s0], s1  }
0x124: {  	s0 =	simm.s32 @!p0 $0x11  }
0x125: {  	_ =	swait.ge @!p0 [sflag:s0], s1  }
0x126: {  	s1 =	ssub.s32 @!p0 $0x0, s1;
	[sflag:s0] =	ssyncset.done @!p0 $0x0  }
0x127: {  	[sflag:s0] =	ssyncadd.s32 @!p0 s1  }
0x128: {  	[bflag:$0x3] =	sbarrier.arrive $0xFFFF  }
0x129: {  	_ =	shalt  }

// kernel: kernel.17.cloned.1.call-start
scs
__scs_entry_jumppad:
0x0: {  	(pc) =	sbr.rel $0x88, $3  }
0x1: {  	(tag) =	ssettag $0x0;
	lr =	simm.s32 $0x1  }
0x2: {  	[smem:$0x3F8D] =	sst lr;
	_ =	strace $0xD0000000  }
0x3: {  	_ = 	snop  }
0x4: {  	_ = 	snop  }
0x5: {  	_ = 	snop  }
0x6: {  	_ = 	snop  }
0x7: {  	_ = 	snop  }
__scs_overlays_trampoline_lowered:
0x8: {  	[smem:$0x3F9C] =	sst s0  }
0x9: {  	[smem:$0x3F9D] =	sst s1  }
0xa: {  	[smem:$0x3F9E] =	sst s2  }
0xb: {  	[smem:$0x3F9F] =	sst s3  }
0xc: {  	[smem:$0x3FA0] =	sst s4  }
0xd: {  	[smem:$0x3FA1] =	sst s5  }
0xe: {  	[smem:$0x3FA2] =	sst s6  }
0xf: {  	[smem:$0x3FA3] =	sst s7  }
0x10: {  	[smem:$0x3FA4] =	sst s8  }
0x11: {  	[smem:$0x3FA5] =	sst s9;
	s0 =	simm.s32 @!p0 $0x0  }
0x12: {  	s1 =	sld [smem:$0x3F8B];
	s0 =	simm.s32 @p0 $0x1  }
0x13: {  	[smem:$0x3FA6] =	sst s0;
	s0 =	simm.s32 @!p1 $0x0  }
0x14: {  	s2 =	sld [smem:$0x3F8A];
	s0 =	simm.s32 @p1 $0x1  }
0x15: {  	[smem:$0x3FA7] =	sst s0;
	s0 =	simm.s32 @!p2 $0x0  }
0x16: {  	s3 =	sld [smem:$0x3FDB];
	s0 =	simm.s32 @p2 $0x1  }
0x17: {  	s4 =	simm.s32 $0x1BF5;
	[smem:$0x3FA9] =	sst s0  }
0x18: {  	s0 =	sld [smem:$0x3F8C];
	_ =	swait.ge [sflag:s4], $0x0  }
0x19: {  	s7 =	sld [smem:$0x3F8D]  }
0x1a: {  	s8 =	sadd.s32 $0xFFFFE003, lr  }
0x1b: {  	s9 =	sadd.s32 $0xFFFFFEF7, lr;
	s5 =	simm.s32 $0xFFFFFFFF;
	p2 =	slt.u32 s8, $0xFFFFF086  }
0x1c: {  	p1 =	slt.u32 s9, $0xF7A;
	s5 =	simm.s32 @!p2 $0x0  }
0x1d: {  	s5 =	simm.s32 @p1 $0x1;
	p0 =	seq.s32 s7, s2  }
0x1e: {  	s7 =	smul.u32 @!p0 $0xF7A, s2;
	p2 =	seq.s32 @!p0 s5, $0x0  }
0x1f: {  	s9 =	smul.u32 $0xF7A, s1;
	s8 =	simm.s32 @!p0 $0x1BF5;
	p2 =	por !p2, p0  }
0x20: {  	[sflag:s8] =	ssyncset.s32 @!p0 $0xFFFFF086;
	s6 =	sadd.s32 @!p0 s3, s7;
	s7 =	simm.s32 @!p0 $0x108  }
0x21: {  	s3 =	sadd.s32 s3, s9;
	s6 =	sadd.s32 @!p0 $0x88, s6;
	s7 =	simm.s32 @p2 $0x1082  }
0x22: {  	[simem:s7], [sflag:s8] =	dma.local @!p0 [hbm:s6], $0xF7A  }
0x23: {  	s9 =	sor.u32 $0xD0000000, s2;
	s6 =	simm.s32 $0x108;
	_ =	swait.ge @!p0 [sflag:s8], $0x0  }
0x24: {  	s3 =	sadd.s32 $0x88, s3;
	s6 =	simm.s32 @!p1 $0x1082;
	[sflag:s4] =	ssyncset.s32 $0xFFFFF086  }
0x25: {  	[simem:s6], [sflag:s4] =	dma.local [hbm:s3], $0xF7A  }
0x26: {  	[smem:$0x3F8D] =	sst s1;
	(tag) =	ssettag s2;
	_ =	strace s9  }
0x27: {  	s1 =	sld [smem:$0x3F9D]  }
0x28: {  	s2 =	sld [smem:$0x3F9E]  }
0x29: {  	s4 =	sld [smem:$0x3FA0]  }
0x2a: {  	p0 =	seq.s32 s5, $0x0;
	s5 =	sld [smem:$0x3FA1]  }
0x2b: {  	s6 =	sld [smem:$0x3FA2]  }
0x2c: {  	s7 =	sld [smem:$0x3FA3]  }
0x2d: {  	s3 =	simm.s32 $0x108;
	s8 =	sld [smem:$0x3FA4]  }
0x2e: {  	s3 =	simm.s32 @!p0 $0x1082;
	s9 =	sld [smem:$0x3FA5]  }
0x2f: {  	lr =	sadd.s32 s0, s3;
	s0 =	sld [smem:$0x3F9C]  }
0x30: {  	s3 =	sld [smem:$0x3F9F]  }
0x31: {  	[smem:$0x3FA8] =	sst s10  }
0x32: {  	s10 =	sld [smem:$0x3FA6];
	_ =	sdelay $0x3  }
0x33: {  	p0 =	seq.s32 s10, $0x1;
	s10 =	sld [smem:$0x3FA8];
	_ =	sdelay $0x3  }
0x34: {  	[smem:$0x3FA8] =	sst s10  }
0x35: {  	s10 =	sld [smem:$0x3FA7];
	_ =	sdelay $0x3  }
0x36: {  	p1 =	seq.s32 s10, $0x1;
	s10 =	sld [smem:$0x3FA8];
	_ =	sdelay $0x3  }
0x37: {  	[smem:$0x3FA8] =	sst s10  }
0x38: {  	s10 =	sld [smem:$0x3FA9]  }
0x39: {  	_ = 	snop;
	(pc) =	sbr.ind lr, $3  }
0x3a: {  	_ = 	snop  }
0x3b: {  	_ = 	snop  }
0x3c: {  	p2 =	seq.s32 s10, $0x1;
	s10 =	sld [smem:$0x3FA8]  }
0x3d: {  	_ =	shalt  }
0x3e: {  	_ =	shalt  }
0x3f: {  	_ =	shalt  }
0x40: {  	_ =	shalt  }
0x41: {  	_ =	shalt  }
0x42: {  	_ =	shalt  }
0x43: {  	_ =	shalt  }
0x44: {  	_ =	shalt  }
0x45: {  	_ =	shalt  }
0x46: {  	_ =	shalt  }
0x47: {  	_ =	shalt  }
0x48: {  	_ =	shalt  }
0x49: {  	_ =	shalt  }
0x4a: {  	_ =	shalt  }
0x4b: {  	_ =	shalt  }
0x4c: {  	_ =	shalt  }
0x4d: {  	_ =	shalt  }
0x4e: {  	_ =	shalt  }
0x4f: {  	_ =	shalt  }
0x50: {  	_ =	shalt  }
0x51: {  	_ =	shalt  }
0x52: {  	_ =	shalt  }
0x53: {  	_ =	shalt  }
0x54: {  	_ =	shalt  }
0x55: {  	_ =	shalt  }
0x56: {  	_ =	shalt  }
0x57: {  	_ =	shalt  }
0x58: {  	_ =	shalt  }
0x59: {  	_ =	shalt  }
0x5a: {  	_ =	shalt  }
0x5b: {  	_ =	shalt  }
0x5c: {  	_ =	shalt  }
0x5d: {  	_ =	shalt  }
0x5e: {  	_ =	shalt  }
0x5f: {  	_ =	shalt  }
0x60: {  	_ =	shalt  }
0x61: {  	_ =	shalt  }
0x62: {  	_ =	shalt  }
0x63: {  	_ =	shalt  }
0x64: {  	_ =	shalt  }
0x65: {  	_ =	shalt  }
0x66: {  	_ =	shalt  }
0x67: {  	_ =	shalt  }
0x68: {  	_ =	shalt  }
0x69: {  	_ =	shalt  }
0x6a: {  	_ =	shalt  }
0x6b: {  	_ =	shalt  }
0x6c: {  	_ =	shalt  }
0x6d: {  	_ =	shalt  }
0x6e: {  	_ =	shalt  }
0x6f: {  	_ =	shalt  }
0x70: {  	_ =	shalt  }
0x71: {  	_ =	shalt  }
0x72: {  	_ =	shalt  }
0x73: {  	_ =	shalt  }
0x74: {  	_ =	shalt  }
0x75: {  	_ =	shalt  }
0x76: {  	_ =	shalt  }
0x77: {  	_ =	shalt  }
0x78: {  	_ =	shalt  }
0x79: {  	_ =	shalt  }
0x7a: {  	_ =	shalt  }
0x7b: {  	_ =	shalt  }
0x7c: {  	_ =	shalt  }
0x7d: {  	_ =	shalt  }
0x7e: {  	_ =	shalt  }
0x7f: {  	_ =	shalt  }
0x80: {  	_ =	shalt  }
0x81: {  	_ =	shalt  }
0x82: {  	_ =	shalt  }
0x83: {  	_ =	shalt  }
0x84: {  	_ =	shalt  }
0x85: {  	_ =	shalt  }
0x86: {  	_ =	shalt  }
0x87: {  	_ =	shalt  }
.Lfunc_end0:
.L_simem_size_0:
called_computation.2_lowered:
.L_overlay_start_0:
0x88: {  	s2 =	sld [smem:$0x3FD9]  }
0x89: {  	s3 =	sld [smem:$0x3FFE];
	_ =	sdelay $0x1  }
0x8a: {  	s1 =	srdreg.scid  }
0x8b: {  	s0 =	sand.u32 $0x1, s1  }
0x8c: {  	s16 =	sshll.u32 s0, $0xA;
	s2 =	sadd.s32 s3, s2  }
0x8d: {  	s2 =	sadd.s32 s2, s16  }
0x8e: {  	[smem:$0x3FB4] =	sst s2  }
0x8f: {  	_ = 	snop  }
0x90: {  	(tm) =	ssettm $0x1  }
0x91: {  	s17 =	sld [smem:$0x3FFB];
	_ =	sdelay $0x3  }
0x92: {  	_ =	strace s17  }
0x93: {  	s2 =	sld [smem:$0x3FFC];
	_ =	sdelay $0x3  }
0x94: {  	_ =	strace s2  }
0x95: {  	s2 =	sld [smem:$0x3FFD];
	_ =	sdelay $0x3  }
0x96: {  	_ =	strace s2  }
0x97: {  	_ =	strace $0x8FFFFFFF  }
0x98: {  	s18 =	sld [smem:$0x3FDB];
	_ =	sdelay $0x1  }
0x99: {  	s19 =	simm.s32 $_scs_section_size  }
0x9a: {  	s4 =	simm.s32 $_size__tile_overlayer_lowered;
	s5 =	simm.s32 $_tile_overlayer_lowered  }
0x9b: {  	s22 =	simm.s32 $0x1BFF;
	s21 =	sshll.u32 s5, $0x1;
	s2 =	sadd.s32 s19, s18  }
0x9c: {  	s6 =	simm.s32 $0x0;
	s20 =	sshll.u32 s4, $0x1;
	s4 =	sadd.s32 s21, s2  }
0x9d: {  	[timem:s6], [sflag:s22] =	dma.local [hbm:s4], s20  }
0x9e: {  	_ =	swait.ge [sflag:s22], s20  }
0x9f: {  	s3 =	ssub.s32 $0x0, s20;
	[sflag:s22] =	ssyncset.done $0x0  }
0xa0: {  	[sflag:s22] =	ssyncadd.s32 s3;
	_ =	sdelay $0x1  }
0xa1: {  	s23 =	simm.s32 $0x1B8B  }
0xa2: {  	_ =	swait.ge [sflag:s23], $0x1  }
0xa3: {  	[sflag:s23] =	ssyncset.done $0x0  }
0xa4: {  	s25 =	simm.s32 $0x1B8E;
	s24 =	sld [smem:$0x3FFE];
	[sflag:s23] =	ssyncadd.s32 $0xFFFFFFFF  }
0xa5: {  	s26 =	simm.s32 $execute0_lowered;
	[smem:$0x3FD2] =	sst s25  }
0xa6: {  	s4 =	sshll.u32 s26, $0x1;
	_ =	strace $0x8000004C;
	[dreg:$0x1] =	wrdreg $0xFFFFFFFF  }
0xa7: {  	s28 =	simm.s32 $_size_execute0_lowered;
	s2 =	sadd.s32 s2, s4;
	[dreg:$0x0] =	wrdreg $0x0  }
0xa8: {  	s4 =	sshll.u32 s28, $0x1;
	[dreg:$0x2] =	wrdreg s2  }
0xa9: {  	[dreg:$0x3] =	wrdreg s4  }
0xaa: {  	[dreg:$0x4] =	wrdreg $0xC0  }
0xab: {  	_ =	task [dreg:s6], $0x5FFFF  }
0xac: {  	[dreg:$0x1] =	wrdreg $0xFFFFFFFF  }
0xad: {  	[dreg:$0x0] =	wrdreg $0x60  }
0xae: {  	[dreg:$0x2] =	wrdreg s24  }
0xaf: {  	[dreg:$0x3] =	wrdreg $0x120000  }
0xb0: {  	[dreg:$0x4] =	wrdreg $0x16E400  }
0xb1: {  	[dreg:$0x5] =	wrdreg $0x9  }
0xb2: {  	_ =	task.clear_ibuf [dreg:s6], $0x6FFFF;
	_ =	strace $0x9000004C  }
0xb3: {  	s29 =	simm.s32 $0x9;
	_ =	strace $0x8000004E  }
0xb4: {  	_ =	swait.ge [sflag:s29], $0x1  }
0xb5: {  	[sflag:s29] =	ssyncadd.s32 $0xFFFFFFFF  }
0xb6: {  	_ =	strace $0x9000004E  }
0xb7: {  	_ =	sfence  }
0xb8: {  	s30 =	sld [smem:$0x0];
	_ =	sdelay $0x2  }
0xb9: {  	s31 =	sshll.u32 s1, $0xD;
	s1 =	sshrl.u32 s1, $0x2  }
0xba: {  	s3 =	sand.u32 $0x4000, s31;
	s1 =	sadd.s32 s1, s30  }
0xbb: {  	s0 =	sor.u32 s3, s0;
	s1 =	sshll.u32 s1, $0x11  }
0xbc: {  	s0 =	sor.u32 s1, s0  }
0xbd: {  	s0 =	sadd.s32 $0x8F2B, s0  }
0xbe: {  	[sflag:s0] =	ssyncadd.remote.s32 $0x1  }
0xbf: {  	_ =	sfence.sel $0xFFFF  }
0xc0: {  	[dreg:$0x0] =	wrdreg $0xFFFFFFFF;
	(pc) =	sbr.abs _section_cstart, $3  }
0xc1: {  	[dreg:$0x1] =	wrdreg $0xFFFFFFFF  }
0xc2: {  	_ =	task.clear_ibuf [dreg:s6], $0x2FFFF;
	_ =	strace $0x9FFFFFFF  }
0xc3: {  	(tm) =	ssettm $0x7FFFFFFF  }
tec
execute0_lowered:
.L_overlay_start_1:
0x0: {  	(tag) =	ssettag $0x1  }
0x1: {  	s0 =	rddreg [dreg:$0x0]  }
0x2: {  	s2 =	rddreg [dreg:$0x1]  }
0x3: {  	s3 =	rddreg [dreg:$0x2]  }
0x4: {  	s7 =	stileid.u32;
	s1 =	srdreg.scid  }
0x5: {  	s5 =	simm.s32 $0x0;
	s14 =	simm.s32 $0x1;
	s15 =	simm.s32 $0x4  }
0x6: {  	s28 =	simm.s32 $0xD000;
	s30 =	simm.s32 $0xE000;
	s29 =	simm.s32 $0x10000  }
0x7: {  	s31 =	simm.s32 $0x6;
	s12 =	simm.s32 $0xB;
	s9 =	simm.s32 $0xC  }
0x8: {  	s10 =	simm.s32 $0xD;
	s11 =	simm.s32 $0xE;
	s4 =	smul.u32 $0x9C80, s7  }
0x9: {  	s13 =	simm.s32 $0xF;
	s1 =	sand.u32 $0x1, s1;
	s16 =	smul.u32 $0xA00, s7  }
0xa: {  	[smem:$0x7FF] =	sst s5;
	s18 =	smul.u32 $0x4E40, s7;
	s20 =	sshll.u32 s7, $0x6  }
0xb: {  	s6 =	sshll.u32 s1, $0x5;
	_ =	strace $0x8000004D;
	s1 =	ssub.s32 $0x2, s1  }
0xc: {  	s23 =	sor.u32 $0x1C03, s20;
	[dreg:$0x6] =	wrdreg s20;
	s26 =	sor.u32 $0x1C04, s20  }
0xd: {  	s20 =	simm.s32 $0x3;
	s4 =	sor.u32 s6, s4;
	s5 =	sadd.s32 s16, s0  }
0xe: {  	s17 =	sshrl.u32 s1, $0x1;
	s21 =	sadd.s32 s18, s2;
	[dreg:$0x8] =	wrdreg s23  }
0xf: {  	s16 =	simm.s32 $0x8;
	[dreg:$0xc] =	wrdreg s26;
	s23 =	simm.s32 $0xB000  }
0x10: {  	s26 =	simm.s32 $0x5;
	s6 =	simm.s32 $0x7;
	s4 =	sshrl.u32 s4, $0x3  }
0x11: {  	s1 =	ssub.s32 s1, s17;
	s19 =	sadd.s32 $0xD600, s5;
	s5 =	sadd.s32 $0x3600, s5  }
0x12: {  	s25 =	sshrl.u32 s21, $0x3;
	s21 =	simm.s32 $0x80;
	[dreg:$0x4] =	wrdreg s19  }
0x13: {  	s17 =	simm.s32 $0x10;
	s0 =	sadd.s32 s4, s0;
	[dreg:$0x5] =	wrdreg s5  }
0x14: {  	s4 =	sadd.s32 s18, s3;
	s24 =	smax.u32 s1, $0x1;
	[dreg:$0xb] =	wrdreg s25  }
0x15: {  	s19 =	simm.s32 $0x2;
	s25 =	simm.s32 $0xC000;
	s1 =	simm.s32 $0xF000  }
0x16: {  	s5 =	simm.s32 $0xA;
	s22 =	sadd.s32 $0x17600, s0;
	[dreg:$0xa] =	wrdreg s24  }
0x17: {  	s18 =	simm.s32 $0x0;
	s0 =	sadd.s32 $0x2B000, s0;
	[dreg:$0x7] =	wrdreg s22  }
0x18: {  	s7 =	sshrl.u32 s4, $0x3;
	s24 =	simm.s32 $0x11000;
	[dreg:$0x9] =	wrdreg s0  }
0x19: {  	s22 =	simm.s32 $0xA000;
	s0 =	simm.s32 $0x9;
	[dreg:$0xd] =	wrdreg s7  }
.LBB2_1:
0x1a: {  	[dreg:$0xe] =	wrdreg s18  }
0x1b: {  	s8 =	simm.s32 $0x0;
	s4 =	rddreg [dreg:$0x4]  }
0x1c: {  	[tilespmem:s8], [sflag:$0x1] =	stream.linear.gather [hbm4b:s4+s8], $0x5000, $0x38;
	[tilespmem:$0x1BC80] =	vst v63  }
0x1d: {  	s18 =	simm.s32 $0x5000;
	s4 =	rddreg [dreg:$0x5]  }
0x1e: {  	[tilespmem:s18], [sflag:$0x2] =	stream.linear.gather [hbm4b:s4+s8], $0x5000, $0x38;
	[tilespmem:$0x1BC80] =	vst v63  }
0x1f: {  	s4 =	rddreg [dreg:$0x7]  }
0x20: {  	s8 =	rddreg [dreg:$0x8]  }
0x21: {  	s18 =	smov.u32 s7;
	s7 =	rddreg [dreg:$0xb]  }
0x22: {  	[spmem:s7@s15], [sflag:s8] =	dma.strided [hbm:s4@s16], $0x9C8, s14, $0x4   }
0x23: {  	s7 =	rddreg [dreg:$0xc]  }
0x24: {  	[spmem:s18@s15], [sflag:s7] =	dma.strided [hbm:s4@s16], $0x9C8, s14, $0x4   }
0x25: {  	_ =	swait.ge [sflag:s14], $0x5000  }
0x26: {  	[sflag:s14] =	ssyncset.done $0x0  }
0x27: {  	[sflag:s14] =	ssyncadd.s32 $0xFFFFB000  }
0x28: {  	_ =	swait.ge [sflag:s19], $0x5000  }
0x29: {  	[sflag:s19] =	ssyncset.done $0x0  }
0x2a: {  	[sflag:s19] =	ssyncadd.s32 $0xFFFFB000  }
0x2b: {  	_ =	swait.ge [sflag:s20], $0x9C8  }
0x2c: {  	[sflag:s20] =	ssyncset.done $0x0  }
0x2d: {  	[sflag:s20] =	ssyncadd.s32 $0xFFFFF638  }
0x2e: {  	_ =	swait.ge [sflag:s15], $0x9C8  }
0x2f: {  	[sflag:s15] =	ssyncset.done $0x0  }
0x30: {  	[sflag:s15] =	ssyncadd.s32 $0xFFFFF638  }
0x31: {  	s7 =	simm.s32 $0x0;
	[bflag:$0x0] =	sbarrier.arrive $0xFFFF  }
0x32: {  	[tilespmem:s22], [sflag:$0x1] =	stream.indirect.gather [spmem:s2], $0x20, s7, s21, $0xb8;
	[tilespmem:$0x1BC80] =	vst v63  }
0x33: {  	_ = 	snop  }
0x34: {  	[tilespmem:s23], [sflag:$0x2] =	stream.indirect.gather [spmem:s2], $0x20, s21, s21, $0xb8;
	[tilespmem:$0x1BC80] =	vst v63  }
0x35: {  	s18 =	simm.s32 $0x100  }
0x36: {  	[tilespmem:s25], [sflag:$0x3] =	stream.indirect.gather [spmem:s2], $0x20, s18, s21, $0xb8;
	[tilespmem:$0x1BC80] =	vst v63  }
0x37: {  	s8 =	simm.s32 $0x180  }
0x38: {  	[tilespmem:s28], [sflag:$0x4] =	stream.indirect.gather [spmem:s2], $0x20, s8, s21, $0xb8;
	[tilespmem:$0x1BC80] =	vst v63  }
0x39: {  	_ =	swait.ge [sflag:s14], $0x1000  }
0x3a: {  	[sflag:s14] =	ssyncset.done $0x0  }
0x3b: {  	s18 =	simm.s32 $0x5000;
	[sflag:s14] =	ssyncadd.s32 $0xFFFFF000  }
0x3c: {  	[spmem:s3] =	stream.indirect.scatter.add.f32 [tilespmem:s22], [sflag:$0x9], $0x20, s18, s21, $0xb8;
	[tilespmem:$0x1BC80] =	vst v63  }
0x3d: {  	s8 =	simm.s32 $0x200  }
0x3e: {  	[tilespmem:s30], [sflag:$0x5] =	stream.indirect.gather [spmem:s2], $0x20, s8, s21, $0xb8;
	[tilespmem:$0x1BC80] =	vst v63  }
0x3f: {  	_ =	swait.ge [sflag:s19], $0x1000  }
0x40: {  	[sflag:s19] =	ssyncset.done $0x0  }
0x41: {  	s18 =	simm.s32 $0x5080;
	[sflag:s19] =	ssyncadd.s32 $0xFFFFF000  }
0x42: {  	[spmem:s3] =	stream.indirect.scatter.add.f32 [tilespmem:s23], [sflag:$0xA], $0x20, s18, s21, $0xb8;
	[tilespmem:$0x1BC80] =	vst v63  }
0x43: {  	s8 =	simm.s32 $0x280  }
0x44: {  	[tilespmem:s1], [sflag:$0x6] =	stream.indirect.gather [spmem:s2], $0x20, s8, s21, $0xb8;
	[tilespmem:$0x1BC80] =	vst v63  }
0x45: {  	_ =	swait.ge [sflag:s20], $0x1000  }
0x46: {  	[sflag:s20] =	ssyncset.done $0x0  }
0x47: {  	s18 =	simm.s32 $0x5100;
	[sflag:s20] =	ssyncadd.s32 $0xFFFFF000  }
0x48: {  	[spmem:s3] =	stream.indirect.scatter.add.f32 [tilespmem:s25], [sflag:$0xB], $0x20, s18, s21, $0xb8;
	[tilespmem:$0x1BC80] =	vst v63  }
0x49: {  	s8 =	simm.s32 $0x300  }
0x4a: {  	[tilespmem:s29], [sflag:$0x7] =	stream.indirect.gather [spmem:s2], $0x20, s8, s21, $0xb8;
	[tilespmem:$0x1BC80] =	vst v63  }
0x4b: {  	_ =	swait.ge [sflag:s15], $0x1000  }
0x4c: {  	[sflag:s15] =	ssyncset.done $0x0  }
0x4d: {  	s18 =	simm.s32 $0x5180;
	[sflag:s15] =	ssyncadd.s32 $0xFFFFF000  }
0x4e: {  	[spmem:s3] =	stream.indirect.scatter.add.f32 [tilespmem:s28], [sflag:$0xC], $0x20, s18, s21, $0xb8;
	[tilespmem:$0x1BC80] =	vst v63  }
0x4f: {  	s8 =	simm.s32 $0x380  }
0x50: {  	[tilespmem:s24], [sflag:$0x8] =	stream.indirect.gather [spmem:s2], $0x20, s8, s21, $0xb8;
	[tilespmem:$0x1BC80] =	vst v63  }
0x51: {  	_ =	swait.ge [sflag:s26], $0x1000  }
0x52: {  	[sflag:s26] =	ssyncset.done $0x0  }
0x53: {  	s18 =	simm.s32 $0x5200;
	[sflag:s26] =	ssyncadd.s32 $0xFFFFF000  }
0x54: {  	[spmem:s3] =	stream.indirect.scatter.add.f32 [tilespmem:s30], [sflag:$0xD], $0x20, s18, s21, $0xb8;
	[tilespmem:$0x1BC80] =	vst v63  }
0x55: {  	_ =	swait.ge [sflag:s0], $0x1000  }
0x56: {  	[sflag:s0] =	ssyncset.done $0x0  }
0x57: {  	s8 =	simm.s32 $0x400;
	[sflag:s0] =	ssyncadd.s32 $0xFFFFF000  }
0x58: {  	[tilespmem:s22], [sflag:$0x1] =	stream.indirect.gather [spmem:s2], $0x20, s8, s21, $0xb8;
	[tilespmem:$0x1BC80] =	vst v63  }
0x59: {  	_ =	swait.ge [sflag:s31], $0x1000  }
0x5a: {  	[sflag:s31] =	ssyncset.done $0x0  }
0x5b: {  	s18 =	simm.s32 $0x5280;
	[sflag:s31] =	ssyncadd.s32 $0xFFFFF000  }
0x5c: {  	[spmem:s3] =	stream.indirect.scatter.add.f32 [tilespmem:s1], [sflag:$0xE], $0x20, s18, s21, $0xb8;
	[tilespmem:$0x1BC80] =	vst v63  }
0x5d: {  	_ =	swait.ge [sflag:s5], $0x1000  }
0x5e: {  	[sflag:s5] =	ssyncset.done $0x0  }
0x5f: {  	s8 =	simm.s32 $0x480;
	[sflag:s5] =	ssyncadd.s32 $0xFFFFF000  }
0x60: {  	[tilespmem:s23], [sflag:$0x2] =	stream.indirect.gather [spmem:s2], $0x20, s8, s21, $0xb8;
	[tilespmem:$0x1BC80] =	vst v63  }
0x61: {  	_ =	swait.ge [sflag:s6], $0x1000  }
0x62: {  	[sflag:s6] =	ssyncset.done $0x0  }
0x63: {  	s18 =	simm.s32 $0x5300;
	[sflag:s6] =	ssyncadd.s32 $0xFFFFF000  }
0x64: {  	[spmem:s3] =	stream.indirect.scatter.add.f32 [tilespmem:s29], [sflag:$0xF], $0x20, s18, s21, $0xb8;
	[tilespmem:$0x1BC80] =	vst v63  }
0x65: {  	_ =	swait.ge [sflag:s12], $0x1000  }
0x66: {  	[sflag:s12] =	ssyncset.done $0x0  }
0x67: {  	s8 =	simm.s32 $0x500;
	[sflag:s12] =	ssyncadd.s32 $0xFFFFF000  }
0x68: {  	[tilespmem:s25], [sflag:$0x3] =	stream.indirect.gather [spmem:s2], $0x20, s8, s21, $0xb8;
	[tilespmem:$0x1BC80] =	vst v63  }
0x69: {  	_ =	swait.ge [sflag:s16], $0x1000  }
0x6a: {  	[sflag:s16] =	ssyncset.done $0x0  }
0x6b: {  	s18 =	simm.s32 $0x5380;
	[sflag:s16] =	ssyncadd.s32 $0xFFFFF000  }
0x6c: {  	[spmem:s3] =	stream.indirect.scatter.add.f32 [tilespmem:s24], [sflag:$0x10], $0x20, s18, s21, $0xb8;
	[tilespmem:$0x1BC80] =	vst v63  }
0x6d: {  	_ =	swait.ge [sflag:s9], $0x1000  }
0x6e: {  	[sflag:s9] =	ssyncset.done $0x0  }
0x6f: {  	s8 =	simm.s32 $0x580;
	[sflag:s9] =	ssyncadd.s32 $0xFFFFF000  }
0x70: {  	[tilespmem:s28], [sflag:$0x4] =	stream.indirect.gather [spmem:s2], $0x20, s8, s21, $0xb8;
	[tilespmem:$0x1BC80] =	vst v63  }
0x71: {  	_ =	swait.ge [sflag:s14], $0x1000  }
0x72: {  	[sflag:s14] =	ssyncset.done $0x0  }
0x73: {  	s18 =	simm.s32 $0x5400;
	[sflag:s14] =	ssyncadd.s32 $0xFFFFF000  }
0x74: {  	[spmem:s3] =	stream.indirect.scatter.add.f32 [tilespmem:s22], [sflag:$0x9], $0x20, s18, s21, $0xb8;
	[tilespmem:$0x1BC80] =	vst v63  }
0x75: {  	_ =	swait.ge [sflag:s10], $0x1000  }
0x76: {  	[sflag:s10] =	ssyncset.done $0x0  }
0x77: {  	s8 =	simm.s32 $0x600;
	[sflag:s10] =	ssyncadd.s32 $0xFFFFF000  }
0x78: {  	[tilespmem:s30], [sflag:$0x5] =	stream.indirect.gather [spmem:s2], $0x20, s8, s21, $0xb8;
	[tilespmem:$0x1BC80] =	vst v63  }
0x79: {  	_ =	swait.ge [sflag:s19], $0x1000  }
0x7a: {  	[sflag:s19] =	ssyncset.done $0x0  }
0x7b: {  	s18 =	simm.s32 $0x5480;
	[sflag:s19] =	ssyncadd.s32 $0xFFFFF000  }
0x7c: {  	[spmem:s3] =	stream.indirect.scatter.add.f32 [tilespmem:s23], [sflag:$0xA], $0x20, s18, s21, $0xb8;
	[tilespmem:$0x1BC80] =	vst v63  }
0x7d: {  	_ =	swait.ge [sflag:s11], $0x1000  }
0x7e: {  	[sflag:s11] =	ssyncset.done $0x0  }
0x7f: {  	s8 =	simm.s32 $0x680;
	[sflag:s11] =	ssyncadd.s32 $0xFFFFF000  }
0x80: {  	[tilespmem:s1], [sflag:$0x6] =	stream.indirect.gather [spmem:s2], $0x20, s8, s21, $0xb8;
	[tilespmem:$0x1BC80] =	vst v63  }
0x81: {  	_ =	swait.ge [sflag:s20], $0x1000  }
0x82: {  	[sflag:s20] =	ssyncset.done $0x0  }
0x83: {  	s18 =	simm.s32 $0x5500;
	[sflag:s20] =	ssyncadd.s32 $0xFFFFF000  }
0x84: {  	[spmem:s3] =	stream.indirect.scatter.add.f32 [tilespmem:s25], [sflag:$0xB], $0x20, s18, s21, $0xb8;
	[tilespmem:$0x1BC80] =	vst v63  }
0x85: {  	_ =	swait.ge [sflag:s13], $0x1000  }
0x86: {  	[sflag:s13] =	ssyncset.done $0x0  }
0x87: {  	s8 =	simm.s32 $0x700;
	[sflag:s13] =	ssyncadd.s32 $0xFFFFF000  }
0x88: {  	[tilespmem:s29], [sflag:$0x7] =	stream.indirect.gather [spmem:s2], $0x20, s8, s21, $0xb8;
	[tilespmem:$0x1BC80] =	vst v63  }
0x89: {  	_ =	swait.ge [sflag:s15], $0x1000  }
0x8a: {  	[sflag:s15] =	ssyncset.done $0x0  }
0x8b: {  	s18 =	simm.s32 $0x5580;
	[sflag:s15] =	ssyncadd.s32 $0xFFFFF000  }
0x8c: {  	[spmem:s3] =	stream.indirect.scatter.add.f32 [tilespmem:s28], [sflag:$0xC], $0x20, s18, s21, $0xb8;
	[tilespmem:$0x1BC80] =	vst v63  }
0x8d: {  	_ =	swait.ge [sflag:s17], $0x1000  }
0x8e: {  	[sflag:s17] =	ssyncset.done $0x0  }
0x8f: {  	s8 =	simm.s32 $0x780;
	[sflag:s17] =	ssyncadd.s32 $0xFFFFF000  }
0x90: {  	[tilespmem:s24], [sflag:$0x8] =	stream.indirect.gather [spmem:s2], $0x20, s8, s21, $0xb8;
	[tilespmem:$0x1BC80] =	vst v63  }
0x91: {  	_ =	swait.ge [sflag:s26], $0x1000  }
0x92: {  	[sflag:s26] =	ssyncset.done $0x0  }
0x93: {  	s18 =	simm.s32 $0x5600;
	[sflag:s26] =	ssyncadd.s32 $0xFFFFF000  }
0x94: {  	[spmem:s3] =	stream.indirect.scatter.add.f32 [tilespmem:s30], [sflag:$0xD], $0x20, s18, s21, $0xb8;
	[tilespmem:$0x1BC80] =	vst v63  }
0x95: {  	s8 =	smin.u32 s7, $0x8F;
	_ =	swait.ge [sflag:s0], $0x1000  }
0x96: {  	s4 =	sshll.u32 s8, $0x7;
	[sflag:s0] =	ssyncset.done $0x0  }
0x97: {  	s4 =	sadd.s32 $0x800, s4;
	[sflag:s0] =	ssyncadd.s32 $0xFFFFF000  }
0x98: {  	[tilespmem:s22], [sflag:$0x1] =	stream.indirect.gather [spmem:s2], $0x20, s4, s21, $0xb8;
	[tilespmem:$0x1BC80] =	vst v63  }
0x99: {  	_ =	swait.ge [sflag:s31], $0x1000  }
0x9a: {  	[sflag:s31] =	ssyncset.done $0x0  }
0x9b: {  	s18 =	simm.s32 $0x5680;
	[sflag:s31] =	ssyncadd.s32 $0xFFFFF000  }
0x9c: {  	[spmem:s3] =	stream.indirect.scatter.add.f32 [tilespmem:s1], [sflag:$0xE], $0x20, s18, s21, $0xb8;
	[tilespmem:$0x1BC80] =	vst v63  }
0x9d: {  	s8 =	smin.u32 s7, $0x8E;
	_ =	swait.ge [sflag:s5], $0x1000  }
0x9e: {  	s4 =	sshll.u32 s8, $0x7;
	[sflag:s5] =	ssyncset.done $0x0  }
0x9f: {  	s4 =	sadd.s32 $0x880, s4;
	[sflag:s5] =	ssyncadd.s32 $0xFFFFF000  }
0xa0: {  	[tilespmem:s23], [sflag:$0x2] =	stream.indirect.gather [spmem:s2], $0x20, s4, s21, $0xb8;
	[tilespmem:$0x1BC80] =	vst v63  }
0xa1: {  	_ =	swait.ge [sflag:s6], $0x1000  }
0xa2: {  	[sflag:s6] =	ssyncset.done $0x0  }
0xa3: {  	s18 =	simm.s32 $0x5700;
	[sflag:s6] =	ssyncadd.s32 $0xFFFFF000  }
0xa4: {  	[spmem:s3] =	stream.indirect.scatter.add.f32 [tilespmem:s29], [sflag:$0xF], $0x20, s18, s21, $0xb8;
	[tilespmem:$0x1BC80] =	vst v63  }
0xa5: {  	s8 =	smin.u32 s7, $0x8D;
	_ =	swait.ge [sflag:s12], $0x1000  }
0xa6: {  	s4 =	sshll.u32 s8, $0x7;
	[sflag:s12] =	ssyncset.done $0x0  }
0xa7: {  	s4 =	sadd.s32 $0x900, s4;
	[sflag:s12] =	ssyncadd.s32 $0xFFFFF000  }
0xa8: {  	[tilespmem:s25], [sflag:$0x3] =	stream.indirect.gather [spmem:s2], $0x20, s4, s21, $0xb8;
	[tilespmem:$0x1BC80] =	vst v63  }
0xa9: {  	_ =	swait.ge [sflag:s16], $0x1000  }
0xaa: {  	[sflag:s16] =	ssyncset.done $0x0  }
0xab: {  	s8 =	simm.s32 $0x5780;
	s18 =	simm.s32 $0x0;
	[sflag:s16] =	ssyncadd.s32 $0xFFFFF000  }
0xac: {  	[spmem:s3] =	stream.indirect.scatter.add.f32 [tilespmem:s24], [sflag:$0x10], $0x20, s8, s21, $0xb8;
	[tilespmem:$0x1BC80] =	vst v63  }
0xad: {  	s18 =	smin.u32 s18, $0x8C;
	_ =	swait.ge [sflag:s9], $0x1000  }
0xae: {  	s4 =	sshll.u32 s18, $0x7;
	s18 =	simm.s32 $0x8;
	[sflag:s9] =	ssyncset.done $0x0  }
0xaf: {  	s4 =	sadd.s32 $0x980, s4;
	s8 =	simm.s32 $0x1000;
	[sflag:s9] =	ssyncadd.s32 $0xFFFFF000  }
.LBB2_2:
0xb0: {  	[tilespmem:s28], [sflag:$0x4] =	stream.indirect.gather [spmem:s2], $0x20, s4, s21, $0xb8;
	[tilespmem:$0x1BC80] =	vst v63  }
0xb1: {  	s4 =	smov.u32 s8  }
0xb2: {  	p0 =	sne.s32 s8, $0x12000;
	s8 =	sadd.s32 $0x1000, s8;
	_ =	swait.ge [sflag:s14], $0x1000  }
0xb3: {  	s4 =	sshra.s32 s4, $0x2;
	[sflag:s14] =	ssyncset.done $0x0  }
0xb4: {  	s7 =	sadd.s32 $0x5400, s4;
	[sflag:s14] =	ssyncadd.s32 $0xFFFFF000  }
0xb5: {  	[spmem:s3] =	stream.indirect.scatter.add.f32 [tilespmem:s22], [sflag:$0x9], $0x20, s7, s21, $0xb8;
	[tilespmem:$0x1BC80] =	vst v63  }
0xb6: {  	_ =	swait.ge [sflag:s10], $0x1000  }
0xb7: {  	[sflag:s10] =	ssyncset.done $0x0  }
0xb8: {  	s7 =	sadd.s32 $0x600, s4;
	[sflag:s10] =	ssyncadd.s32 $0xFFFFF000  }
0xb9: {  	[tilespmem:s30], [sflag:$0x5] =	stream.indirect.gather [spmem:s2], $0x20, s7, s21, $0xb8;
	[tilespmem:$0x1BC80] =	vst v63  }
0xba: {  	_ =	swait.ge [sflag:s19], $0x1000  }
0xbb: {  	[sflag:s19] =	ssyncset.done $0x0  }
0xbc: {  	s7 =	sadd.s32 $0x5480, s4;
	[sflag:s19] =	ssyncadd.s32 $0xFFFFF000  }
0xbd: {  	[spmem:s3] =	stream.indirect.scatter.add.f32 [tilespmem:s23], [sflag:$0xA], $0x20, s7, s21, $0xb8;
	[tilespmem:$0x1BC80] =	vst v63  }
0xbe: {  	_ =	swait.ge [sflag:s11], $0x1000  }
0xbf: {  	[sflag:s11] =	ssyncset.done $0x0  }
0xc0: {  	s7 =	sadd.s32 $0x680, s4;
	[sflag:s11] =	ssyncadd.s32 $0xFFFFF000  }
0xc1: {  	[tilespmem:s1], [sflag:$0x6] =	stream.indirect.gather [spmem:s2], $0x20, s7, s21, $0xb8;
	[tilespmem:$0x1BC80] =	vst v63  }
0xc2: {  	_ =	swait.ge [sflag:s20], $0x1000  }
0xc3: {  	[sflag:s20] =	ssyncset.done $0x0  }
0xc4: {  	s7 =	sadd.s32 $0x5500, s4;
	[sflag:s20] =	ssyncadd.s32 $0xFFFFF000  }
0xc5: {  	[spmem:s3] =	stream.indirect.scatter.add.f32 [tilespmem:s25], [sflag:$0xB], $0x20, s7, s21, $0xb8;
	[tilespmem:$0x1BC80] =	vst v63  }
0xc6: {  	_ =	swait.ge [sflag:s13], $0x1000  }
0xc7: {  	[sflag:s13] =	ssyncset.done $0x0  }
0xc8: {  	s7 =	sadd.s32 $0x700, s4;
	[sflag:s13] =	ssyncadd.s32 $0xFFFFF000  }
0xc9: {  	[tilespmem:s29], [sflag:$0x7] =	stream.indirect.gather [spmem:s2], $0x20, s7, s21, $0xb8;
	[tilespmem:$0x1BC80] =	vst v63  }
0xca: {  	_ =	swait.ge [sflag:s15], $0x1000  }
0xcb: {  	[sflag:s15] =	ssyncset.done $0x0  }
0xcc: {  	s7 =	sadd.s32 $0x5580, s4;
	[sflag:s15] =	ssyncadd.s32 $0xFFFFF000  }
0xcd: {  	[spmem:s3] =	stream.indirect.scatter.add.f32 [tilespmem:s28], [sflag:$0xC], $0x20, s7, s21, $0xb8;
	[tilespmem:$0x1BC80] =	vst v63  }
0xce: {  	_ =	swait.ge [sflag:s17], $0x1000  }
0xcf: {  	[sflag:s17] =	ssyncset.done $0x0  }
0xd0: {  	s7 =	sadd.s32 $0x780, s4;
	[sflag:s17] =	ssyncadd.s32 $0xFFFFF000  }
0xd1: {  	[tilespmem:s24], [sflag:$0x8] =	stream.indirect.gather [spmem:s2], $0x20, s7, s21, $0xb8;
	[tilespmem:$0x1BC80] =	vst v63  }
0xd2: {  	_ =	swait.ge [sflag:s26], $0x1000  }
0xd3: {  	[sflag:s26] =	ssyncset.done $0x0  }
0xd4: {  	s7 =	sadd.s32 $0x5600, s4;
	[sflag:s26] =	ssyncadd.s32 $0xFFFFF000  }
0xd5: {  	[spmem:s3] =	stream.indirect.scatter.add.f32 [tilespmem:s30], [sflag:$0xD], $0x20, s7, s21, $0xb8;
	[tilespmem:$0x1BC80] =	vst v63  }
0xd6: {  	s7 =	smin.u32 s18, $0x8F;
	_ =	swait.ge [sflag:s0], $0x1000  }
0xd7: {  	s7 =	sshll.u32 s7, $0x7;
	[sflag:s0] =	ssyncset.done $0x0  }
0xd8: {  	s7 =	sadd.s32 $0x800, s7;
	[sflag:s0] =	ssyncadd.s32 $0xFFFFF000  }
0xd9: {  	[tilespmem:s22], [sflag:$0x1] =	stream.indirect.gather [spmem:s2], $0x20, s7, s21, $0xb8;
	[tilespmem:$0x1BC80] =	vst v63  }
0xda: {  	_ =	swait.ge [sflag:s31], $0x1000  }
0xdb: {  	[sflag:s31] =	ssyncset.done $0x0  }
0xdc: {  	s7 =	sadd.s32 $0x5680, s4;
	[sflag:s31] =	ssyncadd.s32 $0xFFFFF000  }
0xdd: {  	[spmem:s3] =	stream.indirect.scatter.add.f32 [tilespmem:s1], [sflag:$0xE], $0x20, s7, s21, $0xb8;
	[tilespmem:$0x1BC80] =	vst v63  }
0xde: {  	s7 =	smin.u32 s18, $0x8E;
	_ =	swait.ge [sflag:s5], $0x1000  }
0xdf: {  	s7 =	sshll.u32 s7, $0x7;
	[sflag:s5] =	ssyncset.done $0x0  }
0xe0: {  	s7 =	sadd.s32 $0x880, s7;
	[sflag:s5] =	ssyncadd.s32 $0xFFFFF000  }
0xe1: {  	[tilespmem:s23], [sflag:$0x2] =	stream.indirect.gather [spmem:s2], $0x20, s7, s21, $0xb8;
	[tilespmem:$0x1BC80] =	vst v63  }
0xe2: {  	_ =	swait.ge [sflag:s6], $0x1000  }
0xe3: {  	[sflag:s6] =	ssyncset.done $0x0  }
0xe4: {  	s7 =	sadd.s32 $0x5700, s4;
	[sflag:s6] =	ssyncadd.s32 $0xFFFFF000  }
0xe5: {  	[spmem:s3] =	stream.indirect.scatter.add.f32 [tilespmem:s29], [sflag:$0xF], $0x20, s7, s21, $0xb8;
	[tilespmem:$0x1BC80] =	vst v63  }
0xe6: {  	s7 =	smin.u32 s18, $0x8D;
	_ =	swait.ge [sflag:s12], $0x1000  }
0xe7: {  	s7 =	sshll.u32 s7, $0x7;
	[sflag:s12] =	ssyncset.done $0x0  }
0xe8: {  	s7 =	sadd.s32 $0x900, s7;
	[sflag:s12] =	ssyncadd.s32 $0xFFFFF000  }
0xe9: {  	[tilespmem:s25], [sflag:$0x3] =	stream.indirect.gather [spmem:s2], $0x20, s7, s21, $0xb8;
	[tilespmem:$0x1BC80] =	vst v63  }
0xea: {  	_ =	swait.ge [sflag:s16], $0x1000  }
0xeb: {  	[sflag:s16] =	ssyncset.done $0x0  }
.Ltmp0:
0xec: {  	s4 =	sadd.s32 $0x5780, s4;
	[sflag:s16] =	ssyncadd.s32 $0xFFFFF000;
	(pc) =	sbr.rel @p0 .LBB2_2-.Ltmp0, $4  }
0xed: {  	[spmem:s3] =	stream.indirect.scatter.add.f32 [tilespmem:s24], [sflag:$0x10], $0x20, s4, s21, $0xb8;
	[tilespmem:$0x1BC80] =	vst v63  }
0xee: {  	s4 =	smin.u32 s18, $0x8C;
	_ =	swait.ge [sflag:s9], $0x1000  }
0xef: {  	s4 =	sshll.u32 s4, $0x7;
	[sflag:s9] =	ssyncset.done $0x0  }
0xf0: {  	s18 =	sadd.s32 $0x8, s18;
	s4 =	sadd.s32 $0x980, s4;
	[sflag:s9] =	ssyncadd.s32 $0xFFFFF000  }
0xf1: {  	[tilespmem:s28], [sflag:$0x4] =	stream.indirect.gather [spmem:s2], $0x20, s4, s21, $0xb8;
	[tilespmem:$0x1BC80] =	vst v63  }
0xf2: {  	_ =	swait.ge [sflag:s14], $0x1000  }
0xf3: {  	[sflag:s14] =	ssyncset.done $0x0  }
0xf4: {  	[sflag:s14] =	ssyncadd.s32 $0xFFFFF000  }
0xf5: {  	_ =	swait.ge [sflag:s10], $0x1000  }
0xf6: {  	[sflag:s10] =	ssyncset.done $0x0  }
0xf7: {  	[sflag:s10] =	ssyncadd.s32 $0xFFFFF000  }
0xf8: {  	_ =	swait.ge [sflag:s19], $0x1000  }
0xf9: {  	[sflag:s19] =	ssyncset.done $0x0  }
0xfa: {  	[sflag:s19] =	ssyncadd.s32 $0xFFFFF000  }
0xfb: {  	_ =	swait.ge [sflag:s11], $0x1000  }
0xfc: {  	[sflag:s11] =	ssyncset.done $0x0  }
0xfd: {  	[sflag:s11] =	ssyncadd.s32 $0xFFFFF000  }
0xfe: {  	_ =	swait.ge [sflag:s20], $0x1000  }
0xff: {  	[sflag:s20] =	ssyncset.done $0x0  }
0x100: {  	[sflag:s20] =	ssyncadd.s32 $0xFFFFF000  }
0x101: {  	_ =	swait.ge [sflag:s13], $0x1000  }
0x102: {  	[sflag:s13] =	ssyncset.done $0x0  }
0x103: {  	[sflag:s13] =	ssyncadd.s32 $0xFFFFF000  }
0x104: {  	_ =	swait.ge [sflag:s15], $0x1000  }
0x105: {  	[sflag:s15] =	ssyncset.done $0x0  }
0x106: {  	[sflag:s15] =	ssyncadd.s32 $0xFFFFF000  }
0x107: {  	_ =	swait.ge [sflag:s17], $0x1000  }
0x108: {  	[sflag:s17] =	ssyncset.done $0x0  }
0x109: {  	[sflag:s17] =	ssyncadd.s32 $0xFFFFF000  }
0x10a: {  	[bflag:$0x0] =	sbarrier.arrive $0xFFFF  }
0x10b: {  	s18 =	rddreg [dreg:$0x6]  }
0x10c: {  	s7 =	rddreg [dreg:$0x9]  }
0x10d: {  	s8 =	rddreg [dreg:$0xd];
	s4 =	sor.u32 $0x1C11, s18  }
0x10e: {  	[hbm:s7@s16], [sflag:s4] =	dma.strided [spmem:s8@s15], $0x9C8, s14, $0x4   }
0x10f: {  	s7 =	smov.u32 s8;
	s8 =	simm.s32 $0x11  }
0x110: {  	_ =	swait.ge [sflag:s8], $0x9C8  }
0x111: {  	s18 =	rddreg [dreg:$0xe]  }
0x112: {  	s4 =	rddreg [dreg:$0xa];
	s18 =	sadd.s32 $0x1, s18  }
0x113: {  	p0 =	sne.s32 s18, s4  }
.Ltmp1:
0x114: {  	_ = 	snop;
	(pc) =	sbr.rel @p0 .LBB2_1-.Ltmp1, $3  }
0x115: {  	_ =	sdelay $0x1  }
0x116: {  	[sflag:s8] =	ssyncset.done $0x0  }
0x117: {  	[sflag:s8] =	ssyncadd.s32 $0xFFFFF638  }
0x118: {  	_ =	sfence.sel $0x180000  }
0x119: {  	[bflag:$0x0] =	sbarrier.arrive $0xFFFF  }
0x11a: {  	_ =	strace $0x9000004D  }
0x11b: {  	s0 =	stileid.u32;
	[bflag:$0x2] =	sbarrier.arrive $0xFFFF  }
0x11c: {  	p0 =	sne.s32 s0, $0x0;
	s0 =	rddreg [dreg:$0x3]  }
0x11d: {  	s0 =	sadd.s32 @!p0 $0x100000, s0  }
0x11e: {  	[sflag:s0] =	ssyncadd.tile.s32 @!p0 $0x1;
	_ =	shalt  }
.Lfunc_end2:
_tile_overlayer_lowered:
.L_overlay_start_2:
0x11f: {  	(tag) =	ssettag $0x2  }
0x120: {  	s0 =	rddreg [dreg:$0x0];
	s2 =	stileid.u32  }
0x121: {  	s1 =	rddreg [dreg:$0x1];
	p0 =	sne.s32 s2, $0x0  }
0x122: {  	s3 =	rddreg [dreg:$0x2];
	[bflag:$0x3] =	sbarrier.arrive $0xFFFF;
	s2 =	simm.s32 @!p0 $0x1C11  }
0x123: {  	[timem:s3], [sflag:s2] =	dma.local @!p0 [hbm:s0], s1  }
0x124: {  	s0 =	simm.s32 @!p0 $0x11  }
0x125: {  	_ =	swait.ge @!p0 [sflag:s0], s1  }
0x126: {  	s1 =	ssub.s32 @!p0 $0x0, s1;
	[sflag:s0] =	ssyncset.done @!p0 $0x0  }
0x127: {  	[sflag:s0] =	ssyncadd.s32 @!p0 s1  }
0x128: {  	[bflag:$0x3] =	sbarrier.arrive $0xFFFF  }
0x129: {  	_ =	shalt  }

// kernel: kernel.20.cloned.1.call-start
scs
__scs_entry_jumppad:
0x0: {  	(pc) =	sbr.rel $0x88, $3  }
0x1: {  	(tag) =	ssettag $0x0;
	lr =	simm.s32 $0x1  }
0x2: {  	[smem:$0x3F8D] =	sst lr;
	_ =	strace $0xD0000000  }
0x3: {  	_ = 	snop  }
0x4: {  	_ = 	snop  }
0x5: {  	_ = 	snop  }
0x6: {  	_ = 	snop  }
0x7: {  	_ = 	snop  }
__scs_overlays_trampoline_lowered:
0x8: {  	[smem:$0x3F9C] =	sst s0  }
0x9: {  	[smem:$0x3F9D] =	sst s1  }
0xa: {  	[smem:$0x3F9E] =	sst s2  }
0xb: {  	[smem:$0x3F9F] =	sst s3  }
0xc: {  	[smem:$0x3FA0] =	sst s4  }
0xd: {  	[smem:$0x3FA1] =	sst s5  }
0xe: {  	[smem:$0x3FA2] =	sst s6  }
0xf: {  	[smem:$0x3FA3] =	sst s7  }
0x10: {  	[smem:$0x3FA4] =	sst s8  }
0x11: {  	[smem:$0x3FA5] =	sst s9;
	s0 =	simm.s32 @!p0 $0x0  }
0x12: {  	s1 =	sld [smem:$0x3F8B];
	s0 =	simm.s32 @p0 $0x1  }
0x13: {  	[smem:$0x3FA6] =	sst s0;
	s0 =	simm.s32 @!p1 $0x0  }
0x14: {  	s2 =	sld [smem:$0x3F8A];
	s0 =	simm.s32 @p1 $0x1  }
0x15: {  	[smem:$0x3FA7] =	sst s0;
	s0 =	simm.s32 @!p2 $0x0  }
0x16: {  	s3 =	sld [smem:$0x3FDB];
	s0 =	simm.s32 @p2 $0x1  }
0x17: {  	s4 =	simm.s32 $0x1BF5;
	[smem:$0x3FA9] =	sst s0  }
0x18: {  	s0 =	sld [smem:$0x3F8C];
	_ =	swait.ge [sflag:s4], $0x0  }
0x19: {  	s7 =	sld [smem:$0x3F8D]  }
0x1a: {  	s8 =	sadd.s32 $0xFFFFE003, lr  }
0x1b: {  	s9 =	sadd.s32 $0xFFFFFEF7, lr;
	s5 =	simm.s32 $0xFFFFFFFF;
	p2 =	slt.u32 s8, $0xFFFFF086  }
0x1c: {  	p1 =	slt.u32 s9, $0xF7A;
	s5 =	simm.s32 @!p2 $0x0  }
0x1d: {  	s5 =	simm.s32 @p1 $0x1;
	p0 =	seq.s32 s7, s2  }
0x1e: {  	s7 =	smul.u32 @!p0 $0xF7A, s2;
	p2 =	seq.s32 @!p0 s5, $0x0  }
0x1f: {  	s9 =	smul.u32 $0xF7A, s1;
	s8 =	simm.s32 @!p0 $0x1BF5;
	p2 =	por !p2, p0  }
0x20: {  	[sflag:s8] =	ssyncset.s32 @!p0 $0xFFFFF086;
	s6 =	sadd.s32 @!p0 s3, s7;
	s7 =	simm.s32 @!p0 $0x108  }
0x21: {  	s3 =	sadd.s32 s3, s9;
	s6 =	sadd.s32 @!p0 $0x88, s6;
	s7 =	simm.s32 @p2 $0x1082  }
0x22: {  	[simem:s7], [sflag:s8] =	dma.local @!p0 [hbm:s6], $0xF7A  }
0x23: {  	s9 =	sor.u32 $0xD0000000, s2;
	s6 =	simm.s32 $0x108;
	_ =	swait.ge @!p0 [sflag:s8], $0x0  }
0x24: {  	s3 =	sadd.s32 $0x88, s3;
	s6 =	simm.s32 @!p1 $0x1082;
	[sflag:s4] =	ssyncset.s32 $0xFFFFF086  }
0x25: {  	[simem:s6], [sflag:s4] =	dma.local [hbm:s3], $0xF7A  }
0x26: {  	[smem:$0x3F8D] =	sst s1;
	(tag) =	ssettag s2;
	_ =	strace s9  }
0x27: {  	s1 =	sld [smem:$0x3F9D]  }
0x28: {  	s2 =	sld [smem:$0x3F9E]  }
0x29: {  	s4 =	sld [smem:$0x3FA0]  }
0x2a: {  	p0 =	seq.s32 s5, $0x0;
	s5 =	sld [smem:$0x3FA1]  }
0x2b: {  	s6 =	sld [smem:$0x3FA2]  }
0x2c: {  	s7 =	sld [smem:$0x3FA3]  }
0x2d: {  	s3 =	simm.s32 $0x108;
	s8 =	sld [smem:$0x3FA4]  }
0x2e: {  	s3 =	simm.s32 @!p0 $0x1082;
	s9 =	sld [smem:$0x3FA5]  }
0x2f: {  	lr =	sadd.s32 s0, s3;
	s0 =	sld [smem:$0x3F9C]  }
0x30: {  	s3 =	sld [smem:$0x3F9F]  }
0x31: {  	[smem:$0x3FA8] =	sst s10  }
0x32: {  	s10 =	sld [smem:$0x3FA6];
	_ =	sdelay $0x3  }
0x33: {  	p0 =	seq.s32 s10, $0x1;
	s10 =	sld [smem:$0x3FA8];
	_ =	sdelay $0x3  }
0x34: {  	[smem:$0x3FA8] =	sst s10  }
0x35: {  	s10 =	sld [smem:$0x3FA7];
	_ =	sdelay $0x3  }
0x36: {  	p1 =	seq.s32 s10, $0x1;
	s10 =	sld [smem:$0x3FA8];
	_ =	sdelay $0x3  }
0x37: {  	[smem:$0x3FA8] =	sst s10  }
0x38: {  	s10 =	sld [smem:$0x3FA9]  }
0x39: {  	_ = 	snop;
	(pc) =	sbr.ind lr, $3  }
0x3a: {  	_ = 	snop  }
0x3b: {  	_ = 	snop  }
0x3c: {  	p2 =	seq.s32 s10, $0x1;
	s10 =	sld [smem:$0x3FA8]  }
0x3d: {  	_ =	shalt  }
0x3e: {  	_ =	shalt  }
0x3f: {  	_ =	shalt  }
0x40: {  	_ =	shalt  }
0x41: {  	_ =	shalt  }
0x42: {  	_ =	shalt  }
0x43: {  	_ =	shalt  }
0x44: {  	_ =	shalt  }
0x45: {  	_ =	shalt  }
0x46: {  	_ =	shalt  }
0x47: {  	_ =	shalt  }
0x48: {  	_ =	shalt  }
0x49: {  	_ =	shalt  }
0x4a: {  	_ =	shalt  }
0x4b: {  	_ =	shalt  }
0x4c: {  	_ =	shalt  }
0x4d: {  	_ =	shalt  }
0x4e: {  	_ =	shalt  }
0x4f: {  	_ =	shalt  }
0x50: {  	_ =	shalt  }
0x51: {  	_ =	shalt  }
0x52: {  	_ =	shalt  }
0x53: {  	_ =	shalt  }
0x54: {  	_ =	shalt  }
0x55: {  	_ =	shalt  }
0x56: {  	_ =	shalt  }
0x57: {  	_ =	shalt  }
0x58: {  	_ =	shalt  }
0x59: {  	_ =	shalt  }
0x5a: {  	_ =	shalt  }
0x5b: {  	_ =	shalt  }
0x5c: {  	_ =	shalt  }
0x5d: {  	_ =	shalt  }
0x5e: {  	_ =	shalt  }
0x5f: {  	_ =	shalt  }
0x60: {  	_ =	shalt  }
0x61: {  	_ =	shalt  }
0x62: {  	_ =	shalt  }
0x63: {  	_ =	shalt  }
0x64: {  	_ =	shalt  }
0x65: {  	_ =	shalt  }
0x66: {  	_ =	shalt  }
0x67: {  	_ =	shalt  }
0x68: {  	_ =	shalt  }
0x69: {  	_ =	shalt  }
0x6a: {  	_ =	shalt  }
0x6b: {  	_ =	shalt  }
0x6c: {  	_ =	shalt  }
0x6d: {  	_ =	shalt  }
0x6e: {  	_ =	shalt  }
0x6f: {  	_ =	shalt  }
0x70: {  	_ =	shalt  }
0x71: {  	_ =	shalt  }
0x72: {  	_ =	shalt  }
0x73: {  	_ =	shalt  }
0x74: {  	_ =	shalt  }
0x75: {  	_ =	shalt  }
0x76: {  	_ =	shalt  }
0x77: {  	_ =	shalt  }
0x78: {  	_ =	shalt  }
0x79: {  	_ =	shalt  }
0x7a: {  	_ =	shalt  }
0x7b: {  	_ =	shalt  }
0x7c: {  	_ =	shalt  }
0x7d: {  	_ =	shalt  }
0x7e: {  	_ =	shalt  }
0x7f: {  	_ =	shalt  }
0x80: {  	_ =	shalt  }
0x81: {  	_ =	shalt  }
0x82: {  	_ =	shalt  }
0x83: {  	_ =	shalt  }
0x84: {  	_ =	shalt  }
0x85: {  	_ =	shalt  }
0x86: {  	_ =	shalt  }
0x87: {  	_ =	shalt  }
.Lfunc_end0:
.L_simem_size_0:
called_computation.3_lowered:
.L_overlay_start_0:
0x88: {  	s2 =	sld [smem:$0x3FD9]  }
0x89: {  	s3 =	sld [smem:$0x3FFE];
	_ =	sdelay $0x1  }
0x8a: {  	s1 =	srdreg.scid  }
0x8b: {  	s0 =	sand.u32 $0x1, s1  }
0x8c: {  	s17 =	sshll.u32 s0, $0xA;
	s2 =	sadd.s32 s3, s2  }
0x8d: {  	s2 =	sadd.s32 s2, s17  }
0x8e: {  	[smem:$0x3FB4] =	sst s2  }
0x8f: {  	_ = 	snop  }
0x90: {  	s2 =	sld [smem:$0x3FD0];
	(tm) =	ssettm $0x1  }
0x91: {  	s18 =	sld [smem:$0x3FFB];
	_ =	sdelay $0x3  }
0x92: {  	_ =	strace s18  }
0x93: {  	s3 =	sld [smem:$0x3FFC];
	_ =	sdelay $0x3  }
0x94: {  	_ =	strace s3  }
0x95: {  	s3 =	sld [smem:$0x3FFD];
	_ =	sdelay $0x3  }
0x96: {  	_ =	strace s3  }
0x97: {  	_ =	strace $0x8FFFFFFF  }
0x98: {  	s19 =	sld [smem:$0x3FDB];
	_ =	sdelay $0x1  }
0x99: {  	s4 =	simm.s32 $_scs_section_size  }
0x9a: {  	s5 =	simm.s32 $_size__tile_overlayer_lowered;
	s6 =	simm.s32 $_tile_overlayer_lowered  }
0x9b: {  	s22 =	simm.s32 $0x1BFF;
	s21 =	sshll.u32 s6, $0x1;
	s3 =	sadd.s32 s4, s19  }
0x9c: {  	s7 =	simm.s32 $0x0;
	s20 =	sshll.u32 s5, $0x1;
	s5 =	sadd.s32 s21, s3  }
0x9d: {  	[timem:s7], [sflag:s22] =	dma.local [hbm:s5], s20  }
0x9e: {  	_ =	swait.ge [sflag:s22], s20  }
0x9f: {  	s4 =	ssub.s32 $0x0, s20;
	[sflag:s22] =	ssyncset.done $0x0  }
0xa0: {  	[sflag:s22] =	ssyncadd.s32 s4;
	_ =	sdelay $0x1  }
0xa1: {  	s23 =	simm.s32 $0x1B8B  }
0xa2: {  	_ =	swait.ge [sflag:s23], $0x1  }
0xa3: {  	[sflag:s23] =	ssyncset.done $0x0  }
0xa4: {  	s25 =	simm.s32 $0x1B8E;
	s24 =	sld [smem:$0x3FFE];
	[sflag:s23] =	ssyncadd.s32 $0xFFFFFFFF  }
0xa5: {  	s26 =	simm.s32 $execute0_lowered;
	[smem:$0x3FD2] =	sst s25  }
0xa6: {  	s5 =	sshll.u32 s26, $0x1;
	_ =	strace $0x8000004F;
	[dreg:$0x1] =	wrdreg $0xFFFFFFFF  }
0xa7: {  	s28 =	simm.s32 $_size_execute0_lowered;
	s3 =	sadd.s32 s3, s5;
	[dreg:$0x0] =	wrdreg $0x0  }
0xa8: {  	s5 =	sshll.u32 s28, $0x1;
	[dreg:$0x2] =	wrdreg s3  }
0xa9: {  	[dreg:$0x3] =	wrdreg s5  }
0xaa: {  	[dreg:$0x4] =	wrdreg $0xC0  }
0xab: {  	_ =	task [dreg:s7], $0x5FFFF  }
0xac: {  	[dreg:$0x1] =	wrdreg $0xFFFFFFFF  }
0xad: {  	[dreg:$0x0] =	wrdreg $0x60  }
0xae: {  	[dreg:$0x2] =	wrdreg s2  }
0xaf: {  	[dreg:$0x3] =	wrdreg s24  }
0xb0: {  	[dreg:$0x4] =	wrdreg $0xE0000  }
0xb1: {  	[dreg:$0x5] =	wrdreg $0x107200  }
0xb2: {  	[dreg:$0x6] =	wrdreg $0x9  }
0xb3: {  	_ =	task.clear_ibuf [dreg:s7], $0x7FFFF;
	_ =	strace $0x9000004F  }
0xb4: {  	s29 =	simm.s32 $0x9;
	_ =	strace $0x80000051  }
0xb5: {  	_ =	swait.ge [sflag:s29], $0x1  }
0xb6: {  	[sflag:s29] =	ssyncadd.s32 $0xFFFFFFFF  }
0xb7: {  	_ =	strace $0x90000051  }
0xb8: {  	_ =	sfence  }
0xb9: {  	s30 =	sld [smem:$0x0];
	_ =	sdelay $0x2  }
0xba: {  	s31 =	sshll.u32 s1, $0xD;
	s1 =	sshrl.u32 s1, $0x2  }
0xbb: {  	s3 =	sand.u32 $0x4000, s31;
	s1 =	sadd.s32 s1, s30  }
0xbc: {  	s0 =	sor.u32 s3, s0;
	s1 =	sshll.u32 s1, $0x11  }
0xbd: {  	s0 =	sor.u32 s1, s0  }
0xbe: {  	s0 =	sadd.s32 $0x8F2B, s0  }
0xbf: {  	[sflag:s0] =	ssyncadd.remote.s32 $0x1  }
0xc0: {  	_ =	sfence.sel $0xFFFF  }
0xc1: {  	[dreg:$0x0] =	wrdreg $0xFFFFFFFF;
	(pc) =	sbr.abs _section_cstart, $3  }
0xc2: {  	[dreg:$0x1] =	wrdreg $0xFFFFFFFF  }
0xc3: {  	_ =	task.clear_ibuf [dreg:s7], $0x2FFFF;
	_ =	strace $0x9FFFFFFF  }
0xc4: {  	(tm) =	ssettm $0x7FFFFFFF  }
0xc5: {  	_ =	shalt  }
tec
execute0_lowered:
.L_overlay_start_1:
0x0: {  	(tag) =	ssettag $0x1  }
0x1: {  	s0 =	rddreg [dreg:$0x0]  }
0x2: {  	s1 =	rddreg [dreg:$0x1]  }
0x3: {  	s2 =	rddreg [dreg:$0x2]  }
0x4: {  	s3 =	rddreg [dreg:$0x3]  }
0x5: {  	s8 =	stileid.u32;
	s4 =	srdreg.scid  }
0x6: {  	s6 =	simm.s32 $0x0;
	s14 =	simm.s32 $0x1;
	s15 =	simm.s32 $0x2  }
0x7: {  	s16 =	simm.s32 $0x4;
	s29 =	simm.s32 $0xC000;
	s31 =	simm.s32 $0xD800  }
0x8: {  	s28 =	simm.s32 $0x9;
	s30 =	simm.s32 $0xA;
	s12 =	simm.s32 $0x8  }
0x9: {  	s10 =	simm.s32 $0xD;
	s11 =	simm.s32 $0xE;
	s5 =	smul.u32 $0x4E40, s8  }
0xa: {  	s13 =	simm.s32 $0xF;
	s17 =	simm.s32 $0x10;
	s18 =	smul.u32 $0xA00, s8  }
0xb: {  	s4 =	sand.u32 $0x1, s4;
	[smem:$0x7FF] =	sst s6;
	s20 =	smul.u32 $0x2720, s8  }
0xc: {  	s8 =	sshll.u32 s8, $0x6;
	s7 =	sshll.u32 s4, $0x4;
	_ =	strace $0x80000050  }
0xd: {  	s4 =	ssub.s32 $0x2, s4;
	s22 =	sor.u32 $0x1C03, s8;
	[dreg:$0x7] =	wrdreg s8  }
0xe: {  	s26 =	sor.u32 $0x1C04, s8;
	s5 =	sor.u32 s7, s5;
	s6 =	sadd.s32 s18, s1  }
0xf: {  	s19 =	sshrl.u32 s4, $0x1;
	s21 =	sadd.s32 s20, s2;
	[dreg:$0x9] =	wrdreg s22  }
0x10: {  	s23 =	sadd.s32 s20, s3;
	[dreg:$0xd] =	wrdreg s26;
	s20 =	simm.s32 $0x80  }
0x11: {  	s22 =	simm.s32 $0xA800;
	s26 =	simm.s32 $0xB800;
	s18 =	simm.s32 $0x0  }
0x12: {  	s5 =	sshrl.u32 s5, $0x3;
	s4 =	ssub.s32 s4, s19;
	s9 =	sadd.s32 $0xD600, s6  }
0x13: {  	s6 =	sadd.s32 $0x3600, s6;
	s25 =	sshrl.u32 s21, $0x3;
	s7 =	sshrl.u32 s23, $0x3  }
0x14: {  	s19 =	simm.s32 $0x3;
	s21 =	simm.s32 $0xA000;
	[dreg:$0x5] =	wrdreg s9  }
0x15: {  	s23 =	simm.s32 $0x6;
	s1 =	sadd.s32 s5, s1;
	[dreg:$0x6] =	wrdreg s6  }
0x16: {  	s0 =	sadd.s32 s0, s5;
	s24 =	smax.u32 s4, $0x1;
	[dreg:$0xc] =	wrdreg s25  }
0x17: {  	s25 =	simm.s32 $0xD000;
	s5 =	simm.s32 $0x7;
	[dreg:$0xe] =	wrdreg s7  }
0x18: {  	s6 =	simm.s32 $0xB;
	s9 =	simm.s32 $0xC;
	[dreg:$0x8] =	wrdreg s0  }
0x19: {  	s1 =	sadd.s32 $0x17600, s1;
	[dreg:$0xb] =	wrdreg s24;
	s24 =	simm.s32 $0xB000  }
0x1a: {  	s0 =	simm.s32 $0xC800;
	[dreg:$0xa] =	wrdreg s1;
	s1 =	simm.s32 $0x5  }
.LBB2_1:
0x1b: {  	[dreg:$0xf] =	wrdreg s18  }
0x1c: {  	s8 =	simm.s32 $0x0;
	s4 =	rddreg [dreg:$0x5]  }
0x1d: {  	[tilespmem:s8], [sflag:$0x1] =	stream.linear.gather [hbm4b:s4+s8], $0x5000, $0x38;
	[tilespmem:$0x12E40] =	vst v63  }
0x1e: {  	s18 =	simm.s32 $0x5000;
	s4 =	rddreg [dreg:$0x6]  }
0x1f: {  	[tilespmem:s18], [sflag:$0x2] =	stream.linear.gather [hbm4b:s4+s8], $0x5000, $0x38;
	[tilespmem:$0x12E40] =	vst v63  }
0x20: {  	s4 =	rddreg [dreg:$0x8]  }
0x21: {  	s8 =	rddreg [dreg:$0x9]  }
0x22: {  	s18 =	smov.u32 s7;
	s7 =	rddreg [dreg:$0xc]  }
0x23: {  	[spmem:s7@s15], [sflag:s8] =	dma.strided [hbm:s4@s16], $0x4E4, s14, $0x2   }
0x24: {  	s7 =	rddreg [dreg:$0xd]  }
0x25: {  	[spmem:s18@s15], [sflag:s7] =	dma.strided [hbm:s4@s16], $0x4E4, s14, $0x2   }
0x26: {  	_ =	swait.ge [sflag:s14], $0x5000  }
0x27: {  	[sflag:s14] =	ssyncset.done $0x0  }
0x28: {  	[sflag:s14] =	ssyncadd.s32 $0xFFFFB000  }
0x29: {  	_ =	swait.ge [sflag:s15], $0x5000  }
0x2a: {  	[sflag:s15] =	ssyncset.done $0x0  }
0x2b: {  	[sflag:s15] =	ssyncadd.s32 $0xFFFFB000  }
0x2c: {  	_ =	swait.ge [sflag:s19], $0x4E4  }
0x2d: {  	[sflag:s19] =	ssyncset.done $0x0  }
0x2e: {  	[sflag:s19] =	ssyncadd.s32 $0xFFFFFB1C  }
0x2f: {  	_ =	swait.ge [sflag:s16], $0x4E4  }
0x30: {  	[sflag:s16] =	ssyncset.done $0x0  }
0x31: {  	[sflag:s16] =	ssyncadd.s32 $0xFFFFFB1C  }
0x32: {  	s7 =	simm.s32 $0x0;
	[bflag:$0x0] =	sbarrier.arrive $0xFFFF  }
0x33: {  	[tilespmem:s21], [sflag:$0x1] =	stream.indirect.gather [spmem:s2], $0x10, s7, s20, $0xb8;
	[tilespmem:$0x12E40] =	vst v63  }
0x34: {  	_ = 	snop  }
0x35: {  	[tilespmem:s22], [sflag:$0x2] =	stream.indirect.gather [spmem:s2], $0x10, s20, s20, $0xb8;
	[tilespmem:$0x12E40] =	vst v63  }
0x36: {  	s18 =	simm.s32 $0x100  }
0x37: {  	[tilespmem:s24], [sflag:$0x3] =	stream.indirect.gather [spmem:s2], $0x10, s18, s20, $0xb8;
	[tilespmem:$0x12E40] =	vst v63  }
0x38: {  	s8 =	simm.s32 $0x180  }
0x39: {  	[tilespmem:s26], [sflag:$0x4] =	stream.indirect.gather [spmem:s2], $0x10, s8, s20, $0xb8;
	[tilespmem:$0x12E40] =	vst v63  }
0x3a: {  	_ =	swait.ge [sflag:s14], $0x800  }
0x3b: {  	[sflag:s14] =	ssyncset.done $0x0  }
0x3c: {  	s18 =	simm.s32 $0x5000;
	[sflag:s14] =	ssyncadd.s32 $0xFFFFF800  }
0x3d: {  	[spmem:s3] =	stream.indirect.scatter.add.f32 [tilespmem:s21], [sflag:$0x9], $0x10, s18, s20, $0xb8;
	[tilespmem:$0x12E40] =	vst v63  }
0x3e: {  	s8 =	simm.s32 $0x200  }
0x3f: {  	[tilespmem:s29], [sflag:$0x5] =	stream.indirect.gather [spmem:s2], $0x10, s8, s20, $0xb8;
	[tilespmem:$0x12E40] =	vst v63  }
0x40: {  	_ =	swait.ge [sflag:s15], $0x800  }
0x41: {  	[sflag:s15] =	ssyncset.done $0x0  }
0x42: {  	s18 =	simm.s32 $0x5080;
	[sflag:s15] =	ssyncadd.s32 $0xFFFFF800  }
0x43: {  	[spmem:s3] =	stream.indirect.scatter.add.f32 [tilespmem:s22], [sflag:$0xA], $0x10, s18, s20, $0xb8;
	[tilespmem:$0x12E40] =	vst v63  }
0x44: {  	s8 =	simm.s32 $0x280  }
0x45: {  	[tilespmem:s0], [sflag:$0x6] =	stream.indirect.gather [spmem:s2], $0x10, s8, s20, $0xb8;
	[tilespmem:$0x12E40] =	vst v63  }
0x46: {  	_ =	swait.ge [sflag:s19], $0x800  }
0x47: {  	[sflag:s19] =	ssyncset.done $0x0  }
0x48: {  	s18 =	simm.s32 $0x5100;
	[sflag:s19] =	ssyncadd.s32 $0xFFFFF800  }
0x49: {  	[spmem:s3] =	stream.indirect.scatter.add.f32 [tilespmem:s24], [sflag:$0xB], $0x10, s18, s20, $0xb8;
	[tilespmem:$0x12E40] =	vst v63  }
0x4a: {  	s8 =	simm.s32 $0x300  }
0x4b: {  	[tilespmem:s25], [sflag:$0x7] =	stream.indirect.gather [spmem:s2], $0x10, s8, s20, $0xb8;
	[tilespmem:$0x12E40] =	vst v63  }
0x4c: {  	_ =	swait.ge [sflag:s16], $0x800  }
0x4d: {  	[sflag:s16] =	ssyncset.done $0x0  }
0x4e: {  	s18 =	simm.s32 $0x5180;
	[sflag:s16] =	ssyncadd.s32 $0xFFFFF800  }
0x4f: {  	[spmem:s3] =	stream.indirect.scatter.add.f32 [tilespmem:s26], [sflag:$0xC], $0x10, s18, s20, $0xb8;
	[tilespmem:$0x12E40] =	vst v63  }
0x50: {  	s8 =	simm.s32 $0x380  }
0x51: {  	[tilespmem:s31], [sflag:$0x8] =	stream.indirect.gather [spmem:s2], $0x10, s8, s20, $0xb8;
	[tilespmem:$0x12E40] =	vst v63  }
0x52: {  	_ =	swait.ge [sflag:s1], $0x800  }
0x53: {  	[sflag:s1] =	ssyncset.done $0x0  }
0x54: {  	s18 =	simm.s32 $0x5200;
	[sflag:s1] =	ssyncadd.s32 $0xFFFFF800  }
0x55: {  	[spmem:s3] =	stream.indirect.scatter.add.f32 [tilespmem:s29], [sflag:$0xD], $0x10, s18, s20, $0xb8;
	[tilespmem:$0x12E40] =	vst v63  }
0x56: {  	_ =	swait.ge [sflag:s28], $0x800  }
0x57: {  	[sflag:s28] =	ssyncset.done $0x0  }
0x58: {  	s8 =	simm.s32 $0x400;
	[sflag:s28] =	ssyncadd.s32 $0xFFFFF800  }
0x59: {  	[tilespmem:s21], [sflag:$0x1] =	stream.indirect.gather [spmem:s2], $0x10, s8, s20, $0xb8;
	[tilespmem:$0x12E40] =	vst v63  }
0x5a: {  	_ =	swait.ge [sflag:s23], $0x800  }
0x5b: {  	[sflag:s23] =	ssyncset.done $0x0  }
0x5c: {  	s18 =	simm.s32 $0x5280;
	[sflag:s23] =	ssyncadd.s32 $0xFFFFF800  }
0x5d: {  	[spmem:s3] =	stream.indirect.scatter.add.f32 [tilespmem:s0], [sflag:$0xE], $0x10, s18, s20, $0xb8;
	[tilespmem:$0x12E40] =	vst v63  }
0x5e: {  	_ =	swait.ge [sflag:s30], $0x800  }
0x5f: {  	[sflag:s30] =	ssyncset.done $0x0  }
0x60: {  	s8 =	simm.s32 $0x480;
	[sflag:s30] =	ssyncadd.s32 $0xFFFFF800  }
0x61: {  	[tilespmem:s22], [sflag:$0x2] =	stream.indirect.gather [spmem:s2], $0x10, s8, s20, $0xb8;
	[tilespmem:$0x12E40] =	vst v63  }
0x62: {  	_ =	swait.ge [sflag:s5], $0x800  }
0x63: {  	[sflag:s5] =	ssyncset.done $0x0  }
0x64: {  	s18 =	simm.s32 $0x5300;
	[sflag:s5] =	ssyncadd.s32 $0xFFFFF800  }
0x65: {  	[spmem:s3] =	stream.indirect.scatter.add.f32 [tilespmem:s25], [sflag:$0xF], $0x10, s18, s20, $0xb8;
	[tilespmem:$0x12E40] =	vst v63  }
0x66: {  	_ =	swait.ge [sflag:s6], $0x800  }
0x67: {  	[sflag:s6] =	ssyncset.done $0x0  }
0x68: {  	s8 =	simm.s32 $0x500;
	[sflag:s6] =	ssyncadd.s32 $0xFFFFF800  }
0x69: {  	[tilespmem:s24], [sflag:$0x3] =	stream.indirect.gather [spmem:s2], $0x10, s8, s20, $0xb8;
	[tilespmem:$0x12E40] =	vst v63  }
0x6a: {  	_ =	swait.ge [sflag:s12], $0x800  }
0x6b: {  	[sflag:s12] =	ssyncset.done $0x0  }
0x6c: {  	s18 =	simm.s32 $0x5380;
	[sflag:s12] =	ssyncadd.s32 $0xFFFFF800  }
0x6d: {  	[spmem:s3] =	stream.indirect.scatter.add.f32 [tilespmem:s31], [sflag:$0x10], $0x10, s18, s20, $0xb8;
	[tilespmem:$0x12E40] =	vst v63  }
0x6e: {  	_ =	swait.ge [sflag:s9], $0x800  }
0x6f: {  	[sflag:s9] =	ssyncset.done $0x0  }
0x70: {  	s8 =	simm.s32 $0x580;
	[sflag:s9] =	ssyncadd.s32 $0xFFFFF800  }
0x71: {  	[tilespmem:s26], [sflag:$0x4] =	stream.indirect.gather [spmem:s2], $0x10, s8, s20, $0xb8;
	[tilespmem:$0x12E40] =	vst v63  }
0x72: {  	_ =	swait.ge [sflag:s14], $0x800  }
0x73: {  	[sflag:s14] =	ssyncset.done $0x0  }
0x74: {  	s18 =	simm.s32 $0x5400;
	[sflag:s14] =	ssyncadd.s32 $0xFFFFF800  }
0x75: {  	[spmem:s3] =	stream.indirect.scatter.add.f32 [tilespmem:s21], [sflag:$0x9], $0x10, s18, s20, $0xb8;
	[tilespmem:$0x12E40] =	vst v63  }
0x76: {  	_ =	swait.ge [sflag:s10], $0x800  }
0x77: {  	[sflag:s10] =	ssyncset.done $0x0  }
0x78: {  	s8 =	simm.s32 $0x600;
	[sflag:s10] =	ssyncadd.s32 $0xFFFFF800  }
0x79: {  	[tilespmem:s29], [sflag:$0x5] =	stream.indirect.gather [spmem:s2], $0x10, s8, s20, $0xb8;
	[tilespmem:$0x12E40] =	vst v63  }
0x7a: {  	_ =	swait.ge [sflag:s15], $0x800  }
0x7b: {  	[sflag:s15] =	ssyncset.done $0x0  }
0x7c: {  	s18 =	simm.s32 $0x5480;
	[sflag:s15] =	ssyncadd.s32 $0xFFFFF800  }
0x7d: {  	[spmem:s3] =	stream.indirect.scatter.add.f32 [tilespmem:s22], [sflag:$0xA], $0x10, s18, s20, $0xb8;
	[tilespmem:$0x12E40] =	vst v63  }
0x7e: {  	_ =	swait.ge [sflag:s11], $0x800  }
0x7f: {  	[sflag:s11] =	ssyncset.done $0x0  }
0x80: {  	s8 =	simm.s32 $0x680;
	[sflag:s11] =	ssyncadd.s32 $0xFFFFF800  }
0x81: {  	[tilespmem:s0], [sflag:$0x6] =	stream.indirect.gather [spmem:s2], $0x10, s8, s20, $0xb8;
	[tilespmem:$0x12E40] =	vst v63  }
0x82: {  	_ =	swait.ge [sflag:s19], $0x800  }
0x83: {  	[sflag:s19] =	ssyncset.done $0x0  }
0x84: {  	s18 =	simm.s32 $0x5500;
	[sflag:s19] =	ssyncadd.s32 $0xFFFFF800  }
0x85: {  	[spmem:s3] =	stream.indirect.scatter.add.f32 [tilespmem:s24], [sflag:$0xB], $0x10, s18, s20, $0xb8;
	[tilespmem:$0x12E40] =	vst v63  }
0x86: {  	_ =	swait.ge [sflag:s13], $0x800  }
0x87: {  	[sflag:s13] =	ssyncset.done $0x0  }
0x88: {  	s8 =	simm.s32 $0x700;
	[sflag:s13] =	ssyncadd.s32 $0xFFFFF800  }
0x89: {  	[tilespmem:s25], [sflag:$0x7] =	stream.indirect.gather [spmem:s2], $0x10, s8, s20, $0xb8;
	[tilespmem:$0x12E40] =	vst v63  }
0x8a: {  	_ =	swait.ge [sflag:s16], $0x800  }
0x8b: {  	[sflag:s16] =	ssyncset.done $0x0  }
0x8c: {  	s18 =	simm.s32 $0x5580;
	[sflag:s16] =	ssyncadd.s32 $0xFFFFF800  }
0x8d: {  	[spmem:s3] =	stream.indirect.scatter.add.f32 [tilespmem:s26], [sflag:$0xC], $0x10, s18, s20, $0xb8;
	[tilespmem:$0x12E40] =	vst v63  }
0x8e: {  	_ =	swait.ge [sflag:s17], $0x800  }
0x8f: {  	[sflag:s17] =	ssyncset.done $0x0  }
0x90: {  	s8 =	simm.s32 $0x780;
	[sflag:s17] =	ssyncadd.s32 $0xFFFFF800  }
0x91: {  	[tilespmem:s31], [sflag:$0x8] =	stream.indirect.gather [spmem:s2], $0x10, s8, s20, $0xb8;
	[tilespmem:$0x12E40] =	vst v63  }
0x92: {  	_ =	swait.ge [sflag:s1], $0x800  }
0x93: {  	[sflag:s1] =	ssyncset.done $0x0  }
0x94: {  	s18 =	simm.s32 $0x5600;
	[sflag:s1] =	ssyncadd.s32 $0xFFFFF800  }
0x95: {  	[spmem:s3] =	stream.indirect.scatter.add.f32 [tilespmem:s29], [sflag:$0xD], $0x10, s18, s20, $0xb8;
	[tilespmem:$0x12E40] =	vst v63  }
0x96: {  	s8 =	smin.u32 s7, $0x8F;
	_ =	swait.ge [sflag:s28], $0x800  }
0x97: {  	s4 =	sshll.u32 s8, $0x7;
	[sflag:s28] =	ssyncset.done $0x0  }
0x98: {  	s4 =	sadd.s32 $0x800, s4;
	[sflag:s28] =	ssyncadd.s32 $0xFFFFF800  }
0x99: {  	[tilespmem:s21], [sflag:$0x1] =	stream.indirect.gather [spmem:s2], $0x10, s4, s20, $0xb8;
	[tilespmem:$0x12E40] =	vst v63  }
0x9a: {  	_ =	swait.ge [sflag:s23], $0x800  }
0x9b: {  	[sflag:s23] =	ssyncset.done $0x0  }
0x9c: {  	s18 =	simm.s32 $0x5680;
	[sflag:s23] =	ssyncadd.s32 $0xFFFFF800  }
0x9d: {  	[spmem:s3] =	stream.indirect.scatter.add.f32 [tilespmem:s0], [sflag:$0xE], $0x10, s18, s20, $0xb8;
	[tilespmem:$0x12E40] =	vst v63  }
0x9e: {  	s8 =	smin.u32 s7, $0x8E;
	_ =	swait.ge [sflag:s30], $0x800  }
0x9f: {  	s4 =	sshll.u32 s8, $0x7;
	[sflag:s30] =	ssyncset.done $0x0  }
0xa0: {  	s4 =	sadd.s32 $0x880, s4;
	[sflag:s30] =	ssyncadd.s32 $0xFFFFF800  }
0xa1: {  	[tilespmem:s22], [sflag:$0x2] =	stream.indirect.gather [spmem:s2], $0x10, s4, s20, $0xb8;
	[tilespmem:$0x12E40] =	vst v63  }
0xa2: {  	_ =	swait.ge [sflag:s5], $0x800  }
0xa3: {  	[sflag:s5] =	ssyncset.done $0x0  }
0xa4: {  	s18 =	simm.s32 $0x5700;
	[sflag:s5] =	ssyncadd.s32 $0xFFFFF800  }
0xa5: {  	[spmem:s3] =	stream.indirect.scatter.add.f32 [tilespmem:s25], [sflag:$0xF], $0x10, s18, s20, $0xb8;
	[tilespmem:$0x12E40] =	vst v63  }
0xa6: {  	s8 =	smin.u32 s7, $0x8D;
	_ =	swait.ge [sflag:s6], $0x800  }
0xa7: {  	s4 =	sshll.u32 s8, $0x7;
	[sflag:s6] =	ssyncset.done $0x0  }
0xa8: {  	s4 =	sadd.s32 $0x900, s4;
	[sflag:s6] =	ssyncadd.s32 $0xFFFFF800  }
0xa9: {  	[tilespmem:s24], [sflag:$0x3] =	stream.indirect.gather [spmem:s2], $0x10, s4, s20, $0xb8;
	[tilespmem:$0x12E40] =	vst v63  }
0xaa: {  	_ =	swait.ge [sflag:s12], $0x800  }
0xab: {  	[sflag:s12] =	ssyncset.done $0x0  }
0xac: {  	s8 =	simm.s32 $0x5780;
	s18 =	simm.s32 $0x0;
	[sflag:s12] =	ssyncadd.s32 $0xFFFFF800  }
0xad: {  	[spmem:s3] =	stream.indirect.scatter.add.f32 [tilespmem:s31], [sflag:$0x10], $0x10, s8, s20, $0xb8;
	[tilespmem:$0x12E40] =	vst v63  }
0xae: {  	s18 =	smin.u32 s18, $0x8C;
	_ =	swait.ge [sflag:s9], $0x800  }
0xaf: {  	s4 =	sshll.u32 s18, $0x7;
	s18 =	simm.s32 $0x8;
	[sflag:s9] =	ssyncset.done $0x0  }
0xb0: {  	s4 =	sadd.s32 $0x980, s4;
	s8 =	simm.s32 $0x1000;
	[sflag:s9] =	ssyncadd.s32 $0xFFFFF800  }
.LBB2_2:
0xb1: {  	[tilespmem:s26], [sflag:$0x4] =	stream.indirect.gather [spmem:s2], $0x10, s4, s20, $0xb8;
	[tilespmem:$0x12E40] =	vst v63  }
0xb2: {  	s4 =	smov.u32 s8  }
0xb3: {  	p0 =	sne.s32 s8, $0x12000;
	s8 =	sadd.s32 $0x1000, s8;
	_ =	swait.ge [sflag:s14], $0x800  }
0xb4: {  	s4 =	sshra.s32 s4, $0x2;
	[sflag:s14] =	ssyncset.done $0x0  }
0xb5: {  	s7 =	sadd.s32 $0x5400, s4;
	[sflag:s14] =	ssyncadd.s32 $0xFFFFF800  }
0xb6: {  	[spmem:s3] =	stream.indirect.scatter.add.f32 [tilespmem:s21], [sflag:$0x9], $0x10, s7, s20, $0xb8;
	[tilespmem:$0x12E40] =	vst v63  }
0xb7: {  	_ =	swait.ge [sflag:s10], $0x800  }
0xb8: {  	[sflag:s10] =	ssyncset.done $0x0  }
0xb9: {  	s7 =	sadd.s32 $0x600, s4;
	[sflag:s10] =	ssyncadd.s32 $0xFFFFF800  }
0xba: {  	[tilespmem:s29], [sflag:$0x5] =	stream.indirect.gather [spmem:s2], $0x10, s7, s20, $0xb8;
	[tilespmem:$0x12E40] =	vst v63  }
0xbb: {  	_ =	swait.ge [sflag:s15], $0x800  }
0xbc: {  	[sflag:s15] =	ssyncset.done $0x0  }
0xbd: {  	s7 =	sadd.s32 $0x5480, s4;
	[sflag:s15] =	ssyncadd.s32 $0xFFFFF800  }
0xbe: {  	[spmem:s3] =	stream.indirect.scatter.add.f32 [tilespmem:s22], [sflag:$0xA], $0x10, s7, s20, $0xb8;
	[tilespmem:$0x12E40] =	vst v63  }
0xbf: {  	_ =	swait.ge [sflag:s11], $0x800  }
0xc0: {  	[sflag:s11] =	ssyncset.done $0x0  }
0xc1: {  	s7 =	sadd.s32 $0x680, s4;
	[sflag:s11] =	ssyncadd.s32 $0xFFFFF800  }
0xc2: {  	[tilespmem:s0], [sflag:$0x6] =	stream.indirect.gather [spmem:s2], $0x10, s7, s20, $0xb8;
	[tilespmem:$0x12E40] =	vst v63  }
0xc3: {  	_ =	swait.ge [sflag:s19], $0x800  }
0xc4: {  	[sflag:s19] =	ssyncset.done $0x0  }
0xc5: {  	s7 =	sadd.s32 $0x5500, s4;
	[sflag:s19] =	ssyncadd.s32 $0xFFFFF800  }
0xc6: {  	[spmem:s3] =	stream.indirect.scatter.add.f32 [tilespmem:s24], [sflag:$0xB], $0x10, s7, s20, $0xb8;
	[tilespmem:$0x12E40] =	vst v63  }
0xc7: {  	_ =	swait.ge [sflag:s13], $0x800  }
0xc8: {  	[sflag:s13] =	ssyncset.done $0x0  }
0xc9: {  	s7 =	sadd.s32 $0x700, s4;
	[sflag:s13] =	ssyncadd.s32 $0xFFFFF800  }
0xca: {  	[tilespmem:s25], [sflag:$0x7] =	stream.indirect.gather [spmem:s2], $0x10, s7, s20, $0xb8;
	[tilespmem:$0x12E40] =	vst v63  }
0xcb: {  	_ =	swait.ge [sflag:s16], $0x800  }
0xcc: {  	[sflag:s16] =	ssyncset.done $0x0  }
0xcd: {  	s7 =	sadd.s32 $0x5580, s4;
	[sflag:s16] =	ssyncadd.s32 $0xFFFFF800  }
0xce: {  	[spmem:s3] =	stream.indirect.scatter.add.f32 [tilespmem:s26], [sflag:$0xC], $0x10, s7, s20, $0xb8;
	[tilespmem:$0x12E40] =	vst v63  }
0xcf: {  	_ =	swait.ge [sflag:s17], $0x800  }
0xd0: {  	[sflag:s17] =	ssyncset.done $0x0  }
0xd1: {  	s7 =	sadd.s32 $0x780, s4;
	[sflag:s17] =	ssyncadd.s32 $0xFFFFF800  }
0xd2: {  	[tilespmem:s31], [sflag:$0x8] =	stream.indirect.gather [spmem:s2], $0x10, s7, s20, $0xb8;
	[tilespmem:$0x12E40] =	vst v63  }
0xd3: {  	_ =	swait.ge [sflag:s1], $0x800  }
0xd4: {  	[sflag:s1] =	ssyncset.done $0x0  }
0xd5: {  	s7 =	sadd.s32 $0x5600, s4;
	[sflag:s1] =	ssyncadd.s32 $0xFFFFF800  }
0xd6: {  	[spmem:s3] =	stream.indirect.scatter.add.f32 [tilespmem:s29], [sflag:$0xD], $0x10, s7, s20, $0xb8;
	[tilespmem:$0x12E40] =	vst v63  }
0xd7: {  	s7 =	smin.u32 s18, $0x8F;
	_ =	swait.ge [sflag:s28], $0x800  }
0xd8: {  	s7 =	sshll.u32 s7, $0x7;
	[sflag:s28] =	ssyncset.done $0x0  }
0xd9: {  	s7 =	sadd.s32 $0x800, s7;
	[sflag:s28] =	ssyncadd.s32 $0xFFFFF800  }
0xda: {  	[tilespmem:s21], [sflag:$0x1] =	stream.indirect.gather [spmem:s2], $0x10, s7, s20, $0xb8;
	[tilespmem:$0x12E40] =	vst v63  }
0xdb: {  	_ =	swait.ge [sflag:s23], $0x800  }
0xdc: {  	[sflag:s23] =	ssyncset.done $0x0  }
0xdd: {  	s7 =	sadd.s32 $0x5680, s4;
	[sflag:s23] =	ssyncadd.s32 $0xFFFFF800  }
0xde: {  	[spmem:s3] =	stream.indirect.scatter.add.f32 [tilespmem:s0], [sflag:$0xE], $0x10, s7, s20, $0xb8;
	[tilespmem:$0x12E40] =	vst v63  }
0xdf: {  	s7 =	smin.u32 s18, $0x8E;
	_ =	swait.ge [sflag:s30], $0x800  }
0xe0: {  	s7 =	sshll.u32 s7, $0x7;
	[sflag:s30] =	ssyncset.done $0x0  }
0xe1: {  	s7 =	sadd.s32 $0x880, s7;
	[sflag:s30] =	ssyncadd.s32 $0xFFFFF800  }
0xe2: {  	[tilespmem:s22], [sflag:$0x2] =	stream.indirect.gather [spmem:s2], $0x10, s7, s20, $0xb8;
	[tilespmem:$0x12E40] =	vst v63  }
0xe3: {  	_ =	swait.ge [sflag:s5], $0x800  }
0xe4: {  	[sflag:s5] =	ssyncset.done $0x0  }
0xe5: {  	s7 =	sadd.s32 $0x5700, s4;
	[sflag:s5] =	ssyncadd.s32 $0xFFFFF800  }
0xe6: {  	[spmem:s3] =	stream.indirect.scatter.add.f32 [tilespmem:s25], [sflag:$0xF], $0x10, s7, s20, $0xb8;
	[tilespmem:$0x12E40] =	vst v63  }
0xe7: {  	s7 =	smin.u32 s18, $0x8D;
	_ =	swait.ge [sflag:s6], $0x800  }
0xe8: {  	s7 =	sshll.u32 s7, $0x7;
	[sflag:s6] =	ssyncset.done $0x0  }
0xe9: {  	s7 =	sadd.s32 $0x900, s7;
	[sflag:s6] =	ssyncadd.s32 $0xFFFFF800  }
0xea: {  	[tilespmem:s24], [sflag:$0x3] =	stream.indirect.gather [spmem:s2], $0x10, s7, s20, $0xb8;
	[tilespmem:$0x12E40] =	vst v63  }
0xeb: {  	_ =	swait.ge [sflag:s12], $0x800  }
0xec: {  	[sflag:s12] =	ssyncset.done $0x0  }
.Ltmp0:
0xed: {  	s4 =	sadd.s32 $0x5780, s4;
	[sflag:s12] =	ssyncadd.s32 $0xFFFFF800;
	(pc) =	sbr.rel @p0 .LBB2_2-.Ltmp0, $4  }
0xee: {  	[spmem:s3] =	stream.indirect.scatter.add.f32 [tilespmem:s31], [sflag:$0x10], $0x10, s4, s20, $0xb8;
	[tilespmem:$0x12E40] =	vst v63  }
0xef: {  	s4 =	smin.u32 s18, $0x8C;
	_ =	swait.ge [sflag:s9], $0x800  }
0xf0: {  	s4 =	sshll.u32 s4, $0x7;
	[sflag:s9] =	ssyncset.done $0x0  }
0xf1: {  	s18 =	sadd.s32 $0x8, s18;
	s4 =	sadd.s32 $0x980, s4;
	[sflag:s9] =	ssyncadd.s32 $0xFFFFF800  }
0xf2: {  	[tilespmem:s26], [sflag:$0x4] =	stream.indirect.gather [spmem:s2], $0x10, s4, s20, $0xb8;
	[tilespmem:$0x12E40] =	vst v63  }
0xf3: {  	_ =	swait.ge [sflag:s14], $0x800  }
0xf4: {  	[sflag:s14] =	ssyncset.done $0x0  }
0xf5: {  	[sflag:s14] =	ssyncadd.s32 $0xFFFFF800  }
0xf6: {  	_ =	swait.ge [sflag:s10], $0x800  }
0xf7: {  	[sflag:s10] =	ssyncset.done $0x0  }
0xf8: {  	[sflag:s10] =	ssyncadd.s32 $0xFFFFF800  }
0xf9: {  	_ =	swait.ge [sflag:s15], $0x800  }
0xfa: {  	[sflag:s15] =	ssyncset.done $0x0  }
0xfb: {  	[sflag:s15] =	ssyncadd.s32 $0xFFFFF800  }
0xfc: {  	_ =	swait.ge [sflag:s11], $0x800  }
0xfd: {  	[sflag:s11] =	ssyncset.done $0x0  }
0xfe: {  	[sflag:s11] =	ssyncadd.s32 $0xFFFFF800  }
0xff: {  	_ =	swait.ge [sflag:s19], $0x800  }
0x100: {  	[sflag:s19] =	ssyncset.done $0x0  }
0x101: {  	[sflag:s19] =	ssyncadd.s32 $0xFFFFF800  }
0x102: {  	_ =	swait.ge [sflag:s13], $0x800  }
0x103: {  	[sflag:s13] =	ssyncset.done $0x0  }
0x104: {  	[sflag:s13] =	ssyncadd.s32 $0xFFFFF800  }
0x105: {  	_ =	swait.ge [sflag:s16], $0x800  }
0x106: {  	[sflag:s16] =	ssyncset.done $0x0  }
0x107: {  	[sflag:s16] =	ssyncadd.s32 $0xFFFFF800  }
0x108: {  	_ =	swait.ge [sflag:s17], $0x800  }
0x109: {  	[sflag:s17] =	ssyncset.done $0x0  }
0x10a: {  	[sflag:s17] =	ssyncadd.s32 $0xFFFFF800  }
0x10b: {  	[bflag:$0x0] =	sbarrier.arrive $0xFFFF  }
0x10c: {  	s18 =	rddreg [dreg:$0x7]  }
0x10d: {  	s7 =	rddreg [dreg:$0xa]  }
0x10e: {  	s8 =	rddreg [dreg:$0xe];
	s4 =	sor.u32 $0x1C11, s18  }
0x10f: {  	[hbm:s7@s16], [sflag:s4] =	dma.strided [spmem:s8@s15], $0x4E4, s14, $0x2   }
0x110: {  	s7 =	smov.u32 s8;
	s8 =	simm.s32 $0x11  }
0x111: {  	_ =	swait.ge [sflag:s8], $0x4E4  }
0x112: {  	s18 =	rddreg [dreg:$0xf]  }
0x113: {  	s4 =	rddreg [dreg:$0xb];
	s18 =	sadd.s32 $0x1, s18  }
0x114: {  	p0 =	sne.s32 s18, s4  }
.Ltmp1:
0x115: {  	_ = 	snop;
	(pc) =	sbr.rel @p0 .LBB2_1-.Ltmp1, $3  }
0x116: {  	_ =	sdelay $0x1  }
0x117: {  	[sflag:s8] =	ssyncset.done $0x0  }
0x118: {  	[sflag:s8] =	ssyncadd.s32 $0xFFFFFB1C  }
0x119: {  	_ =	sfence.sel $0x180000  }
0x11a: {  	[bflag:$0x0] =	sbarrier.arrive $0xFFFF  }
0x11b: {  	_ =	strace $0x90000050  }
0x11c: {  	s0 =	stileid.u32;
	[bflag:$0x2] =	sbarrier.arrive $0xFFFF  }
0x11d: {  	p0 =	sne.s32 s0, $0x0;
	s0 =	rddreg [dreg:$0x4]  }
0x11e: {  	s0 =	sadd.s32 @!p0 $0x100000, s0  }
0x11f: {  	[sflag:s0] =	ssyncadd.tile.s32 @!p0 $0x1;
	_ =	shalt  }
.Lfunc_end2:
_tile_overlayer_lowered:
.L_overlay_start_2:
0x120: {  	(tag) =	ssettag $0x2  }
0x121: {  	s0 =	rddreg [dreg:$0x0];
	s2 =	stileid.u32  }
0x122: {  	s1 =	rddreg [dreg:$0x1];
	p0 =	sne.s32 s2, $0x0  }
0x123: {  	s3 =	rddreg [dreg:$0x2];
	[bflag:$0x3] =	sbarrier.arrive $0xFFFF;
	s2 =	simm.s32 @!p0 $0x1C11  }
0x124: {  	[timem:s3], [sflag:s2] =	dma.local @!p0 [hbm:s0], s1  }
0x125: {  	s0 =	simm.s32 @!p0 $0x11  }
0x126: {  	_ =	swait.ge @!p0 [sflag:s0], s1  }
0x127: {  	s1 =	ssub.s32 @!p0 $0x0, s1;
	[sflag:s0] =	ssyncset.done @!p0 $0x0  }
0x128: {  	[sflag:s0] =	ssyncadd.s32 @!p0 s1  }
0x129: {  	[bflag:$0x3] =	sbarrier.arrive $0xFFFF  }
0x12a: {  	_ =	shalt  }

</sc_bundles>
